<compile_context>
chip_gen: v7x
topology: tpu7x:2x2x1
jax: 0.10.2.dev20260603
libtpu: 0.0.44.dev20260713+nightly
codegen_flags: <defaults>
</compile_context>

<pallas_src>
import functools

import jax
import jax.numpy as jnp
from jax import lax
from jax.experimental import pallas as pl
from jax.experimental.pallas import tpu as pltpu
from jax.experimental.pallas import tpu_sc as plsc

D = 128
CHUNK = 16
NBUF = 8
AHEAD = 4


def _body(x_hbm, idx_hbm, pos_hbm, table_hbm, out_hbm,
          idx_all, g_v, x_v, p_v, sem_g, sem_xp, sem_out,
          *, rows_per_worker, num_cores):
    wid = lax.axis_index("s") * num_cores + lax.axis_index("c")
    base = wid * rows_per_worker
    n_chunks = rows_per_worker // CHUNK

    pltpu.sync_copy(idx_hbm.at[pl.ds(base, rows_per_worker)], idx_all)

    def fire_in(s, k):
        row0 = base + k * CHUNK
        pltpu.async_copy(x_hbm.at[pl.ds(row0, CHUNK)], x_v.at[s], sem_xp.at[s])
        pltpu.async_copy(pos_hbm.at[pl.ds(row0, CHUNK)], p_v.at[s], sem_xp.at[s])
        pltpu.async_copy(table_hbm.at[idx_all.at[pl.ds(k * CHUNK, CHUNK)]],
                         g_v.at[s], sem_g.at[s])

    def wait_in(s, k):
        pltpu.make_async_copy(table_hbm.at[idx_all.at[pl.ds(k * CHUNK, CHUNK)]],
                              g_v.at[s], sem_g.at[s]).wait()
        row0 = base + k * CHUNK
        pltpu.make_async_copy(x_hbm.at[pl.ds(row0, CHUNK)], x_v.at[s],
                              sem_xp.at[s]).wait()
        pltpu.make_async_copy(pos_hbm.at[pl.ds(row0, CHUNK)], p_v.at[s],
                              sem_xp.at[s]).wait()

    def fire_out(s, k):
        row0 = base + k * CHUNK
        pltpu.async_copy(g_v.at[s], out_hbm.at[pl.ds(row0, CHUNK)],
                         sem_out.at[s])

    def wait_out(s, k):
        row0 = base + k * CHUNK
        pltpu.make_async_copy(g_v.at[s], out_hbm.at[pl.ds(row0, CHUNK)],
                              sem_out.at[s]).wait()

    def compute(s):
        def vec_body(i, carry):
            r = i >> 3
            c = (i & 7) * 16
            sl = pl.ds(c, 16)
            plsc.addupdate(g_v.at[s, r, sl], x_v[s, r, sl] + p_v[s, r, sl])
            return carry

        lax.fori_loop(0, CHUNK * (D // 16), vec_body, 0, unroll=8)

    for k in range(AHEAD):
        fire_in(k % NBUF, k)

    def outer(k0, carry):
        for s in range(NBUF):
            k = k0 * NBUF + s
            t = (s + AHEAD) % NBUF

            @pl.when(k + AHEAD < n_chunks)
            def _():
                @pl.when(k + AHEAD >= NBUF)
                def _():
                    wait_out(t, k + AHEAD - NBUF)
                fire_in(t, k + AHEAD)

            wait_in(s, k)
            compute(s)
            fire_out(s, k)
        return carry

    lax.fori_loop(0, n_chunks // NBUF, outer, 0)

    for s in range(NBUF):
        wait_out(s, n_chunks - NBUF + s)


def kernel(x, variable, pos_emb, variable_table):
    B, S, d = x.shape
    n = B * S
    xf = x.reshape(n, d)
    pf = pos_emb.reshape(n, d)
    idx = variable.reshape(n).astype(jnp.int32)

    info = plsc.get_sparse_core_info()
    nw = info.num_cores * info.num_subcores
    rows_per_worker = n // nw
    assert rows_per_worker % (CHUNK * NBUF) == 0

    mesh = plsc.VectorSubcoreMesh(core_axis_name="c", subcore_axis_name="s")
    run = pl.kernel(
        functools.partial(_body, rows_per_worker=rows_per_worker,
                          num_cores=info.num_cores),
        out_type=jax.ShapeDtypeStruct((n, d), jnp.float32),
        mesh=mesh,
        scratch_types=[
            pltpu.VMEM((rows_per_worker,), jnp.int32),
            pltpu.VMEM((NBUF, CHUNK, D), jnp.float32),
            pltpu.VMEM((NBUF, CHUNK, D), jnp.float32),
            pltpu.VMEM((NBUF, CHUNK, D), jnp.float32),
            pltpu.SemaphoreType.DMA((NBUF,)),
            pltpu.SemaphoreType.DMA((NBUF,)),
            pltpu.SemaphoreType.DMA((NBUF,)),
        ],
    )
    out = run(xf, idx, pf, variable_table)
    return out.reshape(B, S, d)

# --- scband reference (transcript-rebuilt; emitter-appended) ---
"""Pipeline reference for scband-embedding-37211596653404 (READ-ONLY COPY).

The authoritative reference and input builder live on the scoring server;
editing this copy changes nothing except your own understanding.
"""

import jax, jax.numpy as jnp
import numpy as np

VAR_LEN = 100000
EMBED_SIZE = 128
BATCH = 1024
SEQ = 200


def setup_inputs(seed: int = 0) -> dict:
    key = jax.random.key(seed)
    k_x, k_var, k_pos, k_tab = jax.random.split(key, 4)
    x = jax.random.normal(k_x, (BATCH, SEQ, EMBED_SIZE), dtype=jnp.float32)
    variable = jax.random.randint(k_var, (BATCH, SEQ), 0, VAR_LEN, dtype=jnp.int64 if jax.config.jax_enable_x64 else jnp.int32)
    pos_emb = jax.random.normal(k_pos, (BATCH, SEQ, EMBED_SIZE), dtype=jnp.float32)
    # learned embedding table (nn.Embedding default init ~ N(0,1))
    variable_table = jax.random.normal(k_tab, (VAR_LEN, EMBED_SIZE), dtype=jnp.float32)
    return {"x": x, "variable": variable, "pos_emb": pos_emb, "variable_table": variable_table}


def reference(x, variable, pos_emb, variable_table):
    # var_emb = self.variable(variable)  -> embedding lookup
    var_emb = jnp.take(variable_table, variable, axis=0)
    # dropout in eval mode is identity
    out = x + var_emb + pos_emb
    return out

if __name__ == "__main__":
    import jax
    _d = setup_inputs()
    print(jax.jit(kernel)(*tuple(_d.values())))

</pallas_src>

<mosaic_0001>
#map = affine_map<(d0, d1) -> (0, 0)>
#map1 = affine_map<(d0, d1) -> (0)>
module attributes {stable_mosaic.version = 14 : i64} {
  func.func @_body(%arg0: i32, %arg1: i32, %arg2: memref<204800x128xf32, #tpu.memory_space<hbm>>, %arg3: memref<204800xi32, #tpu.memory_space<hbm>>, %arg4: memref<204800x128xf32, #tpu.memory_space<hbm>>, %arg5: memref<100000x128xf32, #tpu.memory_space<hbm>>, %arg6: memref<204800x128xf32, #tpu.memory_space<hbm>>, %arg7: memref<6400xi32, #tpu.memory_space<vmem>>, %arg8: memref<8x16x128xf32, #tpu.memory_space<vmem>>, %arg9: memref<8x16x128xf32, #tpu.memory_space<vmem>>, %arg10: memref<8x16x128xf32, #tpu.memory_space<vmem>>, %arg11: memref<8x!tpu.dma_semaphore, #tpu.memory_space<semaphore_mem>>, %arg12: memref<8x!tpu.dma_semaphore, #tpu.memory_space<semaphore_mem>>, %arg13: memref<8x!tpu.dma_semaphore, #tpu.memory_space<semaphore_mem>>) attributes {dimension_semantics = [#tpu.dimension_semantics<core_parallel>, #tpu.dimension_semantics<subcore_parallel>], iteration_bounds = array<i64: 2, 16>, scalar_prefetch = 0 : i64, scratch_operands = 7 : i64, tpu.core_type = #tpu.core_type<sc_vector_subcore>, window_params = [{transform_indices = #map}, {transform_indices = #map1}, {transform_indices = #map}, {transform_indices = #map}, {transform_indices = #map}]} {
    %mul3A = arith.constant 2 : i32
    %mul3A_0 = arith.muli %arg1, %mul3A : i32
    %add3A = arith.addi %mul3A_0, %arg0 : i32
    %mul3A_1 = arith.constant 6400 : i32
    %mul3A_2 = arith.muli %add3A, %mul3A_1 : i32
    "tpu.region"() ({
      %run_scoped3A = tpu.sem_alloc : memref<!tpu.dma_semaphore, #tpu.memory_space<semaphore_mem>>
      %dma_start3A_338 = tpu.memref_slice %arg3[%mul3A_2] : memref<204800xi32, #tpu.memory_space<hbm>> -> memref<6400xi32, #tpu.memory_space<hbm>>
      %dma_start3A_339 = tpu.memref_slice %arg3[%mul3A_2] : memref<204800xi32, #tpu.memory_space<hbm>> -> memref<6400xi32, #tpu.memory_space<hbm>>
      tpu.enqueue_dma source(%dma_start3A_339 : memref<6400xi32, #tpu.memory_space<hbm>>) target(%arg7 : memref<6400xi32, #tpu.memory_space<vmem>>) target_semaphore(%run_scoped3A : memref<!tpu.dma_semaphore, #tpu.memory_space<semaphore_mem>>)
      %dma_wait3A_340 = tpu.memref_slice %arg3[%mul3A_2] : memref<204800xi32, #tpu.memory_space<hbm>> -> memref<6400xi32, #tpu.memory_space<hbm>>
      %dma_wait3A_341 = tpu.memref_slice %arg3[%mul3A_2] : memref<204800xi32, #tpu.memory_space<hbm>> -> memref<6400xi32, #tpu.memory_space<hbm>>
      tpu.wait_dma2 semaphore(%run_scoped3A : memref<!tpu.dma_semaphore, #tpu.memory_space<semaphore_mem>>) src(%dma_wait3A_341 : memref<6400xi32, #tpu.memory_space<hbm>>) dst(%arg7 : memref<6400xi32, #tpu.memory_space<vmem>>)
      tpu.yield
    }) : () -> ()
    %add3A_3 = arith.constant 0 : i32
    %add3A_4 = arith.addi %mul3A_2, %add3A_3 : i32
    %dma_start3A = arith.constant 0 : i32
    %dma_start3A_5 = arith.constant 0 : i32
    %dma_start3A_6 = arith.constant 0 : i32
    %dma_start3A_7 = arith.constant 0 : i32
    %dma_start3A_8 = tpu.memref_slice %arg9[%dma_start3A, %dma_start3A_6, %dma_start3A_7] : memref<8x16x128xf32, #tpu.memory_space<vmem>> -> memref<1x16x128xf32, #tpu.memory_space<vmem>>
    %dma_start3A_9 = tpu.memref_squeeze %dma_start3A_8 : memref<1x16x128xf32, #tpu.memory_space<vmem>> -> memref<16x128xf32, #tpu.memory_space<vmem>>
    %dma_start3A_10 = arith.constant 0 : i32
    %dma_start3A_11 = tpu.memref_slice %arg2[%add3A_4, %dma_start3A_10] : memref<204800x128xf32, #tpu.memory_space<hbm>> -> memref<16x128xf32, #tpu.memory_space<hbm>>
    %dma_start3A_12 = tpu.memref_slice %arg12[%dma_start3A_5] : memref<8x!tpu.dma_semaphore, #tpu.memory_space<semaphore_mem>> -> memref<1x!tpu.dma_semaphore, #tpu.memory_space<semaphore_mem>>
    %dma_start3A_13 = tpu.memref_squeeze %dma_start3A_12 : memref<1x!tpu.dma_semaphore, #tpu.memory_space<semaphore_mem>> -> memref<!tpu.dma_semaphore, #tpu.memory_space<semaphore_mem>>
    %dma_start3A_14 = arith.constant 0 : i32
    %dma_start3A_15 = arith.constant 0 : i32
    %dma_start3A_16 = tpu.memref_slice %arg9[%dma_start3A, %dma_start3A_14, %dma_start3A_15] : memref<8x16x128xf32, #tpu.memory_space<vmem>> -> memref<1x16x128xf32, #tpu.memory_space<vmem>>
    %dma_start3A_17 = tpu.memref_squeeze %dma_start3A_16 : memref<1x16x128xf32, #tpu.memory_space<vmem>> -> memref<16x128xf32, #tpu.memory_space<vmem>>
    %dma_start3A_18 = arith.constant 0 : i32
    %dma_start3A_19 = tpu.memref_slice %arg2[%add3A_4, %dma_start3A_18] : memref<204800x128xf32, #tpu.memory_space<hbm>> -> memref<16x128xf32, #tpu.memory_space<hbm>>
    tpu.enqueue_dma source(%dma_start3A_19 : memref<16x128xf32, #tpu.memory_space<hbm>>) target(%dma_start3A_17 : memref<16x128xf32, #tpu.memory_space<vmem>>) target_semaphore(%dma_start3A_13 : memref<!tpu.dma_semaphore, #tpu.memory_space<semaphore_mem>>)
    %dma_start3A_20 = arith.constant 0 : i32
    %dma_start3A_21 = arith.constant 0 : i32
    %dma_start3A_22 = arith.constant 0 : i32
    %dma_start3A_23 = arith.constant 0 : i32
    %dma_start3A_24 = tpu.memref_slice %arg10[%dma_start3A_20, %dma_start3A_22, %dma_start3A_23] : memref<8x16x128xf32, #tpu.memory_space<vmem>> -> memref<1x16x128xf32, #tpu.memory_space<vmem>>
    %dma_start3A_25 = tpu.memref_squeeze %dma_start3A_24 : memref<1x16x128xf32, #tpu.memory_space<vmem>> -> memref<16x128xf32, #tpu.memory_space<vmem>>
    %dma_start3A_26 = arith.constant 0 : i32
    %dma_start3A_27 = tpu.memref_slice %arg4[%add3A_4, %dma_start3A_26] : memref<204800x128xf32, #tpu.memory_space<hbm>> -> memref<16x128xf32, #tpu.memory_space<hbm>>
    %dma_start3A_28 = tpu.memref_slice %arg12[%dma_start3A_21] : memref<8x!tpu.dma_semaphore, #tpu.memory_space<semaphore_mem>> -> memref<1x!tpu.dma_semaphore, #tpu.memory_space<semaphore_mem>>
    %dma_start3A_29 = tpu.memref_squeeze %dma_start3A_28 : memref<1x!tpu.dma_semaphore, #tpu.memory_space<semaphore_mem>> -> memref<!tpu.dma_semaphore, #tpu.memory_space<semaphore_mem>>
    %dma_start3A_30 = arith.constant 0 : i32
    %dma_start3A_31 = arith.constant 0 : i32
    %dma_start3A_32 = tpu.memref_slice %arg10[%dma_start3A_20, %dma_start3A_30, %dma_start3A_31] : memref<8x16x128xf32, #tpu.memory_space<vmem>> -> memref<1x16x128xf32, #tpu.memory_space<vmem>>
    %dma_start3A_33 = tpu.memref_squeeze %dma_start3A_32 : memref<1x16x128xf32, #tpu.memory_space<vmem>> -> memref<16x128xf32, #tpu.memory_space<vmem>>
    %dma_start3A_34 = arith.constant 0 : i32
    %dma_start3A_35 = tpu.memref_slice %arg4[%add3A_4, %dma_start3A_34] : memref<204800x128xf32, #tpu.memory_space<hbm>> -> memref<16x128xf32, #tpu.memory_space<hbm>>
    tpu.enqueue_dma source(%dma_start3A_35 : memref<16x128xf32, #tpu.memory_space<hbm>>) target(%dma_start3A_33 : memref<16x128xf32, #tpu.memory_space<vmem>>) target_semaphore(%dma_start3A_29 : memref<!tpu.dma_semaphore, #tpu.memory_space<semaphore_mem>>)
    %dma_start3A_36 = arith.constant 0 : i32
    %dma_start3A_37 = arith.constant 0 : i32
    %dma_start3A_38 = arith.constant 0 : i32
    %dma_start3A_39 = arith.constant 0 : i32
    %dma_start3A_40 = tpu.memref_slice %arg8[%dma_start3A_36, %dma_start3A_38, %dma_start3A_39] : memref<8x16x128xf32, #tpu.memory_space<vmem>> -> memref<1x16x128xf32, #tpu.memory_space<vmem>>
    %dma_start3A_41 = tpu.memref_squeeze %dma_start3A_40 : memref<1x16x128xf32, #tpu.memory_space<vmem>> -> memref<16x128xf32, #tpu.memory_space<vmem>>
    %dma_start3A_42 = arith.constant 0 : i32
    %dma_start3A_43 = tpu.memref_slice %arg7[%dma_start3A_42] : memref<6400xi32, #tpu.memory_space<vmem>> -> memref<16xi32, #tpu.memory_space<vmem>>
    %dma_start3A_44 = arith.constant 0 : i32
    %dma_start3A_45 = arith.constant 0 : i32
    %dma_start3A_46 = tpu.memref_slice %arg5[%dma_start3A_44, %dma_start3A_45] : memref<100000x128xf32, #tpu.memory_space<hbm>> -> memref<100000x128xf32, #tpu.memory_space<hbm>>
    %dma_start3A_47 = tpu.memref_slice %arg11[%dma_start3A_37] : memref<8x!tpu.dma_semaphore, #tpu.memory_space<semaphore_mem>> -> memref<1x!tpu.dma_semaphore, #tpu.memory_space<semaphore_mem>>
    %dma_start3A_48 = tpu.memref_squeeze %dma_start3A_47 : memref<1x!tpu.dma_semaphore, #tpu.memory_space<semaphore_mem>> -> memref<!tpu.dma_semaphore, #tpu.memory_space<semaphore_mem>>
    tpu.enqueue_indirect_dma source(%dma_start3A_46 : memref<100000x128xf32, #tpu.memory_space<hbm>>) target(%dma_start3A_41 : memref<16x128xf32, #tpu.memory_space<vmem>>) offsets(%dma_start3A_43 : memref<16xi32, #tpu.memory_space<vmem>>) semaphore(%dma_start3A_48 : memref<!tpu.dma_semaphore, #tpu.memory_space<semaphore_mem>>)
    %add3A_49 = arith.constant 16 : i32
    %add3A_50 = arith.addi %mul3A_2, %add3A_49 : i32
    %dma_start3A_51 = arith.constant 1 : i32
    %dma_start3A_52 = arith.constant 1 : i32
    %dma_start3A_53 = arith.constant 0 : i32
    %dma_start3A_54 = arith.constant 0 : i32
    %dma_start3A_55 = tpu.memref_slice %arg9[%dma_start3A_51, %dma_start3A_53, %dma_start3A_54] : memref<8x16x128xf32, #tpu.memory_space<vmem>> -> memref<1x16x128xf32, #tpu.memory_space<vmem>>
    %dma_start3A_56 = tpu.memref_squeeze %dma_start3A_55 : memref<1x16x128xf32, #tpu.memory_space<vmem>> -> memref<16x128xf32, #tpu.memory_space<vmem>>
    %dma_start3A_57 = arith.constant 0 : i32
    %dma_start3A_58 = tpu.memref_slice %arg2[%add3A_50, %dma_start3A_57] : memref<204800x128xf32, #tpu.memory_space<hbm>> -> memref<16x128xf32, #tpu.memory_space<hbm>>
    %dma_start3A_59 = tpu.memref_slice %arg12[%dma_start3A_52] : memref<8x!tpu.dma_semaphore, #tpu.memory_space<semaphore_mem>> -> memref<1x!tpu.dma_semaphore, #tpu.memory_space<semaphore_mem>>
    %dma_start3A_60 = tpu.memref_squeeze %dma_start3A_59 : memref<1x!tpu.dma_semaphore, #tpu.memory_space<semaphore_mem>> -> memref<!tpu.dma_semaphore, #tpu.memory_space<semaphore_mem>>
    %dma_start3A_61 = arith.constant 0 : i32
    %dma_start3A_62 = arith.constant 0 : i32
    %dma_start3A_63 = tpu.memref_slice %arg9[%dma_start3A_51, %dma_start3A_61, %dma_start3A_62] : memref<8x16x128xf32, #tpu.memory_space<vmem>> -> memref<1x16x128xf32, #tpu.memory_space<vmem>>
    %dma_start3A_64 = tpu.memref_squeeze %dma_start3A_63 : memref<1x16x128xf32, #tpu.memory_space<vmem>> -> memref<16x128xf32, #tpu.memory_space<vmem>>
    %dma_start3A_65 = arith.constant 0 : i32
    %dma_start3A_66 = tpu.memref_slice %arg2[%add3A_50, %dma_start3A_65] : memref<204800x128xf32, #tpu.memory_space<hbm>> -> memref<16x128xf32, #tpu.memory_space<hbm>>
    tpu.enqueue_dma source(%dma_start3A_66 : memref<16x128xf32, #tpu.memory_space<hbm>>) target(%dma_start3A_64 : memref<16x128xf32, #tpu.memory_space<vmem>>) target_semaphore(%dma_start3A_60 : memref<!tpu.dma_semaphore, #tpu.memory_space<semaphore_mem>>)
    %dma_start3A_67 = arith.constant 1 : i32
    %dma_start3A_68 = arith.constant 1 : i32
    %dma_start3A_69 = arith.constant 0 : i32
    %dma_start3A_70 = arith.constant 0 : i32
    %dma_start3A_71 = tpu.memref_slice %arg10[%dma_start3A_67, %dma_start3A_69, %dma_start3A_70] : memref<8x16x128xf32, #tpu.memory_space<vmem>> -> memref<1x16x128xf32, #tpu.memory_space<vmem>>
    %dma_start3A_72 = tpu.memref_squeeze %dma_start3A_71 : memref<1x16x128xf32, #tpu.memory_space<vmem>> -> memref<16x128xf32, #tpu.memory_space<vmem>>
    %dma_start3A_73 = arith.constant 0 : i32
    %dma_start3A_74 = tpu.memref_slice %arg4[%add3A_50, %dma_start3A_73] : memref<204800x128xf32, #tpu.memory_space<hbm>> -> memref<16x128xf32, #tpu.memory_space<hbm>>
    %dma_start3A_75 = tpu.memref_slice %arg12[%dma_start3A_68] : memref<8x!tpu.dma_semaphore, #tpu.memory_space<semaphore_mem>> -> memref<1x!tpu.dma_semaphore, #tpu.memory_space<semaphore_mem>>
    %dma_start3A_76 = tpu.memref_squeeze %dma_start3A_75 : memref<1x!tpu.dma_semaphore, #tpu.memory_space<semaphore_mem>> -> memref<!tpu.dma_semaphore, #tpu.memory_space<semaphore_mem>>
    %dma_start3A_77 = arith.constant 0 : i32
    %dma_start3A_78 = arith.constant 0 : i32
    %dma_start3A_79 = tpu.memref_slice %arg10[%dma_start3A_67, %dma_start3A_77, %dma_start3A_78] : memref<8x16x128xf32, #tpu.memory_space<vmem>> -> memref<1x16x128xf32, #tpu.memory_space<vmem>>
    %dma_start3A_80 = tpu.memref_squeeze %dma_start3A_79 : memref<1x16x128xf32, #tpu.memory_space<vmem>> -> memref<16x128xf32, #tpu.memory_space<vmem>>
    %dma_start3A_81 = arith.constant 0 : i32
    %dma_start3A_82 = tpu.memref_slice %arg4[%add3A_50, %dma_start3A_81] : memref<204800x128xf32, #tpu.memory_space<hbm>> -> memref<16x128xf32, #tpu.memory_space<hbm>>
    tpu.enqueue_dma source(%dma_start3A_82 : memref<16x128xf32, #tpu.memory_space<hbm>>) target(%dma_start3A_80 : memref<16x128xf32, #tpu.memory_space<vmem>>) target_semaphore(%dma_start3A_76 : memref<!tpu.dma_semaphore, #tpu.memory_space<semaphore_mem>>)
    %dma_start3A_83 = arith.constant 1 : i32
    %dma_start3A_84 = arith.constant 1 : i32
    %dma_start3A_85 = arith.constant 0 : i32
    %dma_start3A_86 = arith.constant 0 : i32
    %dma_start3A_87 = tpu.memref_slice %arg8[%dma_start3A_83, %dma_start3A_85, %dma_start3A_86] : memref<8x16x128xf32, #tpu.memory_space<vmem>> -> memref<1x16x128xf32, #tpu.memory_space<vmem>>
    %dma_start3A_88 = tpu.memref_squeeze %dma_start3A_87 : memref<1x16x128xf32, #tpu.memory_space<vmem>> -> memref<16x128xf32, #tpu.memory_space<vmem>>
    %dma_start3A_89 = arith.constant 16 : i32
    %dma_start3A_90 = tpu.memref_slice %arg7[%dma_start3A_89] : memref<6400xi32, #tpu.memory_space<vmem>> -> memref<16xi32, #tpu.memory_space<vmem>>
    %dma_start3A_91 = arith.constant 0 : i32
    %dma_start3A_92 = arith.constant 0 : i32
    %dma_start3A_93 = tpu.memref_slice %arg5[%dma_start3A_91, %dma_start3A_92] : memref<100000x128xf32, #tpu.memory_space<hbm>> -> memref<100000x128xf32, #tpu.memory_space<hbm>>
    %dma_start3A_94 = tpu.memref_slice %arg11[%dma_start3A_84] : memref<8x!tpu.dma_semaphore, #tpu.memory_space<semaphore_mem>> -> memref<1x!tpu.dma_semaphore, #tpu.memory_space<semaphore_mem>>
    %dma_start3A_95 = tpu.memref_squeeze %dma_start3A_94 : memref<1x!tpu.dma_semaphore, #tpu.memory_space<semaphore_mem>> -> memref<!tpu.dma_semaphore, #tpu.memory_space<semaphore_mem>>
    tpu.enqueue_indirect_dma source(%dma_start3A_93 : memref<100000x128xf32, #tpu.memory_space<hbm>>) target(%dma_start3A_88 : memref<16x128xf32, #tpu.memory_space<vmem>>) offsets(%dma_start3A_90 : memref<16xi32, #tpu.memory_space<vmem>>) semaphore(%dma_start3A_95 : memref<!tpu.dma_semaphore, #tpu.memory_space<semaphore_mem>>)
    %add3A_96 = arith.constant 32 : i32
    %add3A_97 = arith.addi %mul3A_2, %add3A_96 : i32
    %dma_start3A_98 = arith.constant 2 : i32
    %dma_start3A_99 = arith.constant 2 : i32
    %dma_start3A_100 = arith.constant 0 : i32
    %dma_start3A_101 = arith.constant 0 : i32
    %dma_start3A_102 = tpu.memref_slice %arg9[%dma_start3A_98, %dma_start3A_100, %dma_start3A_101] : memref<8x16x128xf32, #tpu.memory_space<vmem>> -> memref<1x16x128xf32, #tpu.memory_space<vmem>>
    %dma_start3A_103 = tpu.memref_squeeze %dma_start3A_102 : memref<1x16x128xf32, #tpu.memory_space<vmem>> -> memref<16x128xf32, #tpu.memory_space<vmem>>
    %dma_start3A_104 = arith.constant 0 : i32
    %dma_start3A_105 = tpu.memref_slice %arg2[%add3A_97, %dma_start3A_104] : memref<204800x128xf32, #tpu.memory_space<hbm>> -> memref<16x128xf32, #tpu.memory_space<hbm>>
    %dma_start3A_106 = tpu.memref_slice %arg12[%dma_start3A_99] : memref<8x!tpu.dma_semaphore, #tpu.memory_space<semaphore_mem>> -> memref<1x!tpu.dma_semaphore, #tpu.memory_space<semaphore_mem>>
    %dma_start3A_107 = tpu.memref_squeeze %dma_start3A_106 : memref<1x!tpu.dma_semaphore, #tpu.memory_space<semaphore_mem>> -> memref<!tpu.dma_semaphore, #tpu.memory_space<semaphore_mem>>
    %dma_start3A_108 = arith.constant 0 : i32
    %dma_start3A_109 = arith.constant 0 : i32
    %dma_start3A_110 = tpu.memref_slice %arg9[%dma_start3A_98, %dma_start3A_108, %dma_start3A_109] : memref<8x16x128xf32, #tpu.memory_space<vmem>> -> memref<1x16x128xf32, #tpu.memory_space<vmem>>
    %dma_start3A_111 = tpu.memref_squeeze %dma_start3A_110 : memref<1x16x128xf32, #tpu.memory_space<vmem>> -> memref<16x128xf32, #tpu.memory_space<vmem>>
    %dma_start3A_112 = arith.constant 0 : i32
    %dma_start3A_113 = tpu.memref_slice %arg2[%add3A_97, %dma_start3A_112] : memref<204800x128xf32, #tpu.memory_space<hbm>> -> memref<16x128xf32, #tpu.memory_space<hbm>>
    tpu.enqueue_dma source(%dma_start3A_113 : memref<16x128xf32, #tpu.memory_space<hbm>>) target(%dma_start3A_111 : memref<16x128xf32, #tpu.memory_space<vmem>>) target_semaphore(%dma_start3A_107 : memref<!tpu.dma_semaphore, #tpu.memory_space<semaphore_mem>>)
    %dma_start3A_114 = arith.constant 2 : i32
    %dma_start3A_115 = arith.constant 2 : i32
    %dma_start3A_116 = arith.constant 0 : i32
    %dma_start3A_117 = arith.constant 0 : i32
    %dma_start3A_118 = tpu.memref_slice %arg10[%dma_start3A_114, %dma_start3A_116, %dma_start3A_117] : memref<8x16x128xf32, #tpu.memory_space<vmem>> -> memref<1x16x128xf32, #tpu.memory_space<vmem>>
    %dma_start3A_119 = tpu.memref_squeeze %dma_start3A_118 : memref<1x16x128xf32, #tpu.memory_space<vmem>> -> memref<16x128xf32, #tpu.memory_space<vmem>>
    %dma_start3A_120 = arith.constant 0 : i32
    %dma_start3A_121 = tpu.memref_slice %arg4[%add3A_97, %dma_start3A_120] : memref<204800x128xf32, #tpu.memory_space<hbm>> -> memref<16x128xf32, #tpu.memory_space<hbm>>
    %dma_start3A_122 = tpu.memref_slice %arg12[%dma_start3A_115] : memref<8x!tpu.dma_semaphore, #tpu.memory_space<semaphore_mem>> -> memref<1x!tpu.dma_semaphore, #tpu.memory_space<semaphore_mem>>
    %dma_start3A_123 = tpu.memref_squeeze %dma_start3A_122 : memref<1x!tpu.dma_semaphore, #tpu.memory_space<semaphore_mem>> -> memref<!tpu.dma_semaphore, #tpu.memory_space<semaphore_mem>>
    %dma_start3A_124 = arith.constant 0 : i32
    %dma_start3A_125 = arith.constant 0 : i32
    %dma_start3A_126 = tpu.memref_slice %arg10[%dma_start3A_114, %dma_start3A_124, %dma_start3A_125] : memref<8x16x128xf32, #tpu.memory_space<vmem>> -> memref<1x16x128xf32, #tpu.memory_space<vmem>>
    %dma_start3A_127 = tpu.memref_squeeze %dma_start3A_126 : memref<1x16x128xf32, #tpu.memory_space<vmem>> -> memref<16x128xf32, #tpu.memory_space<vmem>>
    %dma_start3A_128 = arith.constant 0 : i32
    %dma_start3A_129 = tpu.memref_slice %arg4[%add3A_97, %dma_start3A_128] : memref<204800x128xf32, #tpu.memory_space<hbm>> -> memref<16x128xf32, #tpu.memory_space<hbm>>
    tpu.enqueue_dma source(%dma_start3A_129 : memref<16x128xf32, #tpu.memory_space<hbm>>) target(%dma_start3A_127 : memref<16x128xf32, #tpu.memory_space<vmem>>) target_semaphore(%dma_start3A_123 : memref<!tpu.dma_semaphore, #tpu.memory_space<semaphore_mem>>)
    %dma_start3A_130 = arith.constant 2 : i32
    %dma_start3A_131 = arith.constant 2 : i32
    %dma_start3A_132 = arith.constant 0 : i32
    %dma_start3A_133 = arith.constant 0 : i32
    %dma_start3A_134 = tpu.memref_slice %arg8[%dma_start3A_130, %dma_start3A_132, %dma_start3A_133] : memref<8x16x128xf32, #tpu.memory_space<vmem>> -> memref<1x16x128xf32, #tpu.memory_space<vmem>>
    %dma_start3A_135 = tpu.memref_squeeze %dma_start3A_134 : memref<1x16x128xf32, #tpu.memory_space<vmem>> -> memref<16x128xf32, #tpu.memory_space<vmem>>
    %dma_start3A_136 = arith.constant 32 : i32
    %dma_start3A_137 = tpu.memref_slice %arg7[%dma_start3A_136] : memref<6400xi32, #tpu.memory_space<vmem>> -> memref<16xi32, #tpu.memory_space<vmem>>
    %dma_start3A_138 = arith.constant 0 : i32
    %dma_start3A_139 = arith.constant 0 : i32
    %dma_start3A_140 = tpu.memref_slice %arg5[%dma_start3A_138, %dma_start3A_139] : memref<100000x128xf32, #tpu.memory_space<hbm>> -> memref<100000x128xf32, #tpu.memory_space<hbm>>
    %dma_start3A_141 = tpu.memref_slice %arg11[%dma_start3A_131] : memref<8x!tpu.dma_semaphore, #tpu.memory_space<semaphore_mem>> -> memref<1x!tpu.dma_semaphore, #tpu.memory_space<semaphore_mem>>
    %dma_start3A_142 = tpu.memref_squeeze %dma_start3A_141 : memref<1x!tpu.dma_semaphore, #tpu.memory_space<semaphore_mem>> -> memref<!tpu.dma_semaphore, #tpu.memory_space<semaphore_mem>>
    tpu.enqueue_indirect_dma source(%dma_start3A_140 : memref<100000x128xf32, #tpu.memory_space<hbm>>) target(%dma_start3A_135 : memref<16x128xf32, #tpu.memory_space<vmem>>) offsets(%dma_start3A_137 : memref<16xi32, #tpu.memory_space<vmem>>) semaphore(%dma_start3A_142 : memref<!tpu.dma_semaphore, #tpu.memory_space<semaphore_mem>>)
    %add3A_143 = arith.constant 48 : i32
    %add3A_144 = arith.addi %mul3A_2, %add3A_143 : i32
    %dma_start3A_145 = arith.constant 3 : i32
    %dma_start3A_146 = arith.constant 3 : i32
    %dma_start3A_147 = arith.constant 0 : i32
    %dma_start3A_148 = arith.constant 0 : i32
    %dma_start3A_149 = tpu.memref_slice %arg9[%dma_start3A_145, %dma_start3A_147, %dma_start3A_148] : memref<8x16x128xf32, #tpu.memory_space<vmem>> -> memref<1x16x128xf32, #tpu.memory_space<vmem>>
    %dma_start3A_150 = tpu.memref_squeeze %dma_start3A_149 : memref<1x16x128xf32, #tpu.memory_space<vmem>> -> memref<16x128xf32, #tpu.memory_space<vmem>>
    %dma_start3A_151 = arith.constant 0 : i32
    %dma_start3A_152 = tpu.memref_slice %arg2[%add3A_144, %dma_start3A_151] : memref<204800x128xf32, #tpu.memory_space<hbm>> -> memref<16x128xf32, #tpu.memory_space<hbm>>
    %dma_start3A_153 = tpu.memref_slice %arg12[%dma_start3A_146] : memref<8x!tpu.dma_semaphore, #tpu.memory_space<semaphore_mem>> -> memref<1x!tpu.dma_semaphore, #tpu.memory_space<semaphore_mem>>
    %dma_start3A_154 = tpu.memref_squeeze %dma_start3A_153 : memref<1x!tpu.dma_semaphore, #tpu.memory_space<semaphore_mem>> -> memref<!tpu.dma_semaphore, #tpu.memory_space<semaphore_mem>>
    %dma_start3A_155 = arith.constant 0 : i32
    %dma_start3A_156 = arith.constant 0 : i32
    %dma_start3A_157 = tpu.memref_slice %arg9[%dma_start3A_145, %dma_start3A_155, %dma_start3A_156] : memref<8x16x128xf32, #tpu.memory_space<vmem>> -> memref<1x16x128xf32, #tpu.memory_space<vmem>>
    %dma_start3A_158 = tpu.memref_squeeze %dma_start3A_157 : memref<1x16x128xf32, #tpu.memory_space<vmem>> -> memref<16x128xf32, #tpu.memory_space<vmem>>
    %dma_start3A_159 = arith.constant 0 : i32
    %dma_start3A_160 = tpu.memref_slice %arg2[%add3A_144, %dma_start3A_159] : memref<204800x128xf32, #tpu.memory_space<hbm>> -> memref<16x128xf32, #tpu.memory_space<hbm>>
    tpu.enqueue_dma source(%dma_start3A_160 : memref<16x128xf32, #tpu.memory_space<hbm>>) target(%dma_start3A_158 : memref<16x128xf32, #tpu.memory_space<vmem>>) target_semaphore(%dma_start3A_154 : memref<!tpu.dma_semaphore, #tpu.memory_space<semaphore_mem>>)
    %dma_start3A_161 = arith.constant 3 : i32
    %dma_start3A_162 = arith.constant 3 : i32
    %dma_start3A_163 = arith.constant 0 : i32
    %dma_start3A_164 = arith.constant 0 : i32
    %dma_start3A_165 = tpu.memref_slice %arg10[%dma_start3A_161, %dma_start3A_163, %dma_start3A_164] : memref<8x16x128xf32, #tpu.memory_space<vmem>> -> memref<1x16x128xf32, #tpu.memory_space<vmem>>
    %dma_start3A_166 = tpu.memref_squeeze %dma_start3A_165 : memref<1x16x128xf32, #tpu.memory_space<vmem>> -> memref<16x128xf32, #tpu.memory_space<vmem>>
    %dma_start3A_167 = arith.constant 0 : i32
    %dma_start3A_168 = tpu.memref_slice %arg4[%add3A_144, %dma_start3A_167] : memref<204800x128xf32, #tpu.memory_space<hbm>> -> memref<16x128xf32, #tpu.memory_space<hbm>>
    %dma_start3A_169 = tpu.memref_slice %arg12[%dma_start3A_162] : memref<8x!tpu.dma_semaphore, #tpu.memory_space<semaphore_mem>> -> memref<1x!tpu.dma_semaphore, #tpu.memory_space<semaphore_mem>>
    %dma_start3A_170 = tpu.memref_squeeze %dma_start3A_169 : memref<1x!tpu.dma_semaphore, #tpu.memory_space<semaphore_mem>> -> memref<!tpu.dma_semaphore, #tpu.memory_space<semaphore_mem>>
    %dma_start3A_171 = arith.constant 0 : i32
    %dma_start3A_172 = arith.constant 0 : i32
    %dma_start3A_173 = tpu.memref_slice %arg10[%dma_start3A_161, %dma_start3A_171, %dma_start3A_172] : memref<8x16x128xf32, #tpu.memory_space<vmem>> -> memref<1x16x128xf32, #tpu.memory_space<vmem>>
    %dma_start3A_174 = tpu.memref_squeeze %dma_start3A_173 : memref<1x16x128xf32, #tpu.memory_space<vmem>> -> memref<16x128xf32, #tpu.memory_space<vmem>>
    %dma_start3A_175 = arith.constant 0 : i32
    %dma_start3A_176 = tpu.memref_slice %arg4[%add3A_144, %dma_start3A_175] : memref<204800x128xf32, #tpu.memory_space<hbm>> -> memref<16x128xf32, #tpu.memory_space<hbm>>
    tpu.enqueue_dma source(%dma_start3A_176 : memref<16x128xf32, #tpu.memory_space<hbm>>) target(%dma_start3A_174 : memref<16x128xf32, #tpu.memory_space<vmem>>) target_semaphore(%dma_start3A_170 : memref<!tpu.dma_semaphore, #tpu.memory_space<semaphore_mem>>)
    %dma_start3A_177 = arith.constant 3 : i32
    %dma_start3A_178 = arith.constant 3 : i32
    %dma_start3A_179 = arith.constant 0 : i32
    %dma_start3A_180 = arith.constant 0 : i32
    %dma_start3A_181 = tpu.memref_slice %arg8[%dma_start3A_177, %dma_start3A_179, %dma_start3A_180] : memref<8x16x128xf32, #tpu.memory_space<vmem>> -> memref<1x16x128xf32, #tpu.memory_space<vmem>>
    %dma_start3A_182 = tpu.memref_squeeze %dma_start3A_181 : memref<1x16x128xf32, #tpu.memory_space<vmem>> -> memref<16x128xf32, #tpu.memory_space<vmem>>
    %dma_start3A_183 = arith.constant 48 : i32
    %dma_start3A_184 = tpu.memref_slice %arg7[%dma_start3A_183] : memref<6400xi32, #tpu.memory_space<vmem>> -> memref<16xi32, #tpu.memory_space<vmem>>
    %dma_start3A_185 = arith.constant 0 : i32
    %dma_start3A_186 = arith.constant 0 : i32
    %dma_start3A_187 = tpu.memref_slice %arg5[%dma_start3A_185, %dma_start3A_186] : memref<100000x128xf32, #tpu.memory_space<hbm>> -> memref<100000x128xf32, #tpu.memory_space<hbm>>
    %dma_start3A_188 = tpu.memref_slice %arg11[%dma_start3A_178] : memref<8x!tpu.dma_semaphore, #tpu.memory_space<semaphore_mem>> -> memref<1x!tpu.dma_semaphore, #tpu.memory_space<semaphore_mem>>
    %dma_start3A_189 = tpu.memref_squeeze %dma_start3A_188 : memref<1x!tpu.dma_semaphore, #tpu.memory_space<semaphore_mem>> -> memref<!tpu.dma_semaphore, #tpu.memory_space<semaphore_mem>>
    tpu.enqueue_indirect_dma source(%dma_start3A_187 : memref<100000x128xf32, #tpu.memory_space<hbm>>) target(%dma_start3A_182 : memref<16x128xf32, #tpu.memory_space<vmem>>) offsets(%dma_start3A_184 : memref<16xi32, #tpu.memory_space<vmem>>) semaphore(%dma_start3A_189 : memref<!tpu.dma_semaphore, #tpu.memory_space<semaphore_mem>>)
    %scan3A = arith.constant 0 : i32
    %scan3A_190 = arith.constant 0 : i32
    %scan3A_191 = arith.constant 50 : i32
    %scan3A_192 = arith.addi %scan3A_190, %scan3A_191 : i32
    %scan3A_193 = arith.constant 1 : i32
    scf.for %scan3A_338 = %scan3A_190 to %scan3A_192 step %scan3A_193  : i32 {
      %mul3A_339 = arith.constant 8 : i32
      %mul3A_340 = arith.muli %scan3A_338, %mul3A_339 : i32
      %add3A_341 = arith.constant 0 : i32
      %add3A_342 = arith.addi %mul3A_340, %add3A_341 : i32
      %add3A_343 = arith.constant 4 : i32
      %add3A_344 = arith.addi %add3A_342, %add3A_343 : i32
      %lt3A = arith.constant 400 : i32
      %lt3A_345 = arith.cmpi slt, %add3A_344, %lt3A : i32
      %convert_element_type3A = arith.extui %lt3A_345 : i1 to i32
      %cond3A = arith.constant 0 : i32
      %cond3A_346 = arith.cmpi ne, %convert_element_type3A, %cond3A : i32
      scf.if %cond3A_346 {
        %add3A_1016 = arith.constant 4 : i32
        %add3A_1017 = arith.addi %add3A_342, %add3A_1016 : i32
        %ge3A = arith.constant 8 : i32
        %ge3A_1018 = arith.cmpi sge, %add3A_1017, %ge3A : i32
        %convert_element_type3A_1019 = arith.extui %ge3A_1018 : i1 to i32
        %cond3A_1020 = arith.constant 0 : i32
        %cond3A_1021 = arith.cmpi ne, %convert_element_type3A_1019, %cond3A_1020 : i32
        scf.if %cond3A_1021 {
          %add3A_1073 = arith.constant 4 : i32
          %add3A_1074 = arith.addi %add3A_342, %add3A_1073 : i32
          %sub3A = arith.constant 8 : i32
          %sub3A_1075 = arith.subi %add3A_1074, %sub3A : i32
          %mul3A_1076 = arith.constant 16 : i32
          %mul3A_1077 = arith.muli %sub3A_1075, %mul3A_1076 : i32
          %add3A_1078 = arith.addi %mul3A_2, %mul3A_1077 : i32
          %dma_wait3A_1079 = arith.constant 4 : i32
          %dma_wait3A_1080 = arith.constant 4 : i32
          %dma_wait3A_1081 = arith.constant 0 : i32
          %dma_wait3A_1082 = arith.constant 0 : i32
          %dma_wait3A_1083 = tpu.memref_slice %arg8[%dma_wait3A_1079, %dma_wait3A_1081, %dma_wait3A_1082] : memref<8x16x128xf32, #tpu.memory_space<vmem>> -> memref<1x16x128xf32, #tpu.memory_space<vmem>>
          %dma_wait3A_1084 = tpu.memref_squeeze %dma_wait3A_1083 : memref<1x16x128xf32, #tpu.memory_space<vmem>> -> memref<16x128xf32, #tpu.memory_space<vmem>>
          %dma_wait3A_1085 = arith.constant 0 : i32
          %dma_wait3A_1086 = tpu.memref_slice %arg6[%add3A_1078, %dma_wait3A_1085] : memref<204800x128xf32, #tpu.memory_space<hbm>> -> memref<16x128xf32, #tpu.memory_space<hbm>>
          %dma_wait3A_1087 = tpu.memref_slice %arg13[%dma_wait3A_1080] : memref<8x!tpu.dma_semaphore, #tpu.memory_space<semaphore_mem>> -> memref<1x!tpu.dma_semaphore, #tpu.memory_space<semaphore_mem>>
          %dma_wait3A_1088 = tpu.memref_squeeze %dma_wait3A_1087 : memref<1x!tpu.dma_semaphore, #tpu.memory_space<semaphore_mem>> -> memref<!tpu.dma_semaphore, #tpu.memory_space<semaphore_mem>>
          %dma_wait3A_1089 = arith.constant 0 : i32
          %dma_wait3A_1090 = tpu.memref_slice %arg6[%add3A_1078, %dma_wait3A_1089] : memref<204800x128xf32, #tpu.memory_space<hbm>> -> memref<16x128xf32, #tpu.memory_space<hbm>>
          %dma_wait3A_1091 = arith.constant 0 : i32
          %dma_wait3A_1092 = arith.constant 0 : i32
          %dma_wait3A_1093 = tpu.memref_slice %arg8[%dma_wait3A_1079, %dma_wait3A_1091, %dma_wait3A_1092] : memref<8x16x128xf32, #tpu.memory_space<vmem>> -> memref<1x16x128xf32, #tpu.memory_space<vmem>>
          %dma_wait3A_1094 = tpu.memref_squeeze %dma_wait3A_1093 : memref<1x16x128xf32, #tpu.memory_space<vmem>> -> memref<16x128xf32, #tpu.memory_space<vmem>>
          tpu.wait_dma2 semaphore(%dma_wait3A_1088 : memref<!tpu.dma_semaphore, #tpu.memory_space<semaphore_mem>>) src(%dma_wait3A_1094 : memref<16x128xf32, #tpu.memory_space<vmem>>) dst(%dma_wait3A_1090 : memref<16x128xf32, #tpu.memory_space<hbm>>)
        } else {
        }
        %add3A_1022 = arith.constant 4 : i32
        %add3A_1023 = arith.addi %add3A_342, %add3A_1022 : i32
        %mul3A_1024 = arith.constant 16 : i32
        %mul3A_1025 = arith.muli %add3A_1023, %mul3A_1024 : i32
        %add3A_1026 = arith.addi %mul3A_2, %mul3A_1025 : i32
        %dma_start3A_1027 = arith.constant 4 : i32
        %dma_start3A_1028 = arith.constant 4 : i32
        %dma_start3A_1029 = arith.constant 0 : i32
        %dma_start3A_1030 = arith.constant 0 : i32
        %dma_start3A_1031 = tpu.memref_slice %arg9[%dma_start3A_1027, %dma_start3A_1029, %dma_start3A_1030] : memref<8x16x128xf32, #tpu.memory_space<vmem>> -> memref<1x16x128xf32, #tpu.memory_space<vmem>>
        %dma_start3A_1032 = tpu.memref_squeeze %dma_start3A_1031 : memref<1x16x128xf32, #tpu.memory_space<vmem>> -> memref<16x128xf32, #tpu.memory_space<vmem>>
        %dma_start3A_1033 = arith.constant 0 : i32
        %dma_start3A_1034 = tpu.memref_slice %arg2[%add3A_1026, %dma_start3A_1033] : memref<204800x128xf32, #tpu.memory_space<hbm>> -> memref<16x128xf32, #tpu.memory_space<hbm>>
        %dma_start3A_1035 = tpu.memref_slice %arg12[%dma_start3A_1028] : memref<8x!tpu.dma_semaphore, #tpu.memory_space<semaphore_mem>> -> memref<1x!tpu.dma_semaphore, #tpu.memory_space<semaphore_mem>>
        %dma_start3A_1036 = tpu.memref_squeeze %dma_start3A_1035 : memref<1x!tpu.dma_semaphore, #tpu.memory_space<semaphore_mem>> -> memref<!tpu.dma_semaphore, #tpu.memory_space<semaphore_mem>>
        %dma_start3A_1037 = arith.constant 0 : i32
        %dma_start3A_1038 = arith.constant 0 : i32
        %dma_start3A_1039 = tpu.memref_slice %arg9[%dma_start3A_1027, %dma_start3A_1037, %dma_start3A_1038] : memref<8x16x128xf32, #tpu.memory_space<vmem>> -> memref<1x16x128xf32, #tpu.memory_space<vmem>>
        %dma_start3A_1040 = tpu.memref_squeeze %dma_start3A_1039 : memref<1x16x128xf32, #tpu.memory_space<vmem>> -> memref<16x128xf32, #tpu.memory_space<vmem>>
        %dma_start3A_1041 = arith.constant 0 : i32
        %dma_start3A_1042 = tpu.memref_slice %arg2[%add3A_1026, %dma_start3A_1041] : memref<204800x128xf32, #tpu.memory_space<hbm>> -> memref<16x128xf32, #tpu.memory_space<hbm>>
        tpu.enqueue_dma source(%dma_start3A_1042 : memref<16x128xf32, #tpu.memory_space<hbm>>) target(%dma_start3A_1040 : memref<16x128xf32, #tpu.memory_space<vmem>>) target_semaphore(%dma_start3A_1036 : memref<!tpu.dma_semaphore, #tpu.memory_space<semaphore_mem>>)
        %dma_start3A_1043 = arith.constant 4 : i32
        %dma_start3A_1044 = arith.constant 4 : i32
        %dma_start3A_1045 = arith.constant 0 : i32
        %dma_start3A_1046 = arith.constant 0 : i32
        %dma_start3A_1047 = tpu.memref_slice %arg10[%dma_start3A_1043, %dma_start3A_1045, %dma_start3A_1046] : memref<8x16x128xf32, #tpu.memory_space<vmem>> -> memref<1x16x128xf32, #tpu.memory_space<vmem>>
        %dma_start3A_1048 = tpu.memref_squeeze %dma_start3A_1047 : memref<1x16x128xf32, #tpu.memory_space<vmem>> -> memref<16x128xf32, #tpu.memory_space<vmem>>
        %dma_start3A_1049 = arith.constant 0 : i32
        %dma_start3A_1050 = tpu.memref_slice %arg4[%add3A_1026, %dma_start3A_1049] : memref<204800x128xf32, #tpu.memory_space<hbm>> -> memref<16x128xf32, #tpu.memory_space<hbm>>
        %dma_start3A_1051 = tpu.memref_slice %arg12[%dma_start3A_1044] : memref<8x!tpu.dma_semaphore, #tpu.memory_space<semaphore_mem>> -> memref<1x!tpu.dma_semaphore, #tpu.memory_space<semaphore_mem>>
        %dma_start3A_1052 = tpu.memref_squeeze %dma_start3A_1051 : memref<1x!tpu.dma_semaphore, #tpu.memory_space<semaphore_mem>> -> memref<!tpu.dma_semaphore, #tpu.memory_space<semaphore_mem>>
        %dma_start3A_1053 = arith.constant 0 : i32
        %dma_start3A_1054 = arith.constant 0 : i32
        %dma_start3A_1055 = tpu.memref_slice %arg10[%dma_start3A_1043, %dma_start3A_1053, %dma_start3A_1054] : memref<8x16x128xf32, #tpu.memory_space<vmem>> -> memref<1x16x128xf32, #tpu.memory_space<vmem>>
        %dma_start3A_1056 = tpu.memref_squeeze %dma_start3A_1055 : memref<1x16x128xf32, #tpu.memory_space<vmem>> -> memref<16x128xf32, #tpu.memory_space<vmem>>
        %dma_start3A_1057 = arith.constant 0 : i32
        %dma_start3A_1058 = tpu.memref_slice %arg4[%add3A_1026, %dma_start3A_1057] : memref<204800x128xf32, #tpu.memory_space<hbm>> -> memref<16x128xf32, #tpu.memory_space<hbm>>
        tpu.enqueue_dma source(%dma_start3A_1058 : memref<16x128xf32, #tpu.memory_space<hbm>>) target(%dma_start3A_1056 : memref<16x128xf32, #tpu.memory_space<vmem>>) target_semaphore(%dma_start3A_1052 : memref<!tpu.dma_semaphore, #tpu.memory_space<semaphore_mem>>)
        %mul3A_1059 = arith.constant 16 : i32
        %mul3A_1060 = arith.muli %add3A_1023, %mul3A_1059 : i32
        %dma_start3A_1061 = arith.constant 4 : i32
        %dma_start3A_1062 = arith.constant 4 : i32
        %dma_start3A_1063 = arith.constant 0 : i32
        %dma_start3A_1064 = arith.constant 0 : i32
        %dma_start3A_1065 = tpu.memref_slice %arg8[%dma_start3A_1061, %dma_start3A_1063, %dma_start3A_1064] : memref<8x16x128xf32, #tpu.memory_space<vmem>> -> memref<1x16x128xf32, #tpu.memory_space<vmem>>
        %dma_start3A_1066 = tpu.memref_squeeze %dma_start3A_1065 : memref<1x16x128xf32, #tpu.memory_space<vmem>> -> memref<16x128xf32, #tpu.memory_space<vmem>>
        %dma_start3A_1067 = tpu.memref_slice %arg7[%mul3A_1060] : memref<6400xi32, #tpu.memory_space<vmem>> -> memref<16xi32, #tpu.memory_space<vmem>>
        %dma_start3A_1068 = arith.constant 0 : i32
        %dma_start3A_1069 = arith.constant 0 : i32
        %dma_start3A_1070 = tpu.memref_slice %arg5[%dma_start3A_1068, %dma_start3A_1069] : memref<100000x128xf32, #tpu.memory_space<hbm>> -> memref<100000x128xf32, #tpu.memory_space<hbm>>
        %dma_start3A_1071 = tpu.memref_slice %arg11[%dma_start3A_1062] : memref<8x!tpu.dma_semaphore, #tpu.memory_space<semaphore_mem>> -> memref<1x!tpu.dma_semaphore, #tpu.memory_space<semaphore_mem>>
        %dma_start3A_1072 = tpu.memref_squeeze %dma_start3A_1071 : memref<1x!tpu.dma_semaphore, #tpu.memory_space<semaphore_mem>> -> memref<!tpu.dma_semaphore, #tpu.memory_space<semaphore_mem>>
        tpu.enqueue_indirect_dma source(%dma_start3A_1070 : memref<100000x128xf32, #tpu.memory_space<hbm>>) target(%dma_start3A_1066 : memref<16x128xf32, #tpu.memory_space<vmem>>) offsets(%dma_start3A_1067 : memref<16xi32, #tpu.memory_space<vmem>>) semaphore(%dma_start3A_1072 : memref<!tpu.dma_semaphore, #tpu.memory_space<semaphore_mem>>)
      } else {
      }
      %mul3A_347 = arith.constant 16 : i32
      %mul3A_348 = arith.muli %add3A_342, %mul3A_347 : i32
      %dma_wait3A_349 = arith.constant 0 : i32
      %dma_wait3A_350 = arith.constant 0 : i32
      %dma_wait3A_351 = arith.constant 0 : i32
      %dma_wait3A_352 = arith.constant 0 : i32
      %dma_wait3A_353 = tpu.memref_slice %arg8[%dma_wait3A_349, %dma_wait3A_351, %dma_wait3A_352] : memref<8x16x128xf32, #tpu.memory_space<vmem>> -> memref<1x16x128xf32, #tpu.memory_space<vmem>>
      %dma_wait3A_354 = tpu.memref_squeeze %dma_wait3A_353 : memref<1x16x128xf32, #tpu.memory_space<vmem>> -> memref<16x128xf32, #tpu.memory_space<vmem>>
      %dma_wait3A_355 = tpu.memref_slice %arg7[%mul3A_348] : memref<6400xi32, #tpu.memory_space<vmem>> -> memref<16xi32, #tpu.memory_space<vmem>>
      %dma_wait3A_356 = arith.constant 0 : i32
      %dma_wait3A_357 = arith.constant 0 : i32
      %dma_wait3A_358 = tpu.memref_slice %arg5[%dma_wait3A_356, %dma_wait3A_357] : memref<100000x128xf32, #tpu.memory_space<hbm>> -> memref<100000x128xf32, #tpu.memory_space<hbm>>
      %dma_wait3A_359 = tpu.memref_slice %arg11[%dma_wait3A_350] : memref<8x!tpu.dma_semaphore, #tpu.memory_space<semaphore_mem>> -> memref<1x!tpu.dma_semaphore, #tpu.memory_space<semaphore_mem>>
      %dma_wait3A_360 = tpu.memref_squeeze %dma_wait3A_359 : memref<1x!tpu.dma_semaphore, #tpu.memory_space<semaphore_mem>> -> memref<!tpu.dma_semaphore, #tpu.memory_space<semaphore_mem>>
      tpu.wait_indirect_dma semaphore(%dma_wait3A_360 : memref<!tpu.dma_semaphore, #tpu.memory_space<semaphore_mem>>) src(%dma_wait3A_358 : memref<100000x128xf32, #tpu.memory_space<hbm>>) dst(%dma_wait3A_354 : memref<16x128xf32, #tpu.memory_space<vmem>>)
      %mul3A_361 = arith.constant 16 : i32
      %mul3A_362 = arith.muli %add3A_342, %mul3A_361 : i32
      %add3A_363 = arith.addi %mul3A_2, %mul3A_362 : i32
      %dma_wait3A_364 = arith.constant 0 : i32
      %dma_wait3A_365 = arith.constant 0 : i32
      %dma_wait3A_366 = arith.constant 0 : i32
      %dma_wait3A_367 = arith.constant 0 : i32
      %dma_wait3A_368 = tpu.memref_slice %arg9[%dma_wait3A_364, %dma_wait3A_366, %dma_wait3A_367] : memref<8x16x128xf32, #tpu.memory_space<vmem>> -> memref<1x16x128xf32, #tpu.memory_space<vmem>>
      %dma_wait3A_369 = tpu.memref_squeeze %dma_wait3A_368 : memref<1x16x128xf32, #tpu.memory_space<vmem>> -> memref<16x128xf32, #tpu.memory_space<vmem>>
      %dma_wait3A_370 = arith.constant 0 : i32
      %dma_wait3A_371 = tpu.memref_slice %arg2[%add3A_363, %dma_wait3A_370] : memref<204800x128xf32, #tpu.memory_space<hbm>> -> memref<16x128xf32, #tpu.memory_space<hbm>>
      %dma_wait3A_372 = tpu.memref_slice %arg12[%dma_wait3A_365] : memref<8x!tpu.dma_semaphore, #tpu.memory_space<semaphore_mem>> -> memref<1x!tpu.dma_semaphore, #tpu.memory_space<semaphore_mem>>
      %dma_wait3A_373 = tpu.memref_squeeze %dma_wait3A_372 : memref<1x!tpu.dma_semaphore, #tpu.memory_space<semaphore_mem>> -> memref<!tpu.dma_semaphore, #tpu.memory_space<semaphore_mem>>
      %dma_wait3A_374 = arith.constant 0 : i32
      %dma_wait3A_375 = arith.constant 0 : i32
      %dma_wait3A_376 = tpu.memref_slice %arg9[%dma_wait3A_364, %dma_wait3A_374, %dma_wait3A_375] : memref<8x16x128xf32, #tpu.memory_space<vmem>> -> memref<1x16x128xf32, #tpu.memory_space<vmem>>
      %dma_wait3A_377 = tpu.memref_squeeze %dma_wait3A_376 : memref<1x16x128xf32, #tpu.memory_space<vmem>> -> memref<16x128xf32, #tpu.memory_space<vmem>>
      %dma_wait3A_378 = arith.constant 0 : i32
      %dma_wait3A_379 = tpu.memref_slice %arg2[%add3A_363, %dma_wait3A_378] : memref<204800x128xf32, #tpu.memory_space<hbm>> -> memref<16x128xf32, #tpu.memory_space<hbm>>
      tpu.wait_dma2 semaphore(%dma_wait3A_373 : memref<!tpu.dma_semaphore, #tpu.memory_space<semaphore_mem>>) src(%dma_wait3A_379 : memref<16x128xf32, #tpu.memory_space<hbm>>) dst(%dma_wait3A_377 : memref<16x128xf32, #tpu.memory_space<vmem>>)
      %dma_wait3A_380 = arith.constant 0 : i32
      %dma_wait3A_381 = arith.constant 0 : i32
      %dma_wait3A_382 = arith.constant 0 : i32
      %dma_wait3A_383 = arith.constant 0 : i32
      %dma_wait3A_384 = tpu.memref_slice %arg10[%dma_wait3A_380, %dma_wait3A_382, %dma_wait3A_383] : memref<8x16x128xf32, #tpu.memory_space<vmem>> -> memref<1x16x128xf32, #tpu.memory_space<vmem>>
      %dma_wait3A_385 = tpu.memref_squeeze %dma_wait3A_384 : memref<1x16x128xf32, #tpu.memory_space<vmem>> -> memref<16x128xf32, #tpu.memory_space<vmem>>
      %dma_wait3A_386 = arith.constant 0 : i32
      %dma_wait3A_387 = tpu.memref_slice %arg4[%add3A_363, %dma_wait3A_386] : memref<204800x128xf32, #tpu.memory_space<hbm>> -> memref<16x128xf32, #tpu.memory_space<hbm>>
      %dma_wait3A_388 = tpu.memref_slice %arg12[%dma_wait3A_381] : memref<8x!tpu.dma_semaphore, #tpu.memory_space<semaphore_mem>> -> memref<1x!tpu.dma_semaphore, #tpu.memory_space<semaphore_mem>>
      %dma_wait3A_389 = tpu.memref_squeeze %dma_wait3A_388 : memref<1x!tpu.dma_semaphore, #tpu.memory_space<semaphore_mem>> -> memref<!tpu.dma_semaphore, #tpu.memory_space<semaphore_mem>>
      %dma_wait3A_390 = arith.constant 0 : i32
      %dma_wait3A_391 = arith.constant 0 : i32
      %dma_wait3A_392 = tpu.memref_slice %arg10[%dma_wait3A_380, %dma_wait3A_390, %dma_wait3A_391] : memref<8x16x128xf32, #tpu.memory_space<vmem>> -> memref<1x16x128xf32, #tpu.memory_space<vmem>>
      %dma_wait3A_393 = tpu.memref_squeeze %dma_wait3A_392 : memref<1x16x128xf32, #tpu.memory_space<vmem>> -> memref<16x128xf32, #tpu.memory_space<vmem>>
      %dma_wait3A_394 = arith.constant 0 : i32
      %dma_wait3A_395 = tpu.memref_slice %arg4[%add3A_363, %dma_wait3A_394] : memref<204800x128xf32, #tpu.memory_space<hbm>> -> memref<16x128xf32, #tpu.memory_space<hbm>>
      tpu.wait_dma2 semaphore(%dma_wait3A_389 : memref<!tpu.dma_semaphore, #tpu.memory_space<semaphore_mem>>) src(%dma_wait3A_395 : memref<16x128xf32, #tpu.memory_space<hbm>>) dst(%dma_wait3A_393 : memref<16x128xf32, #tpu.memory_space<vmem>>)
      %scan3A_396 = arith.constant 0 : i32
      %scan3A_397 = arith.constant 0 : i32
      %scan3A_398 = arith.constant 128 : i32
      %scan3A_399 = arith.addi %scan3A_397, %scan3A_398 : i32
      %scan3A_400 = arith.constant 8 : i32
      scf.for %scan3A_1016 = %scan3A_397 to %scan3A_399 step %scan3A_400  : i32 {
        %shift_right_arithmetic3A = arith.constant 3 : i32
        %shift_right_arithmetic3A_1017 = arith.shrsi %scan3A_1016, %shift_right_arithmetic3A : i32
        %and3A = arith.constant 7 : i32
        %and3A_1018 = arith.andi %scan3A_1016, %and3A : i32
        %mul3A_1019 = arith.constant 16 : i32
        %mul3A_1020 = arith.muli %and3A_1018, %mul3A_1019 : i32
        %get3A = arith.constant 0 : i32
        %get3A_1021 = arith.index_cast %get3A : i32 to index
        %get3A_1022 = arith.index_cast %shift_right_arithmetic3A_1017 : i32 to index
        %get3A_1023 = arith.index_cast %mul3A_1020 : i32 to index
        %get3A_1024 = tpu.vector_load %arg9[%get3A_1021, %get3A_1022, %get3A_1023] {strides = array<i32>} : memref<8x16x128xf32, #tpu.memory_space<vmem>>, vector<1x1x16xf32>,
        %get3A_1025 = vector.shape_cast %get3A_1024 : vector<1x1x16xf32> to vector<16xf32>
        %get3A_1026 = arith.constant 0 : i32
        %get3A_1027 = arith.index_cast %get3A_1026 : i32 to index
        %get3A_1028 = arith.index_cast %shift_right_arithmetic3A_1017 : i32 to index
        %get3A_1029 = arith.index_cast %mul3A_1020 : i32 to index
        %get3A_1030 = tpu.vector_load %arg10[%get3A_1027, %get3A_1028, %get3A_1029] {strides = array<i32>} : memref<8x16x128xf32, #tpu.memory_space<vmem>>, vector<1x1x16xf32>,
        %get3A_1031 = vector.shape_cast %get3A_1030 : vector<1x1x16xf32> to vector<16xf32>
        %add3A_1032 = arith.addf %get3A_1025, %get3A_1031 : vector<16xf32>
        %swap3A = arith.constant 0 : i32
        %swap3A_1033 = arith.index_cast %swap3A : i32 to index
        %swap3A_1034 = arith.index_cast %shift_right_arithmetic3A_1017 : i32 to index
        %swap3A_1035 = arith.index_cast %mul3A_1020 : i32 to index
        %swap3A_1036 = tpu.vector_load %arg8[%swap3A_1033, %swap3A_1034, %swap3A_1035] {strides = array<i32>} : memref<8x16x128xf32, #tpu.memory_space<vmem>>, vector<1x1x16xf32>,
        %swap3A_1037 = vector.shape_cast %swap3A_1036 : vector<1x1x16xf32> to vector<16xf32>
        %swap3A_1038 = vector.shape_cast %add3A_1032 : vector<16xf32> to vector<1x1x16xf32>
        tpu.vector_store %arg8[%swap3A_1033, %swap3A_1034, %swap3A_1035], %swap3A_1038 {add = true, strides = array<i32>} : memref<8x16x128xf32, #tpu.memory_space<vmem>>, vector<1x1x16xf32>,
        %scan3A_1039 = arith.constant 1 : i32
        %scan3A_1040 = arith.addi %scan3A_1016, %scan3A_1039 : i32
        %shift_right_arithmetic3A_1041 = arith.constant 3 : i32
        %shift_right_arithmetic3A_1042 = arith.shrsi %scan3A_1040, %shift_right_arithmetic3A_1041 : i32
        %and3A_1043 = arith.constant 7 : i32
        %and3A_1044 = arith.andi %scan3A_1040, %and3A_1043 : i32
        %mul3A_1045 = arith.constant 16 : i32
        %mul3A_1046 = arith.muli %and3A_1044, %mul3A_1045 : i32
        %get3A_1047 = arith.constant 0 : i32
        %get3A_1048 = arith.index_cast %get3A_1047 : i32 to index
        %get3A_1049 = arith.index_cast %shift_right_arithmetic3A_1042 : i32 to index
        %get3A_1050 = arith.index_cast %mul3A_1046 : i32 to index
        %get3A_1051 = tpu.vector_load %arg9[%get3A_1048, %get3A_1049, %get3A_1050] {strides = array<i32>} : memref<8x16x128xf32, #tpu.memory_space<vmem>>, vector<1x1x16xf32>,
        %get3A_1052 = vector.shape_cast %get3A_1051 : vector<1x1x16xf32> to vector<16xf32>
        %get3A_1053 = arith.constant 0 : i32
        %get3A_1054 = arith.index_cast %get3A_1053 : i32 to index
        %get3A_1055 = arith.index_cast %shift_right_arithmetic3A_1042 : i32 to index
        %get3A_1056 = arith.index_cast %mul3A_1046 : i32 to index
        %get3A_1057 = tpu.vector_load %arg10[%get3A_1054, %get3A_1055, %get3A_1056] {strides = array<i32>} : memref<8x16x128xf32, #tpu.memory_space<vmem>>, vector<1x1x16xf32>,
        %get3A_1058 = vector.shape_cast %get3A_1057 : vector<1x1x16xf32> to vector<16xf32>
        %add3A_1059 = arith.addf %get3A_1052, %get3A_1058 : vector<16xf32>
        %swap3A_1060 = arith.constant 0 : i32
        %swap3A_1061 = arith.index_cast %swap3A_1060 : i32 to index
        %swap3A_1062 = arith.index_cast %shift_right_arithmetic3A_1042 : i32 to index
        %swap3A_1063 = arith.index_cast %mul3A_1046 : i32 to index
        %swap3A_1064 = tpu.vector_load %arg8[%swap3A_1061, %swap3A_1062, %swap3A_1063] {strides = array<i32>} : memref<8x16x128xf32, #tpu.memory_space<vmem>>, vector<1x1x16xf32>,
        %swap3A_1065 = vector.shape_cast %swap3A_1064 : vector<1x1x16xf32> to vector<16xf32>
        %swap3A_1066 = vector.shape_cast %add3A_1059 : vector<16xf32> to vector<1x1x16xf32>
        tpu.vector_store %arg8[%swap3A_1061, %swap3A_1062, %swap3A_1063], %swap3A_1066 {add = true, strides = array<i32>} : memref<8x16x128xf32, #tpu.memory_space<vmem>>, vector<1x1x16xf32>,
        %scan3A_1067 = arith.constant 2 : i32
        %scan3A_1068 = arith.addi %scan3A_1016, %scan3A_1067 : i32
        %shift_right_arithmetic3A_1069 = arith.constant 3 : i32
        %shift_right_arithmetic3A_1070 = arith.shrsi %scan3A_1068, %shift_right_arithmetic3A_1069 : i32
        %and3A_1071 = arith.constant 7 : i32
        %and3A_1072 = arith.andi %scan3A_1068, %and3A_1071 : i32
        %mul3A_1073 = arith.constant 16 : i32
        %mul3A_1074 = arith.muli %and3A_1072, %mul3A_1073 : i32
        %get3A_1075 = arith.constant 0 : i32
        %get3A_1076 = arith.index_cast %get3A_1075 : i32 to index
        %get3A_1077 = arith.index_cast %shift_right_arithmetic3A_1070 : i32 to index
        %get3A_1078 = arith.index_cast %mul3A_1074 : i32 to index
        %get3A_1079 = tpu.vector_load %arg9[%get3A_1076, %get3A_1077, %get3A_1078] {strides = array<i32>} : memref<8x16x128xf32, #tpu.memory_space<vmem>>, vector<1x1x16xf32>,
        %get3A_1080 = vector.shape_cast %get3A_1079 : vector<1x1x16xf32> to vector<16xf32>
        %get3A_1081 = arith.constant 0 : i32
        %get3A_1082 = arith.index_cast %get3A_1081 : i32 to index
        %get3A_1083 = arith.index_cast %shift_right_arithmetic3A_1070 : i32 to index
        %get3A_1084 = arith.index_cast %mul3A_1074 : i32 to index
        %get3A_1085 = tpu.vector_load %arg10[%get3A_1082, %get3A_1083, %get3A_1084] {strides = array<i32>} : memref<8x16x128xf32, #tpu.memory_space<vmem>>, vector<1x1x16xf32>,
        %get3A_1086 = vector.shape_cast %get3A_1085 : vector<1x1x16xf32> to vector<16xf32>
        %add3A_1087 = arith.addf %get3A_1080, %get3A_1086 : vector<16xf32>
        %swap3A_1088 = arith.constant 0 : i32
        %swap3A_1089 = arith.index_cast %swap3A_1088 : i32 to index
        %swap3A_1090 = arith.index_cast %shift_right_arithmetic3A_1070 : i32 to index
        %swap3A_1091 = arith.index_cast %mul3A_1074 : i32 to index
        %swap3A_1092 = tpu.vector_load %arg8[%swap3A_1089, %swap3A_1090, %swap3A_1091] {strides = array<i32>} : memref<8x16x128xf32, #tpu.memory_space<vmem>>, vector<1x1x16xf32>,
        %swap3A_1093 = vector.shape_cast %swap3A_1092 : vector<1x1x16xf32> to vector<16xf32>
        %swap3A_1094 = vector.shape_cast %add3A_1087 : vector<16xf32> to vector<1x1x16xf32>
        tpu.vector_store %arg8[%swap3A_1089, %swap3A_1090, %swap3A_1091], %swap3A_1094 {add = true, strides = array<i32>} : memref<8x16x128xf32, #tpu.memory_space<vmem>>, vector<1x1x16xf32>,
        %scan3A_1095 = arith.constant 3 : i32
        %scan3A_1096 = arith.addi %scan3A_1016, %scan3A_1095 : i32
        %shift_right_arithmetic3A_1097 = arith.constant 3 : i32
        %shift_right_arithmetic3A_1098 = arith.shrsi %scan3A_1096, %shift_right_arithmetic3A_1097 : i32
        %and3A_1099 = arith.constant 7 : i32
        %and3A_1100 = arith.andi %scan3A_1096, %and3A_1099 : i32
        %mul3A_1101 = arith.constant 16 : i32
        %mul3A_1102 = arith.muli %and3A_1100, %mul3A_1101 : i32
        %get3A_1103 = arith.constant 0 : i32
        %get3A_1104 = arith.index_cast %get3A_1103 : i32 to index
        %get3A_1105 = arith.index_cast %shift_right_arithmetic3A_1098 : i32 to index
        %get3A_1106 = arith.index_cast %mul3A_1102 : i32 to index
        %get3A_1107 = tpu.vector_load %arg9[%get3A_1104, %get3A_1105, %get3A_1106] {strides = array<i32>} : memref<8x16x128xf32, #tpu.memory_space<vmem>>, vector<1x1x16xf32>,
        %get3A_1108 = vector.shape_cast %get3A_1107 : vector<1x1x16xf32> to vector<16xf32>
        %get3A_1109 = arith.constant 0 : i32
        %get3A_1110 = arith.index_cast %get3A_1109 : i32 to index
        %get3A_1111 = arith.index_cast %shift_right_arithmetic3A_1098 : i32 to index
        %get3A_1112 = arith.index_cast %mul3A_1102 : i32 to index
        %get3A_1113 = tpu.vector_load %arg10[%get3A_1110, %get3A_1111, %get3A_1112] {strides = array<i32>} : memref<8x16x128xf32, #tpu.memory_space<vmem>>, vector<1x1x16xf32>,
        %get3A_1114 = vector.shape_cast %get3A_1113 : vector<1x1x16xf32> to vector<16xf32>
        %add3A_1115 = arith.addf %get3A_1108, %get3A_1114 : vector<16xf32>
        %swap3A_1116 = arith.constant 0 : i32
        %swap3A_1117 = arith.index_cast %swap3A_1116 : i32 to index
        %swap3A_1118 = arith.index_cast %shift_right_arithmetic3A_1098 : i32 to index
        %swap3A_1119 = arith.index_cast %mul3A_1102 : i32 to index
        %swap3A_1120 = tpu.vector_load %arg8[%swap3A_1117, %swap3A_1118, %swap3A_1119] {strides = array<i32>} : memref<8x16x128xf32, #tpu.memory_space<vmem>>, vector<1x1x16xf32>,
        %swap3A_1121 = vector.shape_cast %swap3A_1120 : vector<1x1x16xf32> to vector<16xf32>
        %swap3A_1122 = vector.shape_cast %add3A_1115 : vector<16xf32> to vector<1x1x16xf32>
        tpu.vector_store %arg8[%swap3A_1117, %swap3A_1118, %swap3A_1119], %swap3A_1122 {add = true, strides = array<i32>} : memref<8x16x128xf32, #tpu.memory_space<vmem>>, vector<1x1x16xf32>,
        %scan3A_1123 = arith.constant 4 : i32
        %scan3A_1124 = arith.addi %scan3A_1016, %scan3A_1123 : i32
        %shift_right_arithmetic3A_1125 = arith.constant 3 : i32
        %shift_right_arithmetic3A_1126 = arith.shrsi %scan3A_1124, %shift_right_arithmetic3A_1125 : i32
        %and3A_1127 = arith.constant 7 : i32
        %and3A_1128 = arith.andi %scan3A_1124, %and3A_1127 : i32
        %mul3A_1129 = arith.constant 16 : i32
        %mul3A_1130 = arith.muli %and3A_1128, %mul3A_1129 : i32
        %get3A_1131 = arith.constant 0 : i32
        %get3A_1132 = arith.index_cast %get3A_1131 : i32 to index
        %get3A_1133 = arith.index_cast %shift_right_arithmetic3A_1126 : i32 to index
        %get3A_1134 = arith.index_cast %mul3A_1130 : i32 to index
        %get3A_1135 = tpu.vector_load %arg9[%get3A_1132, %get3A_1133, %get3A_1134] {strides = array<i32>} : memref<8x16x128xf32, #tpu.memory_space<vmem>>, vector<1x1x16xf32>,
        %get3A_1136 = vector.shape_cast %get3A_1135 : vector<1x1x16xf32> to vector<16xf32>
        %get3A_1137 = arith.constant 0 : i32
        %get3A_1138 = arith.index_cast %get3A_1137 : i32 to index
        %get3A_1139 = arith.index_cast %shift_right_arithmetic3A_1126 : i32 to index
        %get3A_1140 = arith.index_cast %mul3A_1130 : i32 to index
        %get3A_1141 = tpu.vector_load %arg10[%get3A_1138, %get3A_1139, %get3A_1140] {strides = array<i32>} : memref<8x16x128xf32, #tpu.memory_space<vmem>>, vector<1x1x16xf32>,
        %get3A_1142 = vector.shape_cast %get3A_1141 : vector<1x1x16xf32> to vector<16xf32>
        %add3A_1143 = arith.addf %get3A_1136, %get3A_1142 : vector<16xf32>
        %swap3A_1144 = arith.constant 0 : i32
        %swap3A_1145 = arith.index_cast %swap3A_1144 : i32 to index
        %swap3A_1146 = arith.index_cast %shift_right_arithmetic3A_1126 : i32 to index
        %swap3A_1147 = arith.index_cast %mul3A_1130 : i32 to index
        %swap3A_1148 = tpu.vector_load %arg8[%swap3A_1145, %swap3A_1146, %swap3A_1147] {strides = array<i32>} : memref<8x16x128xf32, #tpu.memory_space<vmem>>, vector<1x1x16xf32>,
        %swap3A_1149 = vector.shape_cast %swap3A_1148 : vector<1x1x16xf32> to vector<16xf32>
        %swap3A_1150 = vector.shape_cast %add3A_1143 : vector<16xf32> to vector<1x1x16xf32>
        tpu.vector_store %arg8[%swap3A_1145, %swap3A_1146, %swap3A_1147], %swap3A_1150 {add = true, strides = array<i32>} : memref<8x16x128xf32, #tpu.memory_space<vmem>>, vector<1x1x16xf32>,
        %scan3A_1151 = arith.constant 5 : i32
        %scan3A_1152 = arith.addi %scan3A_1016, %scan3A_1151 : i32
        %shift_right_arithmetic3A_1153 = arith.constant 3 : i32
        %shift_right_arithmetic3A_1154 = arith.shrsi %scan3A_1152, %shift_right_arithmetic3A_1153 : i32
        %and3A_1155 = arith.constant 7 : i32
        %and3A_1156 = arith.andi %scan3A_1152, %and3A_1155 : i32
        %mul3A_1157 = arith.constant 16 : i32
        %mul3A_1158 = arith.muli %and3A_1156, %mul3A_1157 : i32
        %get3A_1159 = arith.constant 0 : i32
        %get3A_1160 = arith.index_cast %get3A_1159 : i32 to index
        %get3A_1161 = arith.index_cast %shift_right_arithmetic3A_1154 : i32 to index
        %get3A_1162 = arith.index_cast %mul3A_1158 : i32 to index
        %get3A_1163 = tpu.vector_load %arg9[%get3A_1160, %get3A_1161, %get3A_1162] {strides = array<i32>} : memref<8x16x128xf32, #tpu.memory_space<vmem>>, vector<1x1x16xf32>,
        %get3A_1164 = vector.shape_cast %get3A_1163 : vector<1x1x16xf32> to vector<16xf32>
        %get3A_1165 = arith.constant 0 : i32
        %get3A_1166 = arith.index_cast %get3A_1165 : i32 to index
        %get3A_1167 = arith.index_cast %shift_right_arithmetic3A_1154 : i32 to index
        %get3A_1168 = arith.index_cast %mul3A_1158 : i32 to index
        %get3A_1169 = tpu.vector_load %arg10[%get3A_1166, %get3A_1167, %get3A_1168] {strides = array<i32>} : memref<8x16x128xf32, #tpu.memory_space<vmem>>, vector<1x1x16xf32>,
        %get3A_1170 = vector.shape_cast %get3A_1169 : vector<1x1x16xf32> to vector<16xf32>
        %add3A_1171 = arith.addf %get3A_1164, %get3A_1170 : vector<16xf32>
        %swap3A_1172 = arith.constant 0 : i32
        %swap3A_1173 = arith.index_cast %swap3A_1172 : i32 to index
        %swap3A_1174 = arith.index_cast %shift_right_arithmetic3A_1154 : i32 to index
        %swap3A_1175 = arith.index_cast %mul3A_1158 : i32 to index
        %swap3A_1176 = tpu.vector_load %arg8[%swap3A_1173, %swap3A_1174, %swap3A_1175] {strides = array<i32>} : memref<8x16x128xf32, #tpu.memory_space<vmem>>, vector<1x1x16xf32>,
        %swap3A_1177 = vector.shape_cast %swap3A_1176 : vector<1x1x16xf32> to vector<16xf32>
        %swap3A_1178 = vector.shape_cast %add3A_1171 : vector<16xf32> to vector<1x1x16xf32>
        tpu.vector_store %arg8[%swap3A_1173, %swap3A_1174, %swap3A_1175], %swap3A_1178 {add = true, strides = array<i32>} : memref<8x16x128xf32, #tpu.memory_space<vmem>>, vector<1x1x16xf32>,
        %scan3A_1179 = arith.constant 6 : i32
        %scan3A_1180 = arith.addi %scan3A_1016, %scan3A_1179 : i32
        %shift_right_arithmetic3A_1181 = arith.constant 3 : i32
        %shift_right_arithmetic3A_1182 = arith.shrsi %scan3A_1180, %shift_right_arithmetic3A_1181 : i32
        %and3A_1183 = arith.constant 7 : i32
        %and3A_1184 = arith.andi %scan3A_1180, %and3A_1183 : i32
        %mul3A_1185 = arith.constant 16 : i32
        %mul3A_1186 = arith.muli %and3A_1184, %mul3A_1185 : i32
        %get3A_1187 = arith.constant 0 : i32
        %get3A_1188 = arith.index_cast %get3A_1187 : i32 to index
        %get3A_1189 = arith.index_cast %shift_right_arithmetic3A_1182 : i32 to index
        %get3A_1190 = arith.index_cast %mul3A_1186 : i32 to index
        %get3A_1191 = tpu.vector_load %arg9[%get3A_1188, %get3A_1189, %get3A_1190] {strides = array<i32>} : memref<8x16x128xf32, #tpu.memory_space<vmem>>, vector<1x1x16xf32>,
        %get3A_1192 = vector.shape_cast %get3A_1191 : vector<1x1x16xf32> to vector<16xf32>
        %get3A_1193 = arith.constant 0 : i32
        %get3A_1194 = arith.index_cast %get3A_1193 : i32 to index
        %get3A_1195 = arith.index_cast %shift_right_arithmetic3A_1182 : i32 to index
        %get3A_1196 = arith.index_cast %mul3A_1186 : i32 to index
        %get3A_1197 = tpu.vector_load %arg10[%get3A_1194, %get3A_1195, %get3A_1196] {strides = array<i32>} : memref<8x16x128xf32, #tpu.memory_space<vmem>>, vector<1x1x16xf32>,
        %get3A_1198 = vector.shape_cast %get3A_1197 : vector<1x1x16xf32> to vector<16xf32>
        %add3A_1199 = arith.addf %get3A_1192, %get3A_1198 : vector<16xf32>
        %swap3A_1200 = arith.constant 0 : i32
        %swap3A_1201 = arith.index_cast %swap3A_1200 : i32 to index
        %swap3A_1202 = arith.index_cast %shift_right_arithmetic3A_1182 : i32 to index
        %swap3A_1203 = arith.index_cast %mul3A_1186 : i32 to index
        %swap3A_1204 = tpu.vector_load %arg8[%swap3A_1201, %swap3A_1202, %swap3A_1203] {strides = array<i32>} : memref<8x16x128xf32, #tpu.memory_space<vmem>>, vector<1x1x16xf32>,
        %swap3A_1205 = vector.shape_cast %swap3A_1204 : vector<1x1x16xf32> to vector<16xf32>
        %swap3A_1206 = vector.shape_cast %add3A_1199 : vector<16xf32> to vector<1x1x16xf32>
        tpu.vector_store %arg8[%swap3A_1201, %swap3A_1202, %swap3A_1203], %swap3A_1206 {add = true, strides = array<i32>} : memref<8x16x128xf32, #tpu.memory_space<vmem>>, vector<1x1x16xf32>,
        %scan3A_1207 = arith.constant 7 : i32
        %scan3A_1208 = arith.addi %scan3A_1016, %scan3A_1207 : i32
        %shift_right_arithmetic3A_1209 = arith.constant 3 : i32
        %shift_right_arithmetic3A_1210 = arith.shrsi %scan3A_1208, %shift_right_arithmetic3A_1209 : i32
        %and3A_1211 = arith.constant 7 : i32
        %and3A_1212 = arith.andi %scan3A_1208, %and3A_1211 : i32
        %mul3A_1213 = arith.constant 16 : i32
        %mul3A_1214 = arith.muli %and3A_1212, %mul3A_1213 : i32
        %get3A_1215 = arith.constant 0 : i32
        %get3A_1216 = arith.index_cast %get3A_1215 : i32 to index
        %get3A_1217 = arith.index_cast %shift_right_arithmetic3A_1210 : i32 to index
        %get3A_1218 = arith.index_cast %mul3A_1214 : i32 to index
        %get3A_1219 = tpu.vector_load %arg9[%get3A_1216, %get3A_1217, %get3A_1218] {strides = array<i32>} : memref<8x16x128xf32, #tpu.memory_space<vmem>>, vector<1x1x16xf32>,
        %get3A_1220 = vector.shape_cast %get3A_1219 : vector<1x1x16xf32> to vector<16xf32>
        %get3A_1221 = arith.constant 0 : i32
        %get3A_1222 = arith.index_cast %get3A_1221 : i32 to index
        %get3A_1223 = arith.index_cast %shift_right_arithmetic3A_1210 : i32 to index
        %get3A_1224 = arith.index_cast %mul3A_1214 : i32 to index
        %get3A_1225 = tpu.vector_load %arg10[%get3A_1222, %get3A_1223, %get3A_1224] {strides = array<i32>} : memref<8x16x128xf32, #tpu.memory_space<vmem>>, vector<1x1x16xf32>,
        %get3A_1226 = vector.shape_cast %get3A_1225 : vector<1x1x16xf32> to vector<16xf32>
        %add3A_1227 = arith.addf %get3A_1220, %get3A_1226 : vector<16xf32>
        %swap3A_1228 = arith.constant 0 : i32
        %swap3A_1229 = arith.index_cast %swap3A_1228 : i32 to index
        %swap3A_1230 = arith.index_cast %shift_right_arithmetic3A_1210 : i32 to index
        %swap3A_1231 = arith.index_cast %mul3A_1214 : i32 to index
        %swap3A_1232 = tpu.vector_load %arg8[%swap3A_1229, %swap3A_1230, %swap3A_1231] {strides = array<i32>} : memref<8x16x128xf32, #tpu.memory_space<vmem>>, vector<1x1x16xf32>,
        %swap3A_1233 = vector.shape_cast %swap3A_1232 : vector<1x1x16xf32> to vector<16xf32>
        %swap3A_1234 = vector.shape_cast %add3A_1227 : vector<16xf32> to vector<1x1x16xf32>
        tpu.vector_store %arg8[%swap3A_1229, %swap3A_1230, %swap3A_1231], %swap3A_1234 {add = true, strides = array<i32>} : memref<8x16x128xf32, #tpu.memory_space<vmem>>, vector<1x1x16xf32>,
      }
      %scan3A_401 = arith.constant 128 : i32
      %mul3A_402 = arith.constant 16 : i32
      %mul3A_403 = arith.muli %add3A_342, %mul3A_402 : i32
      %add3A_404 = arith.addi %mul3A_2, %mul3A_403 : i32
      %dma_start3A_405 = arith.constant 0 : i32
      %dma_start3A_406 = arith.constant 0 : i32
      %dma_start3A_407 = arith.constant 0 : i32
      %dma_start3A_408 = arith.constant 0 : i32
      %dma_start3A_409 = tpu.memref_slice %arg8[%dma_start3A_405, %dma_start3A_407, %dma_start3A_408] : memref<8x16x128xf32, #tpu.memory_space<vmem>> -> memref<1x16x128xf32, #tpu.memory_space<vmem>>
      %dma_start3A_410 = tpu.memref_squeeze %dma_start3A_409 : memref<1x16x128xf32, #tpu.memory_space<vmem>> -> memref<16x128xf32, #tpu.memory_space<vmem>>
      %dma_start3A_411 = arith.constant 0 : i32
      %dma_start3A_412 = tpu.memref_slice %arg6[%add3A_404, %dma_start3A_411] : memref<204800x128xf32, #tpu.memory_space<hbm>> -> memref<16x128xf32, #tpu.memory_space<hbm>>
      %dma_start3A_413 = tpu.memref_slice %arg13[%dma_start3A_406] : memref<8x!tpu.dma_semaphore, #tpu.memory_space<semaphore_mem>> -> memref<1x!tpu.dma_semaphore, #tpu.memory_space<semaphore_mem>>
      %dma_start3A_414 = tpu.memref_squeeze %dma_start3A_413 : memref<1x!tpu.dma_semaphore, #tpu.memory_space<semaphore_mem>> -> memref<!tpu.dma_semaphore, #tpu.memory_space<semaphore_mem>>
      %dma_start3A_415 = arith.constant 0 : i32
      %dma_start3A_416 = tpu.memref_slice %arg6[%add3A_404, %dma_start3A_415] : memref<204800x128xf32, #tpu.memory_space<hbm>> -> memref<16x128xf32, #tpu.memory_space<hbm>>
      %dma_start3A_417 = arith.constant 0 : i32
      %dma_start3A_418 = arith.constant 0 : i32
      %dma_start3A_419 = tpu.memref_slice %arg8[%dma_start3A_405, %dma_start3A_417, %dma_start3A_418] : memref<8x16x128xf32, #tpu.memory_space<vmem>> -> memref<1x16x128xf32, #tpu.memory_space<vmem>>
      %dma_start3A_420 = tpu.memref_squeeze %dma_start3A_419 : memref<1x16x128xf32, #tpu.memory_space<vmem>> -> memref<16x128xf32, #tpu.memory_space<vmem>>
      tpu.enqueue_dma source(%dma_start3A_420 : memref<16x128xf32, #tpu.memory_space<vmem>>) target(%dma_start3A_416 : memref<16x128xf32, #tpu.memory_space<hbm>>) target_semaphore(%dma_start3A_414 : memref<!tpu.dma_semaphore, #tpu.memory_space<semaphore_mem>>)
      %mul3A_421 = arith.constant 8 : i32
      %mul3A_422 = arith.muli %scan3A_338, %mul3A_421 : i32
      %add3A_423 = arith.constant 1 : i32
      %add3A_424 = arith.addi %mul3A_422, %add3A_423 : i32
      %add3A_425 = arith.constant 4 : i32
      %add3A_426 = arith.addi %add3A_424, %add3A_425 : i32
      %lt3A_427 = arith.constant 400 : i32
      %lt3A_428 = arith.cmpi slt, %add3A_426, %lt3A_427 : i32
      %convert_element_type3A_429 = arith.extui %lt3A_428 : i1 to i32
      %cond3A_430 = arith.constant 0 : i32
      %cond3A_431 = arith.cmpi ne, %convert_element_type3A_429, %cond3A_430 : i32
      scf.if %cond3A_431 {
        %add3A_1016 = arith.constant 4 : i32
        %add3A_1017 = arith.addi %add3A_424, %add3A_1016 : i32
        %ge3A = arith.constant 8 : i32
        %ge3A_1018 = arith.cmpi sge, %add3A_1017, %ge3A : i32
        %convert_element_type3A_1019 = arith.extui %ge3A_1018 : i1 to i32
        %cond3A_1020 = arith.constant 0 : i32
        %cond3A_1021 = arith.cmpi ne, %convert_element_type3A_1019, %cond3A_1020 : i32
        scf.if %cond3A_1021 {
          %add3A_1073 = arith.constant 4 : i32
          %add3A_1074 = arith.addi %add3A_424, %add3A_1073 : i32
          %sub3A = arith.constant 8 : i32
          %sub3A_1075 = arith.subi %add3A_1074, %sub3A : i32
          %mul3A_1076 = arith.constant 16 : i32
          %mul3A_1077 = arith.muli %sub3A_1075, %mul3A_1076 : i32
          %add3A_1078 = arith.addi %mul3A_2, %mul3A_1077 : i32
          %dma_wait3A_1079 = arith.constant 5 : i32
          %dma_wait3A_1080 = arith.constant 5 : i32
          %dma_wait3A_1081 = arith.constant 0 : i32
          %dma_wait3A_1082 = arith.constant 0 : i32
          %dma_wait3A_1083 = tpu.memref_slice %arg8[%dma_wait3A_1079, %dma_wait3A_1081, %dma_wait3A_1082] : memref<8x16x128xf32, #tpu.memory_space<vmem>> -> memref<1x16x128xf32, #tpu.memory_space<vmem>>
          %dma_wait3A_1084 = tpu.memref_squeeze %dma_wait3A_1083 : memref<1x16x128xf32, #tpu.memory_space<vmem>> -> memref<16x128xf32, #tpu.memory_space<vmem>>
          %dma_wait3A_1085 = arith.constant 0 : i32
          %dma_wait3A_1086 = tpu.memref_slice %arg6[%add3A_1078, %dma_wait3A_1085] : memref<204800x128xf32, #tpu.memory_space<hbm>> -> memref<16x128xf32, #tpu.memory_space<hbm>>
          %dma_wait3A_1087 = tpu.memref_slice %arg13[%dma_wait3A_1080] : memref<8x!tpu.dma_semaphore, #tpu.memory_space<semaphore_mem>> -> memref<1x!tpu.dma_semaphore, #tpu.memory_space<semaphore_mem>>
          %dma_wait3A_1088 = tpu.memref_squeeze %dma_wait3A_1087 : memref<1x!tpu.dma_semaphore, #tpu.memory_space<semaphore_mem>> -> memref<!tpu.dma_semaphore, #tpu.memory_space<semaphore_mem>>
          %dma_wait3A_1089 = arith.constant 0 : i32
          %dma_wait3A_1090 = tpu.memref_slice %arg6[%add3A_1078, %dma_wait3A_1089] : memref<204800x128xf32, #tpu.memory_space<hbm>> -> memref<16x128xf32, #tpu.memory_space<hbm>>
          %dma_wait3A_1091 = arith.constant 0 : i32
          %dma_wait3A_1092 = arith.constant 0 : i32
          %dma_wait3A_1093 = tpu.memref_slice %arg8[%dma_wait3A_1079, %dma_wait3A_1091, %dma_wait3A_1092] : memref<8x16x128xf32, #tpu.memory_space<vmem>> -> memref<1x16x128xf32, #tpu.memory_space<vmem>>
          %dma_wait3A_1094 = tpu.memref_squeeze %dma_wait3A_1093 : memref<1x16x128xf32, #tpu.memory_space<vmem>> -> memref<16x128xf32, #tpu.memory_space<vmem>>
          tpu.wait_dma2 semaphore(%dma_wait3A_1088 : memref<!tpu.dma_semaphore, #tpu.memory_space<semaphore_mem>>) src(%dma_wait3A_1094 : memref<16x128xf32, #tpu.memory_space<vmem>>) dst(%dma_wait3A_1090 : memref<16x128xf32, #tpu.memory_space<hbm>>)
        } else {
        }
        %add3A_1022 = arith.constant 4 : i32
        %add3A_1023 = arith.addi %add3A_424, %add3A_1022 : i32
        %mul3A_1024 = arith.constant 16 : i32
        %mul3A_1025 = arith.muli %add3A_1023, %mul3A_1024 : i32
        %add3A_1026 = arith.addi %mul3A_2, %mul3A_1025 : i32
        %dma_start3A_1027 = arith.constant 5 : i32
        %dma_start3A_1028 = arith.constant 5 : i32
        %dma_start3A_1029 = arith.constant 0 : i32
        %dma_start3A_1030 = arith.constant 0 : i32
        %dma_start3A_1031 = tpu.memref_slice %arg9[%dma_start3A_1027, %dma_start3A_1029, %dma_start3A_1030] : memref<8x16x128xf32, #tpu.memory_space<vmem>> -> memref<1x16x128xf32, #tpu.memory_space<vmem>>
        %dma_start3A_1032 = tpu.memref_squeeze %dma_start3A_1031 : memref<1x16x128xf32, #tpu.memory_space<vmem>> -> memref<16x128xf32, #tpu.memory_space<vmem>>
        %dma_start3A_1033 = arith.constant 0 : i32
        %dma_start3A_1034 = tpu.memref_slice %arg2[%add3A_1026, %dma_start3A_1033] : memref<204800x128xf32, #tpu.memory_space<hbm>> -> memref<16x128xf32, #tpu.memory_space<hbm>>
        %dma_start3A_1035 = tpu.memref_slice %arg12[%dma_start3A_1028] : memref<8x!tpu.dma_semaphore, #tpu.memory_space<semaphore_mem>> -> memref<1x!tpu.dma_semaphore, #tpu.memory_space<semaphore_mem>>
        %dma_start3A_1036 = tpu.memref_squeeze %dma_start3A_1035 : memref<1x!tpu.dma_semaphore, #tpu.memory_space<semaphore_mem>> -> memref<!tpu.dma_semaphore, #tpu.memory_space<semaphore_mem>>
        %dma_start3A_1037 = arith.constant 0 : i32
        %dma_start3A_1038 = arith.constant 0 : i32
        %dma_start3A_1039 = tpu.memref_slice %arg9[%dma_start3A_1027, %dma_start3A_1037, %dma_start3A_1038] : memref<8x16x128xf32, #tpu.memory_space<vmem>> -> memref<1x16x128xf32, #tpu.memory_space<vmem>>
        %dma_start3A_1040 = tpu.memref_squeeze %dma_start3A_1039 : memref<1x16x128xf32, #tpu.memory_space<vmem>> -> memref<16x128xf32, #tpu.memory_space<vmem>>
        %dma_start3A_1041 = arith.constant 0 : i32
        %dma_start3A_1042 = tpu.memref_slice %arg2[%add3A_1026, %dma_start3A_1041] : memref<204800x128xf32, #tpu.memory_space<hbm>> -> memref<16x128xf32, #tpu.memory_space<hbm>>
        tpu.enqueue_dma source(%dma_start3A_1042 : memref<16x128xf32, #tpu.memory_space<hbm>>) target(%dma_start3A_1040 : memref<16x128xf32, #tpu.memory_space<vmem>>) target_semaphore(%dma_start3A_1036 : memref<!tpu.dma_semaphore, #tpu.memory_space<semaphore_mem>>)
        %dma_start3A_1043 = arith.constant 5 : i32
        %dma_start3A_1044 = arith.constant 5 : i32
        %dma_start3A_1045 = arith.constant 0 : i32
        %dma_start3A_1046 = arith.constant 0 : i32
        %dma_start3A_1047 = tpu.memref_slice %arg10[%dma_start3A_1043, %dma_start3A_1045, %dma_start3A_1046] : memref<8x16x128xf32, #tpu.memory_space<vmem>> -> memref<1x16x128xf32, #tpu.memory_space<vmem>>
        %dma_start3A_1048 = tpu.memref_squeeze %dma_start3A_1047 : memref<1x16x128xf32, #tpu.memory_space<vmem>> -> memref<16x128xf32, #tpu.memory_space<vmem>>
        %dma_start3A_1049 = arith.constant 0 : i32
        %dma_start3A_1050 = tpu.memref_slice %arg4[%add3A_1026, %dma_start3A_1049] : memref<204800x128xf32, #tpu.memory_space<hbm>> -> memref<16x128xf32, #tpu.memory_space<hbm>>
        %dma_start3A_1051 = tpu.memref_slice %arg12[%dma_start3A_1044] : memref<8x!tpu.dma_semaphore, #tpu.memory_space<semaphore_mem>> -> memref<1x!tpu.dma_semaphore, #tpu.memory_space<semaphore_mem>>
        %dma_start3A_1052 = tpu.memref_squeeze %dma_start3A_1051 : memref<1x!tpu.dma_semaphore, #tpu.memory_space<semaphore_mem>> -> memref<!tpu.dma_semaphore, #tpu.memory_space<semaphore_mem>>
        %dma_start3A_1053 = arith.constant 0 : i32
        %dma_start3A_1054 = arith.constant 0 : i32
        %dma_start3A_1055 = tpu.memref_slice %arg10[%dma_start3A_1043, %dma_start3A_1053, %dma_start3A_1054] : memref<8x16x128xf32, #tpu.memory_space<vmem>> -> memref<1x16x128xf32, #tpu.memory_space<vmem>>
        %dma_start3A_1056 = tpu.memref_squeeze %dma_start3A_1055 : memref<1x16x128xf32, #tpu.memory_space<vmem>> -> memref<16x128xf32, #tpu.memory_space<vmem>>
        %dma_start3A_1057 = arith.constant 0 : i32
        %dma_start3A_1058 = tpu.memref_slice %arg4[%add3A_1026, %dma_start3A_1057] : memref<204800x128xf32, #tpu.memory_space<hbm>> -> memref<16x128xf32, #tpu.memory_space<hbm>>
        tpu.enqueue_dma source(%dma_start3A_1058 : memref<16x128xf32, #tpu.memory_space<hbm>>) target(%dma_start3A_1056 : memref<16x128xf32, #tpu.memory_space<vmem>>) target_semaphore(%dma_start3A_1052 : memref<!tpu.dma_semaphore, #tpu.memory_space<semaphore_mem>>)
        %mul3A_1059 = arith.constant 16 : i32
        %mul3A_1060 = arith.muli %add3A_1023, %mul3A_1059 : i32
        %dma_start3A_1061 = arith.constant 5 : i32
        %dma_start3A_1062 = arith.constant 5 : i32
        %dma_start3A_1063 = arith.constant 0 : i32
        %dma_start3A_1064 = arith.constant 0 : i32
        %dma_start3A_1065 = tpu.memref_slice %arg8[%dma_start3A_1061, %dma_start3A_1063, %dma_start3A_1064] : memref<8x16x128xf32, #tpu.memory_space<vmem>> -> memref<1x16x128xf32, #tpu.memory_space<vmem>>
        %dma_start3A_1066 = tpu.memref_squeeze %dma_start3A_1065 : memref<1x16x128xf32, #tpu.memory_space<vmem>> -> memref<16x128xf32, #tpu.memory_space<vmem>>
        %dma_start3A_1067 = tpu.memref_slice %arg7[%mul3A_1060] : memref<6400xi32, #tpu.memory_space<vmem>> -> memref<16xi32, #tpu.memory_space<vmem>>
        %dma_start3A_1068 = arith.constant 0 : i32
        %dma_start3A_1069 = arith.constant 0 : i32
        %dma_start3A_1070 = tpu.memref_slice %arg5[%dma_start3A_1068, %dma_start3A_1069] : memref<100000x128xf32, #tpu.memory_space<hbm>> -> memref<100000x128xf32, #tpu.memory_space<hbm>>
        %dma_start3A_1071 = tpu.memref_slice %arg11[%dma_start3A_1062] : memref<8x!tpu.dma_semaphore, #tpu.memory_space<semaphore_mem>> -> memref<1x!tpu.dma_semaphore, #tpu.memory_space<semaphore_mem>>
        %dma_start3A_1072 = tpu.memref_squeeze %dma_start3A_1071 : memref<1x!tpu.dma_semaphore, #tpu.memory_space<semaphore_mem>> -> memref<!tpu.dma_semaphore, #tpu.memory_space<semaphore_mem>>
        tpu.enqueue_indirect_dma source(%dma_start3A_1070 : memref<100000x128xf32, #tpu.memory_space<hbm>>) target(%dma_start3A_1066 : memref<16x128xf32, #tpu.memory_space<vmem>>) offsets(%dma_start3A_1067 : memref<16xi32, #tpu.memory_space<vmem>>) semaphore(%dma_start3A_1072 : memref<!tpu.dma_semaphore, #tpu.memory_space<semaphore_mem>>)
      } else {
      }
      %mul3A_432 = arith.constant 16 : i32
      %mul3A_433 = arith.muli %add3A_424, %mul3A_432 : i32
      %dma_wait3A_434 = arith.constant 1 : i32
      %dma_wait3A_435 = arith.constant 1 : i32
      %dma_wait3A_436 = arith.constant 0 : i32
      %dma_wait3A_437 = arith.constant 0 : i32
      %dma_wait3A_438 = tpu.memref_slice %arg8[%dma_wait3A_434, %dma_wait3A_436, %dma_wait3A_437] : memref<8x16x128xf32, #tpu.memory_space<vmem>> -> memref<1x16x128xf32, #tpu.memory_space<vmem>>
      %dma_wait3A_439 = tpu.memref_squeeze %dma_wait3A_438 : memref<1x16x128xf32, #tpu.memory_space<vmem>> -> memref<16x128xf32, #tpu.memory_space<vmem>>
      %dma_wait3A_440 = tpu.memref_slice %arg7[%mul3A_433] : memref<6400xi32, #tpu.memory_space<vmem>> -> memref<16xi32, #tpu.memory_space<vmem>>
      %dma_wait3A_441 = arith.constant 0 : i32
      %dma_wait3A_442 = arith.constant 0 : i32
      %dma_wait3A_443 = tpu.memref_slice %arg5[%dma_wait3A_441, %dma_wait3A_442] : memref<100000x128xf32, #tpu.memory_space<hbm>> -> memref<100000x128xf32, #tpu.memory_space<hbm>>
      %dma_wait3A_444 = tpu.memref_slice %arg11[%dma_wait3A_435] : memref<8x!tpu.dma_semaphore, #tpu.memory_space<semaphore_mem>> -> memref<1x!tpu.dma_semaphore, #tpu.memory_space<semaphore_mem>>
      %dma_wait3A_445 = tpu.memref_squeeze %dma_wait3A_444 : memref<1x!tpu.dma_semaphore, #tpu.memory_space<semaphore_mem>> -> memref<!tpu.dma_semaphore, #tpu.memory_space<semaphore_mem>>
      tpu.wait_indirect_dma semaphore(%dma_wait3A_445 : memref<!tpu.dma_semaphore, #tpu.memory_space<semaphore_mem>>) src(%dma_wait3A_443 : memref<100000x128xf32, #tpu.memory_space<hbm>>) dst(%dma_wait3A_439 : memref<16x128xf32, #tpu.memory_space<vmem>>)
      %mul3A_446 = arith.constant 16 : i32
      %mul3A_447 = arith.muli %add3A_424, %mul3A_446 : i32
      %add3A_448 = arith.addi %mul3A_2, %mul3A_447 : i32
      %dma_wait3A_449 = arith.constant 1 : i32
      %dma_wait3A_450 = arith.constant 1 : i32
      %dma_wait3A_451 = arith.constant 0 : i32
      %dma_wait3A_452 = arith.constant 0 : i32
      %dma_wait3A_453 = tpu.memref_slice %arg9[%dma_wait3A_449, %dma_wait3A_451, %dma_wait3A_452] : memref<8x16x128xf32, #tpu.memory_space<vmem>> -> memref<1x16x128xf32, #tpu.memory_space<vmem>>
      %dma_wait3A_454 = tpu.memref_squeeze %dma_wait3A_453 : memref<1x16x128xf32, #tpu.memory_space<vmem>> -> memref<16x128xf32, #tpu.memory_space<vmem>>
      %dma_wait3A_455 = arith.constant 0 : i32
      %dma_wait3A_456 = tpu.memref_slice %arg2[%add3A_448, %dma_wait3A_455] : memref<204800x128xf32, #tpu.memory_space<hbm>> -> memref<16x128xf32, #tpu.memory_space<hbm>>
      %dma_wait3A_457 = tpu.memref_slice %arg12[%dma_wait3A_450] : memref<8x!tpu.dma_semaphore, #tpu.memory_space<semaphore_mem>> -> memref<1x!tpu.dma_semaphore, #tpu.memory_space<semaphore_mem>>
      %dma_wait3A_458 = tpu.memref_squeeze %dma_wait3A_457 : memref<1x!tpu.dma_semaphore, #tpu.memory_space<semaphore_mem>> -> memref<!tpu.dma_semaphore, #tpu.memory_space<semaphore_mem>>
      %dma_wait3A_459 = arith.constant 0 : i32
      %dma_wait3A_460 = arith.constant 0 : i32
      %dma_wait3A_461 = tpu.memref_slice %arg9[%dma_wait3A_449, %dma_wait3A_459, %dma_wait3A_460] : memref<8x16x128xf32, #tpu.memory_space<vmem>> -> memref<1x16x128xf32, #tpu.memory_space<vmem>>
      %dma_wait3A_462 = tpu.memref_squeeze %dma_wait3A_461 : memref<1x16x128xf32, #tpu.memory_space<vmem>> -> memref<16x128xf32, #tpu.memory_space<vmem>>
      %dma_wait3A_463 = arith.constant 0 : i32
      %dma_wait3A_464 = tpu.memref_slice %arg2[%add3A_448, %dma_wait3A_463] : memref<204800x128xf32, #tpu.memory_space<hbm>> -> memref<16x128xf32, #tpu.memory_space<hbm>>
      tpu.wait_dma2 semaphore(%dma_wait3A_458 : memref<!tpu.dma_semaphore, #tpu.memory_space<semaphore_mem>>) src(%dma_wait3A_464 : memref<16x128xf32, #tpu.memory_space<hbm>>) dst(%dma_wait3A_462 : memref<16x128xf32, #tpu.memory_space<vmem>>)
      %dma_wait3A_465 = arith.constant 1 : i32
      %dma_wait3A_466 = arith.constant 1 : i32
      %dma_wait3A_467 = arith.constant 0 : i32
      %dma_wait3A_468 = arith.constant 0 : i32
      %dma_wait3A_469 = tpu.memref_slice %arg10[%dma_wait3A_465, %dma_wait3A_467, %dma_wait3A_468] : memref<8x16x128xf32, #tpu.memory_space<vmem>> -> memref<1x16x128xf32, #tpu.memory_space<vmem>>
      %dma_wait3A_470 = tpu.memref_squeeze %dma_wait3A_469 : memref<1x16x128xf32, #tpu.memory_space<vmem>> -> memref<16x128xf32, #tpu.memory_space<vmem>>
      %dma_wait3A_471 = arith.constant 0 : i32
      %dma_wait3A_472 = tpu.memref_slice %arg4[%add3A_448, %dma_wait3A_471] : memref<204800x128xf32, #tpu.memory_space<hbm>> -> memref<16x128xf32, #tpu.memory_space<hbm>>
      %dma_wait3A_473 = tpu.memref_slice %arg12[%dma_wait3A_466] : memref<8x!tpu.dma_semaphore, #tpu.memory_space<semaphore_mem>> -> memref<1x!tpu.dma_semaphore, #tpu.memory_space<semaphore_mem>>
      %dma_wait3A_474 = tpu.memref_squeeze %dma_wait3A_473 : memref<1x!tpu.dma_semaphore, #tpu.memory_space<semaphore_mem>> -> memref<!tpu.dma_semaphore, #tpu.memory_space<semaphore_mem>>
      %dma_wait3A_475 = arith.constant 0 : i32
      %dma_wait3A_476 = arith.constant 0 : i32
      %dma_wait3A_477 = tpu.memref_slice %arg10[%dma_wait3A_465, %dma_wait3A_475, %dma_wait3A_476] : memref<8x16x128xf32, #tpu.memory_space<vmem>> -> memref<1x16x128xf32, #tpu.memory_space<vmem>>
      %dma_wait3A_478 = tpu.memref_squeeze %dma_wait3A_477 : memref<1x16x128xf32, #tpu.memory_space<vmem>> -> memref<16x128xf32, #tpu.memory_space<vmem>>
      %dma_wait3A_479 = arith.constant 0 : i32
      %dma_wait3A_480 = tpu.memref_slice %arg4[%add3A_448, %dma_wait3A_479] : memref<204800x128xf32, #tpu.memory_space<hbm>> -> memref<16x128xf32, #tpu.memory_space<hbm>>
      tpu.wait_dma2 semaphore(%dma_wait3A_474 : memref<!tpu.dma_semaphore, #tpu.memory_space<semaphore_mem>>) src(%dma_wait3A_480 : memref<16x128xf32, #tpu.memory_space<hbm>>) dst(%dma_wait3A_478 : memref<16x128xf32, #tpu.memory_space<vmem>>)
      %scan3A_481 = arith.constant 0 : i32
      %scan3A_482 = arith.constant 0 : i32
      %scan3A_483 = arith.constant 128 : i32
      %scan3A_484 = arith.addi %scan3A_482, %scan3A_483 : i32
      %scan3A_485 = arith.constant 8 : i32
      scf.for %scan3A_1016 = %scan3A_482 to %scan3A_484 step %scan3A_485  : i32 {
        %shift_right_arithmetic3A = arith.constant 3 : i32
        %shift_right_arithmetic3A_1017 = arith.shrsi %scan3A_1016, %shift_right_arithmetic3A : i32
        %and3A = arith.constant 7 : i32
        %and3A_1018 = arith.andi %scan3A_1016, %and3A : i32
        %mul3A_1019 = arith.constant 16 : i32
        %mul3A_1020 = arith.muli %and3A_1018, %mul3A_1019 : i32
        %get3A = arith.constant 1 : i32
        %get3A_1021 = arith.index_cast %get3A : i32 to index
        %get3A_1022 = arith.index_cast %shift_right_arithmetic3A_1017 : i32 to index
        %get3A_1023 = arith.index_cast %mul3A_1020 : i32 to index
        %get3A_1024 = tpu.vector_load %arg9[%get3A_1021, %get3A_1022, %get3A_1023] {strides = array<i32>} : memref<8x16x128xf32, #tpu.memory_space<vmem>>, vector<1x1x16xf32>,
        %get3A_1025 = vector.shape_cast %get3A_1024 : vector<1x1x16xf32> to vector<16xf32>
        %get3A_1026 = arith.constant 1 : i32
        %get3A_1027 = arith.index_cast %get3A_1026 : i32 to index
        %get3A_1028 = arith.index_cast %shift_right_arithmetic3A_1017 : i32 to index
        %get3A_1029 = arith.index_cast %mul3A_1020 : i32 to index
        %get3A_1030 = tpu.vector_load %arg10[%get3A_1027, %get3A_1028, %get3A_1029] {strides = array<i32>} : memref<8x16x128xf32, #tpu.memory_space<vmem>>, vector<1x1x16xf32>,
        %get3A_1031 = vector.shape_cast %get3A_1030 : vector<1x1x16xf32> to vector<16xf32>
        %add3A_1032 = arith.addf %get3A_1025, %get3A_1031 : vector<16xf32>
        %swap3A = arith.constant 1 : i32
        %swap3A_1033 = arith.index_cast %swap3A : i32 to index
        %swap3A_1034 = arith.index_cast %shift_right_arithmetic3A_1017 : i32 to index
        %swap3A_1035 = arith.index_cast %mul3A_1020 : i32 to index
        %swap3A_1036 = tpu.vector_load %arg8[%swap3A_1033, %swap3A_1034, %swap3A_1035] {strides = array<i32>} : memref<8x16x128xf32, #tpu.memory_space<vmem>>, vector<1x1x16xf32>,
        %swap3A_1037 = vector.shape_cast %swap3A_1036 : vector<1x1x16xf32> to vector<16xf32>
        %swap3A_1038 = vector.shape_cast %add3A_1032 : vector<16xf32> to vector<1x1x16xf32>
        tpu.vector_store %arg8[%swap3A_1033, %swap3A_1034, %swap3A_1035], %swap3A_1038 {add = true, strides = array<i32>} : memref<8x16x128xf32, #tpu.memory_space<vmem>>, vector<1x1x16xf32>,
        %scan3A_1039 = arith.constant 1 : i32
        %scan3A_1040 = arith.addi %scan3A_1016, %scan3A_1039 : i32
        %shift_right_arithmetic3A_1041 = arith.constant 3 : i32
        %shift_right_arithmetic3A_1042 = arith.shrsi %scan3A_1040, %shift_right_arithmetic3A_1041 : i32
        %and3A_1043 = arith.constant 7 : i32
        %and3A_1044 = arith.andi %scan3A_1040, %and3A_1043 : i32
        %mul3A_1045 = arith.constant 16 : i32
        %mul3A_1046 = arith.muli %and3A_1044, %mul3A_1045 : i32
        %get3A_1047 = arith.constant 1 : i32
        %get3A_1048 = arith.index_cast %get3A_1047 : i32 to index
        %get3A_1049 = arith.index_cast %shift_right_arithmetic3A_1042 : i32 to index
        %get3A_1050 = arith.index_cast %mul3A_1046 : i32 to index
        %get3A_1051 = tpu.vector_load %arg9[%get3A_1048, %get3A_1049, %get3A_1050] {strides = array<i32>} : memref<8x16x128xf32, #tpu.memory_space<vmem>>, vector<1x1x16xf32>,
        %get3A_1052 = vector.shape_cast %get3A_1051 : vector<1x1x16xf32> to vector<16xf32>
        %get3A_1053 = arith.constant 1 : i32
        %get3A_1054 = arith.index_cast %get3A_1053 : i32 to index
        %get3A_1055 = arith.index_cast %shift_right_arithmetic3A_1042 : i32 to index
        %get3A_1056 = arith.index_cast %mul3A_1046 : i32 to index
        %get3A_1057 = tpu.vector_load %arg10[%get3A_1054, %get3A_1055, %get3A_1056] {strides = array<i32>} : memref<8x16x128xf32, #tpu.memory_space<vmem>>, vector<1x1x16xf32>,
        %get3A_1058 = vector.shape_cast %get3A_1057 : vector<1x1x16xf32> to vector<16xf32>
        %add3A_1059 = arith.addf %get3A_1052, %get3A_1058 : vector<16xf32>
        %swap3A_1060 = arith.constant 1 : i32
        %swap3A_1061 = arith.index_cast %swap3A_1060 : i32 to index
        %swap3A_1062 = arith.index_cast %shift_right_arithmetic3A_1042 : i32 to index
        %swap3A_1063 = arith.index_cast %mul3A_1046 : i32 to index
        %swap3A_1064 = tpu.vector_load %arg8[%swap3A_1061, %swap3A_1062, %swap3A_1063] {strides = array<i32>} : memref<8x16x128xf32, #tpu.memory_space<vmem>>, vector<1x1x16xf32>,
        %swap3A_1065 = vector.shape_cast %swap3A_1064 : vector<1x1x16xf32> to vector<16xf32>
        %swap3A_1066 = vector.shape_cast %add3A_1059 : vector<16xf32> to vector<1x1x16xf32>
        tpu.vector_store %arg8[%swap3A_1061, %swap3A_1062, %swap3A_1063], %swap3A_1066 {add = true, strides = array<i32>} : memref<8x16x128xf32, #tpu.memory_space<vmem>>, vector<1x1x16xf32>,
        %scan3A_1067 = arith.constant 2 : i32
        %scan3A_1068 = arith.addi %scan3A_1016, %scan3A_1067 : i32
        %shift_right_arithmetic3A_1069 = arith.constant 3 : i32
        %shift_right_arithmetic3A_1070 = arith.shrsi %scan3A_1068, %shift_right_arithmetic3A_1069 : i32
        %and3A_1071 = arith.constant 7 : i32
        %and3A_1072 = arith.andi %scan3A_1068, %and3A_1071 : i32
        %mul3A_1073 = arith.constant 16 : i32
        %mul3A_1074 = arith.muli %and3A_1072, %mul3A_1073 : i32
        %get3A_1075 = arith.constant 1 : i32
        %get3A_1076 = arith.index_cast %get3A_1075 : i32 to index
        %get3A_1077 = arith.index_cast %shift_right_arithmetic3A_1070 : i32 to index
        %get3A_1078 = arith.index_cast %mul3A_1074 : i32 to index
        %get3A_1079 = tpu.vector_load %arg9[%get3A_1076, %get3A_1077, %get3A_1078] {strides = array<i32>} : memref<8x16x128xf32, #tpu.memory_space<vmem>>, vector<1x1x16xf32>,
        %get3A_1080 = vector.shape_cast %get3A_1079 : vector<1x1x16xf32> to vector<16xf32>
        %get3A_1081 = arith.constant 1 : i32
        %get3A_1082 = arith.index_cast %get3A_1081 : i32 to index
        %get3A_1083 = arith.index_cast %shift_right_arithmetic3A_1070 : i32 to index
        %get3A_1084 = arith.index_cast %mul3A_1074 : i32 to index
        %get3A_1085 = tpu.vector_load %arg10[%get3A_1082, %get3A_1083, %get3A_1084] {strides = array<i32>} : memref<8x16x128xf32, #tpu.memory_space<vmem>>, vector<1x1x16xf32>,
        %get3A_1086 = vector.shape_cast %get3A_1085 : vector<1x1x16xf32> to vector<16xf32>
        %add3A_1087 = arith.addf %get3A_1080, %get3A_1086 : vector<16xf32>
        %swap3A_1088 = arith.constant 1 : i32
        %swap3A_1089 = arith.index_cast %swap3A_1088 : i32 to index
        %swap3A_1090 = arith.index_cast %shift_right_arithmetic3A_1070 : i32 to index
        %swap3A_1091 = arith.index_cast %mul3A_1074 : i32 to index
        %swap3A_1092 = tpu.vector_load %arg8[%swap3A_1089, %swap3A_1090, %swap3A_1091] {strides = array<i32>} : memref<8x16x128xf32, #tpu.memory_space<vmem>>, vector<1x1x16xf32>,
        %swap3A_1093 = vector.shape_cast %swap3A_1092 : vector<1x1x16xf32> to vector<16xf32>
        %swap3A_1094 = vector.shape_cast %add3A_1087 : vector<16xf32> to vector<1x1x16xf32>
        tpu.vector_store %arg8[%swap3A_1089, %swap3A_1090, %swap3A_1091], %swap3A_1094 {add = true, strides = array<i32>} : memref<8x16x128xf32, #tpu.memory_space<vmem>>, vector<1x1x16xf32>,
        %scan3A_1095 = arith.constant 3 : i32
        %scan3A_1096 = arith.addi %scan3A_1016, %scan3A_1095 : i32
        %shift_right_arithmetic3A_1097 = arith.constant 3 : i32
        %shift_right_arithmetic3A_1098 = arith.shrsi %scan3A_1096, %shift_right_arithmetic3A_1097 : i32
        %and3A_1099 = arith.constant 7 : i32
        %and3A_1100 = arith.andi %scan3A_1096, %and3A_1099 : i32
        %mul3A_1101 = arith.constant 16 : i32
        %mul3A_1102 = arith.muli %and3A_1100, %mul3A_1101 : i32
        %get3A_1103 = arith.constant 1 : i32
        %get3A_1104 = arith.index_cast %get3A_1103 : i32 to index
        %get3A_1105 = arith.index_cast %shift_right_arithmetic3A_1098 : i32 to index
        %get3A_1106 = arith.index_cast %mul3A_1102 : i32 to index
        %get3A_1107 = tpu.vector_load %arg9[%get3A_1104, %get3A_1105, %get3A_1106] {strides = array<i32>} : memref<8x16x128xf32, #tpu.memory_space<vmem>>, vector<1x1x16xf32>,
        %get3A_1108 = vector.shape_cast %get3A_1107 : vector<1x1x16xf32> to vector<16xf32>
        %get3A_1109 = arith.constant 1 : i32
        %get3A_1110 = arith.index_cast %get3A_1109 : i32 to index
        %get3A_1111 = arith.index_cast %shift_right_arithmetic3A_1098 : i32 to index
        %get3A_1112 = arith.index_cast %mul3A_1102 : i32 to index
        %get3A_1113 = tpu.vector_load %arg10[%get3A_1110, %get3A_1111, %get3A_1112] {strides = array<i32>} : memref<8x16x128xf32, #tpu.memory_space<vmem>>, vector<1x1x16xf32>,
        %get3A_1114 = vector.shape_cast %get3A_1113 : vector<1x1x16xf32> to vector<16xf32>
        %add3A_1115 = arith.addf %get3A_1108, %get3A_1114 : vector<16xf32>
        %swap3A_1116 = arith.constant 1 : i32
        %swap3A_1117 = arith.index_cast %swap3A_1116 : i32 to index
        %swap3A_1118 = arith.index_cast %shift_right_arithmetic3A_1098 : i32 to index
        %swap3A_1119 = arith.index_cast %mul3A_1102 : i32 to index
        %swap3A_1120 = tpu.vector_load %arg8[%swap3A_1117, %swap3A_1118, %swap3A_1119] {strides = array<i32>} : memref<8x16x128xf32, #tpu.memory_space<vmem>>, vector<1x1x16xf32>,
        %swap3A_1121 = vector.shape_cast %swap3A_1120 : vector<1x1x16xf32> to vector<16xf32>
        %swap3A_1122 = vector.shape_cast %add3A_1115 : vector<16xf32> to vector<1x1x16xf32>
        tpu.vector_store %arg8[%swap3A_1117, %swap3A_1118, %swap3A_1119], %swap3A_1122 {add = true, strides = array<i32>} : memref<8x16x128xf32, #tpu.memory_space<vmem>>, vector<1x1x16xf32>,
        %scan3A_1123 = arith.constant 4 : i32
        %scan3A_1124 = arith.addi %scan3A_1016, %scan3A_1123 : i32
        %shift_right_arithmetic3A_1125 = arith.constant 3 : i32
        %shift_right_arithmetic3A_1126 = arith.shrsi %scan3A_1124, %shift_right_arithmetic3A_1125 : i32
        %and3A_1127 = arith.constant 7 : i32
        %and3A_1128 = arith.andi %scan3A_1124, %and3A_1127 : i32
        %mul3A_1129 = arith.constant 16 : i32
        %mul3A_1130 = arith.muli %and3A_1128, %mul3A_1129 : i32
        %get3A_1131 = arith.constant 1 : i32
        %get3A_1132 = arith.index_cast %get3A_1131 : i32 to index
        %get3A_1133 = arith.index_cast %shift_right_arithmetic3A_1126 : i32 to index
        %get3A_1134 = arith.index_cast %mul3A_1130 : i32 to index
        %get3A_1135 = tpu.vector_load %arg9[%get3A_1132, %get3A_1133, %get3A_1134] {strides = array<i32>} : memref<8x16x128xf32, #tpu.memory_space<vmem>>, vector<1x1x16xf32>,
        %get3A_1136 = vector.shape_cast %get3A_1135 : vector<1x1x16xf32> to vector<16xf32>
        %get3A_1137 = arith.constant 1 : i32
        %get3A_1138 = arith.index_cast %get3A_1137 : i32 to index
        %get3A_1139 = arith.index_cast %shift_right_arithmetic3A_1126 : i32 to index
        %get3A_1140 = arith.index_cast %mul3A_1130 : i32 to index
        %get3A_1141 = tpu.vector_load %arg10[%get3A_1138, %get3A_1139, %get3A_1140] {strides = array<i32>} : memref<8x16x128xf32, #tpu.memory_space<vmem>>, vector<1x1x16xf32>,
        %get3A_1142 = vector.shape_cast %get3A_1141 : vector<1x1x16xf32> to vector<16xf32>
        %add3A_1143 = arith.addf %get3A_1136, %get3A_1142 : vector<16xf32>
        %swap3A_1144 = arith.constant 1 : i32
        %swap3A_1145 = arith.index_cast %swap3A_1144 : i32 to index
        %swap3A_1146 = arith.index_cast %shift_right_arithmetic3A_1126 : i32 to index
        %swap3A_1147 = arith.index_cast %mul3A_1130 : i32 to index
        %swap3A_1148 = tpu.vector_load %arg8[%swap3A_1145, %swap3A_1146, %swap3A_1147] {strides = array<i32>} : memref<8x16x128xf32, #tpu.memory_space<vmem>>, vector<1x1x16xf32>,
        %swap3A_1149 = vector.shape_cast %swap3A_1148 : vector<1x1x16xf32> to vector<16xf32>
        %swap3A_1150 = vector.shape_cast %add3A_1143 : vector<16xf32> to vector<1x1x16xf32>
        tpu.vector_store %arg8[%swap3A_1145, %swap3A_1146, %swap3A_1147], %swap3A_1150 {add = true, strides = array<i32>} : memref<8x16x128xf32, #tpu.memory_space<vmem>>, vector<1x1x16xf32>,
        %scan3A_1151 = arith.constant 5 : i32
        %scan3A_1152 = arith.addi %scan3A_1016, %scan3A_1151 : i32
        %shift_right_arithmetic3A_1153 = arith.constant 3 : i32
        %shift_right_arithmetic3A_1154 = arith.shrsi %scan3A_1152, %shift_right_arithmetic3A_1153 : i32
        %and3A_1155 = arith.constant 7 : i32
        %and3A_1156 = arith.andi %scan3A_1152, %and3A_1155 : i32
        %mul3A_1157 = arith.constant 16 : i32
        %mul3A_1158 = arith.muli %and3A_1156, %mul3A_1157 : i32
        %get3A_1159 = arith.constant 1 : i32
        %get3A_1160 = arith.index_cast %get3A_1159 : i32 to index
        %get3A_1161 = arith.index_cast %shift_right_arithmetic3A_1154 : i32 to index
        %get3A_1162 = arith.index_cast %mul3A_1158 : i32 to index
        %get3A_1163 = tpu.vector_load %arg9[%get3A_1160, %get3A_1161, %get3A_1162] {strides = array<i32>} : memref<8x16x128xf32, #tpu.memory_space<vmem>>, vector<1x1x16xf32>,
        %get3A_1164 = vector.shape_cast %get3A_1163 : vector<1x1x16xf32> to vector<16xf32>
        %get3A_1165 = arith.constant 1 : i32
        %get3A_1166 = arith.index_cast %get3A_1165 : i32 to index
        %get3A_1167 = arith.index_cast %shift_right_arithmetic3A_1154 : i32 to index
        %get3A_1168 = arith.index_cast %mul3A_1158 : i32 to index
        %get3A_1169 = tpu.vector_load %arg10[%get3A_1166, %get3A_1167, %get3A_1168] {strides = array<i32>} : memref<8x16x128xf32, #tpu.memory_space<vmem>>, vector<1x1x16xf32>,
        %get3A_1170 = vector.shape_cast %get3A_1169 : vector<1x1x16xf32> to vector<16xf32>
        %add3A_1171 = arith.addf %get3A_1164, %get3A_1170 : vector<16xf32>
        %swap3A_1172 = arith.constant 1 : i32
        %swap3A_1173 = arith.index_cast %swap3A_1172 : i32 to index
        %swap3A_1174 = arith.index_cast %shift_right_arithmetic3A_1154 : i32 to index
        %swap3A_1175 = arith.index_cast %mul3A_1158 : i32 to index
        %swap3A_1176 = tpu.vector_load %arg8[%swap3A_1173, %swap3A_1174, %swap3A_1175] {strides = array<i32>} : memref<8x16x128xf32, #tpu.memory_space<vmem>>, vector<1x1x16xf32>,
        %swap3A_1177 = vector.shape_cast %swap3A_1176 : vector<1x1x16xf32> to vector<16xf32>
        %swap3A_1178 = vector.shape_cast %add3A_1171 : vector<16xf32> to vector<1x1x16xf32>
        tpu.vector_store %arg8[%swap3A_1173, %swap3A_1174, %swap3A_1175], %swap3A_1178 {add = true, strides = array<i32>} : memref<8x16x128xf32, #tpu.memory_space<vmem>>, vector<1x1x16xf32>,
        %scan3A_1179 = arith.constant 6 : i32
        %scan3A_1180 = arith.addi %scan3A_1016, %scan3A_1179 : i32
        %shift_right_arithmetic3A_1181 = arith.constant 3 : i32
        %shift_right_arithmetic3A_1182 = arith.shrsi %scan3A_1180, %shift_right_arithmetic3A_1181 : i32
        %and3A_1183 = arith.constant 7 : i32
        %and3A_1184 = arith.andi %scan3A_1180, %and3A_1183 : i32
        %mul3A_1185 = arith.constant 16 : i32
        %mul3A_1186 = arith.muli %and3A_1184, %mul3A_1185 : i32
        %get3A_1187 = arith.constant 1 : i32
        %get3A_1188 = arith.index_cast %get3A_1187 : i32 to index
        %get3A_1189 = arith.index_cast %shift_right_arithmetic3A_1182 : i32 to index
        %get3A_1190 = arith.index_cast %mul3A_1186 : i32 to index
        %get3A_1191 = tpu.vector_load %arg9[%get3A_1188, %get3A_1189, %get3A_1190] {strides = array<i32>} : memref<8x16x128xf32, #tpu.memory_space<vmem>>, vector<1x1x16xf32>,
        %get3A_1192 = vector.shape_cast %get3A_1191 : vector<1x1x16xf32> to vector<16xf32>
        %get3A_1193 = arith.constant 1 : i32
        %get3A_1194 = arith.index_cast %get3A_1193 : i32 to index
        %get3A_1195 = arith.index_cast %shift_right_arithmetic3A_1182 : i32 to index
        %get3A_1196 = arith.index_cast %mul3A_1186 : i32 to index
        %get3A_1197 = tpu.vector_load %arg10[%get3A_1194, %get3A_1195, %get3A_1196] {strides = array<i32>} : memref<8x16x128xf32, #tpu.memory_space<vmem>>, vector<1x1x16xf32>,
        %get3A_1198 = vector.shape_cast %get3A_1197 : vector<1x1x16xf32> to vector<16xf32>
        %add3A_1199 = arith.addf %get3A_1192, %get3A_1198 : vector<16xf32>
        %swap3A_1200 = arith.constant 1 : i32
        %swap3A_1201 = arith.index_cast %swap3A_1200 : i32 to index
        %swap3A_1202 = arith.index_cast %shift_right_arithmetic3A_1182 : i32 to index
        %swap3A_1203 = arith.index_cast %mul3A_1186 : i32 to index
        %swap3A_1204 = tpu.vector_load %arg8[%swap3A_1201, %swap3A_1202, %swap3A_1203] {strides = array<i32>} : memref<8x16x128xf32, #tpu.memory_space<vmem>>, vector<1x1x16xf32>,
        %swap3A_1205 = vector.shape_cast %swap3A_1204 : vector<1x1x16xf32> to vector<16xf32>
        %swap3A_1206 = vector.shape_cast %add3A_1199 : vector<16xf32> to vector<1x1x16xf32>
        tpu.vector_store %arg8[%swap3A_1201, %swap3A_1202, %swap3A_1203], %swap3A_1206 {add = true, strides = array<i32>} : memref<8x16x128xf32, #tpu.memory_space<vmem>>, vector<1x1x16xf32>,
        %scan3A_1207 = arith.constant 7 : i32
        %scan3A_1208 = arith.addi %scan3A_1016, %scan3A_1207 : i32
        %shift_right_arithmetic3A_1209 = arith.constant 3 : i32
        %shift_right_arithmetic3A_1210 = arith.shrsi %scan3A_1208, %shift_right_arithmetic3A_1209 : i32
        %and3A_1211 = arith.constant 7 : i32
        %and3A_1212 = arith.andi %scan3A_1208, %and3A_1211 : i32
        %mul3A_1213 = arith.constant 16 : i32
        %mul3A_1214 = arith.muli %and3A_1212, %mul3A_1213 : i32
        %get3A_1215 = arith.constant 1 : i32
        %get3A_1216 = arith.index_cast %get3A_1215 : i32 to index
        %get3A_1217 = arith.index_cast %shift_right_arithmetic3A_1210 : i32 to index
        %get3A_1218 = arith.index_cast %mul3A_1214 : i32 to index
        %get3A_1219 = tpu.vector_load %arg9[%get3A_1216, %get3A_1217, %get3A_1218] {strides = array<i32>} : memref<8x16x128xf32, #tpu.memory_space<vmem>>, vector<1x1x16xf32>,
        %get3A_1220 = vector.shape_cast %get3A_1219 : vector<1x1x16xf32> to vector<16xf32>
        %get3A_1221 = arith.constant 1 : i32
        %get3A_1222 = arith.index_cast %get3A_1221 : i32 to index
        %get3A_1223 = arith.index_cast %shift_right_arithmetic3A_1210 : i32 to index
        %get3A_1224 = arith.index_cast %mul3A_1214 : i32 to index
        %get3A_1225 = tpu.vector_load %arg10[%get3A_1222, %get3A_1223, %get3A_1224] {strides = array<i32>} : memref<8x16x128xf32, #tpu.memory_space<vmem>>, vector<1x1x16xf32>,
        %get3A_1226 = vector.shape_cast %get3A_1225 : vector<1x1x16xf32> to vector<16xf32>
        %add3A_1227 = arith.addf %get3A_1220, %get3A_1226 : vector<16xf32>
        %swap3A_1228 = arith.constant 1 : i32
        %swap3A_1229 = arith.index_cast %swap3A_1228 : i32 to index
        %swap3A_1230 = arith.index_cast %shift_right_arithmetic3A_1210 : i32 to index
        %swap3A_1231 = arith.index_cast %mul3A_1214 : i32 to index
        %swap3A_1232 = tpu.vector_load %arg8[%swap3A_1229, %swap3A_1230, %swap3A_1231] {strides = array<i32>} : memref<8x16x128xf32, #tpu.memory_space<vmem>>, vector<1x1x16xf32>,
        %swap3A_1233 = vector.shape_cast %swap3A_1232 : vector<1x1x16xf32> to vector<16xf32>
        %swap3A_1234 = vector.shape_cast %add3A_1227 : vector<16xf32> to vector<1x1x16xf32>
        tpu.vector_store %arg8[%swap3A_1229, %swap3A_1230, %swap3A_1231], %swap3A_1234 {add = true, strides = array<i32>} : memref<8x16x128xf32, #tpu.memory_space<vmem>>, vector<1x1x16xf32>,
      }
      %scan3A_486 = arith.constant 128 : i32
      %mul3A_487 = arith.constant 16 : i32
      %mul3A_488 = arith.muli %add3A_424, %mul3A_487 : i32
      %add3A_489 = arith.addi %mul3A_2, %mul3A_488 : i32
      %dma_start3A_490 = arith.constant 1 : i32
      %dma_start3A_491 = arith.constant 1 : i32
      %dma_start3A_492 = arith.constant 0 : i32
      %dma_start3A_493 = arith.constant 0 : i32
      %dma_start3A_494 = tpu.memref_slice %arg8[%dma_start3A_490, %dma_start3A_492, %dma_start3A_493] : memref<8x16x128xf32, #tpu.memory_space<vmem>> -> memref<1x16x128xf32, #tpu.memory_space<vmem>>
      %dma_start3A_495 = tpu.memref_squeeze %dma_start3A_494 : memref<1x16x128xf32, #tpu.memory_space<vmem>> -> memref<16x128xf32, #tpu.memory_space<vmem>>
      %dma_start3A_496 = arith.constant 0 : i32
      %dma_start3A_497 = tpu.memref_slice %arg6[%add3A_489, %dma_start3A_496] : memref<204800x128xf32, #tpu.memory_space<hbm>> -> memref<16x128xf32, #tpu.memory_space<hbm>>
      %dma_start3A_498 = tpu.memref_slice %arg13[%dma_start3A_491] : memref<8x!tpu.dma_semaphore, #tpu.memory_space<semaphore_mem>> -> memref<1x!tpu.dma_semaphore, #tpu.memory_space<semaphore_mem>>
      %dma_start3A_499 = tpu.memref_squeeze %dma_start3A_498 : memref<1x!tpu.dma_semaphore, #tpu.memory_space<semaphore_mem>> -> memref<!tpu.dma_semaphore, #tpu.memory_space<semaphore_mem>>
      %dma_start3A_500 = arith.constant 0 : i32
      %dma_start3A_501 = tpu.memref_slice %arg6[%add3A_489, %dma_start3A_500] : memref<204800x128xf32, #tpu.memory_space<hbm>> -> memref<16x128xf32, #tpu.memory_space<hbm>>
      %dma_start3A_502 = arith.constant 0 : i32
      %dma_start3A_503 = arith.constant 0 : i32
      %dma_start3A_504 = tpu.memref_slice %arg8[%dma_start3A_490, %dma_start3A_502, %dma_start3A_503] : memref<8x16x128xf32, #tpu.memory_space<vmem>> -> memref<1x16x128xf32, #tpu.memory_space<vmem>>
      %dma_start3A_505 = tpu.memref_squeeze %dma_start3A_504 : memref<1x16x128xf32, #tpu.memory_space<vmem>> -> memref<16x128xf32, #tpu.memory_space<vmem>>
      tpu.enqueue_dma source(%dma_start3A_505 : memref<16x128xf32, #tpu.memory_space<vmem>>) target(%dma_start3A_501 : memref<16x128xf32, #tpu.memory_space<hbm>>) target_semaphore(%dma_start3A_499 : memref<!tpu.dma_semaphore, #tpu.memory_space<semaphore_mem>>)
      %mul3A_506 = arith.constant 8 : i32
      %mul3A_507 = arith.muli %scan3A_338, %mul3A_506 : i32
      %add3A_508 = arith.constant 2 : i32
      %add3A_509 = arith.addi %mul3A_507, %add3A_508 : i32
      %add3A_510 = arith.constant 4 : i32
      %add3A_511 = arith.addi %add3A_509, %add3A_510 : i32
      %lt3A_512 = arith.constant 400 : i32
      %lt3A_513 = arith.cmpi slt, %add3A_511, %lt3A_512 : i32
      %convert_element_type3A_514 = arith.extui %lt3A_513 : i1 to i32
      %cond3A_515 = arith.constant 0 : i32
      %cond3A_516 = arith.cmpi ne, %convert_element_type3A_514, %cond3A_515 : i32
      scf.if %cond3A_516 {
        %add3A_1016 = arith.constant 4 : i32
        %add3A_1017 = arith.addi %add3A_509, %add3A_1016 : i32
        %ge3A = arith.constant 8 : i32
        %ge3A_1018 = arith.cmpi sge, %add3A_1017, %ge3A : i32
        %convert_element_type3A_1019 = arith.extui %ge3A_1018 : i1 to i32
        %cond3A_1020 = arith.constant 0 : i32
        %cond3A_1021 = arith.cmpi ne, %convert_element_type3A_1019, %cond3A_1020 : i32
        scf.if %cond3A_1021 {
          %add3A_1073 = arith.constant 4 : i32
          %add3A_1074 = arith.addi %add3A_509, %add3A_1073 : i32
          %sub3A = arith.constant 8 : i32
          %sub3A_1075 = arith.subi %add3A_1074, %sub3A : i32
          %mul3A_1076 = arith.constant 16 : i32
          %mul3A_1077 = arith.muli %sub3A_1075, %mul3A_1076 : i32
          %add3A_1078 = arith.addi %mul3A_2, %mul3A_1077 : i32
          %dma_wait3A_1079 = arith.constant 6 : i32
          %dma_wait3A_1080 = arith.constant 6 : i32
          %dma_wait3A_1081 = arith.constant 0 : i32
          %dma_wait3A_1082 = arith.constant 0 : i32
          %dma_wait3A_1083 = tpu.memref_slice %arg8[%dma_wait3A_1079, %dma_wait3A_1081, %dma_wait3A_1082] : memref<8x16x128xf32, #tpu.memory_space<vmem>> -> memref<1x16x128xf32, #tpu.memory_space<vmem>>
          %dma_wait3A_1084 = tpu.memref_squeeze %dma_wait3A_1083 : memref<1x16x128xf32, #tpu.memory_space<vmem>> -> memref<16x128xf32, #tpu.memory_space<vmem>>
          %dma_wait3A_1085 = arith.constant 0 : i32
          %dma_wait3A_1086 = tpu.memref_slice %arg6[%add3A_1078, %dma_wait3A_1085] : memref<204800x128xf32, #tpu.memory_space<hbm>> -> memref<16x128xf32, #tpu.memory_space<hbm>>
          %dma_wait3A_1087 = tpu.memref_slice %arg13[%dma_wait3A_1080] : memref<8x!tpu.dma_semaphore, #tpu.memory_space<semaphore_mem>> -> memref<1x!tpu.dma_semaphore, #tpu.memory_space<semaphore_mem>>
          %dma_wait3A_1088 = tpu.memref_squeeze %dma_wait3A_1087 : memref<1x!tpu.dma_semaphore, #tpu.memory_space<semaphore_mem>> -> memref<!tpu.dma_semaphore, #tpu.memory_space<semaphore_mem>>
          %dma_wait3A_1089 = arith.constant 0 : i32
          %dma_wait3A_1090 = tpu.memref_slice %arg6[%add3A_1078, %dma_wait3A_1089] : memref<204800x128xf32, #tpu.memory_space<hbm>> -> memref<16x128xf32, #tpu.memory_space<hbm>>
          %dma_wait3A_1091 = arith.constant 0 : i32
          %dma_wait3A_1092 = arith.constant 0 : i32
          %dma_wait3A_1093 = tpu.memref_slice %arg8[%dma_wait3A_1079, %dma_wait3A_1091, %dma_wait3A_1092] : memref<8x16x128xf32, #tpu.memory_space<vmem>> -> memref<1x16x128xf32, #tpu.memory_space<vmem>>
          %dma_wait3A_1094 = tpu.memref_squeeze %dma_wait3A_1093 : memref<1x16x128xf32, #tpu.memory_space<vmem>> -> memref<16x128xf32, #tpu.memory_space<vmem>>
          tpu.wait_dma2 semaphore(%dma_wait3A_1088 : memref<!tpu.dma_semaphore, #tpu.memory_space<semaphore_mem>>) src(%dma_wait3A_1094 : memref<16x128xf32, #tpu.memory_space<vmem>>) dst(%dma_wait3A_1090 : memref<16x128xf32, #tpu.memory_space<hbm>>)
        } else {
        }
        %add3A_1022 = arith.constant 4 : i32
        %add3A_1023 = arith.addi %add3A_509, %add3A_1022 : i32
        %mul3A_1024 = arith.constant 16 : i32
        %mul3A_1025 = arith.muli %add3A_1023, %mul3A_1024 : i32
        %add3A_1026 = arith.addi %mul3A_2, %mul3A_1025 : i32
        %dma_start3A_1027 = arith.constant 6 : i32
        %dma_start3A_1028 = arith.constant 6 : i32
        %dma_start3A_1029 = arith.constant 0 : i32
        %dma_start3A_1030 = arith.constant 0 : i32
        %dma_start3A_1031 = tpu.memref_slice %arg9[%dma_start3A_1027, %dma_start3A_1029, %dma_start3A_1030] : memref<8x16x128xf32, #tpu.memory_space<vmem>> -> memref<1x16x128xf32, #tpu.memory_space<vmem>>
        %dma_start3A_1032 = tpu.memref_squeeze %dma_start3A_1031 : memref<1x16x128xf32, #tpu.memory_space<vmem>> -> memref<16x128xf32, #tpu.memory_space<vmem>>
        %dma_start3A_1033 = arith.constant 0 : i32
        %dma_start3A_1034 = tpu.memref_slice %arg2[%add3A_1026, %dma_start3A_1033] : memref<204800x128xf32, #tpu.memory_space<hbm>> -> memref<16x128xf32, #tpu.memory_space<hbm>>
        %dma_start3A_1035 = tpu.memref_slice %arg12[%dma_start3A_1028] : memref<8x!tpu.dma_semaphore, #tpu.memory_space<semaphore_mem>> -> memref<1x!tpu.dma_semaphore, #tpu.memory_space<semaphore_mem>>
        %dma_start3A_1036 = tpu.memref_squeeze %dma_start3A_1035 : memref<1x!tpu.dma_semaphore, #tpu.memory_space<semaphore_mem>> -> memref<!tpu.dma_semaphore, #tpu.memory_space<semaphore_mem>>
        %dma_start3A_1037 = arith.constant 0 : i32
        %dma_start3A_1038 = arith.constant 0 : i32
        %dma_start3A_1039 = tpu.memref_slice %arg9[%dma_start3A_1027, %dma_start3A_1037, %dma_start3A_1038] : memref<8x16x128xf32, #tpu.memory_space<vmem>> -> memref<1x16x128xf32, #tpu.memory_space<vmem>>
        %dma_start3A_1040 = tpu.memref_squeeze %dma_start3A_1039 : memref<1x16x128xf32, #tpu.memory_space<vmem>> -> memref<16x128xf32, #tpu.memory_space<vmem>>
        %dma_start3A_1041 = arith.constant 0 : i32
        %dma_start3A_1042 = tpu.memref_slice %arg2[%add3A_1026, %dma_start3A_1041] : memref<204800x128xf32, #tpu.memory_space<hbm>> -> memref<16x128xf32, #tpu.memory_space<hbm>>
        tpu.enqueue_dma source(%dma_start3A_1042 : memref<16x128xf32, #tpu.memory_space<hbm>>) target(%dma_start3A_1040 : memref<16x128xf32, #tpu.memory_space<vmem>>) target_semaphore(%dma_start3A_1036 : memref<!tpu.dma_semaphore, #tpu.memory_space<semaphore_mem>>)
        %dma_start3A_1043 = arith.constant 6 : i32
        %dma_start3A_1044 = arith.constant 6 : i32
        %dma_start3A_1045 = arith.constant 0 : i32
        %dma_start3A_1046 = arith.constant 0 : i32
        %dma_start3A_1047 = tpu.memref_slice %arg10[%dma_start3A_1043, %dma_start3A_1045, %dma_start3A_1046] : memref<8x16x128xf32, #tpu.memory_space<vmem>> -> memref<1x16x128xf32, #tpu.memory_space<vmem>>
        %dma_start3A_1048 = tpu.memref_squeeze %dma_start3A_1047 : memref<1x16x128xf32, #tpu.memory_space<vmem>> -> memref<16x128xf32, #tpu.memory_space<vmem>>
        %dma_start3A_1049 = arith.constant 0 : i32
        %dma_start3A_1050 = tpu.memref_slice %arg4[%add3A_1026, %dma_start3A_1049] : memref<204800x128xf32, #tpu.memory_space<hbm>> -> memref<16x128xf32, #tpu.memory_space<hbm>>
        %dma_start3A_1051 = tpu.memref_slice %arg12[%dma_start3A_1044] : memref<8x!tpu.dma_semaphore, #tpu.memory_space<semaphore_mem>> -> memref<1x!tpu.dma_semaphore, #tpu.memory_space<semaphore_mem>>
        %dma_start3A_1052 = tpu.memref_squeeze %dma_start3A_1051 : memref<1x!tpu.dma_semaphore, #tpu.memory_space<semaphore_mem>> -> memref<!tpu.dma_semaphore, #tpu.memory_space<semaphore_mem>>
        %dma_start3A_1053 = arith.constant 0 : i32
        %dma_start3A_1054 = arith.constant 0 : i32
        %dma_start3A_1055 = tpu.memref_slice %arg10[%dma_start3A_1043, %dma_start3A_1053, %dma_start3A_1054] : memref<8x16x128xf32, #tpu.memory_space<vmem>> -> memref<1x16x128xf32, #tpu.memory_space<vmem>>
        %dma_start3A_1056 = tpu.memref_squeeze %dma_start3A_1055 : memref<1x16x128xf32, #tpu.memory_space<vmem>> -> memref<16x128xf32, #tpu.memory_space<vmem>>
        %dma_start3A_1057 = arith.constant 0 : i32
        %dma_start3A_1058 = tpu.memref_slice %arg4[%add3A_1026, %dma_start3A_1057] : memref<204800x128xf32, #tpu.memory_space<hbm>> -> memref<16x128xf32, #tpu.memory_space<hbm>>
        tpu.enqueue_dma source(%dma_start3A_1058 : memref<16x128xf32, #tpu.memory_space<hbm>>) target(%dma_start3A_1056 : memref<16x128xf32, #tpu.memory_space<vmem>>) target_semaphore(%dma_start3A_1052 : memref<!tpu.dma_semaphore, #tpu.memory_space<semaphore_mem>>)
        %mul3A_1059 = arith.constant 16 : i32
        %mul3A_1060 = arith.muli %add3A_1023, %mul3A_1059 : i32
        %dma_start3A_1061 = arith.constant 6 : i32
        %dma_start3A_1062 = arith.constant 6 : i32
        %dma_start3A_1063 = arith.constant 0 : i32
        %dma_start3A_1064 = arith.constant 0 : i32
        %dma_start3A_1065 = tpu.memref_slice %arg8[%dma_start3A_1061, %dma_start3A_1063, %dma_start3A_1064] : memref<8x16x128xf32, #tpu.memory_space<vmem>> -> memref<1x16x128xf32, #tpu.memory_space<vmem>>
        %dma_start3A_1066 = tpu.memref_squeeze %dma_start3A_1065 : memref<1x16x128xf32, #tpu.memory_space<vmem>> -> memref<16x128xf32, #tpu.memory_space<vmem>>
        %dma_start3A_1067 = tpu.memref_slice %arg7[%mul3A_1060] : memref<6400xi32, #tpu.memory_space<vmem>> -> memref<16xi32, #tpu.memory_space<vmem>>
        %dma_start3A_1068 = arith.constant 0 : i32
        %dma_start3A_1069 = arith.constant 0 : i32
        %dma_start3A_1070 = tpu.memref_slice %arg5[%dma_start3A_1068, %dma_start3A_1069] : memref<100000x128xf32, #tpu.memory_space<hbm>> -> memref<100000x128xf32, #tpu.memory_space<hbm>>
        %dma_start3A_1071 = tpu.memref_slice %arg11[%dma_start3A_1062] : memref<8x!tpu.dma_semaphore, #tpu.memory_space<semaphore_mem>> -> memref<1x!tpu.dma_semaphore, #tpu.memory_space<semaphore_mem>>
        %dma_start3A_1072 = tpu.memref_squeeze %dma_start3A_1071 : memref<1x!tpu.dma_semaphore, #tpu.memory_space<semaphore_mem>> -> memref<!tpu.dma_semaphore, #tpu.memory_space<semaphore_mem>>
        tpu.enqueue_indirect_dma source(%dma_start3A_1070 : memref<100000x128xf32, #tpu.memory_space<hbm>>) target(%dma_start3A_1066 : memref<16x128xf32, #tpu.memory_space<vmem>>) offsets(%dma_start3A_1067 : memref<16xi32, #tpu.memory_space<vmem>>) semaphore(%dma_start3A_1072 : memref<!tpu.dma_semaphore, #tpu.memory_space<semaphore_mem>>)
      } else {
      }
      %mul3A_517 = arith.constant 16 : i32
      %mul3A_518 = arith.muli %add3A_509, %mul3A_517 : i32
      %dma_wait3A_519 = arith.constant 2 : i32
      %dma_wait3A_520 = arith.constant 2 : i32
      %dma_wait3A_521 = arith.constant 0 : i32
      %dma_wait3A_522 = arith.constant 0 : i32
      %dma_wait3A_523 = tpu.memref_slice %arg8[%dma_wait3A_519, %dma_wait3A_521, %dma_wait3A_522] : memref<8x16x128xf32, #tpu.memory_space<vmem>> -> memref<1x16x128xf32, #tpu.memory_space<vmem>>
      %dma_wait3A_524 = tpu.memref_squeeze %dma_wait3A_523 : memref<1x16x128xf32, #tpu.memory_space<vmem>> -> memref<16x128xf32, #tpu.memory_space<vmem>>
      %dma_wait3A_525 = tpu.memref_slice %arg7[%mul3A_518] : memref<6400xi32, #tpu.memory_space<vmem>> -> memref<16xi32, #tpu.memory_space<vmem>>
      %dma_wait3A_526 = arith.constant 0 : i32
      %dma_wait3A_527 = arith.constant 0 : i32
      %dma_wait3A_528 = tpu.memref_slice %arg5[%dma_wait3A_526, %dma_wait3A_527] : memref<100000x128xf32, #tpu.memory_space<hbm>> -> memref<100000x128xf32, #tpu.memory_space<hbm>>
      %dma_wait3A_529 = tpu.memref_slice %arg11[%dma_wait3A_520] : memref<8x!tpu.dma_semaphore, #tpu.memory_space<semaphore_mem>> -> memref<1x!tpu.dma_semaphore, #tpu.memory_space<semaphore_mem>>
      %dma_wait3A_530 = tpu.memref_squeeze %dma_wait3A_529 : memref<1x!tpu.dma_semaphore, #tpu.memory_space<semaphore_mem>> -> memref<!tpu.dma_semaphore, #tpu.memory_space<semaphore_mem>>
      tpu.wait_indirect_dma semaphore(%dma_wait3A_530 : memref<!tpu.dma_semaphore, #tpu.memory_space<semaphore_mem>>) src(%dma_wait3A_528 : memref<100000x128xf32, #tpu.memory_space<hbm>>) dst(%dma_wait3A_524 : memref<16x128xf32, #tpu.memory_space<vmem>>)
      %mul3A_531 = arith.constant 16 : i32
      %mul3A_532 = arith.muli %add3A_509, %mul3A_531 : i32
      %add3A_533 = arith.addi %mul3A_2, %mul3A_532 : i32
      %dma_wait3A_534 = arith.constant 2 : i32
      %dma_wait3A_535 = arith.constant 2 : i32
      %dma_wait3A_536 = arith.constant 0 : i32
      %dma_wait3A_537 = arith.constant 0 : i32
      %dma_wait3A_538 = tpu.memref_slice %arg9[%dma_wait3A_534, %dma_wait3A_536, %dma_wait3A_537] : memref<8x16x128xf32, #tpu.memory_space<vmem>> -> memref<1x16x128xf32, #tpu.memory_space<vmem>>
      %dma_wait3A_539 = tpu.memref_squeeze %dma_wait3A_538 : memref<1x16x128xf32, #tpu.memory_space<vmem>> -> memref<16x128xf32, #tpu.memory_space<vmem>>
      %dma_wait3A_540 = arith.constant 0 : i32
      %dma_wait3A_541 = tpu.memref_slice %arg2[%add3A_533, %dma_wait3A_540] : memref<204800x128xf32, #tpu.memory_space<hbm>> -> memref<16x128xf32, #tpu.memory_space<hbm>>
      %dma_wait3A_542 = tpu.memref_slice %arg12[%dma_wait3A_535] : memref<8x!tpu.dma_semaphore, #tpu.memory_space<semaphore_mem>> -> memref<1x!tpu.dma_semaphore, #tpu.memory_space<semaphore_mem>>
      %dma_wait3A_543 = tpu.memref_squeeze %dma_wait3A_542 : memref<1x!tpu.dma_semaphore, #tpu.memory_space<semaphore_mem>> -> memref<!tpu.dma_semaphore, #tpu.memory_space<semaphore_mem>>
      %dma_wait3A_544 = arith.constant 0 : i32
      %dma_wait3A_545 = arith.constant 0 : i32
      %dma_wait3A_546 = tpu.memref_slice %arg9[%dma_wait3A_534, %dma_wait3A_544, %dma_wait3A_545] : memref<8x16x128xf32, #tpu.memory_space<vmem>> -> memref<1x16x128xf32, #tpu.memory_space<vmem>>
      %dma_wait3A_547 = tpu.memref_squeeze %dma_wait3A_546 : memref<1x16x128xf32, #tpu.memory_space<vmem>> -> memref<16x128xf32, #tpu.memory_space<vmem>>
      %dma_wait3A_548 = arith.constant 0 : i32
      %dma_wait3A_549 = tpu.memref_slice %arg2[%add3A_533, %dma_wait3A_548] : memref<204800x128xf32, #tpu.memory_space<hbm>> -> memref<16x128xf32, #tpu.memory_space<hbm>>
      tpu.wait_dma2 semaphore(%dma_wait3A_543 : memref<!tpu.dma_semaphore, #tpu.memory_space<semaphore_mem>>) src(%dma_wait3A_549 : memref<16x128xf32, #tpu.memory_space<hbm>>) dst(%dma_wait3A_547 : memref<16x128xf32, #tpu.memory_space<vmem>>)
      %dma_wait3A_550 = arith.constant 2 : i32
      %dma_wait3A_551 = arith.constant 2 : i32
      %dma_wait3A_552 = arith.constant 0 : i32
      %dma_wait3A_553 = arith.constant 0 : i32
      %dma_wait3A_554 = tpu.memref_slice %arg10[%dma_wait3A_550, %dma_wait3A_552, %dma_wait3A_553] : memref<8x16x128xf32, #tpu.memory_space<vmem>> -> memref<1x16x128xf32, #tpu.memory_space<vmem>>
      %dma_wait3A_555 = tpu.memref_squeeze %dma_wait3A_554 : memref<1x16x128xf32, #tpu.memory_space<vmem>> -> memref<16x128xf32, #tpu.memory_space<vmem>>
      %dma_wait3A_556 = arith.constant 0 : i32
      %dma_wait3A_557 = tpu.memref_slice %arg4[%add3A_533, %dma_wait3A_556] : memref<204800x128xf32, #tpu.memory_space<hbm>> -> memref<16x128xf32, #tpu.memory_space<hbm>>
      %dma_wait3A_558 = tpu.memref_slice %arg12[%dma_wait3A_551] : memref<8x!tpu.dma_semaphore, #tpu.memory_space<semaphore_mem>> -> memref<1x!tpu.dma_semaphore, #tpu.memory_space<semaphore_mem>>
      %dma_wait3A_559 = tpu.memref_squeeze %dma_wait3A_558 : memref<1x!tpu.dma_semaphore, #tpu.memory_space<semaphore_mem>> -> memref<!tpu.dma_semaphore, #tpu.memory_space<semaphore_mem>>
      %dma_wait3A_560 = arith.constant 0 : i32
      %dma_wait3A_561 = arith.constant 0 : i32
      %dma_wait3A_562 = tpu.memref_slice %arg10[%dma_wait3A_550, %dma_wait3A_560, %dma_wait3A_561] : memref<8x16x128xf32, #tpu.memory_space<vmem>> -> memref<1x16x128xf32, #tpu.memory_space<vmem>>
      %dma_wait3A_563 = tpu.memref_squeeze %dma_wait3A_562 : memref<1x16x128xf32, #tpu.memory_space<vmem>> -> memref<16x128xf32, #tpu.memory_space<vmem>>
      %dma_wait3A_564 = arith.constant 0 : i32
      %dma_wait3A_565 = tpu.memref_slice %arg4[%add3A_533, %dma_wait3A_564] : memref<204800x128xf32, #tpu.memory_space<hbm>> -> memref<16x128xf32, #tpu.memory_space<hbm>>
      tpu.wait_dma2 semaphore(%dma_wait3A_559 : memref<!tpu.dma_semaphore, #tpu.memory_space<semaphore_mem>>) src(%dma_wait3A_565 : memref<16x128xf32, #tpu.memory_space<hbm>>) dst(%dma_wait3A_563 : memref<16x128xf32, #tpu.memory_space<vmem>>)
      %scan3A_566 = arith.constant 0 : i32
      %scan3A_567 = arith.constant 0 : i32
      %scan3A_568 = arith.constant 128 : i32
      %scan3A_569 = arith.addi %scan3A_567, %scan3A_568 : i32
      %scan3A_570 = arith.constant 8 : i32
      scf.for %scan3A_1016 = %scan3A_567 to %scan3A_569 step %scan3A_570  : i32 {
        %shift_right_arithmetic3A = arith.constant 3 : i32
        %shift_right_arithmetic3A_1017 = arith.shrsi %scan3A_1016, %shift_right_arithmetic3A : i32
        %and3A = arith.constant 7 : i32
        %and3A_1018 = arith.andi %scan3A_1016, %and3A : i32
        %mul3A_1019 = arith.constant 16 : i32
        %mul3A_1020 = arith.muli %and3A_1018, %mul3A_1019 : i32
        %get3A = arith.constant 2 : i32
        %get3A_1021 = arith.index_cast %get3A : i32 to index
        %get3A_1022 = arith.index_cast %shift_right_arithmetic3A_1017 : i32 to index
        %get3A_1023 = arith.index_cast %mul3A_1020 : i32 to index
        %get3A_1024 = tpu.vector_load %arg9[%get3A_1021, %get3A_1022, %get3A_1023] {strides = array<i32>} : memref<8x16x128xf32, #tpu.memory_space<vmem>>, vector<1x1x16xf32>,
        %get3A_1025 = vector.shape_cast %get3A_1024 : vector<1x1x16xf32> to vector<16xf32>
        %get3A_1026 = arith.constant 2 : i32
        %get3A_1027 = arith.index_cast %get3A_1026 : i32 to index
        %get3A_1028 = arith.index_cast %shift_right_arithmetic3A_1017 : i32 to index
        %get3A_1029 = arith.index_cast %mul3A_1020 : i32 to index
        %get3A_1030 = tpu.vector_load %arg10[%get3A_1027, %get3A_1028, %get3A_1029] {strides = array<i32>} : memref<8x16x128xf32, #tpu.memory_space<vmem>>, vector<1x1x16xf32>,
        %get3A_1031 = vector.shape_cast %get3A_1030 : vector<1x1x16xf32> to vector<16xf32>
        %add3A_1032 = arith.addf %get3A_1025, %get3A_1031 : vector<16xf32>
        %swap3A = arith.constant 2 : i32
        %swap3A_1033 = arith.index_cast %swap3A : i32 to index
        %swap3A_1034 = arith.index_cast %shift_right_arithmetic3A_1017 : i32 to index
        %swap3A_1035 = arith.index_cast %mul3A_1020 : i32 to index
        %swap3A_1036 = tpu.vector_load %arg8[%swap3A_1033, %swap3A_1034, %swap3A_1035] {strides = array<i32>} : memref<8x16x128xf32, #tpu.memory_space<vmem>>, vector<1x1x16xf32>,
        %swap3A_1037 = vector.shape_cast %swap3A_1036 : vector<1x1x16xf32> to vector<16xf32>
        %swap3A_1038 = vector.shape_cast %add3A_1032 : vector<16xf32> to vector<1x1x16xf32>
        tpu.vector_store %arg8[%swap3A_1033, %swap3A_1034, %swap3A_1035], %swap3A_1038 {add = true, strides = array<i32>} : memref<8x16x128xf32, #tpu.memory_space<vmem>>, vector<1x1x16xf32>,
        %scan3A_1039 = arith.constant 1 : i32
        %scan3A_1040 = arith.addi %scan3A_1016, %scan3A_1039 : i32
        %shift_right_arithmetic3A_1041 = arith.constant 3 : i32
        %shift_right_arithmetic3A_1042 = arith.shrsi %scan3A_1040, %shift_right_arithmetic3A_1041 : i32
        %and3A_1043 = arith.constant 7 : i32
        %and3A_1044 = arith.andi %scan3A_1040, %and3A_1043 : i32
        %mul3A_1045 = arith.constant 16 : i32
        %mul3A_1046 = arith.muli %and3A_1044, %mul3A_1045 : i32
        %get3A_1047 = arith.constant 2 : i32
        %get3A_1048 = arith.index_cast %get3A_1047 : i32 to index
        %get3A_1049 = arith.index_cast %shift_right_arithmetic3A_1042 : i32 to index
        %get3A_1050 = arith.index_cast %mul3A_1046 : i32 to index
        %get3A_1051 = tpu.vector_load %arg9[%get3A_1048, %get3A_1049, %get3A_1050] {strides = array<i32>} : memref<8x16x128xf32, #tpu.memory_space<vmem>>, vector<1x1x16xf32>,
        %get3A_1052 = vector.shape_cast %get3A_1051 : vector<1x1x16xf32> to vector<16xf32>
        %get3A_1053 = arith.constant 2 : i32
        %get3A_1054 = arith.index_cast %get3A_1053 : i32 to index
        %get3A_1055 = arith.index_cast %shift_right_arithmetic3A_1042 : i32 to index
        %get3A_1056 = arith.index_cast %mul3A_1046 : i32 to index
        %get3A_1057 = tpu.vector_load %arg10[%get3A_1054, %get3A_1055, %get3A_1056] {strides = array<i32>} : memref<8x16x128xf32, #tpu.memory_space<vmem>>, vector<1x1x16xf32>,
        %get3A_1058 = vector.shape_cast %get3A_1057 : vector<1x1x16xf32> to vector<16xf32>
        %add3A_1059 = arith.addf %get3A_1052, %get3A_1058 : vector<16xf32>
        %swap3A_1060 = arith.constant 2 : i32
        %swap3A_1061 = arith.index_cast %swap3A_1060 : i32 to index
        %swap3A_1062 = arith.index_cast %shift_right_arithmetic3A_1042 : i32 to index
        %swap3A_1063 = arith.index_cast %mul3A_1046 : i32 to index
        %swap3A_1064 = tpu.vector_load %arg8[%swap3A_1061, %swap3A_1062, %swap3A_1063] {strides = array<i32>} : memref<8x16x128xf32, #tpu.memory_space<vmem>>, vector<1x1x16xf32>,
        %swap3A_1065 = vector.shape_cast %swap3A_1064 : vector<1x1x16xf32> to vector<16xf32>
        %swap3A_1066 = vector.shape_cast %add3A_1059 : vector<16xf32> to vector<1x1x16xf32>
        tpu.vector_store %arg8[%swap3A_1061, %swap3A_1062, %swap3A_1063], %swap3A_1066 {add = true, strides = array<i32>} : memref<8x16x128xf32, #tpu.memory_space<vmem>>, vector<1x1x16xf32>,
        %scan3A_1067 = arith.constant 2 : i32
        %scan3A_1068 = arith.addi %scan3A_1016, %scan3A_1067 : i32
        %shift_right_arithmetic3A_1069 = arith.constant 3 : i32
        %shift_right_arithmetic3A_1070 = arith.shrsi %scan3A_1068, %shift_right_arithmetic3A_1069 : i32
        %and3A_1071 = arith.constant 7 : i32
        %and3A_1072 = arith.andi %scan3A_1068, %and3A_1071 : i32
        %mul3A_1073 = arith.constant 16 : i32
        %mul3A_1074 = arith.muli %and3A_1072, %mul3A_1073 : i32
        %get3A_1075 = arith.constant 2 : i32
        %get3A_1076 = arith.index_cast %get3A_1075 : i32 to index
        %get3A_1077 = arith.index_cast %shift_right_arithmetic3A_1070 : i32 to index
        %get3A_1078 = arith.index_cast %mul3A_1074 : i32 to index
        %get3A_1079 = tpu.vector_load %arg9[%get3A_1076, %get3A_1077, %get3A_1078] {strides = array<i32>} : memref<8x16x128xf32, #tpu.memory_space<vmem>>, vector<1x1x16xf32>,
        %get3A_1080 = vector.shape_cast %get3A_1079 : vector<1x1x16xf32> to vector<16xf32>
        %get3A_1081 = arith.constant 2 : i32
        %get3A_1082 = arith.index_cast %get3A_1081 : i32 to index
        %get3A_1083 = arith.index_cast %shift_right_arithmetic3A_1070 : i32 to index
        %get3A_1084 = arith.index_cast %mul3A_1074 : i32 to index
        %get3A_1085 = tpu.vector_load %arg10[%get3A_1082, %get3A_1083, %get3A_1084] {strides = array<i32>} : memref<8x16x128xf32, #tpu.memory_space<vmem>>, vector<1x1x16xf32>,
        %get3A_1086 = vector.shape_cast %get3A_1085 : vector<1x1x16xf32> to vector<16xf32>
        %add3A_1087 = arith.addf %get3A_1080, %get3A_1086 : vector<16xf32>
        %swap3A_1088 = arith.constant 2 : i32
        %swap3A_1089 = arith.index_cast %swap3A_1088 : i32 to index
        %swap3A_1090 = arith.index_cast %shift_right_arithmetic3A_1070 : i32 to index
        %swap3A_1091 = arith.index_cast %mul3A_1074 : i32 to index
        %swap3A_1092 = tpu.vector_load %arg8[%swap3A_1089, %swap3A_1090, %swap3A_1091] {strides = array<i32>} : memref<8x16x128xf32, #tpu.memory_space<vmem>>, vector<1x1x16xf32>,
        %swap3A_1093 = vector.shape_cast %swap3A_1092 : vector<1x1x16xf32> to vector<16xf32>
        %swap3A_1094 = vector.shape_cast %add3A_1087 : vector<16xf32> to vector<1x1x16xf32>
        tpu.vector_store %arg8[%swap3A_1089, %swap3A_1090, %swap3A_1091], %swap3A_1094 {add = true, strides = array<i32>} : memref<8x16x128xf32, #tpu.memory_space<vmem>>, vector<1x1x16xf32>,
        %scan3A_1095 = arith.constant 3 : i32
        %scan3A_1096 = arith.addi %scan3A_1016, %scan3A_1095 : i32
        %shift_right_arithmetic3A_1097 = arith.constant 3 : i32
        %shift_right_arithmetic3A_1098 = arith.shrsi %scan3A_1096, %shift_right_arithmetic3A_1097 : i32
        %and3A_1099 = arith.constant 7 : i32
        %and3A_1100 = arith.andi %scan3A_1096, %and3A_1099 : i32
        %mul3A_1101 = arith.constant 16 : i32
        %mul3A_1102 = arith.muli %and3A_1100, %mul3A_1101 : i32
        %get3A_1103 = arith.constant 2 : i32
        %get3A_1104 = arith.index_cast %get3A_1103 : i32 to index
        %get3A_1105 = arith.index_cast %shift_right_arithmetic3A_1098 : i32 to index
        %get3A_1106 = arith.index_cast %mul3A_1102 : i32 to index
        %get3A_1107 = tpu.vector_load %arg9[%get3A_1104, %get3A_1105, %get3A_1106] {strides = array<i32>} : memref<8x16x128xf32, #tpu.memory_space<vmem>>, vector<1x1x16xf32>,
        %get3A_1108 = vector.shape_cast %get3A_1107 : vector<1x1x16xf32> to vector<16xf32>
        %get3A_1109 = arith.constant 2 : i32
        %get3A_1110 = arith.index_cast %get3A_1109 : i32 to index
        %get3A_1111 = arith.index_cast %shift_right_arithmetic3A_1098 : i32 to index
        %get3A_1112 = arith.index_cast %mul3A_1102 : i32 to index
        %get3A_1113 = tpu.vector_load %arg10[%get3A_1110, %get3A_1111, %get3A_1112] {strides = array<i32>} : memref<8x16x128xf32, #tpu.memory_space<vmem>>, vector<1x1x16xf32>,
        %get3A_1114 = vector.shape_cast %get3A_1113 : vector<1x1x16xf32> to vector<16xf32>
        %add3A_1115 = arith.addf %get3A_1108, %get3A_1114 : vector<16xf32>
        %swap3A_1116 = arith.constant 2 : i32
        %swap3A_1117 = arith.index_cast %swap3A_1116 : i32 to index
        %swap3A_1118 = arith.index_cast %shift_right_arithmetic3A_1098 : i32 to index
        %swap3A_1119 = arith.index_cast %mul3A_1102 : i32 to index
        %swap3A_1120 = tpu.vector_load %arg8[%swap3A_1117, %swap3A_1118, %swap3A_1119] {strides = array<i32>} : memref<8x16x128xf32, #tpu.memory_space<vmem>>, vector<1x1x16xf32>,
        %swap3A_1121 = vector.shape_cast %swap3A_1120 : vector<1x1x16xf32> to vector<16xf32>
        %swap3A_1122 = vector.shape_cast %add3A_1115 : vector<16xf32> to vector<1x1x16xf32>
        tpu.vector_store %arg8[%swap3A_1117, %swap3A_1118, %swap3A_1119], %swap3A_1122 {add = true, strides = array<i32>} : memref<8x16x128xf32, #tpu.memory_space<vmem>>, vector<1x1x16xf32>,
        %scan3A_1123 = arith.constant 4 : i32
        %scan3A_1124 = arith.addi %scan3A_1016, %scan3A_1123 : i32
        %shift_right_arithmetic3A_1125 = arith.constant 3 : i32
        %shift_right_arithmetic3A_1126 = arith.shrsi %scan3A_1124, %shift_right_arithmetic3A_1125 : i32
        %and3A_1127 = arith.constant 7 : i32
        %and3A_1128 = arith.andi %scan3A_1124, %and3A_1127 : i32
        %mul3A_1129 = arith.constant 16 : i32
        %mul3A_1130 = arith.muli %and3A_1128, %mul3A_1129 : i32
        %get3A_1131 = arith.constant 2 : i32
        %get3A_1132 = arith.index_cast %get3A_1131 : i32 to index
        %get3A_1133 = arith.index_cast %shift_right_arithmetic3A_1126 : i32 to index
        %get3A_1134 = arith.index_cast %mul3A_1130 : i32 to index
        %get3A_1135 = tpu.vector_load %arg9[%get3A_1132, %get3A_1133, %get3A_1134] {strides = array<i32>} : memref<8x16x128xf32, #tpu.memory_space<vmem>>, vector<1x1x16xf32>,
        %get3A_1136 = vector.shape_cast %get3A_1135 : vector<1x1x16xf32> to vector<16xf32>
        %get3A_1137 = arith.constant 2 : i32
        %get3A_1138 = arith.index_cast %get3A_1137 : i32 to index
        %get3A_1139 = arith.index_cast %shift_right_arithmetic3A_1126 : i32 to index
        %get3A_1140 = arith.index_cast %mul3A_1130 : i32 to index
        %get3A_1141 = tpu.vector_load %arg10[%get3A_1138, %get3A_1139, %get3A_1140] {strides = array<i32>} : memref<8x16x128xf32, #tpu.memory_space<vmem>>, vector<1x1x16xf32>,
        %get3A_1142 = vector.shape_cast %get3A_1141 : vector<1x1x16xf32> to vector<16xf32>
        %add3A_1143 = arith.addf %get3A_1136, %get3A_1142 : vector<16xf32>
        %swap3A_1144 = arith.constant 2 : i32
        %swap3A_1145 = arith.index_cast %swap3A_1144 : i32 to index
        %swap3A_1146 = arith.index_cast %shift_right_arithmetic3A_1126 : i32 to index
        %swap3A_1147 = arith.index_cast %mul3A_1130 : i32 to index
        %swap3A_1148 = tpu.vector_load %arg8[%swap3A_1145, %swap3A_1146, %swap3A_1147] {strides = array<i32>} : memref<8x16x128xf32, #tpu.memory_space<vmem>>, vector<1x1x16xf32>,
        %swap3A_1149 = vector.shape_cast %swap3A_1148 : vector<1x1x16xf32> to vector<16xf32>
        %swap3A_1150 = vector.shape_cast %add3A_1143 : vector<16xf32> to vector<1x1x16xf32>
        tpu.vector_store %arg8[%swap3A_1145, %swap3A_1146, %swap3A_1147], %swap3A_1150 {add = true, strides = array<i32>} : memref<8x16x128xf32, #tpu.memory_space<vmem>>, vector<1x1x16xf32>,
        %scan3A_1151 = arith.constant 5 : i32
        %scan3A_1152 = arith.addi %scan3A_1016, %scan3A_1151 : i32
        %shift_right_arithmetic3A_1153 = arith.constant 3 : i32
        %shift_right_arithmetic3A_1154 = arith.shrsi %scan3A_1152, %shift_right_arithmetic3A_1153 : i32
        %and3A_1155 = arith.constant 7 : i32
        %and3A_1156 = arith.andi %scan3A_1152, %and3A_1155 : i32
        %mul3A_1157 = arith.constant 16 : i32
        %mul3A_1158 = arith.muli %and3A_1156, %mul3A_1157 : i32
        %get3A_1159 = arith.constant 2 : i32
        %get3A_1160 = arith.index_cast %get3A_1159 : i32 to index
        %get3A_1161 = arith.index_cast %shift_right_arithmetic3A_1154 : i32 to index
        %get3A_1162 = arith.index_cast %mul3A_1158 : i32 to index
        %get3A_1163 = tpu.vector_load %arg9[%get3A_1160, %get3A_1161, %get3A_1162] {strides = array<i32>} : memref<8x16x128xf32, #tpu.memory_space<vmem>>, vector<1x1x16xf32>,
        %get3A_1164 = vector.shape_cast %get3A_1163 : vector<1x1x16xf32> to vector<16xf32>
        %get3A_1165 = arith.constant 2 : i32
        %get3A_1166 = arith.index_cast %get3A_1165 : i32 to index
        %get3A_1167 = arith.index_cast %shift_right_arithmetic3A_1154 : i32 to index
        %get3A_1168 = arith.index_cast %mul3A_1158 : i32 to index
        %get3A_1169 = tpu.vector_load %arg10[%get3A_1166, %get3A_1167, %get3A_1168] {strides = array<i32>} : memref<8x16x128xf32, #tpu.memory_space<vmem>>, vector<1x1x16xf32>,
        %get3A_1170 = vector.shape_cast %get3A_1169 : vector<1x1x16xf32> to vector<16xf32>
        %add3A_1171 = arith.addf %get3A_1164, %get3A_1170 : vector<16xf32>
        %swap3A_1172 = arith.constant 2 : i32
        %swap3A_1173 = arith.index_cast %swap3A_1172 : i32 to index
        %swap3A_1174 = arith.index_cast %shift_right_arithmetic3A_1154 : i32 to index
        %swap3A_1175 = arith.index_cast %mul3A_1158 : i32 to index
        %swap3A_1176 = tpu.vector_load %arg8[%swap3A_1173, %swap3A_1174, %swap3A_1175] {strides = array<i32>} : memref<8x16x128xf32, #tpu.memory_space<vmem>>, vector<1x1x16xf32>,
        %swap3A_1177 = vector.shape_cast %swap3A_1176 : vector<1x1x16xf32> to vector<16xf32>
        %swap3A_1178 = vector.shape_cast %add3A_1171 : vector<16xf32> to vector<1x1x16xf32>
        tpu.vector_store %arg8[%swap3A_1173, %swap3A_1174, %swap3A_1175], %swap3A_1178 {add = true, strides = array<i32>} : memref<8x16x128xf32, #tpu.memory_space<vmem>>, vector<1x1x16xf32>,
        %scan3A_1179 = arith.constant 6 : i32
        %scan3A_1180 = arith.addi %scan3A_1016, %scan3A_1179 : i32
        %shift_right_arithmetic3A_1181 = arith.constant 3 : i32
        %shift_right_arithmetic3A_1182 = arith.shrsi %scan3A_1180, %shift_right_arithmetic3A_1181 : i32
        %and3A_1183 = arith.constant 7 : i32
        %and3A_1184 = arith.andi %scan3A_1180, %and3A_1183 : i32
        %mul3A_1185 = arith.constant 16 : i32
        %mul3A_1186 = arith.muli %and3A_1184, %mul3A_1185 : i32
        %get3A_1187 = arith.constant 2 : i32
        %get3A_1188 = arith.index_cast %get3A_1187 : i32 to index
        %get3A_1189 = arith.index_cast %shift_right_arithmetic3A_1182 : i32 to index
        %get3A_1190 = arith.index_cast %mul3A_1186 : i32 to index
        %get3A_1191 = tpu.vector_load %arg9[%get3A_1188, %get3A_1189, %get3A_1190] {strides = array<i32>} : memref<8x16x128xf32, #tpu.memory_space<vmem>>, vector<1x1x16xf32>,
        %get3A_1192 = vector.shape_cast %get3A_1191 : vector<1x1x16xf32> to vector<16xf32>
        %get3A_1193 = arith.constant 2 : i32
        %get3A_1194 = arith.index_cast %get3A_1193 : i32 to index
        %get3A_1195 = arith.index_cast %shift_right_arithmetic3A_1182 : i32 to index
        %get3A_1196 = arith.index_cast %mul3A_1186 : i32 to index
        %get3A_1197 = tpu.vector_load %arg10[%get3A_1194, %get3A_1195, %get3A_1196] {strides = array<i32>} : memref<8x16x128xf32, #tpu.memory_space<vmem>>, vector<1x1x16xf32>,
        %get3A_1198 = vector.shape_cast %get3A_1197 : vector<1x1x16xf32> to vector<16xf32>
        %add3A_1199 = arith.addf %get3A_1192, %get3A_1198 : vector<16xf32>
        %swap3A_1200 = arith.constant 2 : i32
        %swap3A_1201 = arith.index_cast %swap3A_1200 : i32 to index
        %swap3A_1202 = arith.index_cast %shift_right_arithmetic3A_1182 : i32 to index
        %swap3A_1203 = arith.index_cast %mul3A_1186 : i32 to index
        %swap3A_1204 = tpu.vector_load %arg8[%swap3A_1201, %swap3A_1202, %swap3A_1203] {strides = array<i32>} : memref<8x16x128xf32, #tpu.memory_space<vmem>>, vector<1x1x16xf32>,
        %swap3A_1205 = vector.shape_cast %swap3A_1204 : vector<1x1x16xf32> to vector<16xf32>
        %swap3A_1206 = vector.shape_cast %add3A_1199 : vector<16xf32> to vector<1x1x16xf32>
        tpu.vector_store %arg8[%swap3A_1201, %swap3A_1202, %swap3A_1203], %swap3A_1206 {add = true, strides = array<i32>} : memref<8x16x128xf32, #tpu.memory_space<vmem>>, vector<1x1x16xf32>,
        %scan3A_1207 = arith.constant 7 : i32
        %scan3A_1208 = arith.addi %scan3A_1016, %scan3A_1207 : i32
        %shift_right_arithmetic3A_1209 = arith.constant 3 : i32
        %shift_right_arithmetic3A_1210 = arith.shrsi %scan3A_1208, %shift_right_arithmetic3A_1209 : i32
        %and3A_1211 = arith.constant 7 : i32
        %and3A_1212 = arith.andi %scan3A_1208, %and3A_1211 : i32
        %mul3A_1213 = arith.constant 16 : i32
        %mul3A_1214 = arith.muli %and3A_1212, %mul3A_1213 : i32
        %get3A_1215 = arith.constant 2 : i32
        %get3A_1216 = arith.index_cast %get3A_1215 : i32 to index
        %get3A_1217 = arith.index_cast %shift_right_arithmetic3A_1210 : i32 to index
        %get3A_1218 = arith.index_cast %mul3A_1214 : i32 to index
        %get3A_1219 = tpu.vector_load %arg9[%get3A_1216, %get3A_1217, %get3A_1218] {strides = array<i32>} : memref<8x16x128xf32, #tpu.memory_space<vmem>>, vector<1x1x16xf32>,
        %get3A_1220 = vector.shape_cast %get3A_1219 : vector<1x1x16xf32> to vector<16xf32>
        %get3A_1221 = arith.constant 2 : i32
        %get3A_1222 = arith.index_cast %get3A_1221 : i32 to index
        %get3A_1223 = arith.index_cast %shift_right_arithmetic3A_1210 : i32 to index
        %get3A_1224 = arith.index_cast %mul3A_1214 : i32 to index
        %get3A_1225 = tpu.vector_load %arg10[%get3A_1222, %get3A_1223, %get3A_1224] {strides = array<i32>} : memref<8x16x128xf32, #tpu.memory_space<vmem>>, vector<1x1x16xf32>,
        %get3A_1226 = vector.shape_cast %get3A_1225 : vector<1x1x16xf32> to vector<16xf32>
        %add3A_1227 = arith.addf %get3A_1220, %get3A_1226 : vector<16xf32>
        %swap3A_1228 = arith.constant 2 : i32
        %swap3A_1229 = arith.index_cast %swap3A_1228 : i32 to index
        %swap3A_1230 = arith.index_cast %shift_right_arithmetic3A_1210 : i32 to index
        %swap3A_1231 = arith.index_cast %mul3A_1214 : i32 to index
        %swap3A_1232 = tpu.vector_load %arg8[%swap3A_1229, %swap3A_1230, %swap3A_1231] {strides = array<i32>} : memref<8x16x128xf32, #tpu.memory_space<vmem>>, vector<1x1x16xf32>,
        %swap3A_1233 = vector.shape_cast %swap3A_1232 : vector<1x1x16xf32> to vector<16xf32>
        %swap3A_1234 = vector.shape_cast %add3A_1227 : vector<16xf32> to vector<1x1x16xf32>
        tpu.vector_store %arg8[%swap3A_1229, %swap3A_1230, %swap3A_1231], %swap3A_1234 {add = true, strides = array<i32>} : memref<8x16x128xf32, #tpu.memory_space<vmem>>, vector<1x1x16xf32>,
      }
      %scan3A_571 = arith.constant 128 : i32
      %mul3A_572 = arith.constant 16 : i32
      %mul3A_573 = arith.muli %add3A_509, %mul3A_572 : i32
      %add3A_574 = arith.addi %mul3A_2, %mul3A_573 : i32
      %dma_start3A_575 = arith.constant 2 : i32
      %dma_start3A_576 = arith.constant 2 : i32
      %dma_start3A_577 = arith.constant 0 : i32
      %dma_start3A_578 = arith.constant 0 : i32
      %dma_start3A_579 = tpu.memref_slice %arg8[%dma_start3A_575, %dma_start3A_577, %dma_start3A_578] : memref<8x16x128xf32, #tpu.memory_space<vmem>> -> memref<1x16x128xf32, #tpu.memory_space<vmem>>
      %dma_start3A_580 = tpu.memref_squeeze %dma_start3A_579 : memref<1x16x128xf32, #tpu.memory_space<vmem>> -> memref<16x128xf32, #tpu.memory_space<vmem>>
      %dma_start3A_581 = arith.constant 0 : i32
      %dma_start3A_582 = tpu.memref_slice %arg6[%add3A_574, %dma_start3A_581] : memref<204800x128xf32, #tpu.memory_space<hbm>> -> memref<16x128xf32, #tpu.memory_space<hbm>>
      %dma_start3A_583 = tpu.memref_slice %arg13[%dma_start3A_576] : memref<8x!tpu.dma_semaphore, #tpu.memory_space<semaphore_mem>> -> memref<1x!tpu.dma_semaphore, #tpu.memory_space<semaphore_mem>>
      %dma_start3A_584 = tpu.memref_squeeze %dma_start3A_583 : memref<1x!tpu.dma_semaphore, #tpu.memory_space<semaphore_mem>> -> memref<!tpu.dma_semaphore, #tpu.memory_space<semaphore_mem>>
      %dma_start3A_585 = arith.constant 0 : i32
      %dma_start3A_586 = tpu.memref_slice %arg6[%add3A_574, %dma_start3A_585] : memref<204800x128xf32, #tpu.memory_space<hbm>> -> memref<16x128xf32, #tpu.memory_space<hbm>>
      %dma_start3A_587 = arith.constant 0 : i32
      %dma_start3A_588 = arith.constant 0 : i32
      %dma_start3A_589 = tpu.memref_slice %arg8[%dma_start3A_575, %dma_start3A_587, %dma_start3A_588] : memref<8x16x128xf32, #tpu.memory_space<vmem>> -> memref<1x16x128xf32, #tpu.memory_space<vmem>>
      %dma_start3A_590 = tpu.memref_squeeze %dma_start3A_589 : memref<1x16x128xf32, #tpu.memory_space<vmem>> -> memref<16x128xf32, #tpu.memory_space<vmem>>
      tpu.enqueue_dma source(%dma_start3A_590 : memref<16x128xf32, #tpu.memory_space<vmem>>) target(%dma_start3A_586 : memref<16x128xf32, #tpu.memory_space<hbm>>) target_semaphore(%dma_start3A_584 : memref<!tpu.dma_semaphore, #tpu.memory_space<semaphore_mem>>)
      %mul3A_591 = arith.constant 8 : i32
      %mul3A_592 = arith.muli %scan3A_338, %mul3A_591 : i32
      %add3A_593 = arith.constant 3 : i32
      %add3A_594 = arith.addi %mul3A_592, %add3A_593 : i32
      %add3A_595 = arith.constant 4 : i32
      %add3A_596 = arith.addi %add3A_594, %add3A_595 : i32
      %lt3A_597 = arith.constant 400 : i32
      %lt3A_598 = arith.cmpi slt, %add3A_596, %lt3A_597 : i32
      %convert_element_type3A_599 = arith.extui %lt3A_598 : i1 to i32
      %cond3A_600 = arith.constant 0 : i32
      %cond3A_601 = arith.cmpi ne, %convert_element_type3A_599, %cond3A_600 : i32
      scf.if %cond3A_601 {
        %add3A_1016 = arith.constant 4 : i32
        %add3A_1017 = arith.addi %add3A_594, %add3A_1016 : i32
        %ge3A = arith.constant 8 : i32
        %ge3A_1018 = arith.cmpi sge, %add3A_1017, %ge3A : i32
        %convert_element_type3A_1019 = arith.extui %ge3A_1018 : i1 to i32
        %cond3A_1020 = arith.constant 0 : i32
        %cond3A_1021 = arith.cmpi ne, %convert_element_type3A_1019, %cond3A_1020 : i32
        scf.if %cond3A_1021 {
          %add3A_1073 = arith.constant 4 : i32
          %add3A_1074 = arith.addi %add3A_594, %add3A_1073 : i32
          %sub3A = arith.constant 8 : i32
          %sub3A_1075 = arith.subi %add3A_1074, %sub3A : i32
          %mul3A_1076 = arith.constant 16 : i32
          %mul3A_1077 = arith.muli %sub3A_1075, %mul3A_1076 : i32
          %add3A_1078 = arith.addi %mul3A_2, %mul3A_1077 : i32
          %dma_wait3A_1079 = arith.constant 7 : i32
          %dma_wait3A_1080 = arith.constant 7 : i32
          %dma_wait3A_1081 = arith.constant 0 : i32
          %dma_wait3A_1082 = arith.constant 0 : i32
          %dma_wait3A_1083 = tpu.memref_slice %arg8[%dma_wait3A_1079, %dma_wait3A_1081, %dma_wait3A_1082] : memref<8x16x128xf32, #tpu.memory_space<vmem>> -> memref<1x16x128xf32, #tpu.memory_space<vmem>>
          %dma_wait3A_1084 = tpu.memref_squeeze %dma_wait3A_1083 : memref<1x16x128xf32, #tpu.memory_space<vmem>> -> memref<16x128xf32, #tpu.memory_space<vmem>>
          %dma_wait3A_1085 = arith.constant 0 : i32
          %dma_wait3A_1086 = tpu.memref_slice %arg6[%add3A_1078, %dma_wait3A_1085] : memref<204800x128xf32, #tpu.memory_space<hbm>> -> memref<16x128xf32, #tpu.memory_space<hbm>>
          %dma_wait3A_1087 = tpu.memref_slice %arg13[%dma_wait3A_1080] : memref<8x!tpu.dma_semaphore, #tpu.memory_space<semaphore_mem>> -> memref<1x!tpu.dma_semaphore, #tpu.memory_space<semaphore_mem>>
          %dma_wait3A_1088 = tpu.memref_squeeze %dma_wait3A_1087 : memref<1x!tpu.dma_semaphore, #tpu.memory_space<semaphore_mem>> -> memref<!tpu.dma_semaphore, #tpu.memory_space<semaphore_mem>>
          %dma_wait3A_1089 = arith.constant 0 : i32
          %dma_wait3A_1090 = tpu.memref_slice %arg6[%add3A_1078, %dma_wait3A_1089] : memref<204800x128xf32, #tpu.memory_space<hbm>> -> memref<16x128xf32, #tpu.memory_space<hbm>>
          %dma_wait3A_1091 = arith.constant 0 : i32
          %dma_wait3A_1092 = arith.constant 0 : i32
          %dma_wait3A_1093 = tpu.memref_slice %arg8[%dma_wait3A_1079, %dma_wait3A_1091, %dma_wait3A_1092] : memref<8x16x128xf32, #tpu.memory_space<vmem>> -> memref<1x16x128xf32, #tpu.memory_space<vmem>>
          %dma_wait3A_1094 = tpu.memref_squeeze %dma_wait3A_1093 : memref<1x16x128xf32, #tpu.memory_space<vmem>> -> memref<16x128xf32, #tpu.memory_space<vmem>>
          tpu.wait_dma2 semaphore(%dma_wait3A_1088 : memref<!tpu.dma_semaphore, #tpu.memory_space<semaphore_mem>>) src(%dma_wait3A_1094 : memref<16x128xf32, #tpu.memory_space<vmem>>) dst(%dma_wait3A_1090 : memref<16x128xf32, #tpu.memory_space<hbm>>)
        } else {
        }
        %add3A_1022 = arith.constant 4 : i32
        %add3A_1023 = arith.addi %add3A_594, %add3A_1022 : i32
        %mul3A_1024 = arith.constant 16 : i32
        %mul3A_1025 = arith.muli %add3A_1023, %mul3A_1024 : i32
        %add3A_1026 = arith.addi %mul3A_2, %mul3A_1025 : i32
        %dma_start3A_1027 = arith.constant 7 : i32
        %dma_start3A_1028 = arith.constant 7 : i32
        %dma_start3A_1029 = arith.constant 0 : i32
        %dma_start3A_1030 = arith.constant 0 : i32
        %dma_start3A_1031 = tpu.memref_slice %arg9[%dma_start3A_1027, %dma_start3A_1029, %dma_start3A_1030] : memref<8x16x128xf32, #tpu.memory_space<vmem>> -> memref<1x16x128xf32, #tpu.memory_space<vmem>>
        %dma_start3A_1032 = tpu.memref_squeeze %dma_start3A_1031 : memref<1x16x128xf32, #tpu.memory_space<vmem>> -> memref<16x128xf32, #tpu.memory_space<vmem>>
        %dma_start3A_1033 = arith.constant 0 : i32
        %dma_start3A_1034 = tpu.memref_slice %arg2[%add3A_1026, %dma_start3A_1033] : memref<204800x128xf32, #tpu.memory_space<hbm>> -> memref<16x128xf32, #tpu.memory_space<hbm>>
        %dma_start3A_1035 = tpu.memref_slice %arg12[%dma_start3A_1028] : memref<8x!tpu.dma_semaphore, #tpu.memory_space<semaphore_mem>> -> memref<1x!tpu.dma_semaphore, #tpu.memory_space<semaphore_mem>>
        %dma_start3A_1036 = tpu.memref_squeeze %dma_start3A_1035 : memref<1x!tpu.dma_semaphore, #tpu.memory_space<semaphore_mem>> -> memref<!tpu.dma_semaphore, #tpu.memory_space<semaphore_mem>>
        %dma_start3A_1037 = arith.constant 0 : i32
        %dma_start3A_1038 = arith.constant 0 : i32
        %dma_start3A_1039 = tpu.memref_slice %arg9[%dma_start3A_1027, %dma_start3A_1037, %dma_start3A_1038] : memref<8x16x128xf32, #tpu.memory_space<vmem>> -> memref<1x16x128xf32, #tpu.memory_space<vmem>>
        %dma_start3A_1040 = tpu.memref_squeeze %dma_start3A_1039 : memref<1x16x128xf32, #tpu.memory_space<vmem>> -> memref<16x128xf32, #tpu.memory_space<vmem>>
        %dma_start3A_1041 = arith.constant 0 : i32
        %dma_start3A_1042 = tpu.memref_slice %arg2[%add3A_1026, %dma_start3A_1041] : memref<204800x128xf32, #tpu.memory_space<hbm>> -> memref<16x128xf32, #tpu.memory_space<hbm>>
        tpu.enqueue_dma source(%dma_start3A_1042 : memref<16x128xf32, #tpu.memory_space<hbm>>) target(%dma_start3A_1040 : memref<16x128xf32, #tpu.memory_space<vmem>>) target_semaphore(%dma_start3A_1036 : memref<!tpu.dma_semaphore, #tpu.memory_space<semaphore_mem>>)
        %dma_start3A_1043 = arith.constant 7 : i32
        %dma_start3A_1044 = arith.constant 7 : i32
        %dma_start3A_1045 = arith.constant 0 : i32
        %dma_start3A_1046 = arith.constant 0 : i32
        %dma_start3A_1047 = tpu.memref_slice %arg10[%dma_start3A_1043, %dma_start3A_1045, %dma_start3A_1046] : memref<8x16x128xf32, #tpu.memory_space<vmem>> -> memref<1x16x128xf32, #tpu.memory_space<vmem>>
        %dma_start3A_1048 = tpu.memref_squeeze %dma_start3A_1047 : memref<1x16x128xf32, #tpu.memory_space<vmem>> -> memref<16x128xf32, #tpu.memory_space<vmem>>
        %dma_start3A_1049 = arith.constant 0 : i32
        %dma_start3A_1050 = tpu.memref_slice %arg4[%add3A_1026, %dma_start3A_1049] : memref<204800x128xf32, #tpu.memory_space<hbm>> -> memref<16x128xf32, #tpu.memory_space<hbm>>
        %dma_start3A_1051 = tpu.memref_slice %arg12[%dma_start3A_1044] : memref<8x!tpu.dma_semaphore, #tpu.memory_space<semaphore_mem>> -> memref<1x!tpu.dma_semaphore, #tpu.memory_space<semaphore_mem>>
        %dma_start3A_1052 = tpu.memref_squeeze %dma_start3A_1051 : memref<1x!tpu.dma_semaphore, #tpu.memory_space<semaphore_mem>> -> memref<!tpu.dma_semaphore, #tpu.memory_space<semaphore_mem>>
        %dma_start3A_1053 = arith.constant 0 : i32
        %dma_start3A_1054 = arith.constant 0 : i32
        %dma_start3A_1055 = tpu.memref_slice %arg10[%dma_start3A_1043, %dma_start3A_1053, %dma_start3A_1054] : memref<8x16x128xf32, #tpu.memory_space<vmem>> -> memref<1x16x128xf32, #tpu.memory_space<vmem>>
        %dma_start3A_1056 = tpu.memref_squeeze %dma_start3A_1055 : memref<1x16x128xf32, #tpu.memory_space<vmem>> -> memref<16x128xf32, #tpu.memory_space<vmem>>
        %dma_start3A_1057 = arith.constant 0 : i32
        %dma_start3A_1058 = tpu.memref_slice %arg4[%add3A_1026, %dma_start3A_1057] : memref<204800x128xf32, #tpu.memory_space<hbm>> -> memref<16x128xf32, #tpu.memory_space<hbm>>
        tpu.enqueue_dma source(%dma_start3A_1058 : memref<16x128xf32, #tpu.memory_space<hbm>>) target(%dma_start3A_1056 : memref<16x128xf32, #tpu.memory_space<vmem>>) target_semaphore(%dma_start3A_1052 : memref<!tpu.dma_semaphore, #tpu.memory_space<semaphore_mem>>)
        %mul3A_1059 = arith.constant 16 : i32
        %mul3A_1060 = arith.muli %add3A_1023, %mul3A_1059 : i32
        %dma_start3A_1061 = arith.constant 7 : i32
        %dma_start3A_1062 = arith.constant 7 : i32
        %dma_start3A_1063 = arith.constant 0 : i32
        %dma_start3A_1064 = arith.constant 0 : i32
        %dma_start3A_1065 = tpu.memref_slice %arg8[%dma_start3A_1061, %dma_start3A_1063, %dma_start3A_1064] : memref<8x16x128xf32, #tpu.memory_space<vmem>> -> memref<1x16x128xf32, #tpu.memory_space<vmem>>
        %dma_start3A_1066 = tpu.memref_squeeze %dma_start3A_1065 : memref<1x16x128xf32, #tpu.memory_space<vmem>> -> memref<16x128xf32, #tpu.memory_space<vmem>>
        %dma_start3A_1067 = tpu.memref_slice %arg7[%mul3A_1060] : memref<6400xi32, #tpu.memory_space<vmem>> -> memref<16xi32, #tpu.memory_space<vmem>>
        %dma_start3A_1068 = arith.constant 0 : i32
        %dma_start3A_1069 = arith.constant 0 : i32
        %dma_start3A_1070 = tpu.memref_slice %arg5[%dma_start3A_1068, %dma_start3A_1069] : memref<100000x128xf32, #tpu.memory_space<hbm>> -> memref<100000x128xf32, #tpu.memory_space<hbm>>
        %dma_start3A_1071 = tpu.memref_slice %arg11[%dma_start3A_1062] : memref<8x!tpu.dma_semaphore, #tpu.memory_space<semaphore_mem>> -> memref<1x!tpu.dma_semaphore, #tpu.memory_space<semaphore_mem>>
        %dma_start3A_1072 = tpu.memref_squeeze %dma_start3A_1071 : memref<1x!tpu.dma_semaphore, #tpu.memory_space<semaphore_mem>> -> memref<!tpu.dma_semaphore, #tpu.memory_space<semaphore_mem>>
        tpu.enqueue_indirect_dma source(%dma_start3A_1070 : memref<100000x128xf32, #tpu.memory_space<hbm>>) target(%dma_start3A_1066 : memref<16x128xf32, #tpu.memory_space<vmem>>) offsets(%dma_start3A_1067 : memref<16xi32, #tpu.memory_space<vmem>>) semaphore(%dma_start3A_1072 : memref<!tpu.dma_semaphore, #tpu.memory_space<semaphore_mem>>)
      } else {
      }
      %mul3A_602 = arith.constant 16 : i32
      %mul3A_603 = arith.muli %add3A_594, %mul3A_602 : i32
      %dma_wait3A_604 = arith.constant 3 : i32
      %dma_wait3A_605 = arith.constant 3 : i32
      %dma_wait3A_606 = arith.constant 0 : i32
      %dma_wait3A_607 = arith.constant 0 : i32
      %dma_wait3A_608 = tpu.memref_slice %arg8[%dma_wait3A_604, %dma_wait3A_606, %dma_wait3A_607] : memref<8x16x128xf32, #tpu.memory_space<vmem>> -> memref<1x16x128xf32, #tpu.memory_space<vmem>>
      %dma_wait3A_609 = tpu.memref_squeeze %dma_wait3A_608 : memref<1x16x128xf32, #tpu.memory_space<vmem>> -> memref<16x128xf32, #tpu.memory_space<vmem>>
      %dma_wait3A_610 = tpu.memref_slice %arg7[%mul3A_603] : memref<6400xi32, #tpu.memory_space<vmem>> -> memref<16xi32, #tpu.memory_space<vmem>>
      %dma_wait3A_611 = arith.constant 0 : i32
      %dma_wait3A_612 = arith.constant 0 : i32
      %dma_wait3A_613 = tpu.memref_slice %arg5[%dma_wait3A_611, %dma_wait3A_612] : memref<100000x128xf32, #tpu.memory_space<hbm>> -> memref<100000x128xf32, #tpu.memory_space<hbm>>
      %dma_wait3A_614 = tpu.memref_slice %arg11[%dma_wait3A_605] : memref<8x!tpu.dma_semaphore, #tpu.memory_space<semaphore_mem>> -> memref<1x!tpu.dma_semaphore, #tpu.memory_space<semaphore_mem>>
      %dma_wait3A_615 = tpu.memref_squeeze %dma_wait3A_614 : memref<1x!tpu.dma_semaphore, #tpu.memory_space<semaphore_mem>> -> memref<!tpu.dma_semaphore, #tpu.memory_space<semaphore_mem>>
      tpu.wait_indirect_dma semaphore(%dma_wait3A_615 : memref<!tpu.dma_semaphore, #tpu.memory_space<semaphore_mem>>) src(%dma_wait3A_613 : memref<100000x128xf32, #tpu.memory_space<hbm>>) dst(%dma_wait3A_609 : memref<16x128xf32, #tpu.memory_space<vmem>>)
      %mul3A_616 = arith.constant 16 : i32
      %mul3A_617 = arith.muli %add3A_594, %mul3A_616 : i32
      %add3A_618 = arith.addi %mul3A_2, %mul3A_617 : i32
      %dma_wait3A_619 = arith.constant 3 : i32
      %dma_wait3A_620 = arith.constant 3 : i32
      %dma_wait3A_621 = arith.constant 0 : i32
      %dma_wait3A_622 = arith.constant 0 : i32
      %dma_wait3A_623 = tpu.memref_slice %arg9[%dma_wait3A_619, %dma_wait3A_621, %dma_wait3A_622] : memref<8x16x128xf32, #tpu.memory_space<vmem>> -> memref<1x16x128xf32, #tpu.memory_space<vmem>>
      %dma_wait3A_624 = tpu.memref_squeeze %dma_wait3A_623 : memref<1x16x128xf32, #tpu.memory_space<vmem>> -> memref<16x128xf32, #tpu.memory_space<vmem>>
      %dma_wait3A_625 = arith.constant 0 : i32
      %dma_wait3A_626 = tpu.memref_slice %arg2[%add3A_618, %dma_wait3A_625] : memref<204800x128xf32, #tpu.memory_space<hbm>> -> memref<16x128xf32, #tpu.memory_space<hbm>>
      %dma_wait3A_627 = tpu.memref_slice %arg12[%dma_wait3A_620] : memref<8x!tpu.dma_semaphore, #tpu.memory_space<semaphore_mem>> -> memref<1x!tpu.dma_semaphore, #tpu.memory_space<semaphore_mem>>
      %dma_wait3A_628 = tpu.memref_squeeze %dma_wait3A_627 : memref<1x!tpu.dma_semaphore, #tpu.memory_space<semaphore_mem>> -> memref<!tpu.dma_semaphore, #tpu.memory_space<semaphore_mem>>
      %dma_wait3A_629 = arith.constant 0 : i32
      %dma_wait3A_630 = arith.constant 0 : i32
      %dma_wait3A_631 = tpu.memref_slice %arg9[%dma_wait3A_619, %dma_wait3A_629, %dma_wait3A_630] : memref<8x16x128xf32, #tpu.memory_space<vmem>> -> memref<1x16x128xf32, #tpu.memory_space<vmem>>
      %dma_wait3A_632 = tpu.memref_squeeze %dma_wait3A_631 : memref<1x16x128xf32, #tpu.memory_space<vmem>> -> memref<16x128xf32, #tpu.memory_space<vmem>>
      %dma_wait3A_633 = arith.constant 0 : i32
      %dma_wait3A_634 = tpu.memref_slice %arg2[%add3A_618, %dma_wait3A_633] : memref<204800x128xf32, #tpu.memory_space<hbm>> -> memref<16x128xf32, #tpu.memory_space<hbm>>
      tpu.wait_dma2 semaphore(%dma_wait3A_628 : memref<!tpu.dma_semaphore, #tpu.memory_space<semaphore_mem>>) src(%dma_wait3A_634 : memref<16x128xf32, #tpu.memory_space<hbm>>) dst(%dma_wait3A_632 : memref<16x128xf32, #tpu.memory_space<vmem>>)
      %dma_wait3A_635 = arith.constant 3 : i32
      %dma_wait3A_636 = arith.constant 3 : i32
      %dma_wait3A_637 = arith.constant 0 : i32
      %dma_wait3A_638 = arith.constant 0 : i32
      %dma_wait3A_639 = tpu.memref_slice %arg10[%dma_wait3A_635, %dma_wait3A_637, %dma_wait3A_638] : memref<8x16x128xf32, #tpu.memory_space<vmem>> -> memref<1x16x128xf32, #tpu.memory_space<vmem>>
      %dma_wait3A_640 = tpu.memref_squeeze %dma_wait3A_639 : memref<1x16x128xf32, #tpu.memory_space<vmem>> -> memref<16x128xf32, #tpu.memory_space<vmem>>
      %dma_wait3A_641 = arith.constant 0 : i32
      %dma_wait3A_642 = tpu.memref_slice %arg4[%add3A_618, %dma_wait3A_641] : memref<204800x128xf32, #tpu.memory_space<hbm>> -> memref<16x128xf32, #tpu.memory_space<hbm>>
      %dma_wait3A_643 = tpu.memref_slice %arg12[%dma_wait3A_636] : memref<8x!tpu.dma_semaphore, #tpu.memory_space<semaphore_mem>> -> memref<1x!tpu.dma_semaphore, #tpu.memory_space<semaphore_mem>>
      %dma_wait3A_644 = tpu.memref_squeeze %dma_wait3A_643 : memref<1x!tpu.dma_semaphore, #tpu.memory_space<semaphore_mem>> -> memref<!tpu.dma_semaphore, #tpu.memory_space<semaphore_mem>>
      %dma_wait3A_645 = arith.constant 0 : i32
      %dma_wait3A_646 = arith.constant 0 : i32
      %dma_wait3A_647 = tpu.memref_slice %arg10[%dma_wait3A_635, %dma_wait3A_645, %dma_wait3A_646] : memref<8x16x128xf32, #tpu.memory_space<vmem>> -> memref<1x16x128xf32, #tpu.memory_space<vmem>>
      %dma_wait3A_648 = tpu.memref_squeeze %dma_wait3A_647 : memref<1x16x128xf32, #tpu.memory_space<vmem>> -> memref<16x128xf32, #tpu.memory_space<vmem>>
      %dma_wait3A_649 = arith.constant 0 : i32
      %dma_wait3A_650 = tpu.memref_slice %arg4[%add3A_618, %dma_wait3A_649] : memref<204800x128xf32, #tpu.memory_space<hbm>> -> memref<16x128xf32, #tpu.memory_space<hbm>>
      tpu.wait_dma2 semaphore(%dma_wait3A_644 : memref<!tpu.dma_semaphore, #tpu.memory_space<semaphore_mem>>) src(%dma_wait3A_650 : memref<16x128xf32, #tpu.memory_space<hbm>>) dst(%dma_wait3A_648 : memref<16x128xf32, #tpu.memory_space<vmem>>)
      %scan3A_651 = arith.constant 0 : i32
      %scan3A_652 = arith.constant 0 : i32
      %scan3A_653 = arith.constant 128 : i32
      %scan3A_654 = arith.addi %scan3A_652, %scan3A_653 : i32
      %scan3A_655 = arith.constant 8 : i32
      scf.for %scan3A_1016 = %scan3A_652 to %scan3A_654 step %scan3A_655  : i32 {
        %shift_right_arithmetic3A = arith.constant 3 : i32
        %shift_right_arithmetic3A_1017 = arith.shrsi %scan3A_1016, %shift_right_arithmetic3A : i32
        %and3A = arith.constant 7 : i32
        %and3A_1018 = arith.andi %scan3A_1016, %and3A : i32
        %mul3A_1019 = arith.constant 16 : i32
        %mul3A_1020 = arith.muli %and3A_1018, %mul3A_1019 : i32
        %get3A = arith.constant 3 : i32
        %get3A_1021 = arith.index_cast %get3A : i32 to index
        %get3A_1022 = arith.index_cast %shift_right_arithmetic3A_1017 : i32 to index
        %get3A_1023 = arith.index_cast %mul3A_1020 : i32 to index
        %get3A_1024 = tpu.vector_load %arg9[%get3A_1021, %get3A_1022, %get3A_1023] {strides = array<i32>} : memref<8x16x128xf32, #tpu.memory_space<vmem>>, vector<1x1x16xf32>,
        %get3A_1025 = vector.shape_cast %get3A_1024 : vector<1x1x16xf32> to vector<16xf32>
        %get3A_1026 = arith.constant 3 : i32
        %get3A_1027 = arith.index_cast %get3A_1026 : i32 to index
        %get3A_1028 = arith.index_cast %shift_right_arithmetic3A_1017 : i32 to index
        %get3A_1029 = arith.index_cast %mul3A_1020 : i32 to index
        %get3A_1030 = tpu.vector_load %arg10[%get3A_1027, %get3A_1028, %get3A_1029] {strides = array<i32>} : memref<8x16x128xf32, #tpu.memory_space<vmem>>, vector<1x1x16xf32>,
        %get3A_1031 = vector.shape_cast %get3A_1030 : vector<1x1x16xf32> to vector<16xf32>
        %add3A_1032 = arith.addf %get3A_1025, %get3A_1031 : vector<16xf32>
        %swap3A = arith.constant 3 : i32
        %swap3A_1033 = arith.index_cast %swap3A : i32 to index
        %swap3A_1034 = arith.index_cast %shift_right_arithmetic3A_1017 : i32 to index
        %swap3A_1035 = arith.index_cast %mul3A_1020 : i32 to index
        %swap3A_1036 = tpu.vector_load %arg8[%swap3A_1033, %swap3A_1034, %swap3A_1035] {strides = array<i32>} : memref<8x16x128xf32, #tpu.memory_space<vmem>>, vector<1x1x16xf32>,
        %swap3A_1037 = vector.shape_cast %swap3A_1036 : vector<1x1x16xf32> to vector<16xf32>
        %swap3A_1038 = vector.shape_cast %add3A_1032 : vector<16xf32> to vector<1x1x16xf32>
        tpu.vector_store %arg8[%swap3A_1033, %swap3A_1034, %swap3A_1035], %swap3A_1038 {add = true, strides = array<i32>} : memref<8x16x128xf32, #tpu.memory_space<vmem>>, vector<1x1x16xf32>,
        %scan3A_1039 = arith.constant 1 : i32
        %scan3A_1040 = arith.addi %scan3A_1016, %scan3A_1039 : i32
        %shift_right_arithmetic3A_1041 = arith.constant 3 : i32
        %shift_right_arithmetic3A_1042 = arith.shrsi %scan3A_1040, %shift_right_arithmetic3A_1041 : i32
        %and3A_1043 = arith.constant 7 : i32
        %and3A_1044 = arith.andi %scan3A_1040, %and3A_1043 : i32
        %mul3A_1045 = arith.constant 16 : i32
        %mul3A_1046 = arith.muli %and3A_1044, %mul3A_1045 : i32
        %get3A_1047 = arith.constant 3 : i32
        %get3A_1048 = arith.index_cast %get3A_1047 : i32 to index
        %get3A_1049 = arith.index_cast %shift_right_arithmetic3A_1042 : i32 to index
        %get3A_1050 = arith.index_cast %mul3A_1046 : i32 to index
        %get3A_1051 = tpu.vector_load %arg9[%get3A_1048, %get3A_1049, %get3A_1050] {strides = array<i32>} : memref<8x16x128xf32, #tpu.memory_space<vmem>>, vector<1x1x16xf32>,
        %get3A_1052 = vector.shape_cast %get3A_1051 : vector<1x1x16xf32> to vector<16xf32>
        %get3A_1053 = arith.constant 3 : i32
        %get3A_1054 = arith.index_cast %get3A_1053 : i32 to index
        %get3A_1055 = arith.index_cast %shift_right_arithmetic3A_1042 : i32 to index
        %get3A_1056 = arith.index_cast %mul3A_1046 : i32 to index
        %get3A_1057 = tpu.vector_load %arg10[%get3A_1054, %get3A_1055, %get3A_1056] {strides = array<i32>} : memref<8x16x128xf32, #tpu.memory_space<vmem>>, vector<1x1x16xf32>,
        %get3A_1058 = vector.shape_cast %get3A_1057 : vector<1x1x16xf32> to vector<16xf32>
        %add3A_1059 = arith.addf %get3A_1052, %get3A_1058 : vector<16xf32>
        %swap3A_1060 = arith.constant 3 : i32
        %swap3A_1061 = arith.index_cast %swap3A_1060 : i32 to index
        %swap3A_1062 = arith.index_cast %shift_right_arithmetic3A_1042 : i32 to index
        %swap3A_1063 = arith.index_cast %mul3A_1046 : i32 to index
        %swap3A_1064 = tpu.vector_load %arg8[%swap3A_1061, %swap3A_1062, %swap3A_1063] {strides = array<i32>} : memref<8x16x128xf32, #tpu.memory_space<vmem>>, vector<1x1x16xf32>,
        %swap3A_1065 = vector.shape_cast %swap3A_1064 : vector<1x1x16xf32> to vector<16xf32>
        %swap3A_1066 = vector.shape_cast %add3A_1059 : vector<16xf32> to vector<1x1x16xf32>
        tpu.vector_store %arg8[%swap3A_1061, %swap3A_1062, %swap3A_1063], %swap3A_1066 {add = true, strides = array<i32>} : memref<8x16x128xf32, #tpu.memory_space<vmem>>, vector<1x1x16xf32>,
        %scan3A_1067 = arith.constant 2 : i32
        %scan3A_1068 = arith.addi %scan3A_1016, %scan3A_1067 : i32
        %shift_right_arithmetic3A_1069 = arith.constant 3 : i32
        %shift_right_arithmetic3A_1070 = arith.shrsi %scan3A_1068, %shift_right_arithmetic3A_1069 : i32
        %and3A_1071 = arith.constant 7 : i32
        %and3A_1072 = arith.andi %scan3A_1068, %and3A_1071 : i32
        %mul3A_1073 = arith.constant 16 : i32
        %mul3A_1074 = arith.muli %and3A_1072, %mul3A_1073 : i32
        %get3A_1075 = arith.constant 3 : i32
        %get3A_1076 = arith.index_cast %get3A_1075 : i32 to index
        %get3A_1077 = arith.index_cast %shift_right_arithmetic3A_1070 : i32 to index
        %get3A_1078 = arith.index_cast %mul3A_1074 : i32 to index
        %get3A_1079 = tpu.vector_load %arg9[%get3A_1076, %get3A_1077, %get3A_1078] {strides = array<i32>} : memref<8x16x128xf32, #tpu.memory_space<vmem>>, vector<1x1x16xf32>,
        %get3A_1080 = vector.shape_cast %get3A_1079 : vector<1x1x16xf32> to vector<16xf32>
        %get3A_1081 = arith.constant 3 : i32
        %get3A_1082 = arith.index_cast %get3A_1081 : i32 to index
        %get3A_1083 = arith.index_cast %shift_right_arithmetic3A_1070 : i32 to index
        %get3A_1084 = arith.index_cast %mul3A_1074 : i32 to index
        %get3A_1085 = tpu.vector_load %arg10[%get3A_1082, %get3A_1083, %get3A_1084] {strides = array<i32>} : memref<8x16x128xf32, #tpu.memory_space<vmem>>, vector<1x1x16xf32>,
        %get3A_1086 = vector.shape_cast %get3A_1085 : vector<1x1x16xf32> to vector<16xf32>
        %add3A_1087 = arith.addf %get3A_1080, %get3A_1086 : vector<16xf32>
        %swap3A_1088 = arith.constant 3 : i32
        %swap3A_1089 = arith.index_cast %swap3A_1088 : i32 to index
        %swap3A_1090 = arith.index_cast %shift_right_arithmetic3A_1070 : i32 to index
        %swap3A_1091 = arith.index_cast %mul3A_1074 : i32 to index
        %swap3A_1092 = tpu.vector_load %arg8[%swap3A_1089, %swap3A_1090, %swap3A_1091] {strides = array<i32>} : memref<8x16x128xf32, #tpu.memory_space<vmem>>, vector<1x1x16xf32>,
        %swap3A_1093 = vector.shape_cast %swap3A_1092 : vector<1x1x16xf32> to vector<16xf32>
        %swap3A_1094 = vector.shape_cast %add3A_1087 : vector<16xf32> to vector<1x1x16xf32>
        tpu.vector_store %arg8[%swap3A_1089, %swap3A_1090, %swap3A_1091], %swap3A_1094 {add = true, strides = array<i32>} : memref<8x16x128xf32, #tpu.memory_space<vmem>>, vector<1x1x16xf32>,
        %scan3A_1095 = arith.constant 3 : i32
        %scan3A_1096 = arith.addi %scan3A_1016, %scan3A_1095 : i32
        %shift_right_arithmetic3A_1097 = arith.constant 3 : i32
        %shift_right_arithmetic3A_1098 = arith.shrsi %scan3A_1096, %shift_right_arithmetic3A_1097 : i32
        %and3A_1099 = arith.constant 7 : i32
        %and3A_1100 = arith.andi %scan3A_1096, %and3A_1099 : i32
        %mul3A_1101 = arith.constant 16 : i32
        %mul3A_1102 = arith.muli %and3A_1100, %mul3A_1101 : i32
        %get3A_1103 = arith.constant 3 : i32
        %get3A_1104 = arith.index_cast %get3A_1103 : i32 to index
        %get3A_1105 = arith.index_cast %shift_right_arithmetic3A_1098 : i32 to index
        %get3A_1106 = arith.index_cast %mul3A_1102 : i32 to index
        %get3A_1107 = tpu.vector_load %arg9[%get3A_1104, %get3A_1105, %get3A_1106] {strides = array<i32>} : memref<8x16x128xf32, #tpu.memory_space<vmem>>, vector<1x1x16xf32>,
        %get3A_1108 = vector.shape_cast %get3A_1107 : vector<1x1x16xf32> to vector<16xf32>
        %get3A_1109 = arith.constant 3 : i32
        %get3A_1110 = arith.index_cast %get3A_1109 : i32 to index
        %get3A_1111 = arith.index_cast %shift_right_arithmetic3A_1098 : i32 to index
        %get3A_1112 = arith.index_cast %mul3A_1102 : i32 to index
        %get3A_1113 = tpu.vector_load %arg10[%get3A_1110, %get3A_1111, %get3A_1112] {strides = array<i32>} : memref<8x16x128xf32, #tpu.memory_space<vmem>>, vector<1x1x16xf32>,
        %get3A_1114 = vector.shape_cast %get3A_1113 : vector<1x1x16xf32> to vector<16xf32>
        %add3A_1115 = arith.addf %get3A_1108, %get3A_1114 : vector<16xf32>
        %swap3A_1116 = arith.constant 3 : i32
        %swap3A_1117 = arith.index_cast %swap3A_1116 : i32 to index
        %swap3A_1118 = arith.index_cast %shift_right_arithmetic3A_1098 : i32 to index
        %swap3A_1119 = arith.index_cast %mul3A_1102 : i32 to index
        %swap3A_1120 = tpu.vector_load %arg8[%swap3A_1117, %swap3A_1118, %swap3A_1119] {strides = array<i32>} : memref<8x16x128xf32, #tpu.memory_space<vmem>>, vector<1x1x16xf32>,
        %swap3A_1121 = vector.shape_cast %swap3A_1120 : vector<1x1x16xf32> to vector<16xf32>
        %swap3A_1122 = vector.shape_cast %add3A_1115 : vector<16xf32> to vector<1x1x16xf32>
        tpu.vector_store %arg8[%swap3A_1117, %swap3A_1118, %swap3A_1119], %swap3A_1122 {add = true, strides = array<i32>} : memref<8x16x128xf32, #tpu.memory_space<vmem>>, vector<1x1x16xf32>,
        %scan3A_1123 = arith.constant 4 : i32
        %scan3A_1124 = arith.addi %scan3A_1016, %scan3A_1123 : i32
        %shift_right_arithmetic3A_1125 = arith.constant 3 : i32
        %shift_right_arithmetic3A_1126 = arith.shrsi %scan3A_1124, %shift_right_arithmetic3A_1125 : i32
        %and3A_1127 = arith.constant 7 : i32
        %and3A_1128 = arith.andi %scan3A_1124, %and3A_1127 : i32
        %mul3A_1129 = arith.constant 16 : i32
        %mul3A_1130 = arith.muli %and3A_1128, %mul3A_1129 : i32
        %get3A_1131 = arith.constant 3 : i32
        %get3A_1132 = arith.index_cast %get3A_1131 : i32 to index
        %get3A_1133 = arith.index_cast %shift_right_arithmetic3A_1126 : i32 to index
        %get3A_1134 = arith.index_cast %mul3A_1130 : i32 to index
        %get3A_1135 = tpu.vector_load %arg9[%get3A_1132, %get3A_1133, %get3A_1134] {strides = array<i32>} : memref<8x16x128xf32, #tpu.memory_space<vmem>>, vector<1x1x16xf32>,
        %get3A_1136 = vector.shape_cast %get3A_1135 : vector<1x1x16xf32> to vector<16xf32>
        %get3A_1137 = arith.constant 3 : i32
        %get3A_1138 = arith.index_cast %get3A_1137 : i32 to index
        %get3A_1139 = arith.index_cast %shift_right_arithmetic3A_1126 : i32 to index
        %get3A_1140 = arith.index_cast %mul3A_1130 : i32 to index
        %get3A_1141 = tpu.vector_load %arg10[%get3A_1138, %get3A_1139, %get3A_1140] {strides = array<i32>} : memref<8x16x128xf32, #tpu.memory_space<vmem>>, vector<1x1x16xf32>,
        %get3A_1142 = vector.shape_cast %get3A_1141 : vector<1x1x16xf32> to vector<16xf32>
        %add3A_1143 = arith.addf %get3A_1136, %get3A_1142 : vector<16xf32>
        %swap3A_1144 = arith.constant 3 : i32
        %swap3A_1145 = arith.index_cast %swap3A_1144 : i32 to index
        %swap3A_1146 = arith.index_cast %shift_right_arithmetic3A_1126 : i32 to index
        %swap3A_1147 = arith.index_cast %mul3A_1130 : i32 to index
        %swap3A_1148 = tpu.vector_load %arg8[%swap3A_1145, %swap3A_1146, %swap3A_1147] {strides = array<i32>} : memref<8x16x128xf32, #tpu.memory_space<vmem>>, vector<1x1x16xf32>,
        %swap3A_1149 = vector.shape_cast %swap3A_1148 : vector<1x1x16xf32> to vector<16xf32>
        %swap3A_1150 = vector.shape_cast %add3A_1143 : vector<16xf32> to vector<1x1x16xf32>
        tpu.vector_store %arg8[%swap3A_1145, %swap3A_1146, %swap3A_1147], %swap3A_1150 {add = true, strides = array<i32>} : memref<8x16x128xf32, #tpu.memory_space<vmem>>, vector<1x1x16xf32>,
        %scan3A_1151 = arith.constant 5 : i32
        %scan3A_1152 = arith.addi %scan3A_1016, %scan3A_1151 : i32
        %shift_right_arithmetic3A_1153 = arith.constant 3 : i32
        %shift_right_arithmetic3A_1154 = arith.shrsi %scan3A_1152, %shift_right_arithmetic3A_1153 : i32
        %and3A_1155 = arith.constant 7 : i32
        %and3A_1156 = arith.andi %scan3A_1152, %and3A_1155 : i32
        %mul3A_1157 = arith.constant 16 : i32
        %mul3A_1158 = arith.muli %and3A_1156, %mul3A_1157 : i32
        %get3A_1159 = arith.constant 3 : i32
        %get3A_1160 = arith.index_cast %get3A_1159 : i32 to index
        %get3A_1161 = arith.index_cast %shift_right_arithmetic3A_1154 : i32 to index
        %get3A_1162 = arith.index_cast %mul3A_1158 : i32 to index
        %get3A_1163 = tpu.vector_load %arg9[%get3A_1160, %get3A_1161, %get3A_1162] {strides = array<i32>} : memref<8x16x128xf32, #tpu.memory_space<vmem>>, vector<1x1x16xf32>,
        %get3A_1164 = vector.shape_cast %get3A_1163 : vector<1x1x16xf32> to vector<16xf32>
        %get3A_1165 = arith.constant 3 : i32
        %get3A_1166 = arith.index_cast %get3A_1165 : i32 to index
        %get3A_1167 = arith.index_cast %shift_right_arithmetic3A_1154 : i32 to index
        %get3A_1168 = arith.index_cast %mul3A_1158 : i32 to index
        %get3A_1169 = tpu.vector_load %arg10[%get3A_1166, %get3A_1167, %get3A_1168] {strides = array<i32>} : memref<8x16x128xf32, #tpu.memory_space<vmem>>, vector<1x1x16xf32>,
        %get3A_1170 = vector.shape_cast %get3A_1169 : vector<1x1x16xf32> to vector<16xf32>
        %add3A_1171 = arith.addf %get3A_1164, %get3A_1170 : vector<16xf32>
        %swap3A_1172 = arith.constant 3 : i32
        %swap3A_1173 = arith.index_cast %swap3A_1172 : i32 to index
        %swap3A_1174 = arith.index_cast %shift_right_arithmetic3A_1154 : i32 to index
        %swap3A_1175 = arith.index_cast %mul3A_1158 : i32 to index
        %swap3A_1176 = tpu.vector_load %arg8[%swap3A_1173, %swap3A_1174, %swap3A_1175] {strides = array<i32>} : memref<8x16x128xf32, #tpu.memory_space<vmem>>, vector<1x1x16xf32>,
        %swap3A_1177 = vector.shape_cast %swap3A_1176 : vector<1x1x16xf32> to vector<16xf32>
        %swap3A_1178 = vector.shape_cast %add3A_1171 : vector<16xf32> to vector<1x1x16xf32>
        tpu.vector_store %arg8[%swap3A_1173, %swap3A_1174, %swap3A_1175], %swap3A_1178 {add = true, strides = array<i32>} : memref<8x16x128xf32, #tpu.memory_space<vmem>>, vector<1x1x16xf32>,
        %scan3A_1179 = arith.constant 6 : i32
        %scan3A_1180 = arith.addi %scan3A_1016, %scan3A_1179 : i32
        %shift_right_arithmetic3A_1181 = arith.constant 3 : i32
        %shift_right_arithmetic3A_1182 = arith.shrsi %scan3A_1180, %shift_right_arithmetic3A_1181 : i32
        %and3A_1183 = arith.constant 7 : i32
        %and3A_1184 = arith.andi %scan3A_1180, %and3A_1183 : i32
        %mul3A_1185 = arith.constant 16 : i32
        %mul3A_1186 = arith.muli %and3A_1184, %mul3A_1185 : i32
        %get3A_1187 = arith.constant 3 : i32
        %get3A_1188 = arith.index_cast %get3A_1187 : i32 to index
        %get3A_1189 = arith.index_cast %shift_right_arithmetic3A_1182 : i32 to index
        %get3A_1190 = arith.index_cast %mul3A_1186 : i32 to index
        %get3A_1191 = tpu.vector_load %arg9[%get3A_1188, %get3A_1189, %get3A_1190] {strides = array<i32>} : memref<8x16x128xf32, #tpu.memory_space<vmem>>, vector<1x1x16xf32>,
        %get3A_1192 = vector.shape_cast %get3A_1191 : vector<1x1x16xf32> to vector<16xf32>
        %get3A_1193 = arith.constant 3 : i32
        %get3A_1194 = arith.index_cast %get3A_1193 : i32 to index
        %get3A_1195 = arith.index_cast %shift_right_arithmetic3A_1182 : i32 to index
        %get3A_1196 = arith.index_cast %mul3A_1186 : i32 to index
        %get3A_1197 = tpu.vector_load %arg10[%get3A_1194, %get3A_1195, %get3A_1196] {strides = array<i32>} : memref<8x16x128xf32, #tpu.memory_space<vmem>>, vector<1x1x16xf32>,
        %get3A_1198 = vector.shape_cast %get3A_1197 : vector<1x1x16xf32> to vector<16xf32>
        %add3A_1199 = arith.addf %get3A_1192, %get3A_1198 : vector<16xf32>
        %swap3A_1200 = arith.constant 3 : i32
        %swap3A_1201 = arith.index_cast %swap3A_1200 : i32 to index
        %swap3A_1202 = arith.index_cast %shift_right_arithmetic3A_1182 : i32 to index
        %swap3A_1203 = arith.index_cast %mul3A_1186 : i32 to index
        %swap3A_1204 = tpu.vector_load %arg8[%swap3A_1201, %swap3A_1202, %swap3A_1203] {strides = array<i32>} : memref<8x16x128xf32, #tpu.memory_space<vmem>>, vector<1x1x16xf32>,
        %swap3A_1205 = vector.shape_cast %swap3A_1204 : vector<1x1x16xf32> to vector<16xf32>
        %swap3A_1206 = vector.shape_cast %add3A_1199 : vector<16xf32> to vector<1x1x16xf32>
        tpu.vector_store %arg8[%swap3A_1201, %swap3A_1202, %swap3A_1203], %swap3A_1206 {add = true, strides = array<i32>} : memref<8x16x128xf32, #tpu.memory_space<vmem>>, vector<1x1x16xf32>,
        %scan3A_1207 = arith.constant 7 : i32
        %scan3A_1208 = arith.addi %scan3A_1016, %scan3A_1207 : i32
        %shift_right_arithmetic3A_1209 = arith.constant 3 : i32
        %shift_right_arithmetic3A_1210 = arith.shrsi %scan3A_1208, %shift_right_arithmetic3A_1209 : i32
        %and3A_1211 = arith.constant 7 : i32
        %and3A_1212 = arith.andi %scan3A_1208, %and3A_1211 : i32
        %mul3A_1213 = arith.constant 16 : i32
        %mul3A_1214 = arith.muli %and3A_1212, %mul3A_1213 : i32
        %get3A_1215 = arith.constant 3 : i32
        %get3A_1216 = arith.index_cast %get3A_1215 : i32 to index
        %get3A_1217 = arith.index_cast %shift_right_arithmetic3A_1210 : i32 to index
        %get3A_1218 = arith.index_cast %mul3A_1214 : i32 to index
        %get3A_1219 = tpu.vector_load %arg9[%get3A_1216, %get3A_1217, %get3A_1218] {strides = array<i32>} : memref<8x16x128xf32, #tpu.memory_space<vmem>>, vector<1x1x16xf32>,
        %get3A_1220 = vector.shape_cast %get3A_1219 : vector<1x1x16xf32> to vector<16xf32>
        %get3A_1221 = arith.constant 3 : i32
        %get3A_1222 = arith.index_cast %get3A_1221 : i32 to index
        %get3A_1223 = arith.index_cast %shift_right_arithmetic3A_1210 : i32 to index
        %get3A_1224 = arith.index_cast %mul3A_1214 : i32 to index
        %get3A_1225 = tpu.vector_load %arg10[%get3A_1222, %get3A_1223, %get3A_1224] {strides = array<i32>} : memref<8x16x128xf32, #tpu.memory_space<vmem>>, vector<1x1x16xf32>,
        %get3A_1226 = vector.shape_cast %get3A_1225 : vector<1x1x16xf32> to vector<16xf32>
        %add3A_1227 = arith.addf %get3A_1220, %get3A_1226 : vector<16xf32>
        %swap3A_1228 = arith.constant 3 : i32
        %swap3A_1229 = arith.index_cast %swap3A_1228 : i32 to index
        %swap3A_1230 = arith.index_cast %shift_right_arithmetic3A_1210 : i32 to index
        %swap3A_1231 = arith.index_cast %mul3A_1214 : i32 to index
        %swap3A_1232 = tpu.vector_load %arg8[%swap3A_1229, %swap3A_1230, %swap3A_1231] {strides = array<i32>} : memref<8x16x128xf32, #tpu.memory_space<vmem>>, vector<1x1x16xf32>,
        %swap3A_1233 = vector.shape_cast %swap3A_1232 : vector<1x1x16xf32> to vector<16xf32>
        %swap3A_1234 = vector.shape_cast %add3A_1227 : vector<16xf32> to vector<1x1x16xf32>
        tpu.vector_store %arg8[%swap3A_1229, %swap3A_1230, %swap3A_1231], %swap3A_1234 {add = true, strides = array<i32>} : memref<8x16x128xf32, #tpu.memory_space<vmem>>, vector<1x1x16xf32>,
      }
      %scan3A_656 = arith.constant 128 : i32
      %mul3A_657 = arith.constant 16 : i32
      %mul3A_658 = arith.muli %add3A_594, %mul3A_657 : i32
      %add3A_659 = arith.addi %mul3A_2, %mul3A_658 : i32
      %dma_start3A_660 = arith.constant 3 : i32
      %dma_start3A_661 = arith.constant 3 : i32
      %dma_start3A_662 = arith.constant 0 : i32
      %dma_start3A_663 = arith.constant 0 : i32
      %dma_start3A_664 = tpu.memref_slice %arg8[%dma_start3A_660, %dma_start3A_662, %dma_start3A_663] : memref<8x16x128xf32, #tpu.memory_space<vmem>> -> memref<1x16x128xf32, #tpu.memory_space<vmem>>
      %dma_start3A_665 = tpu.memref_squeeze %dma_start3A_664 : memref<1x16x128xf32, #tpu.memory_space<vmem>> -> memref<16x128xf32, #tpu.memory_space<vmem>>
      %dma_start3A_666 = arith.constant 0 : i32
      %dma_start3A_667 = tpu.memref_slice %arg6[%add3A_659, %dma_start3A_666] : memref<204800x128xf32, #tpu.memory_space<hbm>> -> memref<16x128xf32, #tpu.memory_space<hbm>>
      %dma_start3A_668 = tpu.memref_slice %arg13[%dma_start3A_661] : memref<8x!tpu.dma_semaphore, #tpu.memory_space<semaphore_mem>> -> memref<1x!tpu.dma_semaphore, #tpu.memory_space<semaphore_mem>>
      %dma_start3A_669 = tpu.memref_squeeze %dma_start3A_668 : memref<1x!tpu.dma_semaphore, #tpu.memory_space<semaphore_mem>> -> memref<!tpu.dma_semaphore, #tpu.memory_space<semaphore_mem>>
      %dma_start3A_670 = arith.constant 0 : i32
      %dma_start3A_671 = tpu.memref_slice %arg6[%add3A_659, %dma_start3A_670] : memref<204800x128xf32, #tpu.memory_space<hbm>> -> memref<16x128xf32, #tpu.memory_space<hbm>>
      %dma_start3A_672 = arith.constant 0 : i32
      %dma_start3A_673 = arith.constant 0 : i32
      %dma_start3A_674 = tpu.memref_slice %arg8[%dma_start3A_660, %dma_start3A_672, %dma_start3A_673] : memref<8x16x128xf32, #tpu.memory_space<vmem>> -> memref<1x16x128xf32, #tpu.memory_space<vmem>>
      %dma_start3A_675 = tpu.memref_squeeze %dma_start3A_674 : memref<1x16x128xf32, #tpu.memory_space<vmem>> -> memref<16x128xf32, #tpu.memory_space<vmem>>
      tpu.enqueue_dma source(%dma_start3A_675 : memref<16x128xf32, #tpu.memory_space<vmem>>) target(%dma_start3A_671 : memref<16x128xf32, #tpu.memory_space<hbm>>) target_semaphore(%dma_start3A_669 : memref<!tpu.dma_semaphore, #tpu.memory_space<semaphore_mem>>)
      %mul3A_676 = arith.constant 8 : i32
      %mul3A_677 = arith.muli %scan3A_338, %mul3A_676 : i32
      %add3A_678 = arith.constant 4 : i32
      %add3A_679 = arith.addi %mul3A_677, %add3A_678 : i32
      %add3A_680 = arith.constant 4 : i32
      %add3A_681 = arith.addi %add3A_679, %add3A_680 : i32
      %lt3A_682 = arith.constant 400 : i32
      %lt3A_683 = arith.cmpi slt, %add3A_681, %lt3A_682 : i32
      %convert_element_type3A_684 = arith.extui %lt3A_683 : i1 to i32
      %cond3A_685 = arith.constant 0 : i32
      %cond3A_686 = arith.cmpi ne, %convert_element_type3A_684, %cond3A_685 : i32
      scf.if %cond3A_686 {
        %add3A_1016 = arith.constant 4 : i32
        %add3A_1017 = arith.addi %add3A_679, %add3A_1016 : i32
        %ge3A = arith.constant 8 : i32
        %ge3A_1018 = arith.cmpi sge, %add3A_1017, %ge3A : i32
        %convert_element_type3A_1019 = arith.extui %ge3A_1018 : i1 to i32
        %cond3A_1020 = arith.constant 0 : i32
        %cond3A_1021 = arith.cmpi ne, %convert_element_type3A_1019, %cond3A_1020 : i32
        scf.if %cond3A_1021 {
          %add3A_1073 = arith.constant 4 : i32
          %add3A_1074 = arith.addi %add3A_679, %add3A_1073 : i32
          %sub3A = arith.constant 8 : i32
          %sub3A_1075 = arith.subi %add3A_1074, %sub3A : i32
          %mul3A_1076 = arith.constant 16 : i32
          %mul3A_1077 = arith.muli %sub3A_1075, %mul3A_1076 : i32
          %add3A_1078 = arith.addi %mul3A_2, %mul3A_1077 : i32
          %dma_wait3A_1079 = arith.constant 0 : i32
          %dma_wait3A_1080 = arith.constant 0 : i32
          %dma_wait3A_1081 = arith.constant 0 : i32
          %dma_wait3A_1082 = arith.constant 0 : i32
          %dma_wait3A_1083 = tpu.memref_slice %arg8[%dma_wait3A_1079, %dma_wait3A_1081, %dma_wait3A_1082] : memref<8x16x128xf32, #tpu.memory_space<vmem>> -> memref<1x16x128xf32, #tpu.memory_space<vmem>>
          %dma_wait3A_1084 = tpu.memref_squeeze %dma_wait3A_1083 : memref<1x16x128xf32, #tpu.memory_space<vmem>> -> memref<16x128xf32, #tpu.memory_space<vmem>>
          %dma_wait3A_1085 = arith.constant 0 : i32
          %dma_wait3A_1086 = tpu.memref_slice %arg6[%add3A_1078, %dma_wait3A_1085] : memref<204800x128xf32, #tpu.memory_space<hbm>> -> memref<16x128xf32, #tpu.memory_space<hbm>>
          %dma_wait3A_1087 = tpu.memref_slice %arg13[%dma_wait3A_1080] : memref<8x!tpu.dma_semaphore, #tpu.memory_space<semaphore_mem>> -> memref<1x!tpu.dma_semaphore, #tpu.memory_space<semaphore_mem>>
          %dma_wait3A_1088 = tpu.memref_squeeze %dma_wait3A_1087 : memref<1x!tpu.dma_semaphore, #tpu.memory_space<semaphore_mem>> -> memref<!tpu.dma_semaphore, #tpu.memory_space<semaphore_mem>>
          %dma_wait3A_1089 = arith.constant 0 : i32
          %dma_wait3A_1090 = tpu.memref_slice %arg6[%add3A_1078, %dma_wait3A_1089] : memref<204800x128xf32, #tpu.memory_space<hbm>> -> memref<16x128xf32, #tpu.memory_space<hbm>>
          %dma_wait3A_1091 = arith.constant 0 : i32
          %dma_wait3A_1092 = arith.constant 0 : i32
          %dma_wait3A_1093 = tpu.memref_slice %arg8[%dma_wait3A_1079, %dma_wait3A_1091, %dma_wait3A_1092] : memref<8x16x128xf32, #tpu.memory_space<vmem>> -> memref<1x16x128xf32, #tpu.memory_space<vmem>>
          %dma_wait3A_1094 = tpu.memref_squeeze %dma_wait3A_1093 : memref<1x16x128xf32, #tpu.memory_space<vmem>> -> memref<16x128xf32, #tpu.memory_space<vmem>>
          tpu.wait_dma2 semaphore(%dma_wait3A_1088 : memref<!tpu.dma_semaphore, #tpu.memory_space<semaphore_mem>>) src(%dma_wait3A_1094 : memref<16x128xf32, #tpu.memory_space<vmem>>) dst(%dma_wait3A_1090 : memref<16x128xf32, #tpu.memory_space<hbm>>)
        } else {
        }
        %add3A_1022 = arith.constant 4 : i32
        %add3A_1023 = arith.addi %add3A_679, %add3A_1022 : i32
        %mul3A_1024 = arith.constant 16 : i32
        %mul3A_1025 = arith.muli %add3A_1023, %mul3A_1024 : i32
        %add3A_1026 = arith.addi %mul3A_2, %mul3A_1025 : i32
        %dma_start3A_1027 = arith.constant 0 : i32
        %dma_start3A_1028 = arith.constant 0 : i32
        %dma_start3A_1029 = arith.constant 0 : i32
        %dma_start3A_1030 = arith.constant 0 : i32
        %dma_start3A_1031 = tpu.memref_slice %arg9[%dma_start3A_1027, %dma_start3A_1029, %dma_start3A_1030] : memref<8x16x128xf32, #tpu.memory_space<vmem>> -> memref<1x16x128xf32, #tpu.memory_space<vmem>>
        %dma_start3A_1032 = tpu.memref_squeeze %dma_start3A_1031 : memref<1x16x128xf32, #tpu.memory_space<vmem>> -> memref<16x128xf32, #tpu.memory_space<vmem>>
        %dma_start3A_1033 = arith.constant 0 : i32
        %dma_start3A_1034 = tpu.memref_slice %arg2[%add3A_1026, %dma_start3A_1033] : memref<204800x128xf32, #tpu.memory_space<hbm>> -> memref<16x128xf32, #tpu.memory_space<hbm>>
        %dma_start3A_1035 = tpu.memref_slice %arg12[%dma_start3A_1028] : memref<8x!tpu.dma_semaphore, #tpu.memory_space<semaphore_mem>> -> memref<1x!tpu.dma_semaphore, #tpu.memory_space<semaphore_mem>>
        %dma_start3A_1036 = tpu.memref_squeeze %dma_start3A_1035 : memref<1x!tpu.dma_semaphore, #tpu.memory_space<semaphore_mem>> -> memref<!tpu.dma_semaphore, #tpu.memory_space<semaphore_mem>>
        %dma_start3A_1037 = arith.constant 0 : i32
        %dma_start3A_1038 = arith.constant 0 : i32
        %dma_start3A_1039 = tpu.memref_slice %arg9[%dma_start3A_1027, %dma_start3A_1037, %dma_start3A_1038] : memref<8x16x128xf32, #tpu.memory_space<vmem>> -> memref<1x16x128xf32, #tpu.memory_space<vmem>>
        %dma_start3A_1040 = tpu.memref_squeeze %dma_start3A_1039 : memref<1x16x128xf32, #tpu.memory_space<vmem>> -> memref<16x128xf32, #tpu.memory_space<vmem>>
        %dma_start3A_1041 = arith.constant 0 : i32
        %dma_start3A_1042 = tpu.memref_slice %arg2[%add3A_1026, %dma_start3A_1041] : memref<204800x128xf32, #tpu.memory_space<hbm>> -> memref<16x128xf32, #tpu.memory_space<hbm>>
        tpu.enqueue_dma source(%dma_start3A_1042 : memref<16x128xf32, #tpu.memory_space<hbm>>) target(%dma_start3A_1040 : memref<16x128xf32, #tpu.memory_space<vmem>>) target_semaphore(%dma_start3A_1036 : memref<!tpu.dma_semaphore, #tpu.memory_space<semaphore_mem>>)
        %dma_start3A_1043 = arith.constant 0 : i32
        %dma_start3A_1044 = arith.constant 0 : i32
        %dma_start3A_1045 = arith.constant 0 : i32
        %dma_start3A_1046 = arith.constant 0 : i32
        %dma_start3A_1047 = tpu.memref_slice %arg10[%dma_start3A_1043, %dma_start3A_1045, %dma_start3A_1046] : memref<8x16x128xf32, #tpu.memory_space<vmem>> -> memref<1x16x128xf32, #tpu.memory_space<vmem>>
        %dma_start3A_1048 = tpu.memref_squeeze %dma_start3A_1047 : memref<1x16x128xf32, #tpu.memory_space<vmem>> -> memref<16x128xf32, #tpu.memory_space<vmem>>
        %dma_start3A_1049 = arith.constant 0 : i32
        %dma_start3A_1050 = tpu.memref_slice %arg4[%add3A_1026, %dma_start3A_1049] : memref<204800x128xf32, #tpu.memory_space<hbm>> -> memref<16x128xf32, #tpu.memory_space<hbm>>
        %dma_start3A_1051 = tpu.memref_slice %arg12[%dma_start3A_1044] : memref<8x!tpu.dma_semaphore, #tpu.memory_space<semaphore_mem>> -> memref<1x!tpu.dma_semaphore, #tpu.memory_space<semaphore_mem>>
        %dma_start3A_1052 = tpu.memref_squeeze %dma_start3A_1051 : memref<1x!tpu.dma_semaphore, #tpu.memory_space<semaphore_mem>> -> memref<!tpu.dma_semaphore, #tpu.memory_space<semaphore_mem>>
        %dma_start3A_1053 = arith.constant 0 : i32
        %dma_start3A_1054 = arith.constant 0 : i32
        %dma_start3A_1055 = tpu.memref_slice %arg10[%dma_start3A_1043, %dma_start3A_1053, %dma_start3A_1054] : memref<8x16x128xf32, #tpu.memory_space<vmem>> -> memref<1x16x128xf32, #tpu.memory_space<vmem>>
        %dma_start3A_1056 = tpu.memref_squeeze %dma_start3A_1055 : memref<1x16x128xf32, #tpu.memory_space<vmem>> -> memref<16x128xf32, #tpu.memory_space<vmem>>
        %dma_start3A_1057 = arith.constant 0 : i32
        %dma_start3A_1058 = tpu.memref_slice %arg4[%add3A_1026, %dma_start3A_1057] : memref<204800x128xf32, #tpu.memory_space<hbm>> -> memref<16x128xf32, #tpu.memory_space<hbm>>
        tpu.enqueue_dma source(%dma_start3A_1058 : memref<16x128xf32, #tpu.memory_space<hbm>>) target(%dma_start3A_1056 : memref<16x128xf32, #tpu.memory_space<vmem>>) target_semaphore(%dma_start3A_1052 : memref<!tpu.dma_semaphore, #tpu.memory_space<semaphore_mem>>)
        %mul3A_1059 = arith.constant 16 : i32
        %mul3A_1060 = arith.muli %add3A_1023, %mul3A_1059 : i32
        %dma_start3A_1061 = arith.constant 0 : i32
        %dma_start3A_1062 = arith.constant 0 : i32
        %dma_start3A_1063 = arith.constant 0 : i32
        %dma_start3A_1064 = arith.constant 0 : i32
        %dma_start3A_1065 = tpu.memref_slice %arg8[%dma_start3A_1061, %dma_start3A_1063, %dma_start3A_1064] : memref<8x16x128xf32, #tpu.memory_space<vmem>> -> memref<1x16x128xf32, #tpu.memory_space<vmem>>
        %dma_start3A_1066 = tpu.memref_squeeze %dma_start3A_1065 : memref<1x16x128xf32, #tpu.memory_space<vmem>> -> memref<16x128xf32, #tpu.memory_space<vmem>>
        %dma_start3A_1067 = tpu.memref_slice %arg7[%mul3A_1060] : memref<6400xi32, #tpu.memory_space<vmem>> -> memref<16xi32, #tpu.memory_space<vmem>>
        %dma_start3A_1068 = arith.constant 0 : i32
        %dma_start3A_1069 = arith.constant 0 : i32
        %dma_start3A_1070 = tpu.memref_slice %arg5[%dma_start3A_1068, %dma_start3A_1069] : memref<100000x128xf32, #tpu.memory_space<hbm>> -> memref<100000x128xf32, #tpu.memory_space<hbm>>
        %dma_start3A_1071 = tpu.memref_slice %arg11[%dma_start3A_1062] : memref<8x!tpu.dma_semaphore, #tpu.memory_space<semaphore_mem>> -> memref<1x!tpu.dma_semaphore, #tpu.memory_space<semaphore_mem>>
        %dma_start3A_1072 = tpu.memref_squeeze %dma_start3A_1071 : memref<1x!tpu.dma_semaphore, #tpu.memory_space<semaphore_mem>> -> memref<!tpu.dma_semaphore, #tpu.memory_space<semaphore_mem>>
        tpu.enqueue_indirect_dma source(%dma_start3A_1070 : memref<100000x128xf32, #tpu.memory_space<hbm>>) target(%dma_start3A_1066 : memref<16x128xf32, #tpu.memory_space<vmem>>) offsets(%dma_start3A_1067 : memref<16xi32, #tpu.memory_space<vmem>>) semaphore(%dma_start3A_1072 : memref<!tpu.dma_semaphore, #tpu.memory_space<semaphore_mem>>)
      } else {
      }
      %mul3A_687 = arith.constant 16 : i32
      %mul3A_688 = arith.muli %add3A_679, %mul3A_687 : i32
      %dma_wait3A_689 = arith.constant 4 : i32
      %dma_wait3A_690 = arith.constant 4 : i32
      %dma_wait3A_691 = arith.constant 0 : i32
      %dma_wait3A_692 = arith.constant 0 : i32
      %dma_wait3A_693 = tpu.memref_slice %arg8[%dma_wait3A_689, %dma_wait3A_691, %dma_wait3A_692] : memref<8x16x128xf32, #tpu.memory_space<vmem>> -> memref<1x16x128xf32, #tpu.memory_space<vmem>>
      %dma_wait3A_694 = tpu.memref_squeeze %dma_wait3A_693 : memref<1x16x128xf32, #tpu.memory_space<vmem>> -> memref<16x128xf32, #tpu.memory_space<vmem>>
      %dma_wait3A_695 = tpu.memref_slice %arg7[%mul3A_688] : memref<6400xi32, #tpu.memory_space<vmem>> -> memref<16xi32, #tpu.memory_space<vmem>>
      %dma_wait3A_696 = arith.constant 0 : i32
      %dma_wait3A_697 = arith.constant 0 : i32
      %dma_wait3A_698 = tpu.memref_slice %arg5[%dma_wait3A_696, %dma_wait3A_697] : memref<100000x128xf32, #tpu.memory_space<hbm>> -> memref<100000x128xf32, #tpu.memory_space<hbm>>
      %dma_wait3A_699 = tpu.memref_slice %arg11[%dma_wait3A_690] : memref<8x!tpu.dma_semaphore, #tpu.memory_space<semaphore_mem>> -> memref<1x!tpu.dma_semaphore, #tpu.memory_space<semaphore_mem>>
      %dma_wait3A_700 = tpu.memref_squeeze %dma_wait3A_699 : memref<1x!tpu.dma_semaphore, #tpu.memory_space<semaphore_mem>> -> memref<!tpu.dma_semaphore, #tpu.memory_space<semaphore_mem>>
      tpu.wait_indirect_dma semaphore(%dma_wait3A_700 : memref<!tpu.dma_semaphore, #tpu.memory_space<semaphore_mem>>) src(%dma_wait3A_698 : memref<100000x128xf32, #tpu.memory_space<hbm>>) dst(%dma_wait3A_694 : memref<16x128xf32, #tpu.memory_space<vmem>>)
      %mul3A_701 = arith.constant 16 : i32
      %mul3A_702 = arith.muli %add3A_679, %mul3A_701 : i32
      %add3A_703 = arith.addi %mul3A_2, %mul3A_702 : i32
      %dma_wait3A_704 = arith.constant 4 : i32
      %dma_wait3A_705 = arith.constant 4 : i32
      %dma_wait3A_706 = arith.constant 0 : i32
      %dma_wait3A_707 = arith.constant 0 : i32
      %dma_wait3A_708 = tpu.memref_slice %arg9[%dma_wait3A_704, %dma_wait3A_706, %dma_wait3A_707] : memref<8x16x128xf32, #tpu.memory_space<vmem>> -> memref<1x16x128xf32, #tpu.memory_space<vmem>>
      %dma_wait3A_709 = tpu.memref_squeeze %dma_wait3A_708 : memref<1x16x128xf32, #tpu.memory_space<vmem>> -> memref<16x128xf32, #tpu.memory_space<vmem>>
      %dma_wait3A_710 = arith.constant 0 : i32
      %dma_wait3A_711 = tpu.memref_slice %arg2[%add3A_703, %dma_wait3A_710] : memref<204800x128xf32, #tpu.memory_space<hbm>> -> memref<16x128xf32, #tpu.memory_space<hbm>>
      %dma_wait3A_712 = tpu.memref_slice %arg12[%dma_wait3A_705] : memref<8x!tpu.dma_semaphore, #tpu.memory_space<semaphore_mem>> -> memref<1x!tpu.dma_semaphore, #tpu.memory_space<semaphore_mem>>
      %dma_wait3A_713 = tpu.memref_squeeze %dma_wait3A_712 : memref<1x!tpu.dma_semaphore, #tpu.memory_space<semaphore_mem>> -> memref<!tpu.dma_semaphore, #tpu.memory_space<semaphore_mem>>
      %dma_wait3A_714 = arith.constant 0 : i32
      %dma_wait3A_715 = arith.constant 0 : i32
      %dma_wait3A_716 = tpu.memref_slice %arg9[%dma_wait3A_704, %dma_wait3A_714, %dma_wait3A_715] : memref<8x16x128xf32, #tpu.memory_space<vmem>> -> memref<1x16x128xf32, #tpu.memory_space<vmem>>
      %dma_wait3A_717 = tpu.memref_squeeze %dma_wait3A_716 : memref<1x16x128xf32, #tpu.memory_space<vmem>> -> memref<16x128xf32, #tpu.memory_space<vmem>>
      %dma_wait3A_718 = arith.constant 0 : i32
      %dma_wait3A_719 = tpu.memref_slice %arg2[%add3A_703, %dma_wait3A_718] : memref<204800x128xf32, #tpu.memory_space<hbm>> -> memref<16x128xf32, #tpu.memory_space<hbm>>
      tpu.wait_dma2 semaphore(%dma_wait3A_713 : memref<!tpu.dma_semaphore, #tpu.memory_space<semaphore_mem>>) src(%dma_wait3A_719 : memref<16x128xf32, #tpu.memory_space<hbm>>) dst(%dma_wait3A_717 : memref<16x128xf32, #tpu.memory_space<vmem>>)
      %dma_wait3A_720 = arith.constant 4 : i32
      %dma_wait3A_721 = arith.constant 4 : i32
      %dma_wait3A_722 = arith.constant 0 : i32
      %dma_wait3A_723 = arith.constant 0 : i32
      %dma_wait3A_724 = tpu.memref_slice %arg10[%dma_wait3A_720, %dma_wait3A_722, %dma_wait3A_723] : memref<8x16x128xf32, #tpu.memory_space<vmem>> -> memref<1x16x128xf32, #tpu.memory_space<vmem>>
      %dma_wait3A_725 = tpu.memref_squeeze %dma_wait3A_724 : memref<1x16x128xf32, #tpu.memory_space<vmem>> -> memref<16x128xf32, #tpu.memory_space<vmem>>
      %dma_wait3A_726 = arith.constant 0 : i32
      %dma_wait3A_727 = tpu.memref_slice %arg4[%add3A_703, %dma_wait3A_726] : memref<204800x128xf32, #tpu.memory_space<hbm>> -> memref<16x128xf32, #tpu.memory_space<hbm>>
      %dma_wait3A_728 = tpu.memref_slice %arg12[%dma_wait3A_721] : memref<8x!tpu.dma_semaphore, #tpu.memory_space<semaphore_mem>> -> memref<1x!tpu.dma_semaphore, #tpu.memory_space<semaphore_mem>>
      %dma_wait3A_729 = tpu.memref_squeeze %dma_wait3A_728 : memref<1x!tpu.dma_semaphore, #tpu.memory_space<semaphore_mem>> -> memref<!tpu.dma_semaphore, #tpu.memory_space<semaphore_mem>>
      %dma_wait3A_730 = arith.constant 0 : i32
      %dma_wait3A_731 = arith.constant 0 : i32
      %dma_wait3A_732 = tpu.memref_slice %arg10[%dma_wait3A_720, %dma_wait3A_730, %dma_wait3A_731] : memref<8x16x128xf32, #tpu.memory_space<vmem>> -> memref<1x16x128xf32, #tpu.memory_space<vmem>>
      %dma_wait3A_733 = tpu.memref_squeeze %dma_wait3A_732 : memref<1x16x128xf32, #tpu.memory_space<vmem>> -> memref<16x128xf32, #tpu.memory_space<vmem>>
      %dma_wait3A_734 = arith.constant 0 : i32
      %dma_wait3A_735 = tpu.memref_slice %arg4[%add3A_703, %dma_wait3A_734] : memref<204800x128xf32, #tpu.memory_space<hbm>> -> memref<16x128xf32, #tpu.memory_space<hbm>>
      tpu.wait_dma2 semaphore(%dma_wait3A_729 : memref<!tpu.dma_semaphore, #tpu.memory_space<semaphore_mem>>) src(%dma_wait3A_735 : memref<16x128xf32, #tpu.memory_space<hbm>>) dst(%dma_wait3A_733 : memref<16x128xf32, #tpu.memory_space<vmem>>)
      %scan3A_736 = arith.constant 0 : i32
      %scan3A_737 = arith.constant 0 : i32
      %scan3A_738 = arith.constant 128 : i32
      %scan3A_739 = arith.addi %scan3A_737, %scan3A_738 : i32
      %scan3A_740 = arith.constant 8 : i32
      scf.for %scan3A_1016 = %scan3A_737 to %scan3A_739 step %scan3A_740  : i32 {
        %shift_right_arithmetic3A = arith.constant 3 : i32
        %shift_right_arithmetic3A_1017 = arith.shrsi %scan3A_1016, %shift_right_arithmetic3A : i32
        %and3A = arith.constant 7 : i32
        %and3A_1018 = arith.andi %scan3A_1016, %and3A : i32
        %mul3A_1019 = arith.constant 16 : i32
        %mul3A_1020 = arith.muli %and3A_1018, %mul3A_1019 : i32
        %get3A = arith.constant 4 : i32
        %get3A_1021 = arith.index_cast %get3A : i32 to index
        %get3A_1022 = arith.index_cast %shift_right_arithmetic3A_1017 : i32 to index
        %get3A_1023 = arith.index_cast %mul3A_1020 : i32 to index
        %get3A_1024 = tpu.vector_load %arg9[%get3A_1021, %get3A_1022, %get3A_1023] {strides = array<i32>} : memref<8x16x128xf32, #tpu.memory_space<vmem>>, vector<1x1x16xf32>,
        %get3A_1025 = vector.shape_cast %get3A_1024 : vector<1x1x16xf32> to vector<16xf32>
        %get3A_1026 = arith.constant 4 : i32
        %get3A_1027 = arith.index_cast %get3A_1026 : i32 to index
        %get3A_1028 = arith.index_cast %shift_right_arithmetic3A_1017 : i32 to index
        %get3A_1029 = arith.index_cast %mul3A_1020 : i32 to index
        %get3A_1030 = tpu.vector_load %arg10[%get3A_1027, %get3A_1028, %get3A_1029] {strides = array<i32>} : memref<8x16x128xf32, #tpu.memory_space<vmem>>, vector<1x1x16xf32>,
        %get3A_1031 = vector.shape_cast %get3A_1030 : vector<1x1x16xf32> to vector<16xf32>
        %add3A_1032 = arith.addf %get3A_1025, %get3A_1031 : vector<16xf32>
        %swap3A = arith.constant 4 : i32
        %swap3A_1033 = arith.index_cast %swap3A : i32 to index
        %swap3A_1034 = arith.index_cast %shift_right_arithmetic3A_1017 : i32 to index
        %swap3A_1035 = arith.index_cast %mul3A_1020 : i32 to index
        %swap3A_1036 = tpu.vector_load %arg8[%swap3A_1033, %swap3A_1034, %swap3A_1035] {strides = array<i32>} : memref<8x16x128xf32, #tpu.memory_space<vmem>>, vector<1x1x16xf32>,
        %swap3A_1037 = vector.shape_cast %swap3A_1036 : vector<1x1x16xf32> to vector<16xf32>
        %swap3A_1038 = vector.shape_cast %add3A_1032 : vector<16xf32> to vector<1x1x16xf32>
        tpu.vector_store %arg8[%swap3A_1033, %swap3A_1034, %swap3A_1035], %swap3A_1038 {add = true, strides = array<i32>} : memref<8x16x128xf32, #tpu.memory_space<vmem>>, vector<1x1x16xf32>,
        %scan3A_1039 = arith.constant 1 : i32
        %scan3A_1040 = arith.addi %scan3A_1016, %scan3A_1039 : i32
        %shift_right_arithmetic3A_1041 = arith.constant 3 : i32
        %shift_right_arithmetic3A_1042 = arith.shrsi %scan3A_1040, %shift_right_arithmetic3A_1041 : i32
        %and3A_1043 = arith.constant 7 : i32
        %and3A_1044 = arith.andi %scan3A_1040, %and3A_1043 : i32
        %mul3A_1045 = arith.constant 16 : i32
        %mul3A_1046 = arith.muli %and3A_1044, %mul3A_1045 : i32
        %get3A_1047 = arith.constant 4 : i32
        %get3A_1048 = arith.index_cast %get3A_1047 : i32 to index
        %get3A_1049 = arith.index_cast %shift_right_arithmetic3A_1042 : i32 to index
        %get3A_1050 = arith.index_cast %mul3A_1046 : i32 to index
        %get3A_1051 = tpu.vector_load %arg9[%get3A_1048, %get3A_1049, %get3A_1050] {strides = array<i32>} : memref<8x16x128xf32, #tpu.memory_space<vmem>>, vector<1x1x16xf32>,
        %get3A_1052 = vector.shape_cast %get3A_1051 : vector<1x1x16xf32> to vector<16xf32>
        %get3A_1053 = arith.constant 4 : i32
        %get3A_1054 = arith.index_cast %get3A_1053 : i32 to index
        %get3A_1055 = arith.index_cast %shift_right_arithmetic3A_1042 : i32 to index
        %get3A_1056 = arith.index_cast %mul3A_1046 : i32 to index
        %get3A_1057 = tpu.vector_load %arg10[%get3A_1054, %get3A_1055, %get3A_1056] {strides = array<i32>} : memref<8x16x128xf32, #tpu.memory_space<vmem>>, vector<1x1x16xf32>,
        %get3A_1058 = vector.shape_cast %get3A_1057 : vector<1x1x16xf32> to vector<16xf32>
        %add3A_1059 = arith.addf %get3A_1052, %get3A_1058 : vector<16xf32>
        %swap3A_1060 = arith.constant 4 : i32
        %swap3A_1061 = arith.index_cast %swap3A_1060 : i32 to index
        %swap3A_1062 = arith.index_cast %shift_right_arithmetic3A_1042 : i32 to index
        %swap3A_1063 = arith.index_cast %mul3A_1046 : i32 to index
        %swap3A_1064 = tpu.vector_load %arg8[%swap3A_1061, %swap3A_1062, %swap3A_1063] {strides = array<i32>} : memref<8x16x128xf32, #tpu.memory_space<vmem>>, vector<1x1x16xf32>,
        %swap3A_1065 = vector.shape_cast %swap3A_1064 : vector<1x1x16xf32> to vector<16xf32>
        %swap3A_1066 = vector.shape_cast %add3A_1059 : vector<16xf32> to vector<1x1x16xf32>
        tpu.vector_store %arg8[%swap3A_1061, %swap3A_1062, %swap3A_1063], %swap3A_1066 {add = true, strides = array<i32>} : memref<8x16x128xf32, #tpu.memory_space<vmem>>, vector<1x1x16xf32>,
        %scan3A_1067 = arith.constant 2 : i32
        %scan3A_1068 = arith.addi %scan3A_1016, %scan3A_1067 : i32
        %shift_right_arithmetic3A_1069 = arith.constant 3 : i32
        %shift_right_arithmetic3A_1070 = arith.shrsi %scan3A_1068, %shift_right_arithmetic3A_1069 : i32
        %and3A_1071 = arith.constant 7 : i32
        %and3A_1072 = arith.andi %scan3A_1068, %and3A_1071 : i32
        %mul3A_1073 = arith.constant 16 : i32
        %mul3A_1074 = arith.muli %and3A_1072, %mul3A_1073 : i32
        %get3A_1075 = arith.constant 4 : i32
        %get3A_1076 = arith.index_cast %get3A_1075 : i32 to index
        %get3A_1077 = arith.index_cast %shift_right_arithmetic3A_1070 : i32 to index
        %get3A_1078 = arith.index_cast %mul3A_1074 : i32 to index
        %get3A_1079 = tpu.vector_load %arg9[%get3A_1076, %get3A_1077, %get3A_1078] {strides = array<i32>} : memref<8x16x128xf32, #tpu.memory_space<vmem>>, vector<1x1x16xf32>,
        %get3A_1080 = vector.shape_cast %get3A_1079 : vector<1x1x16xf32> to vector<16xf32>
        %get3A_1081 = arith.constant 4 : i32
        %get3A_1082 = arith.index_cast %get3A_1081 : i32 to index
        %get3A_1083 = arith.index_cast %shift_right_arithmetic3A_1070 : i32 to index
        %get3A_1084 = arith.index_cast %mul3A_1074 : i32 to index
        %get3A_1085 = tpu.vector_load %arg10[%get3A_1082, %get3A_1083, %get3A_1084] {strides = array<i32>} : memref<8x16x128xf32, #tpu.memory_space<vmem>>, vector<1x1x16xf32>,
        %get3A_1086 = vector.shape_cast %get3A_1085 : vector<1x1x16xf32> to vector<16xf32>
        %add3A_1087 = arith.addf %get3A_1080, %get3A_1086 : vector<16xf32>
        %swap3A_1088 = arith.constant 4 : i32
        %swap3A_1089 = arith.index_cast %swap3A_1088 : i32 to index
        %swap3A_1090 = arith.index_cast %shift_right_arithmetic3A_1070 : i32 to index
        %swap3A_1091 = arith.index_cast %mul3A_1074 : i32 to index
        %swap3A_1092 = tpu.vector_load %arg8[%swap3A_1089, %swap3A_1090, %swap3A_1091] {strides = array<i32>} : memref<8x16x128xf32, #tpu.memory_space<vmem>>, vector<1x1x16xf32>,
        %swap3A_1093 = vector.shape_cast %swap3A_1092 : vector<1x1x16xf32> to vector<16xf32>
        %swap3A_1094 = vector.shape_cast %add3A_1087 : vector<16xf32> to vector<1x1x16xf32>
        tpu.vector_store %arg8[%swap3A_1089, %swap3A_1090, %swap3A_1091], %swap3A_1094 {add = true, strides = array<i32>} : memref<8x16x128xf32, #tpu.memory_space<vmem>>, vector<1x1x16xf32>,
        %scan3A_1095 = arith.constant 3 : i32
        %scan3A_1096 = arith.addi %scan3A_1016, %scan3A_1095 : i32
        %shift_right_arithmetic3A_1097 = arith.constant 3 : i32
        %shift_right_arithmetic3A_1098 = arith.shrsi %scan3A_1096, %shift_right_arithmetic3A_1097 : i32
        %and3A_1099 = arith.constant 7 : i32
        %and3A_1100 = arith.andi %scan3A_1096, %and3A_1099 : i32
        %mul3A_1101 = arith.constant 16 : i32
        %mul3A_1102 = arith.muli %and3A_1100, %mul3A_1101 : i32
        %get3A_1103 = arith.constant 4 : i32
        %get3A_1104 = arith.index_cast %get3A_1103 : i32 to index
        %get3A_1105 = arith.index_cast %shift_right_arithmetic3A_1098 : i32 to index
        %get3A_1106 = arith.index_cast %mul3A_1102 : i32 to index
        %get3A_1107 = tpu.vector_load %arg9[%get3A_1104, %get3A_1105, %get3A_1106] {strides = array<i32>} : memref<8x16x128xf32, #tpu.memory_space<vmem>>, vector<1x1x16xf32>,
        %get3A_1108 = vector.shape_cast %get3A_1107 : vector<1x1x16xf32> to vector<16xf32>
        %get3A_1109 = arith.constant 4 : i32
        %get3A_1110 = arith.index_cast %get3A_1109 : i32 to index
        %get3A_1111 = arith.index_cast %shift_right_arithmetic3A_1098 : i32 to index
        %get3A_1112 = arith.index_cast %mul3A_1102 : i32 to index
        %get3A_1113 = tpu.vector_load %arg10[%get3A_1110, %get3A_1111, %get3A_1112] {strides = array<i32>} : memref<8x16x128xf32, #tpu.memory_space<vmem>>, vector<1x1x16xf32>,
        %get3A_1114 = vector.shape_cast %get3A_1113 : vector<1x1x16xf32> to vector<16xf32>
        %add3A_1115 = arith.addf %get3A_1108, %get3A_1114 : vector<16xf32>
        %swap3A_1116 = arith.constant 4 : i32
        %swap3A_1117 = arith.index_cast %swap3A_1116 : i32 to index
        %swap3A_1118 = arith.index_cast %shift_right_arithmetic3A_1098 : i32 to index
        %swap3A_1119 = arith.index_cast %mul3A_1102 : i32 to index
        %swap3A_1120 = tpu.vector_load %arg8[%swap3A_1117, %swap3A_1118, %swap3A_1119] {strides = array<i32>} : memref<8x16x128xf32, #tpu.memory_space<vmem>>, vector<1x1x16xf32>,
        %swap3A_1121 = vector.shape_cast %swap3A_1120 : vector<1x1x16xf32> to vector<16xf32>
        %swap3A_1122 = vector.shape_cast %add3A_1115 : vector<16xf32> to vector<1x1x16xf32>
        tpu.vector_store %arg8[%swap3A_1117, %swap3A_1118, %swap3A_1119], %swap3A_1122 {add = true, strides = array<i32>} : memref<8x16x128xf32, #tpu.memory_space<vmem>>, vector<1x1x16xf32>,
        %scan3A_1123 = arith.constant 4 : i32
        %scan3A_1124 = arith.addi %scan3A_1016, %scan3A_1123 : i32
        %shift_right_arithmetic3A_1125 = arith.constant 3 : i32
        %shift_right_arithmetic3A_1126 = arith.shrsi %scan3A_1124, %shift_right_arithmetic3A_1125 : i32
        %and3A_1127 = arith.constant 7 : i32
        %and3A_1128 = arith.andi %scan3A_1124, %and3A_1127 : i32
        %mul3A_1129 = arith.constant 16 : i32
        %mul3A_1130 = arith.muli %and3A_1128, %mul3A_1129 : i32
        %get3A_1131 = arith.constant 4 : i32
        %get3A_1132 = arith.index_cast %get3A_1131 : i32 to index
        %get3A_1133 = arith.index_cast %shift_right_arithmetic3A_1126 : i32 to index
        %get3A_1134 = arith.index_cast %mul3A_1130 : i32 to index
        %get3A_1135 = tpu.vector_load %arg9[%get3A_1132, %get3A_1133, %get3A_1134] {strides = array<i32>} : memref<8x16x128xf32, #tpu.memory_space<vmem>>, vector<1x1x16xf32>,
        %get3A_1136 = vector.shape_cast %get3A_1135 : vector<1x1x16xf32> to vector<16xf32>
        %get3A_1137 = arith.constant 4 : i32
        %get3A_1138 = arith.index_cast %get3A_1137 : i32 to index
        %get3A_1139 = arith.index_cast %shift_right_arithmetic3A_1126 : i32 to index
        %get3A_1140 = arith.index_cast %mul3A_1130 : i32 to index
        %get3A_1141 = tpu.vector_load %arg10[%get3A_1138, %get3A_1139, %get3A_1140] {strides = array<i32>} : memref<8x16x128xf32, #tpu.memory_space<vmem>>, vector<1x1x16xf32>,
        %get3A_1142 = vector.shape_cast %get3A_1141 : vector<1x1x16xf32> to vector<16xf32>
        %add3A_1143 = arith.addf %get3A_1136, %get3A_1142 : vector<16xf32>
        %swap3A_1144 = arith.constant 4 : i32
        %swap3A_1145 = arith.index_cast %swap3A_1144 : i32 to index
        %swap3A_1146 = arith.index_cast %shift_right_arithmetic3A_1126 : i32 to index
        %swap3A_1147 = arith.index_cast %mul3A_1130 : i32 to index
        %swap3A_1148 = tpu.vector_load %arg8[%swap3A_1145, %swap3A_1146, %swap3A_1147] {strides = array<i32>} : memref<8x16x128xf32, #tpu.memory_space<vmem>>, vector<1x1x16xf32>,
        %swap3A_1149 = vector.shape_cast %swap3A_1148 : vector<1x1x16xf32> to vector<16xf32>
        %swap3A_1150 = vector.shape_cast %add3A_1143 : vector<16xf32> to vector<1x1x16xf32>
        tpu.vector_store %arg8[%swap3A_1145, %swap3A_1146, %swap3A_1147], %swap3A_1150 {add = true, strides = array<i32>} : memref<8x16x128xf32, #tpu.memory_space<vmem>>, vector<1x1x16xf32>,
        %scan3A_1151 = arith.constant 5 : i32
        %scan3A_1152 = arith.addi %scan3A_1016, %scan3A_1151 : i32
        %shift_right_arithmetic3A_1153 = arith.constant 3 : i32
        %shift_right_arithmetic3A_1154 = arith.shrsi %scan3A_1152, %shift_right_arithmetic3A_1153 : i32
        %and3A_1155 = arith.constant 7 : i32
        %and3A_1156 = arith.andi %scan3A_1152, %and3A_1155 : i32
        %mul3A_1157 = arith.constant 16 : i32
        %mul3A_1158 = arith.muli %and3A_1156, %mul3A_1157 : i32
        %get3A_1159 = arith.constant 4 : i32
        %get3A_1160 = arith.index_cast %get3A_1159 : i32 to index
        %get3A_1161 = arith.index_cast %shift_right_arithmetic3A_1154 : i32 to index
        %get3A_1162 = arith.index_cast %mul3A_1158 : i32 to index
        %get3A_1163 = tpu.vector_load %arg9[%get3A_1160, %get3A_1161, %get3A_1162] {strides = array<i32>} : memref<8x16x128xf32, #tpu.memory_space<vmem>>, vector<1x1x16xf32>,
        %get3A_1164 = vector.shape_cast %get3A_1163 : vector<1x1x16xf32> to vector<16xf32>
        %get3A_1165 = arith.constant 4 : i32
        %get3A_1166 = arith.index_cast %get3A_1165 : i32 to index
        %get3A_1167 = arith.index_cast %shift_right_arithmetic3A_1154 : i32 to index
        %get3A_1168 = arith.index_cast %mul3A_1158 : i32 to index
        %get3A_1169 = tpu.vector_load %arg10[%get3A_1166, %get3A_1167, %get3A_1168] {strides = array<i32>} : memref<8x16x128xf32, #tpu.memory_space<vmem>>, vector<1x1x16xf32>,
        %get3A_1170 = vector.shape_cast %get3A_1169 : vector<1x1x16xf32> to vector<16xf32>
        %add3A_1171 = arith.addf %get3A_1164, %get3A_1170 : vector<16xf32>
        %swap3A_1172 = arith.constant 4 : i32
        %swap3A_1173 = arith.index_cast %swap3A_1172 : i32 to index
        %swap3A_1174 = arith.index_cast %shift_right_arithmetic3A_1154 : i32 to index
        %swap3A_1175 = arith.index_cast %mul3A_1158 : i32 to index
        %swap3A_1176 = tpu.vector_load %arg8[%swap3A_1173, %swap3A_1174, %swap3A_1175] {strides = array<i32>} : memref<8x16x128xf32, #tpu.memory_space<vmem>>, vector<1x1x16xf32>,
        %swap3A_1177 = vector.shape_cast %swap3A_1176 : vector<1x1x16xf32> to vector<16xf32>
        %swap3A_1178 = vector.shape_cast %add3A_1171 : vector<16xf32> to vector<1x1x16xf32>
        tpu.vector_store %arg8[%swap3A_1173, %swap3A_1174, %swap3A_1175], %swap3A_1178 {add = true, strides = array<i32>} : memref<8x16x128xf32, #tpu.memory_space<vmem>>, vector<1x1x16xf32>,
        %scan3A_1179 = arith.constant 6 : i32
        %scan3A_1180 = arith.addi %scan3A_1016, %scan3A_1179 : i32
        %shift_right_arithmetic3A_1181 = arith.constant 3 : i32
        %shift_right_arithmetic3A_1182 = arith.shrsi %scan3A_1180, %shift_right_arithmetic3A_1181 : i32
        %and3A_1183 = arith.constant 7 : i32
        %and3A_1184 = arith.andi %scan3A_1180, %and3A_1183 : i32
        %mul3A_1185 = arith.constant 16 : i32
        %mul3A_1186 = arith.muli %and3A_1184, %mul3A_1185 : i32
        %get3A_1187 = arith.constant 4 : i32
        %get3A_1188 = arith.index_cast %get3A_1187 : i32 to index
        %get3A_1189 = arith.index_cast %shift_right_arithmetic3A_1182 : i32 to index
        %get3A_1190 = arith.index_cast %mul3A_1186 : i32 to index
        %get3A_1191 = tpu.vector_load %arg9[%get3A_1188, %get3A_1189, %get3A_1190] {strides = array<i32>} : memref<8x16x128xf32, #tpu.memory_space<vmem>>, vector<1x1x16xf32>,
        %get3A_1192 = vector.shape_cast %get3A_1191 : vector<1x1x16xf32> to vector<16xf32>
        %get3A_1193 = arith.constant 4 : i32
        %get3A_1194 = arith.index_cast %get3A_1193 : i32 to index
        %get3A_1195 = arith.index_cast %shift_right_arithmetic3A_1182 : i32 to index
        %get3A_1196 = arith.index_cast %mul3A_1186 : i32 to index
        %get3A_1197 = tpu.vector_load %arg10[%get3A_1194, %get3A_1195, %get3A_1196] {strides = array<i32>} : memref<8x16x128xf32, #tpu.memory_space<vmem>>, vector<1x1x16xf32>,
        %get3A_1198 = vector.shape_cast %get3A_1197 : vector<1x1x16xf32> to vector<16xf32>
        %add3A_1199 = arith.addf %get3A_1192, %get3A_1198 : vector<16xf32>
        %swap3A_1200 = arith.constant 4 : i32
        %swap3A_1201 = arith.index_cast %swap3A_1200 : i32 to index
        %swap3A_1202 = arith.index_cast %shift_right_arithmetic3A_1182 : i32 to index
        %swap3A_1203 = arith.index_cast %mul3A_1186 : i32 to index
        %swap3A_1204 = tpu.vector_load %arg8[%swap3A_1201, %swap3A_1202, %swap3A_1203] {strides = array<i32>} : memref<8x16x128xf32, #tpu.memory_space<vmem>>, vector<1x1x16xf32>,
        %swap3A_1205 = vector.shape_cast %swap3A_1204 : vector<1x1x16xf32> to vector<16xf32>
        %swap3A_1206 = vector.shape_cast %add3A_1199 : vector<16xf32> to vector<1x1x16xf32>
        tpu.vector_store %arg8[%swap3A_1201, %swap3A_1202, %swap3A_1203], %swap3A_1206 {add = true, strides = array<i32>} : memref<8x16x128xf32, #tpu.memory_space<vmem>>, vector<1x1x16xf32>,
        %scan3A_1207 = arith.constant 7 : i32
        %scan3A_1208 = arith.addi %scan3A_1016, %scan3A_1207 : i32
        %shift_right_arithmetic3A_1209 = arith.constant 3 : i32
        %shift_right_arithmetic3A_1210 = arith.shrsi %scan3A_1208, %shift_right_arithmetic3A_1209 : i32
        %and3A_1211 = arith.constant 7 : i32
        %and3A_1212 = arith.andi %scan3A_1208, %and3A_1211 : i32
        %mul3A_1213 = arith.constant 16 : i32
        %mul3A_1214 = arith.muli %and3A_1212, %mul3A_1213 : i32
        %get3A_1215 = arith.constant 4 : i32
        %get3A_1216 = arith.index_cast %get3A_1215 : i32 to index
        %get3A_1217 = arith.index_cast %shift_right_arithmetic3A_1210 : i32 to index
        %get3A_1218 = arith.index_cast %mul3A_1214 : i32 to index
        %get3A_1219 = tpu.vector_load %arg9[%get3A_1216, %get3A_1217, %get3A_1218] {strides = array<i32>} : memref<8x16x128xf32, #tpu.memory_space<vmem>>, vector<1x1x16xf32>,
        %get3A_1220 = vector.shape_cast %get3A_1219 : vector<1x1x16xf32> to vector<16xf32>
        %get3A_1221 = arith.constant 4 : i32
        %get3A_1222 = arith.index_cast %get3A_1221 : i32 to index
        %get3A_1223 = arith.index_cast %shift_right_arithmetic3A_1210 : i32 to index
        %get3A_1224 = arith.index_cast %mul3A_1214 : i32 to index
        %get3A_1225 = tpu.vector_load %arg10[%get3A_1222, %get3A_1223, %get3A_1224] {strides = array<i32>} : memref<8x16x128xf32, #tpu.memory_space<vmem>>, vector<1x1x16xf32>,
        %get3A_1226 = vector.shape_cast %get3A_1225 : vector<1x1x16xf32> to vector<16xf32>
        %add3A_1227 = arith.addf %get3A_1220, %get3A_1226 : vector<16xf32>
        %swap3A_1228 = arith.constant 4 : i32
        %swap3A_1229 = arith.index_cast %swap3A_1228 : i32 to index
        %swap3A_1230 = arith.index_cast %shift_right_arithmetic3A_1210 : i32 to index
        %swap3A_1231 = arith.index_cast %mul3A_1214 : i32 to index
        %swap3A_1232 = tpu.vector_load %arg8[%swap3A_1229, %swap3A_1230, %swap3A_1231] {strides = array<i32>} : memref<8x16x128xf32, #tpu.memory_space<vmem>>, vector<1x1x16xf32>,
        %swap3A_1233 = vector.shape_cast %swap3A_1232 : vector<1x1x16xf32> to vector<16xf32>
        %swap3A_1234 = vector.shape_cast %add3A_1227 : vector<16xf32> to vector<1x1x16xf32>
        tpu.vector_store %arg8[%swap3A_1229, %swap3A_1230, %swap3A_1231], %swap3A_1234 {add = true, strides = array<i32>} : memref<8x16x128xf32, #tpu.memory_space<vmem>>, vector<1x1x16xf32>,
      }
      %scan3A_741 = arith.constant 128 : i32
      %mul3A_742 = arith.constant 16 : i32
      %mul3A_743 = arith.muli %add3A_679, %mul3A_742 : i32
      %add3A_744 = arith.addi %mul3A_2, %mul3A_743 : i32
      %dma_start3A_745 = arith.constant 4 : i32
      %dma_start3A_746 = arith.constant 4 : i32
      %dma_start3A_747 = arith.constant 0 : i32
      %dma_start3A_748 = arith.constant 0 : i32
      %dma_start3A_749 = tpu.memref_slice %arg8[%dma_start3A_745, %dma_start3A_747, %dma_start3A_748] : memref<8x16x128xf32, #tpu.memory_space<vmem>> -> memref<1x16x128xf32, #tpu.memory_space<vmem>>
      %dma_start3A_750 = tpu.memref_squeeze %dma_start3A_749 : memref<1x16x128xf32, #tpu.memory_space<vmem>> -> memref<16x128xf32, #tpu.memory_space<vmem>>
      %dma_start3A_751 = arith.constant 0 : i32
      %dma_start3A_752 = tpu.memref_slice %arg6[%add3A_744, %dma_start3A_751] : memref<204800x128xf32, #tpu.memory_space<hbm>> -> memref<16x128xf32, #tpu.memory_space<hbm>>
      %dma_start3A_753 = tpu.memref_slice %arg13[%dma_start3A_746] : memref<8x!tpu.dma_semaphore, #tpu.memory_space<semaphore_mem>> -> memref<1x!tpu.dma_semaphore, #tpu.memory_space<semaphore_mem>>
      %dma_start3A_754 = tpu.memref_squeeze %dma_start3A_753 : memref<1x!tpu.dma_semaphore, #tpu.memory_space<semaphore_mem>> -> memref<!tpu.dma_semaphore, #tpu.memory_space<semaphore_mem>>
      %dma_start3A_755 = arith.constant 0 : i32
      %dma_start3A_756 = tpu.memref_slice %arg6[%add3A_744, %dma_start3A_755] : memref<204800x128xf32, #tpu.memory_space<hbm>> -> memref<16x128xf32, #tpu.memory_space<hbm>>
      %dma_start3A_757 = arith.constant 0 : i32
      %dma_start3A_758 = arith.constant 0 : i32
      %dma_start3A_759 = tpu.memref_slice %arg8[%dma_start3A_745, %dma_start3A_757, %dma_start3A_758] : memref<8x16x128xf32, #tpu.memory_space<vmem>> -> memref<1x16x128xf32, #tpu.memory_space<vmem>>
      %dma_start3A_760 = tpu.memref_squeeze %dma_start3A_759 : memref<1x16x128xf32, #tpu.memory_space<vmem>> -> memref<16x128xf32, #tpu.memory_space<vmem>>
      tpu.enqueue_dma source(%dma_start3A_760 : memref<16x128xf32, #tpu.memory_space<vmem>>) target(%dma_start3A_756 : memref<16x128xf32, #tpu.memory_space<hbm>>) target_semaphore(%dma_start3A_754 : memref<!tpu.dma_semaphore, #tpu.memory_space<semaphore_mem>>)
      %mul3A_761 = arith.constant 8 : i32
      %mul3A_762 = arith.muli %scan3A_338, %mul3A_761 : i32
      %add3A_763 = arith.constant 5 : i32
      %add3A_764 = arith.addi %mul3A_762, %add3A_763 : i32
      %add3A_765 = arith.constant 4 : i32
      %add3A_766 = arith.addi %add3A_764, %add3A_765 : i32
      %lt3A_767 = arith.constant 400 : i32
      %lt3A_768 = arith.cmpi slt, %add3A_766, %lt3A_767 : i32
      %convert_element_type3A_769 = arith.extui %lt3A_768 : i1 to i32
      %cond3A_770 = arith.constant 0 : i32
      %cond3A_771 = arith.cmpi ne, %convert_element_type3A_769, %cond3A_770 : i32
      scf.if %cond3A_771 {
        %add3A_1016 = arith.constant 4 : i32
        %add3A_1017 = arith.addi %add3A_764, %add3A_1016 : i32
        %ge3A = arith.constant 8 : i32
        %ge3A_1018 = arith.cmpi sge, %add3A_1017, %ge3A : i32
        %convert_element_type3A_1019 = arith.extui %ge3A_1018 : i1 to i32
        %cond3A_1020 = arith.constant 0 : i32
        %cond3A_1021 = arith.cmpi ne, %convert_element_type3A_1019, %cond3A_1020 : i32
        scf.if %cond3A_1021 {
          %add3A_1073 = arith.constant 4 : i32
          %add3A_1074 = arith.addi %add3A_764, %add3A_1073 : i32
          %sub3A = arith.constant 8 : i32
          %sub3A_1075 = arith.subi %add3A_1074, %sub3A : i32
          %mul3A_1076 = arith.constant 16 : i32
          %mul3A_1077 = arith.muli %sub3A_1075, %mul3A_1076 : i32
          %add3A_1078 = arith.addi %mul3A_2, %mul3A_1077 : i32
          %dma_wait3A_1079 = arith.constant 1 : i32
          %dma_wait3A_1080 = arith.constant 1 : i32
          %dma_wait3A_1081 = arith.constant 0 : i32
          %dma_wait3A_1082 = arith.constant 0 : i32
          %dma_wait3A_1083 = tpu.memref_slice %arg8[%dma_wait3A_1079, %dma_wait3A_1081, %dma_wait3A_1082] : memref<8x16x128xf32, #tpu.memory_space<vmem>> -> memref<1x16x128xf32, #tpu.memory_space<vmem>>
          %dma_wait3A_1084 = tpu.memref_squeeze %dma_wait3A_1083 : memref<1x16x128xf32, #tpu.memory_space<vmem>> -> memref<16x128xf32, #tpu.memory_space<vmem>>
          %dma_wait3A_1085 = arith.constant 0 : i32
          %dma_wait3A_1086 = tpu.memref_slice %arg6[%add3A_1078, %dma_wait3A_1085] : memref<204800x128xf32, #tpu.memory_space<hbm>> -> memref<16x128xf32, #tpu.memory_space<hbm>>
          %dma_wait3A_1087 = tpu.memref_slice %arg13[%dma_wait3A_1080] : memref<8x!tpu.dma_semaphore, #tpu.memory_space<semaphore_mem>> -> memref<1x!tpu.dma_semaphore, #tpu.memory_space<semaphore_mem>>
          %dma_wait3A_1088 = tpu.memref_squeeze %dma_wait3A_1087 : memref<1x!tpu.dma_semaphore, #tpu.memory_space<semaphore_mem>> -> memref<!tpu.dma_semaphore, #tpu.memory_space<semaphore_mem>>
          %dma_wait3A_1089 = arith.constant 0 : i32
          %dma_wait3A_1090 = tpu.memref_slice %arg6[%add3A_1078, %dma_wait3A_1089] : memref<204800x128xf32, #tpu.memory_space<hbm>> -> memref<16x128xf32, #tpu.memory_space<hbm>>
          %dma_wait3A_1091 = arith.constant 0 : i32
          %dma_wait3A_1092 = arith.constant 0 : i32
          %dma_wait3A_1093 = tpu.memref_slice %arg8[%dma_wait3A_1079, %dma_wait3A_1091, %dma_wait3A_1092] : memref<8x16x128xf32, #tpu.memory_space<vmem>> -> memref<1x16x128xf32, #tpu.memory_space<vmem>>
          %dma_wait3A_1094 = tpu.memref_squeeze %dma_wait3A_1093 : memref<1x16x128xf32, #tpu.memory_space<vmem>> -> memref<16x128xf32, #tpu.memory_space<vmem>>
          tpu.wait_dma2 semaphore(%dma_wait3A_1088 : memref<!tpu.dma_semaphore, #tpu.memory_space<semaphore_mem>>) src(%dma_wait3A_1094 : memref<16x128xf32, #tpu.memory_space<vmem>>) dst(%dma_wait3A_1090 : memref<16x128xf32, #tpu.memory_space<hbm>>)
        } else {
        }
        %add3A_1022 = arith.constant 4 : i32
        %add3A_1023 = arith.addi %add3A_764, %add3A_1022 : i32
        %mul3A_1024 = arith.constant 16 : i32
        %mul3A_1025 = arith.muli %add3A_1023, %mul3A_1024 : i32
        %add3A_1026 = arith.addi %mul3A_2, %mul3A_1025 : i32
        %dma_start3A_1027 = arith.constant 1 : i32
        %dma_start3A_1028 = arith.constant 1 : i32
        %dma_start3A_1029 = arith.constant 0 : i32
        %dma_start3A_1030 = arith.constant 0 : i32
        %dma_start3A_1031 = tpu.memref_slice %arg9[%dma_start3A_1027, %dma_start3A_1029, %dma_start3A_1030] : memref<8x16x128xf32, #tpu.memory_space<vmem>> -> memref<1x16x128xf32, #tpu.memory_space<vmem>>
        %dma_start3A_1032 = tpu.memref_squeeze %dma_start3A_1031 : memref<1x16x128xf32, #tpu.memory_space<vmem>> -> memref<16x128xf32, #tpu.memory_space<vmem>>
        %dma_start3A_1033 = arith.constant 0 : i32
        %dma_start3A_1034 = tpu.memref_slice %arg2[%add3A_1026, %dma_start3A_1033] : memref<204800x128xf32, #tpu.memory_space<hbm>> -> memref<16x128xf32, #tpu.memory_space<hbm>>
        %dma_start3A_1035 = tpu.memref_slice %arg12[%dma_start3A_1028] : memref<8x!tpu.dma_semaphore, #tpu.memory_space<semaphore_mem>> -> memref<1x!tpu.dma_semaphore, #tpu.memory_space<semaphore_mem>>
        %dma_start3A_1036 = tpu.memref_squeeze %dma_start3A_1035 : memref<1x!tpu.dma_semaphore, #tpu.memory_space<semaphore_mem>> -> memref<!tpu.dma_semaphore, #tpu.memory_space<semaphore_mem>>
        %dma_start3A_1037 = arith.constant 0 : i32
        %dma_start3A_1038 = arith.constant 0 : i32
        %dma_start3A_1039 = tpu.memref_slice %arg9[%dma_start3A_1027, %dma_start3A_1037, %dma_start3A_1038] : memref<8x16x128xf32, #tpu.memory_space<vmem>> -> memref<1x16x128xf32, #tpu.memory_space<vmem>>
        %dma_start3A_1040 = tpu.memref_squeeze %dma_start3A_1039 : memref<1x16x128xf32, #tpu.memory_space<vmem>> -> memref<16x128xf32, #tpu.memory_space<vmem>>
        %dma_start3A_1041 = arith.constant 0 : i32
        %dma_start3A_1042 = tpu.memref_slice %arg2[%add3A_1026, %dma_start3A_1041] : memref<204800x128xf32, #tpu.memory_space<hbm>> -> memref<16x128xf32, #tpu.memory_space<hbm>>
        tpu.enqueue_dma source(%dma_start3A_1042 : memref<16x128xf32, #tpu.memory_space<hbm>>) target(%dma_start3A_1040 : memref<16x128xf32, #tpu.memory_space<vmem>>) target_semaphore(%dma_start3A_1036 : memref<!tpu.dma_semaphore, #tpu.memory_space<semaphore_mem>>)
        %dma_start3A_1043 = arith.constant 1 : i32
        %dma_start3A_1044 = arith.constant 1 : i32
        %dma_start3A_1045 = arith.constant 0 : i32
        %dma_start3A_1046 = arith.constant 0 : i32
        %dma_start3A_1047 = tpu.memref_slice %arg10[%dma_start3A_1043, %dma_start3A_1045, %dma_start3A_1046] : memref<8x16x128xf32, #tpu.memory_space<vmem>> -> memref<1x16x128xf32, #tpu.memory_space<vmem>>
        %dma_start3A_1048 = tpu.memref_squeeze %dma_start3A_1047 : memref<1x16x128xf32, #tpu.memory_space<vmem>> -> memref<16x128xf32, #tpu.memory_space<vmem>>
        %dma_start3A_1049 = arith.constant 0 : i32
        %dma_start3A_1050 = tpu.memref_slice %arg4[%add3A_1026, %dma_start3A_1049] : memref<204800x128xf32, #tpu.memory_space<hbm>> -> memref<16x128xf32, #tpu.memory_space<hbm>>
        %dma_start3A_1051 = tpu.memref_slice %arg12[%dma_start3A_1044] : memref<8x!tpu.dma_semaphore, #tpu.memory_space<semaphore_mem>> -> memref<1x!tpu.dma_semaphore, #tpu.memory_space<semaphore_mem>>
        %dma_start3A_1052 = tpu.memref_squeeze %dma_start3A_1051 : memref<1x!tpu.dma_semaphore, #tpu.memory_space<semaphore_mem>> -> memref<!tpu.dma_semaphore, #tpu.memory_space<semaphore_mem>>
        %dma_start3A_1053 = arith.constant 0 : i32
        %dma_start3A_1054 = arith.constant 0 : i32
        %dma_start3A_1055 = tpu.memref_slice %arg10[%dma_start3A_1043, %dma_start3A_1053, %dma_start3A_1054] : memref<8x16x128xf32, #tpu.memory_space<vmem>> -> memref<1x16x128xf32, #tpu.memory_space<vmem>>
        %dma_start3A_1056 = tpu.memref_squeeze %dma_start3A_1055 : memref<1x16x128xf32, #tpu.memory_space<vmem>> -> memref<16x128xf32, #tpu.memory_space<vmem>>
        %dma_start3A_1057 = arith.constant 0 : i32
        %dma_start3A_1058 = tpu.memref_slice %arg4[%add3A_1026, %dma_start3A_1057] : memref<204800x128xf32, #tpu.memory_space<hbm>> -> memref<16x128xf32, #tpu.memory_space<hbm>>
        tpu.enqueue_dma source(%dma_start3A_1058 : memref<16x128xf32, #tpu.memory_space<hbm>>) target(%dma_start3A_1056 : memref<16x128xf32, #tpu.memory_space<vmem>>) target_semaphore(%dma_start3A_1052 : memref<!tpu.dma_semaphore, #tpu.memory_space<semaphore_mem>>)
        %mul3A_1059 = arith.constant 16 : i32
        %mul3A_1060 = arith.muli %add3A_1023, %mul3A_1059 : i32
        %dma_start3A_1061 = arith.constant 1 : i32
        %dma_start3A_1062 = arith.constant 1 : i32
        %dma_start3A_1063 = arith.constant 0 : i32
        %dma_start3A_1064 = arith.constant 0 : i32
        %dma_start3A_1065 = tpu.memref_slice %arg8[%dma_start3A_1061, %dma_start3A_1063, %dma_start3A_1064] : memref<8x16x128xf32, #tpu.memory_space<vmem>> -> memref<1x16x128xf32, #tpu.memory_space<vmem>>
        %dma_start3A_1066 = tpu.memref_squeeze %dma_start3A_1065 : memref<1x16x128xf32, #tpu.memory_space<vmem>> -> memref<16x128xf32, #tpu.memory_space<vmem>>
        %dma_start3A_1067 = tpu.memref_slice %arg7[%mul3A_1060] : memref<6400xi32, #tpu.memory_space<vmem>> -> memref<16xi32, #tpu.memory_space<vmem>>
        %dma_start3A_1068 = arith.constant 0 : i32
        %dma_start3A_1069 = arith.constant 0 : i32
        %dma_start3A_1070 = tpu.memref_slice %arg5[%dma_start3A_1068, %dma_start3A_1069] : memref<100000x128xf32, #tpu.memory_space<hbm>> -> memref<100000x128xf32, #tpu.memory_space<hbm>>
        %dma_start3A_1071 = tpu.memref_slice %arg11[%dma_start3A_1062] : memref<8x!tpu.dma_semaphore, #tpu.memory_space<semaphore_mem>> -> memref<1x!tpu.dma_semaphore, #tpu.memory_space<semaphore_mem>>
        %dma_start3A_1072 = tpu.memref_squeeze %dma_start3A_1071 : memref<1x!tpu.dma_semaphore, #tpu.memory_space<semaphore_mem>> -> memref<!tpu.dma_semaphore, #tpu.memory_space<semaphore_mem>>
        tpu.enqueue_indirect_dma source(%dma_start3A_1070 : memref<100000x128xf32, #tpu.memory_space<hbm>>) target(%dma_start3A_1066 : memref<16x128xf32, #tpu.memory_space<vmem>>) offsets(%dma_start3A_1067 : memref<16xi32, #tpu.memory_space<vmem>>) semaphore(%dma_start3A_1072 : memref<!tpu.dma_semaphore, #tpu.memory_space<semaphore_mem>>)
      } else {
      }
      %mul3A_772 = arith.constant 16 : i32
      %mul3A_773 = arith.muli %add3A_764, %mul3A_772 : i32
      %dma_wait3A_774 = arith.constant 5 : i32
      %dma_wait3A_775 = arith.constant 5 : i32
      %dma_wait3A_776 = arith.constant 0 : i32
      %dma_wait3A_777 = arith.constant 0 : i32
      %dma_wait3A_778 = tpu.memref_slice %arg8[%dma_wait3A_774, %dma_wait3A_776, %dma_wait3A_777] : memref<8x16x128xf32, #tpu.memory_space<vmem>> -> memref<1x16x128xf32, #tpu.memory_space<vmem>>
      %dma_wait3A_779 = tpu.memref_squeeze %dma_wait3A_778 : memref<1x16x128xf32, #tpu.memory_space<vmem>> -> memref<16x128xf32, #tpu.memory_space<vmem>>
      %dma_wait3A_780 = tpu.memref_slice %arg7[%mul3A_773] : memref<6400xi32, #tpu.memory_space<vmem>> -> memref<16xi32, #tpu.memory_space<vmem>>
      %dma_wait3A_781 = arith.constant 0 : i32
      %dma_wait3A_782 = arith.constant 0 : i32
      %dma_wait3A_783 = tpu.memref_slice %arg5[%dma_wait3A_781, %dma_wait3A_782] : memref<100000x128xf32, #tpu.memory_space<hbm>> -> memref<100000x128xf32, #tpu.memory_space<hbm>>
      %dma_wait3A_784 = tpu.memref_slice %arg11[%dma_wait3A_775] : memref<8x!tpu.dma_semaphore, #tpu.memory_space<semaphore_mem>> -> memref<1x!tpu.dma_semaphore, #tpu.memory_space<semaphore_mem>>
      %dma_wait3A_785 = tpu.memref_squeeze %dma_wait3A_784 : memref<1x!tpu.dma_semaphore, #tpu.memory_space<semaphore_mem>> -> memref<!tpu.dma_semaphore, #tpu.memory_space<semaphore_mem>>
      tpu.wait_indirect_dma semaphore(%dma_wait3A_785 : memref<!tpu.dma_semaphore, #tpu.memory_space<semaphore_mem>>) src(%dma_wait3A_783 : memref<100000x128xf32, #tpu.memory_space<hbm>>) dst(%dma_wait3A_779 : memref<16x128xf32, #tpu.memory_space<vmem>>)
      %mul3A_786 = arith.constant 16 : i32
      %mul3A_787 = arith.muli %add3A_764, %mul3A_786 : i32
      %add3A_788 = arith.addi %mul3A_2, %mul3A_787 : i32
      %dma_wait3A_789 = arith.constant 5 : i32
      %dma_wait3A_790 = arith.constant 5 : i32
      %dma_wait3A_791 = arith.constant 0 : i32
      %dma_wait3A_792 = arith.constant 0 : i32
      %dma_wait3A_793 = tpu.memref_slice %arg9[%dma_wait3A_789, %dma_wait3A_791, %dma_wait3A_792] : memref<8x16x128xf32, #tpu.memory_space<vmem>> -> memref<1x16x128xf32, #tpu.memory_space<vmem>>
      %dma_wait3A_794 = tpu.memref_squeeze %dma_wait3A_793 : memref<1x16x128xf32, #tpu.memory_space<vmem>> -> memref<16x128xf32, #tpu.memory_space<vmem>>
      %dma_wait3A_795 = arith.constant 0 : i32
      %dma_wait3A_796 = tpu.memref_slice %arg2[%add3A_788, %dma_wait3A_795] : memref<204800x128xf32, #tpu.memory_space<hbm>> -> memref<16x128xf32, #tpu.memory_space<hbm>>
      %dma_wait3A_797 = tpu.memref_slice %arg12[%dma_wait3A_790] : memref<8x!tpu.dma_semaphore, #tpu.memory_space<semaphore_mem>> -> memref<1x!tpu.dma_semaphore, #tpu.memory_space<semaphore_mem>>
      %dma_wait3A_798 = tpu.memref_squeeze %dma_wait3A_797 : memref<1x!tpu.dma_semaphore, #tpu.memory_space<semaphore_mem>> -> memref<!tpu.dma_semaphore, #tpu.memory_space<semaphore_mem>>
      %dma_wait3A_799 = arith.constant 0 : i32
      %dma_wait3A_800 = arith.constant 0 : i32
      %dma_wait3A_801 = tpu.memref_slice %arg9[%dma_wait3A_789, %dma_wait3A_799, %dma_wait3A_800] : memref<8x16x128xf32, #tpu.memory_space<vmem>> -> memref<1x16x128xf32, #tpu.memory_space<vmem>>
      %dma_wait3A_802 = tpu.memref_squeeze %dma_wait3A_801 : memref<1x16x128xf32, #tpu.memory_space<vmem>> -> memref<16x128xf32, #tpu.memory_space<vmem>>
      %dma_wait3A_803 = arith.constant 0 : i32
      %dma_wait3A_804 = tpu.memref_slice %arg2[%add3A_788, %dma_wait3A_803] : memref<204800x128xf32, #tpu.memory_space<hbm>> -> memref<16x128xf32, #tpu.memory_space<hbm>>
      tpu.wait_dma2 semaphore(%dma_wait3A_798 : memref<!tpu.dma_semaphore, #tpu.memory_space<semaphore_mem>>) src(%dma_wait3A_804 : memref<16x128xf32, #tpu.memory_space<hbm>>) dst(%dma_wait3A_802 : memref<16x128xf32, #tpu.memory_space<vmem>>)
      %dma_wait3A_805 = arith.constant 5 : i32
      %dma_wait3A_806 = arith.constant 5 : i32
      %dma_wait3A_807 = arith.constant 0 : i32
      %dma_wait3A_808 = arith.constant 0 : i32
      %dma_wait3A_809 = tpu.memref_slice %arg10[%dma_wait3A_805, %dma_wait3A_807, %dma_wait3A_808] : memref<8x16x128xf32, #tpu.memory_space<vmem>> -> memref<1x16x128xf32, #tpu.memory_space<vmem>>
      %dma_wait3A_810 = tpu.memref_squeeze %dma_wait3A_809 : memref<1x16x128xf32, #tpu.memory_space<vmem>> -> memref<16x128xf32, #tpu.memory_space<vmem>>
      %dma_wait3A_811 = arith.constant 0 : i32
      %dma_wait3A_812 = tpu.memref_slice %arg4[%add3A_788, %dma_wait3A_811] : memref<204800x128xf32, #tpu.memory_space<hbm>> -> memref<16x128xf32, #tpu.memory_space<hbm>>
      %dma_wait3A_813 = tpu.memref_slice %arg12[%dma_wait3A_806] : memref<8x!tpu.dma_semaphore, #tpu.memory_space<semaphore_mem>> -> memref<1x!tpu.dma_semaphore, #tpu.memory_space<semaphore_mem>>
      %dma_wait3A_814 = tpu.memref_squeeze %dma_wait3A_813 : memref<1x!tpu.dma_semaphore, #tpu.memory_space<semaphore_mem>> -> memref<!tpu.dma_semaphore, #tpu.memory_space<semaphore_mem>>
      %dma_wait3A_815 = arith.constant 0 : i32
      %dma_wait3A_816 = arith.constant 0 : i32
      %dma_wait3A_817 = tpu.memref_slice %arg10[%dma_wait3A_805, %dma_wait3A_815, %dma_wait3A_816] : memref<8x16x128xf32, #tpu.memory_space<vmem>> -> memref<1x16x128xf32, #tpu.memory_space<vmem>>
      %dma_wait3A_818 = tpu.memref_squeeze %dma_wait3A_817 : memref<1x16x128xf32, #tpu.memory_space<vmem>> -> memref<16x128xf32, #tpu.memory_space<vmem>>
      %dma_wait3A_819 = arith.constant 0 : i32
      %dma_wait3A_820 = tpu.memref_slice %arg4[%add3A_788, %dma_wait3A_819] : memref<204800x128xf32, #tpu.memory_space<hbm>> -> memref<16x128xf32, #tpu.memory_space<hbm>>
      tpu.wait_dma2 semaphore(%dma_wait3A_814 : memref<!tpu.dma_semaphore, #tpu.memory_space<semaphore_mem>>) src(%dma_wait3A_820 : memref<16x128xf32, #tpu.memory_space<hbm>>) dst(%dma_wait3A_818 : memref<16x128xf32, #tpu.memory_space<vmem>>)
      %scan3A_821 = arith.constant 0 : i32
      %scan3A_822 = arith.constant 0 : i32
      %scan3A_823 = arith.constant 128 : i32
      %scan3A_824 = arith.addi %scan3A_822, %scan3A_823 : i32
      %scan3A_825 = arith.constant 8 : i32
      scf.for %scan3A_1016 = %scan3A_822 to %scan3A_824 step %scan3A_825  : i32 {
        %shift_right_arithmetic3A = arith.constant 3 : i32
        %shift_right_arithmetic3A_1017 = arith.shrsi %scan3A_1016, %shift_right_arithmetic3A : i32
        %and3A = arith.constant 7 : i32
        %and3A_1018 = arith.andi %scan3A_1016, %and3A : i32
        %mul3A_1019 = arith.constant 16 : i32
        %mul3A_1020 = arith.muli %and3A_1018, %mul3A_1019 : i32
        %get3A = arith.constant 5 : i32
        %get3A_1021 = arith.index_cast %get3A : i32 to index
        %get3A_1022 = arith.index_cast %shift_right_arithmetic3A_1017 : i32 to index
        %get3A_1023 = arith.index_cast %mul3A_1020 : i32 to index
        %get3A_1024 = tpu.vector_load %arg9[%get3A_1021, %get3A_1022, %get3A_1023] {strides = array<i32>} : memref<8x16x128xf32, #tpu.memory_space<vmem>>, vector<1x1x16xf32>,
        %get3A_1025 = vector.shape_cast %get3A_1024 : vector<1x1x16xf32> to vector<16xf32>
        %get3A_1026 = arith.constant 5 : i32
        %get3A_1027 = arith.index_cast %get3A_1026 : i32 to index
        %get3A_1028 = arith.index_cast %shift_right_arithmetic3A_1017 : i32 to index
        %get3A_1029 = arith.index_cast %mul3A_1020 : i32 to index
        %get3A_1030 = tpu.vector_load %arg10[%get3A_1027, %get3A_1028, %get3A_1029] {strides = array<i32>} : memref<8x16x128xf32, #tpu.memory_space<vmem>>, vector<1x1x16xf32>,
        %get3A_1031 = vector.shape_cast %get3A_1030 : vector<1x1x16xf32> to vector<16xf32>
        %add3A_1032 = arith.addf %get3A_1025, %get3A_1031 : vector<16xf32>
        %swap3A = arith.constant 5 : i32
        %swap3A_1033 = arith.index_cast %swap3A : i32 to index
        %swap3A_1034 = arith.index_cast %shift_right_arithmetic3A_1017 : i32 to index
        %swap3A_1035 = arith.index_cast %mul3A_1020 : i32 to index
        %swap3A_1036 = tpu.vector_load %arg8[%swap3A_1033, %swap3A_1034, %swap3A_1035] {strides = array<i32>} : memref<8x16x128xf32, #tpu.memory_space<vmem>>, vector<1x1x16xf32>,
        %swap3A_1037 = vector.shape_cast %swap3A_1036 : vector<1x1x16xf32> to vector<16xf32>
        %swap3A_1038 = vector.shape_cast %add3A_1032 : vector<16xf32> to vector<1x1x16xf32>
        tpu.vector_store %arg8[%swap3A_1033, %swap3A_1034, %swap3A_1035], %swap3A_1038 {add = true, strides = array<i32>} : memref<8x16x128xf32, #tpu.memory_space<vmem>>, vector<1x1x16xf32>,
        %scan3A_1039 = arith.constant 1 : i32
        %scan3A_1040 = arith.addi %scan3A_1016, %scan3A_1039 : i32
        %shift_right_arithmetic3A_1041 = arith.constant 3 : i32
        %shift_right_arithmetic3A_1042 = arith.shrsi %scan3A_1040, %shift_right_arithmetic3A_1041 : i32
        %and3A_1043 = arith.constant 7 : i32
        %and3A_1044 = arith.andi %scan3A_1040, %and3A_1043 : i32
        %mul3A_1045 = arith.constant 16 : i32
        %mul3A_1046 = arith.muli %and3A_1044, %mul3A_1045 : i32
        %get3A_1047 = arith.constant 5 : i32
        %get3A_1048 = arith.index_cast %get3A_1047 : i32 to index
        %get3A_1049 = arith.index_cast %shift_right_arithmetic3A_1042 : i32 to index
        %get3A_1050 = arith.index_cast %mul3A_1046 : i32 to index
        %get3A_1051 = tpu.vector_load %arg9[%get3A_1048, %get3A_1049, %get3A_1050] {strides = array<i32>} : memref<8x16x128xf32, #tpu.memory_space<vmem>>, vector<1x1x16xf32>,
        %get3A_1052 = vector.shape_cast %get3A_1051 : vector<1x1x16xf32> to vector<16xf32>
        %get3A_1053 = arith.constant 5 : i32
        %get3A_1054 = arith.index_cast %get3A_1053 : i32 to index
        %get3A_1055 = arith.index_cast %shift_right_arithmetic3A_1042 : i32 to index
        %get3A_1056 = arith.index_cast %mul3A_1046 : i32 to index
        %get3A_1057 = tpu.vector_load %arg10[%get3A_1054, %get3A_1055, %get3A_1056] {strides = array<i32>} : memref<8x16x128xf32, #tpu.memory_space<vmem>>, vector<1x1x16xf32>,
        %get3A_1058 = vector.shape_cast %get3A_1057 : vector<1x1x16xf32> to vector<16xf32>
        %add3A_1059 = arith.addf %get3A_1052, %get3A_1058 : vector<16xf32>
        %swap3A_1060 = arith.constant 5 : i32
        %swap3A_1061 = arith.index_cast %swap3A_1060 : i32 to index
        %swap3A_1062 = arith.index_cast %shift_right_arithmetic3A_1042 : i32 to index
        %swap3A_1063 = arith.index_cast %mul3A_1046 : i32 to index
        %swap3A_1064 = tpu.vector_load %arg8[%swap3A_1061, %swap3A_1062, %swap3A_1063] {strides = array<i32>} : memref<8x16x128xf32, #tpu.memory_space<vmem>>, vector<1x1x16xf32>,
        %swap3A_1065 = vector.shape_cast %swap3A_1064 : vector<1x1x16xf32> to vector<16xf32>
        %swap3A_1066 = vector.shape_cast %add3A_1059 : vector<16xf32> to vector<1x1x16xf32>
        tpu.vector_store %arg8[%swap3A_1061, %swap3A_1062, %swap3A_1063], %swap3A_1066 {add = true, strides = array<i32>} : memref<8x16x128xf32, #tpu.memory_space<vmem>>, vector<1x1x16xf32>,
        %scan3A_1067 = arith.constant 2 : i32
        %scan3A_1068 = arith.addi %scan3A_1016, %scan3A_1067 : i32
        %shift_right_arithmetic3A_1069 = arith.constant 3 : i32
        %shift_right_arithmetic3A_1070 = arith.shrsi %scan3A_1068, %shift_right_arithmetic3A_1069 : i32
        %and3A_1071 = arith.constant 7 : i32
        %and3A_1072 = arith.andi %scan3A_1068, %and3A_1071 : i32
        %mul3A_1073 = arith.constant 16 : i32
        %mul3A_1074 = arith.muli %and3A_1072, %mul3A_1073 : i32
        %get3A_1075 = arith.constant 5 : i32
        %get3A_1076 = arith.index_cast %get3A_1075 : i32 to index
        %get3A_1077 = arith.index_cast %shift_right_arithmetic3A_1070 : i32 to index
        %get3A_1078 = arith.index_cast %mul3A_1074 : i32 to index
        %get3A_1079 = tpu.vector_load %arg9[%get3A_1076, %get3A_1077, %get3A_1078] {strides = array<i32>} : memref<8x16x128xf32, #tpu.memory_space<vmem>>, vector<1x1x16xf32>,
        %get3A_1080 = vector.shape_cast %get3A_1079 : vector<1x1x16xf32> to vector<16xf32>
        %get3A_1081 = arith.constant 5 : i32
        %get3A_1082 = arith.index_cast %get3A_1081 : i32 to index
        %get3A_1083 = arith.index_cast %shift_right_arithmetic3A_1070 : i32 to index
        %get3A_1084 = arith.index_cast %mul3A_1074 : i32 to index
        %get3A_1085 = tpu.vector_load %arg10[%get3A_1082, %get3A_1083, %get3A_1084] {strides = array<i32>} : memref<8x16x128xf32, #tpu.memory_space<vmem>>, vector<1x1x16xf32>,
        %get3A_1086 = vector.shape_cast %get3A_1085 : vector<1x1x16xf32> to vector<16xf32>
        %add3A_1087 = arith.addf %get3A_1080, %get3A_1086 : vector<16xf32>
        %swap3A_1088 = arith.constant 5 : i32
        %swap3A_1089 = arith.index_cast %swap3A_1088 : i32 to index
        %swap3A_1090 = arith.index_cast %shift_right_arithmetic3A_1070 : i32 to index
        %swap3A_1091 = arith.index_cast %mul3A_1074 : i32 to index
        %swap3A_1092 = tpu.vector_load %arg8[%swap3A_1089, %swap3A_1090, %swap3A_1091] {strides = array<i32>} : memref<8x16x128xf32, #tpu.memory_space<vmem>>, vector<1x1x16xf32>,
        %swap3A_1093 = vector.shape_cast %swap3A_1092 : vector<1x1x16xf32> to vector<16xf32>
        %swap3A_1094 = vector.shape_cast %add3A_1087 : vector<16xf32> to vector<1x1x16xf32>
        tpu.vector_store %arg8[%swap3A_1089, %swap3A_1090, %swap3A_1091], %swap3A_1094 {add = true, strides = array<i32>} : memref<8x16x128xf32, #tpu.memory_space<vmem>>, vector<1x1x16xf32>,
        %scan3A_1095 = arith.constant 3 : i32
        %scan3A_1096 = arith.addi %scan3A_1016, %scan3A_1095 : i32
        %shift_right_arithmetic3A_1097 = arith.constant 3 : i32
        %shift_right_arithmetic3A_1098 = arith.shrsi %scan3A_1096, %shift_right_arithmetic3A_1097 : i32
        %and3A_1099 = arith.constant 7 : i32
        %and3A_1100 = arith.andi %scan3A_1096, %and3A_1099 : i32
        %mul3A_1101 = arith.constant 16 : i32
        %mul3A_1102 = arith.muli %and3A_1100, %mul3A_1101 : i32
        %get3A_1103 = arith.constant 5 : i32
        %get3A_1104 = arith.index_cast %get3A_1103 : i32 to index
        %get3A_1105 = arith.index_cast %shift_right_arithmetic3A_1098 : i32 to index
        %get3A_1106 = arith.index_cast %mul3A_1102 : i32 to index
        %get3A_1107 = tpu.vector_load %arg9[%get3A_1104, %get3A_1105, %get3A_1106] {strides = array<i32>} : memref<8x16x128xf32, #tpu.memory_space<vmem>>, vector<1x1x16xf32>,
        %get3A_1108 = vector.shape_cast %get3A_1107 : vector<1x1x16xf32> to vector<16xf32>
        %get3A_1109 = arith.constant 5 : i32
        %get3A_1110 = arith.index_cast %get3A_1109 : i32 to index
        %get3A_1111 = arith.index_cast %shift_right_arithmetic3A_1098 : i32 to index
        %get3A_1112 = arith.index_cast %mul3A_1102 : i32 to index
        %get3A_1113 = tpu.vector_load %arg10[%get3A_1110, %get3A_1111, %get3A_1112] {strides = array<i32>} : memref<8x16x128xf32, #tpu.memory_space<vmem>>, vector<1x1x16xf32>,
        %get3A_1114 = vector.shape_cast %get3A_1113 : vector<1x1x16xf32> to vector<16xf32>
        %add3A_1115 = arith.addf %get3A_1108, %get3A_1114 : vector<16xf32>
        %swap3A_1116 = arith.constant 5 : i32
        %swap3A_1117 = arith.index_cast %swap3A_1116 : i32 to index
        %swap3A_1118 = arith.index_cast %shift_right_arithmetic3A_1098 : i32 to index
        %swap3A_1119 = arith.index_cast %mul3A_1102 : i32 to index
        %swap3A_1120 = tpu.vector_load %arg8[%swap3A_1117, %swap3A_1118, %swap3A_1119] {strides = array<i32>} : memref<8x16x128xf32, #tpu.memory_space<vmem>>, vector<1x1x16xf32>,
        %swap3A_1121 = vector.shape_cast %swap3A_1120 : vector<1x1x16xf32> to vector<16xf32>
        %swap3A_1122 = vector.shape_cast %add3A_1115 : vector<16xf32> to vector<1x1x16xf32>
        tpu.vector_store %arg8[%swap3A_1117, %swap3A_1118, %swap3A_1119], %swap3A_1122 {add = true, strides = array<i32>} : memref<8x16x128xf32, #tpu.memory_space<vmem>>, vector<1x1x16xf32>,
        %scan3A_1123 = arith.constant 4 : i32
        %scan3A_1124 = arith.addi %scan3A_1016, %scan3A_1123 : i32
        %shift_right_arithmetic3A_1125 = arith.constant 3 : i32
        %shift_right_arithmetic3A_1126 = arith.shrsi %scan3A_1124, %shift_right_arithmetic3A_1125 : i32
        %and3A_1127 = arith.constant 7 : i32
        %and3A_1128 = arith.andi %scan3A_1124, %and3A_1127 : i32
        %mul3A_1129 = arith.constant 16 : i32
        %mul3A_1130 = arith.muli %and3A_1128, %mul3A_1129 : i32
        %get3A_1131 = arith.constant 5 : i32
        %get3A_1132 = arith.index_cast %get3A_1131 : i32 to index
        %get3A_1133 = arith.index_cast %shift_right_arithmetic3A_1126 : i32 to index
        %get3A_1134 = arith.index_cast %mul3A_1130 : i32 to index
        %get3A_1135 = tpu.vector_load %arg9[%get3A_1132, %get3A_1133, %get3A_1134] {strides = array<i32>} : memref<8x16x128xf32, #tpu.memory_space<vmem>>, vector<1x1x16xf32>,
        %get3A_1136 = vector.shape_cast %get3A_1135 : vector<1x1x16xf32> to vector<16xf32>
        %get3A_1137 = arith.constant 5 : i32
        %get3A_1138 = arith.index_cast %get3A_1137 : i32 to index
        %get3A_1139 = arith.index_cast %shift_right_arithmetic3A_1126 : i32 to index
        %get3A_1140 = arith.index_cast %mul3A_1130 : i32 to index
        %get3A_1141 = tpu.vector_load %arg10[%get3A_1138, %get3A_1139, %get3A_1140] {strides = array<i32>} : memref<8x16x128xf32, #tpu.memory_space<vmem>>, vector<1x1x16xf32>,
        %get3A_1142 = vector.shape_cast %get3A_1141 : vector<1x1x16xf32> to vector<16xf32>
        %add3A_1143 = arith.addf %get3A_1136, %get3A_1142 : vector<16xf32>
        %swap3A_1144 = arith.constant 5 : i32
        %swap3A_1145 = arith.index_cast %swap3A_1144 : i32 to index
        %swap3A_1146 = arith.index_cast %shift_right_arithmetic3A_1126 : i32 to index
        %swap3A_1147 = arith.index_cast %mul3A_1130 : i32 to index
        %swap3A_1148 = tpu.vector_load %arg8[%swap3A_1145, %swap3A_1146, %swap3A_1147] {strides = array<i32>} : memref<8x16x128xf32, #tpu.memory_space<vmem>>, vector<1x1x16xf32>,
        %swap3A_1149 = vector.shape_cast %swap3A_1148 : vector<1x1x16xf32> to vector<16xf32>
        %swap3A_1150 = vector.shape_cast %add3A_1143 : vector<16xf32> to vector<1x1x16xf32>
        tpu.vector_store %arg8[%swap3A_1145, %swap3A_1146, %swap3A_1147], %swap3A_1150 {add = true, strides = array<i32>} : memref<8x16x128xf32, #tpu.memory_space<vmem>>, vector<1x1x16xf32>,
        %scan3A_1151 = arith.constant 5 : i32
        %scan3A_1152 = arith.addi %scan3A_1016, %scan3A_1151 : i32
        %shift_right_arithmetic3A_1153 = arith.constant 3 : i32
        %shift_right_arithmetic3A_1154 = arith.shrsi %scan3A_1152, %shift_right_arithmetic3A_1153 : i32
        %and3A_1155 = arith.constant 7 : i32
        %and3A_1156 = arith.andi %scan3A_1152, %and3A_1155 : i32
        %mul3A_1157 = arith.constant 16 : i32
        %mul3A_1158 = arith.muli %and3A_1156, %mul3A_1157 : i32
        %get3A_1159 = arith.constant 5 : i32
        %get3A_1160 = arith.index_cast %get3A_1159 : i32 to index
        %get3A_1161 = arith.index_cast %shift_right_arithmetic3A_1154 : i32 to index
        %get3A_1162 = arith.index_cast %mul3A_1158 : i32 to index
        %get3A_1163 = tpu.vector_load %arg9[%get3A_1160, %get3A_1161, %get3A_1162] {strides = array<i32>} : memref<8x16x128xf32, #tpu.memory_space<vmem>>, vector<1x1x16xf32>,
        %get3A_1164 = vector.shape_cast %get3A_1163 : vector<1x1x16xf32> to vector<16xf32>
        %get3A_1165 = arith.constant 5 : i32
        %get3A_1166 = arith.index_cast %get3A_1165 : i32 to index
        %get3A_1167 = arith.index_cast %shift_right_arithmetic3A_1154 : i32 to index
        %get3A_1168 = arith.index_cast %mul3A_1158 : i32 to index
        %get3A_1169 = tpu.vector_load %arg10[%get3A_1166, %get3A_1167, %get3A_1168] {strides = array<i32>} : memref<8x16x128xf32, #tpu.memory_space<vmem>>, vector<1x1x16xf32>,
        %get3A_1170 = vector.shape_cast %get3A_1169 : vector<1x1x16xf32> to vector<16xf32>
        %add3A_1171 = arith.addf %get3A_1164, %get3A_1170 : vector<16xf32>
        %swap3A_1172 = arith.constant 5 : i32
        %swap3A_1173 = arith.index_cast %swap3A_1172 : i32 to index
        %swap3A_1174 = arith.index_cast %shift_right_arithmetic3A_1154 : i32 to index
        %swap3A_1175 = arith.index_cast %mul3A_1158 : i32 to index
        %swap3A_1176 = tpu.vector_load %arg8[%swap3A_1173, %swap3A_1174, %swap3A_1175] {strides = array<i32>} : memref<8x16x128xf32, #tpu.memory_space<vmem>>, vector<1x1x16xf32>,
        %swap3A_1177 = vector.shape_cast %swap3A_1176 : vector<1x1x16xf32> to vector<16xf32>
        %swap3A_1178 = vector.shape_cast %add3A_1171 : vector<16xf32> to vector<1x1x16xf32>
        tpu.vector_store %arg8[%swap3A_1173, %swap3A_1174, %swap3A_1175], %swap3A_1178 {add = true, strides = array<i32>} : memref<8x16x128xf32, #tpu.memory_space<vmem>>, vector<1x1x16xf32>,
        %scan3A_1179 = arith.constant 6 : i32
        %scan3A_1180 = arith.addi %scan3A_1016, %scan3A_1179 : i32
        %shift_right_arithmetic3A_1181 = arith.constant 3 : i32
        %shift_right_arithmetic3A_1182 = arith.shrsi %scan3A_1180, %shift_right_arithmetic3A_1181 : i32
        %and3A_1183 = arith.constant 7 : i32
        %and3A_1184 = arith.andi %scan3A_1180, %and3A_1183 : i32
        %mul3A_1185 = arith.constant 16 : i32
        %mul3A_1186 = arith.muli %and3A_1184, %mul3A_1185 : i32
        %get3A_1187 = arith.constant 5 : i32
        %get3A_1188 = arith.index_cast %get3A_1187 : i32 to index
        %get3A_1189 = arith.index_cast %shift_right_arithmetic3A_1182 : i32 to index
        %get3A_1190 = arith.index_cast %mul3A_1186 : i32 to index
        %get3A_1191 = tpu.vector_load %arg9[%get3A_1188, %get3A_1189, %get3A_1190] {strides = array<i32>} : memref<8x16x128xf32, #tpu.memory_space<vmem>>, vector<1x1x16xf32>,
        %get3A_1192 = vector.shape_cast %get3A_1191 : vector<1x1x16xf32> to vector<16xf32>
        %get3A_1193 = arith.constant 5 : i32
        %get3A_1194 = arith.index_cast %get3A_1193 : i32 to index
        %get3A_1195 = arith.index_cast %shift_right_arithmetic3A_1182 : i32 to index
        %get3A_1196 = arith.index_cast %mul3A_1186 : i32 to index
        %get3A_1197 = tpu.vector_load %arg10[%get3A_1194, %get3A_1195, %get3A_1196] {strides = array<i32>} : memref<8x16x128xf32, #tpu.memory_space<vmem>>, vector<1x1x16xf32>,
        %get3A_1198 = vector.shape_cast %get3A_1197 : vector<1x1x16xf32> to vector<16xf32>
        %add3A_1199 = arith.addf %get3A_1192, %get3A_1198 : vector<16xf32>
        %swap3A_1200 = arith.constant 5 : i32
        %swap3A_1201 = arith.index_cast %swap3A_1200 : i32 to index
        %swap3A_1202 = arith.index_cast %shift_right_arithmetic3A_1182 : i32 to index
        %swap3A_1203 = arith.index_cast %mul3A_1186 : i32 to index
        %swap3A_1204 = tpu.vector_load %arg8[%swap3A_1201, %swap3A_1202, %swap3A_1203] {strides = array<i32>} : memref<8x16x128xf32, #tpu.memory_space<vmem>>, vector<1x1x16xf32>,
        %swap3A_1205 = vector.shape_cast %swap3A_1204 : vector<1x1x16xf32> to vector<16xf32>
        %swap3A_1206 = vector.shape_cast %add3A_1199 : vector<16xf32> to vector<1x1x16xf32>
        tpu.vector_store %arg8[%swap3A_1201, %swap3A_1202, %swap3A_1203], %swap3A_1206 {add = true, strides = array<i32>} : memref<8x16x128xf32, #tpu.memory_space<vmem>>, vector<1x1x16xf32>,
        %scan3A_1207 = arith.constant 7 : i32
        %scan3A_1208 = arith.addi %scan3A_1016, %scan3A_1207 : i32
        %shift_right_arithmetic3A_1209 = arith.constant 3 : i32
        %shift_right_arithmetic3A_1210 = arith.shrsi %scan3A_1208, %shift_right_arithmetic3A_1209 : i32
        %and3A_1211 = arith.constant 7 : i32
        %and3A_1212 = arith.andi %scan3A_1208, %and3A_1211 : i32
        %mul3A_1213 = arith.constant 16 : i32
        %mul3A_1214 = arith.muli %and3A_1212, %mul3A_1213 : i32
        %get3A_1215 = arith.constant 5 : i32
        %get3A_1216 = arith.index_cast %get3A_1215 : i32 to index
        %get3A_1217 = arith.index_cast %shift_right_arithmetic3A_1210 : i32 to index
        %get3A_1218 = arith.index_cast %mul3A_1214 : i32 to index
        %get3A_1219 = tpu.vector_load %arg9[%get3A_1216, %get3A_1217, %get3A_1218] {strides = array<i32>} : memref<8x16x128xf32, #tpu.memory_space<vmem>>, vector<1x1x16xf32>,
        %get3A_1220 = vector.shape_cast %get3A_1219 : vector<1x1x16xf32> to vector<16xf32>
        %get3A_1221 = arith.constant 5 : i32
        %get3A_1222 = arith.index_cast %get3A_1221 : i32 to index
        %get3A_1223 = arith.index_cast %shift_right_arithmetic3A_1210 : i32 to index
        %get3A_1224 = arith.index_cast %mul3A_1214 : i32 to index
        %get3A_1225 = tpu.vector_load %arg10[%get3A_1222, %get3A_1223, %get3A_1224] {strides = array<i32>} : memref<8x16x128xf32, #tpu.memory_space<vmem>>, vector<1x1x16xf32>,
        %get3A_1226 = vector.shape_cast %get3A_1225 : vector<1x1x16xf32> to vector<16xf32>
        %add3A_1227 = arith.addf %get3A_1220, %get3A_1226 : vector<16xf32>
        %swap3A_1228 = arith.constant 5 : i32
        %swap3A_1229 = arith.index_cast %swap3A_1228 : i32 to index
        %swap3A_1230 = arith.index_cast %shift_right_arithmetic3A_1210 : i32 to index
        %swap3A_1231 = arith.index_cast %mul3A_1214 : i32 to index
        %swap3A_1232 = tpu.vector_load %arg8[%swap3A_1229, %swap3A_1230, %swap3A_1231] {strides = array<i32>} : memref<8x16x128xf32, #tpu.memory_space<vmem>>, vector<1x1x16xf32>,
        %swap3A_1233 = vector.shape_cast %swap3A_1232 : vector<1x1x16xf32> to vector<16xf32>
        %swap3A_1234 = vector.shape_cast %add3A_1227 : vector<16xf32> to vector<1x1x16xf32>
        tpu.vector_store %arg8[%swap3A_1229, %swap3A_1230, %swap3A_1231], %swap3A_1234 {add = true, strides = array<i32>} : memref<8x16x128xf32, #tpu.memory_space<vmem>>, vector<1x1x16xf32>,
      }
      %scan3A_826 = arith.constant 128 : i32
      %mul3A_827 = arith.constant 16 : i32
      %mul3A_828 = arith.muli %add3A_764, %mul3A_827 : i32
      %add3A_829 = arith.addi %mul3A_2, %mul3A_828 : i32
      %dma_start3A_830 = arith.constant 5 : i32
      %dma_start3A_831 = arith.constant 5 : i32
      %dma_start3A_832 = arith.constant 0 : i32
      %dma_start3A_833 = arith.constant 0 : i32
      %dma_start3A_834 = tpu.memref_slice %arg8[%dma_start3A_830, %dma_start3A_832, %dma_start3A_833] : memref<8x16x128xf32, #tpu.memory_space<vmem>> -> memref<1x16x128xf32, #tpu.memory_space<vmem>>
      %dma_start3A_835 = tpu.memref_squeeze %dma_start3A_834 : memref<1x16x128xf32, #tpu.memory_space<vmem>> -> memref<16x128xf32, #tpu.memory_space<vmem>>
      %dma_start3A_836 = arith.constant 0 : i32
      %dma_start3A_837 = tpu.memref_slice %arg6[%add3A_829, %dma_start3A_836] : memref<204800x128xf32, #tpu.memory_space<hbm>> -> memref<16x128xf32, #tpu.memory_space<hbm>>
      %dma_start3A_838 = tpu.memref_slice %arg13[%dma_start3A_831] : memref<8x!tpu.dma_semaphore, #tpu.memory_space<semaphore_mem>> -> memref<1x!tpu.dma_semaphore, #tpu.memory_space<semaphore_mem>>
      %dma_start3A_839 = tpu.memref_squeeze %dma_start3A_838 : memref<1x!tpu.dma_semaphore, #tpu.memory_space<semaphore_mem>> -> memref<!tpu.dma_semaphore, #tpu.memory_space<semaphore_mem>>
      %dma_start3A_840 = arith.constant 0 : i32
      %dma_start3A_841 = tpu.memref_slice %arg6[%add3A_829, %dma_start3A_840] : memref<204800x128xf32, #tpu.memory_space<hbm>> -> memref<16x128xf32, #tpu.memory_space<hbm>>
      %dma_start3A_842 = arith.constant 0 : i32
      %dma_start3A_843 = arith.constant 0 : i32
      %dma_start3A_844 = tpu.memref_slice %arg8[%dma_start3A_830, %dma_start3A_842, %dma_start3A_843] : memref<8x16x128xf32, #tpu.memory_space<vmem>> -> memref<1x16x128xf32, #tpu.memory_space<vmem>>
      %dma_start3A_845 = tpu.memref_squeeze %dma_start3A_844 : memref<1x16x128xf32, #tpu.memory_space<vmem>> -> memref<16x128xf32, #tpu.memory_space<vmem>>
      tpu.enqueue_dma source(%dma_start3A_845 : memref<16x128xf32, #tpu.memory_space<vmem>>) target(%dma_start3A_841 : memref<16x128xf32, #tpu.memory_space<hbm>>) target_semaphore(%dma_start3A_839 : memref<!tpu.dma_semaphore, #tpu.memory_space<semaphore_mem>>)
      %mul3A_846 = arith.constant 8 : i32
      %mul3A_847 = arith.muli %scan3A_338, %mul3A_846 : i32
      %add3A_848 = arith.constant 6 : i32
      %add3A_849 = arith.addi %mul3A_847, %add3A_848 : i32
      %add3A_850 = arith.constant 4 : i32
      %add3A_851 = arith.addi %add3A_849, %add3A_850 : i32
      %lt3A_852 = arith.constant 400 : i32
      %lt3A_853 = arith.cmpi slt, %add3A_851, %lt3A_852 : i32
      %convert_element_type3A_854 = arith.extui %lt3A_853 : i1 to i32
      %cond3A_855 = arith.constant 0 : i32
      %cond3A_856 = arith.cmpi ne, %convert_element_type3A_854, %cond3A_855 : i32
      scf.if %cond3A_856 {
        %add3A_1016 = arith.constant 4 : i32
        %add3A_1017 = arith.addi %add3A_849, %add3A_1016 : i32
        %ge3A = arith.constant 8 : i32
        %ge3A_1018 = arith.cmpi sge, %add3A_1017, %ge3A : i32
        %convert_element_type3A_1019 = arith.extui %ge3A_1018 : i1 to i32
        %cond3A_1020 = arith.constant 0 : i32
        %cond3A_1021 = arith.cmpi ne, %convert_element_type3A_1019, %cond3A_1020 : i32
        scf.if %cond3A_1021 {
          %add3A_1073 = arith.constant 4 : i32
          %add3A_1074 = arith.addi %add3A_849, %add3A_1073 : i32
          %sub3A = arith.constant 8 : i32
          %sub3A_1075 = arith.subi %add3A_1074, %sub3A : i32
          %mul3A_1076 = arith.constant 16 : i32
          %mul3A_1077 = arith.muli %sub3A_1075, %mul3A_1076 : i32
          %add3A_1078 = arith.addi %mul3A_2, %mul3A_1077 : i32
          %dma_wait3A_1079 = arith.constant 2 : i32
          %dma_wait3A_1080 = arith.constant 2 : i32
          %dma_wait3A_1081 = arith.constant 0 : i32
          %dma_wait3A_1082 = arith.constant 0 : i32
          %dma_wait3A_1083 = tpu.memref_slice %arg8[%dma_wait3A_1079, %dma_wait3A_1081, %dma_wait3A_1082] : memref<8x16x128xf32, #tpu.memory_space<vmem>> -> memref<1x16x128xf32, #tpu.memory_space<vmem>>
          %dma_wait3A_1084 = tpu.memref_squeeze %dma_wait3A_1083 : memref<1x16x128xf32, #tpu.memory_space<vmem>> -> memref<16x128xf32, #tpu.memory_space<vmem>>
          %dma_wait3A_1085 = arith.constant 0 : i32
          %dma_wait3A_1086 = tpu.memref_slice %arg6[%add3A_1078, %dma_wait3A_1085] : memref<204800x128xf32, #tpu.memory_space<hbm>> -> memref<16x128xf32, #tpu.memory_space<hbm>>
          %dma_wait3A_1087 = tpu.memref_slice %arg13[%dma_wait3A_1080] : memref<8x!tpu.dma_semaphore, #tpu.memory_space<semaphore_mem>> -> memref<1x!tpu.dma_semaphore, #tpu.memory_space<semaphore_mem>>
          %dma_wait3A_1088 = tpu.memref_squeeze %dma_wait3A_1087 : memref<1x!tpu.dma_semaphore, #tpu.memory_space<semaphore_mem>> -> memref<!tpu.dma_semaphore, #tpu.memory_space<semaphore_mem>>
          %dma_wait3A_1089 = arith.constant 0 : i32
          %dma_wait3A_1090 = tpu.memref_slice %arg6[%add3A_1078, %dma_wait3A_1089] : memref<204800x128xf32, #tpu.memory_space<hbm>> -> memref<16x128xf32, #tpu.memory_space<hbm>>
          %dma_wait3A_1091 = arith.constant 0 : i32
          %dma_wait3A_1092 = arith.constant 0 : i32
          %dma_wait3A_1093 = tpu.memref_slice %arg8[%dma_wait3A_1079, %dma_wait3A_1091, %dma_wait3A_1092] : memref<8x16x128xf32, #tpu.memory_space<vmem>> -> memref<1x16x128xf32, #tpu.memory_space<vmem>>
          %dma_wait3A_1094 = tpu.memref_squeeze %dma_wait3A_1093 : memref<1x16x128xf32, #tpu.memory_space<vmem>> -> memref<16x128xf32, #tpu.memory_space<vmem>>
          tpu.wait_dma2 semaphore(%dma_wait3A_1088 : memref<!tpu.dma_semaphore, #tpu.memory_space<semaphore_mem>>) src(%dma_wait3A_1094 : memref<16x128xf32, #tpu.memory_space<vmem>>) dst(%dma_wait3A_1090 : memref<16x128xf32, #tpu.memory_space<hbm>>)
        } else {
        }
        %add3A_1022 = arith.constant 4 : i32
        %add3A_1023 = arith.addi %add3A_849, %add3A_1022 : i32
        %mul3A_1024 = arith.constant 16 : i32
        %mul3A_1025 = arith.muli %add3A_1023, %mul3A_1024 : i32
        %add3A_1026 = arith.addi %mul3A_2, %mul3A_1025 : i32
        %dma_start3A_1027 = arith.constant 2 : i32
        %dma_start3A_1028 = arith.constant 2 : i32
        %dma_start3A_1029 = arith.constant 0 : i32
        %dma_start3A_1030 = arith.constant 0 : i32
        %dma_start3A_1031 = tpu.memref_slice %arg9[%dma_start3A_1027, %dma_start3A_1029, %dma_start3A_1030] : memref<8x16x128xf32, #tpu.memory_space<vmem>> -> memref<1x16x128xf32, #tpu.memory_space<vmem>>
        %dma_start3A_1032 = tpu.memref_squeeze %dma_start3A_1031 : memref<1x16x128xf32, #tpu.memory_space<vmem>> -> memref<16x128xf32, #tpu.memory_space<vmem>>
        %dma_start3A_1033 = arith.constant 0 : i32
        %dma_start3A_1034 = tpu.memref_slice %arg2[%add3A_1026, %dma_start3A_1033] : memref<204800x128xf32, #tpu.memory_space<hbm>> -> memref<16x128xf32, #tpu.memory_space<hbm>>
        %dma_start3A_1035 = tpu.memref_slice %arg12[%dma_start3A_1028] : memref<8x!tpu.dma_semaphore, #tpu.memory_space<semaphore_mem>> -> memref<1x!tpu.dma_semaphore, #tpu.memory_space<semaphore_mem>>
        %dma_start3A_1036 = tpu.memref_squeeze %dma_start3A_1035 : memref<1x!tpu.dma_semaphore, #tpu.memory_space<semaphore_mem>> -> memref<!tpu.dma_semaphore, #tpu.memory_space<semaphore_mem>>
        %dma_start3A_1037 = arith.constant 0 : i32
        %dma_start3A_1038 = arith.constant 0 : i32
        %dma_start3A_1039 = tpu.memref_slice %arg9[%dma_start3A_1027, %dma_start3A_1037, %dma_start3A_1038] : memref<8x16x128xf32, #tpu.memory_space<vmem>> -> memref<1x16x128xf32, #tpu.memory_space<vmem>>
        %dma_start3A_1040 = tpu.memref_squeeze %dma_start3A_1039 : memref<1x16x128xf32, #tpu.memory_space<vmem>> -> memref<16x128xf32, #tpu.memory_space<vmem>>
        %dma_start3A_1041 = arith.constant 0 : i32
        %dma_start3A_1042 = tpu.memref_slice %arg2[%add3A_1026, %dma_start3A_1041] : memref<204800x128xf32, #tpu.memory_space<hbm>> -> memref<16x128xf32, #tpu.memory_space<hbm>>
        tpu.enqueue_dma source(%dma_start3A_1042 : memref<16x128xf32, #tpu.memory_space<hbm>>) target(%dma_start3A_1040 : memref<16x128xf32, #tpu.memory_space<vmem>>) target_semaphore(%dma_start3A_1036 : memref<!tpu.dma_semaphore, #tpu.memory_space<semaphore_mem>>)
        %dma_start3A_1043 = arith.constant 2 : i32
        %dma_start3A_1044 = arith.constant 2 : i32
        %dma_start3A_1045 = arith.constant 0 : i32
        %dma_start3A_1046 = arith.constant 0 : i32
        %dma_start3A_1047 = tpu.memref_slice %arg10[%dma_start3A_1043, %dma_start3A_1045, %dma_start3A_1046] : memref<8x16x128xf32, #tpu.memory_space<vmem>> -> memref<1x16x128xf32, #tpu.memory_space<vmem>>
        %dma_start3A_1048 = tpu.memref_squeeze %dma_start3A_1047 : memref<1x16x128xf32, #tpu.memory_space<vmem>> -> memref<16x128xf32, #tpu.memory_space<vmem>>
        %dma_start3A_1049 = arith.constant 0 : i32
        %dma_start3A_1050 = tpu.memref_slice %arg4[%add3A_1026, %dma_start3A_1049] : memref<204800x128xf32, #tpu.memory_space<hbm>> -> memref<16x128xf32, #tpu.memory_space<hbm>>
        %dma_start3A_1051 = tpu.memref_slice %arg12[%dma_start3A_1044] : memref<8x!tpu.dma_semaphore, #tpu.memory_space<semaphore_mem>> -> memref<1x!tpu.dma_semaphore, #tpu.memory_space<semaphore_mem>>
        %dma_start3A_1052 = tpu.memref_squeeze %dma_start3A_1051 : memref<1x!tpu.dma_semaphore, #tpu.memory_space<semaphore_mem>> -> memref<!tpu.dma_semaphore, #tpu.memory_space<semaphore_mem>>
        %dma_start3A_1053 = arith.constant 0 : i32
        %dma_start3A_1054 = arith.constant 0 : i32
        %dma_start3A_1055 = tpu.memref_slice %arg10[%dma_start3A_1043, %dma_start3A_1053, %dma_start3A_1054] : memref<8x16x128xf32, #tpu.memory_space<vmem>> -> memref<1x16x128xf32, #tpu.memory_space<vmem>>
        %dma_start3A_1056 = tpu.memref_squeeze %dma_start3A_1055 : memref<1x16x128xf32, #tpu.memory_space<vmem>> -> memref<16x128xf32, #tpu.memory_space<vmem>>
        %dma_start3A_1057 = arith.constant 0 : i32
        %dma_start3A_1058 = tpu.memref_slice %arg4[%add3A_1026, %dma_start3A_1057] : memref<204800x128xf32, #tpu.memory_space<hbm>> -> memref<16x128xf32, #tpu.memory_space<hbm>>
        tpu.enqueue_dma source(%dma_start3A_1058 : memref<16x128xf32, #tpu.memory_space<hbm>>) target(%dma_start3A_1056 : memref<16x128xf32, #tpu.memory_space<vmem>>) target_semaphore(%dma_start3A_1052 : memref<!tpu.dma_semaphore, #tpu.memory_space<semaphore_mem>>)
        %mul3A_1059 = arith.constant 16 : i32
        %mul3A_1060 = arith.muli %add3A_1023, %mul3A_1059 : i32
        %dma_start3A_1061 = arith.constant 2 : i32
        %dma_start3A_1062 = arith.constant 2 : i32
        %dma_start3A_1063 = arith.constant 0 : i32
        %dma_start3A_1064 = arith.constant 0 : i32
        %dma_start3A_1065 = tpu.memref_slice %arg8[%dma_start3A_1061, %dma_start3A_1063, %dma_start3A_1064] : memref<8x16x128xf32, #tpu.memory_space<vmem>> -> memref<1x16x128xf32, #tpu.memory_space<vmem>>
        %dma_start3A_1066 = tpu.memref_squeeze %dma_start3A_1065 : memref<1x16x128xf32, #tpu.memory_space<vmem>> -> memref<16x128xf32, #tpu.memory_space<vmem>>
        %dma_start3A_1067 = tpu.memref_slice %arg7[%mul3A_1060] : memref<6400xi32, #tpu.memory_space<vmem>> -> memref<16xi32, #tpu.memory_space<vmem>>
        %dma_start3A_1068 = arith.constant 0 : i32
        %dma_start3A_1069 = arith.constant 0 : i32
        %dma_start3A_1070 = tpu.memref_slice %arg5[%dma_start3A_1068, %dma_start3A_1069] : memref<100000x128xf32, #tpu.memory_space<hbm>> -> memref<100000x128xf32, #tpu.memory_space<hbm>>
        %dma_start3A_1071 = tpu.memref_slice %arg11[%dma_start3A_1062] : memref<8x!tpu.dma_semaphore, #tpu.memory_space<semaphore_mem>> -> memref<1x!tpu.dma_semaphore, #tpu.memory_space<semaphore_mem>>
        %dma_start3A_1072 = tpu.memref_squeeze %dma_start3A_1071 : memref<1x!tpu.dma_semaphore, #tpu.memory_space<semaphore_mem>> -> memref<!tpu.dma_semaphore, #tpu.memory_space<semaphore_mem>>
        tpu.enqueue_indirect_dma source(%dma_start3A_1070 : memref<100000x128xf32, #tpu.memory_space<hbm>>) target(%dma_start3A_1066 : memref<16x128xf32, #tpu.memory_space<vmem>>) offsets(%dma_start3A_1067 : memref<16xi32, #tpu.memory_space<vmem>>) semaphore(%dma_start3A_1072 : memref<!tpu.dma_semaphore, #tpu.memory_space<semaphore_mem>>)
      } else {
      }
      %mul3A_857 = arith.constant 16 : i32
      %mul3A_858 = arith.muli %add3A_849, %mul3A_857 : i32
      %dma_wait3A_859 = arith.constant 6 : i32
      %dma_wait3A_860 = arith.constant 6 : i32
      %dma_wait3A_861 = arith.constant 0 : i32
      %dma_wait3A_862 = arith.constant 0 : i32
      %dma_wait3A_863 = tpu.memref_slice %arg8[%dma_wait3A_859, %dma_wait3A_861, %dma_wait3A_862] : memref<8x16x128xf32, #tpu.memory_space<vmem>> -> memref<1x16x128xf32, #tpu.memory_space<vmem>>
      %dma_wait3A_864 = tpu.memref_squeeze %dma_wait3A_863 : memref<1x16x128xf32, #tpu.memory_space<vmem>> -> memref<16x128xf32, #tpu.memory_space<vmem>>
      %dma_wait3A_865 = tpu.memref_slice %arg7[%mul3A_858] : memref<6400xi32, #tpu.memory_space<vmem>> -> memref<16xi32, #tpu.memory_space<vmem>>
      %dma_wait3A_866 = arith.constant 0 : i32
      %dma_wait3A_867 = arith.constant 0 : i32
      %dma_wait3A_868 = tpu.memref_slice %arg5[%dma_wait3A_866, %dma_wait3A_867] : memref<100000x128xf32, #tpu.memory_space<hbm>> -> memref<100000x128xf32, #tpu.memory_space<hbm>>
      %dma_wait3A_869 = tpu.memref_slice %arg11[%dma_wait3A_860] : memref<8x!tpu.dma_semaphore, #tpu.memory_space<semaphore_mem>> -> memref<1x!tpu.dma_semaphore, #tpu.memory_space<semaphore_mem>>
      %dma_wait3A_870 = tpu.memref_squeeze %dma_wait3A_869 : memref<1x!tpu.dma_semaphore, #tpu.memory_space<semaphore_mem>> -> memref<!tpu.dma_semaphore, #tpu.memory_space<semaphore_mem>>
      tpu.wait_indirect_dma semaphore(%dma_wait3A_870 : memref<!tpu.dma_semaphore, #tpu.memory_space<semaphore_mem>>) src(%dma_wait3A_868 : memref<100000x128xf32, #tpu.memory_space<hbm>>) dst(%dma_wait3A_864 : memref<16x128xf32, #tpu.memory_space<vmem>>)
      %mul3A_871 = arith.constant 16 : i32
      %mul3A_872 = arith.muli %add3A_849, %mul3A_871 : i32
      %add3A_873 = arith.addi %mul3A_2, %mul3A_872 : i32
      %dma_wait3A_874 = arith.constant 6 : i32
      %dma_wait3A_875 = arith.constant 6 : i32
      %dma_wait3A_876 = arith.constant 0 : i32
      %dma_wait3A_877 = arith.constant 0 : i32
      %dma_wait3A_878 = tpu.memref_slice %arg9[%dma_wait3A_874, %dma_wait3A_876, %dma_wait3A_877] : memref<8x16x128xf32, #tpu.memory_space<vmem>> -> memref<1x16x128xf32, #tpu.memory_space<vmem>>
      %dma_wait3A_879 = tpu.memref_squeeze %dma_wait3A_878 : memref<1x16x128xf32, #tpu.memory_space<vmem>> -> memref<16x128xf32, #tpu.memory_space<vmem>>
      %dma_wait3A_880 = arith.constant 0 : i32
      %dma_wait3A_881 = tpu.memref_slice %arg2[%add3A_873, %dma_wait3A_880] : memref<204800x128xf32, #tpu.memory_space<hbm>> -> memref<16x128xf32, #tpu.memory_space<hbm>>
      %dma_wait3A_882 = tpu.memref_slice %arg12[%dma_wait3A_875] : memref<8x!tpu.dma_semaphore, #tpu.memory_space<semaphore_mem>> -> memref<1x!tpu.dma_semaphore, #tpu.memory_space<semaphore_mem>>
      %dma_wait3A_883 = tpu.memref_squeeze %dma_wait3A_882 : memref<1x!tpu.dma_semaphore, #tpu.memory_space<semaphore_mem>> -> memref<!tpu.dma_semaphore, #tpu.memory_space<semaphore_mem>>
      %dma_wait3A_884 = arith.constant 0 : i32
      %dma_wait3A_885 = arith.constant 0 : i32
      %dma_wait3A_886 = tpu.memref_slice %arg9[%dma_wait3A_874, %dma_wait3A_884, %dma_wait3A_885] : memref<8x16x128xf32, #tpu.memory_space<vmem>> -> memref<1x16x128xf32, #tpu.memory_space<vmem>>
      %dma_wait3A_887 = tpu.memref_squeeze %dma_wait3A_886 : memref<1x16x128xf32, #tpu.memory_space<vmem>> -> memref<16x128xf32, #tpu.memory_space<vmem>>
      %dma_wait3A_888 = arith.constant 0 : i32
      %dma_wait3A_889 = tpu.memref_slice %arg2[%add3A_873, %dma_wait3A_888] : memref<204800x128xf32, #tpu.memory_space<hbm>> -> memref<16x128xf32, #tpu.memory_space<hbm>>
      tpu.wait_dma2 semaphore(%dma_wait3A_883 : memref<!tpu.dma_semaphore, #tpu.memory_space<semaphore_mem>>) src(%dma_wait3A_889 : memref<16x128xf32, #tpu.memory_space<hbm>>) dst(%dma_wait3A_887 : memref<16x128xf32, #tpu.memory_space<vmem>>)
      %dma_wait3A_890 = arith.constant 6 : i32
      %dma_wait3A_891 = arith.constant 6 : i32
      %dma_wait3A_892 = arith.constant 0 : i32
      %dma_wait3A_893 = arith.constant 0 : i32
      %dma_wait3A_894 = tpu.memref_slice %arg10[%dma_wait3A_890, %dma_wait3A_892, %dma_wait3A_893] : memref<8x16x128xf32, #tpu.memory_space<vmem>> -> memref<1x16x128xf32, #tpu.memory_space<vmem>>
      %dma_wait3A_895 = tpu.memref_squeeze %dma_wait3A_894 : memref<1x16x128xf32, #tpu.memory_space<vmem>> -> memref<16x128xf32, #tpu.memory_space<vmem>>
      %dma_wait3A_896 = arith.constant 0 : i32
      %dma_wait3A_897 = tpu.memref_slice %arg4[%add3A_873, %dma_wait3A_896] : memref<204800x128xf32, #tpu.memory_space<hbm>> -> memref<16x128xf32, #tpu.memory_space<hbm>>
      %dma_wait3A_898 = tpu.memref_slice %arg12[%dma_wait3A_891] : memref<8x!tpu.dma_semaphore, #tpu.memory_space<semaphore_mem>> -> memref<1x!tpu.dma_semaphore, #tpu.memory_space<semaphore_mem>>
      %dma_wait3A_899 = tpu.memref_squeeze %dma_wait3A_898 : memref<1x!tpu.dma_semaphore, #tpu.memory_space<semaphore_mem>> -> memref<!tpu.dma_semaphore, #tpu.memory_space<semaphore_mem>>
      %dma_wait3A_900 = arith.constant 0 : i32
      %dma_wait3A_901 = arith.constant 0 : i32
      %dma_wait3A_902 = tpu.memref_slice %arg10[%dma_wait3A_890, %dma_wait3A_900, %dma_wait3A_901] : memref<8x16x128xf32, #tpu.memory_space<vmem>> -> memref<1x16x128xf32, #tpu.memory_space<vmem>>
      %dma_wait3A_903 = tpu.memref_squeeze %dma_wait3A_902 : memref<1x16x128xf32, #tpu.memory_space<vmem>> -> memref<16x128xf32, #tpu.memory_space<vmem>>
      %dma_wait3A_904 = arith.constant 0 : i32
      %dma_wait3A_905 = tpu.memref_slice %arg4[%add3A_873, %dma_wait3A_904] : memref<204800x128xf32, #tpu.memory_space<hbm>> -> memref<16x128xf32, #tpu.memory_space<hbm>>
      tpu.wait_dma2 semaphore(%dma_wait3A_899 : memref<!tpu.dma_semaphore, #tpu.memory_space<semaphore_mem>>) src(%dma_wait3A_905 : memref<16x128xf32, #tpu.memory_space<hbm>>) dst(%dma_wait3A_903 : memref<16x128xf32, #tpu.memory_space<vmem>>)
      %scan3A_906 = arith.constant 0 : i32
      %scan3A_907 = arith.constant 0 : i32
      %scan3A_908 = arith.constant 128 : i32
      %scan3A_909 = arith.addi %scan3A_907, %scan3A_908 : i32
      %scan3A_910 = arith.constant 8 : i32
      scf.for %scan3A_1016 = %scan3A_907 to %scan3A_909 step %scan3A_910  : i32 {
        %shift_right_arithmetic3A = arith.constant 3 : i32
        %shift_right_arithmetic3A_1017 = arith.shrsi %scan3A_1016, %shift_right_arithmetic3A : i32
        %and3A = arith.constant 7 : i32
        %and3A_1018 = arith.andi %scan3A_1016, %and3A : i32
        %mul3A_1019 = arith.constant 16 : i32
        %mul3A_1020 = arith.muli %and3A_1018, %mul3A_1019 : i32
        %get3A = arith.constant 6 : i32
        %get3A_1021 = arith.index_cast %get3A : i32 to index
        %get3A_1022 = arith.index_cast %shift_right_arithmetic3A_1017 : i32 to index
        %get3A_1023 = arith.index_cast %mul3A_1020 : i32 to index
        %get3A_1024 = tpu.vector_load %arg9[%get3A_1021, %get3A_1022, %get3A_1023] {strides = array<i32>} : memref<8x16x128xf32, #tpu.memory_space<vmem>>, vector<1x1x16xf32>,
        %get3A_1025 = vector.shape_cast %get3A_1024 : vector<1x1x16xf32> to vector<16xf32>
        %get3A_1026 = arith.constant 6 : i32
        %get3A_1027 = arith.index_cast %get3A_1026 : i32 to index
        %get3A_1028 = arith.index_cast %shift_right_arithmetic3A_1017 : i32 to index
        %get3A_1029 = arith.index_cast %mul3A_1020 : i32 to index
        %get3A_1030 = tpu.vector_load %arg10[%get3A_1027, %get3A_1028, %get3A_1029] {strides = array<i32>} : memref<8x16x128xf32, #tpu.memory_space<vmem>>, vector<1x1x16xf32>,
        %get3A_1031 = vector.shape_cast %get3A_1030 : vector<1x1x16xf32> to vector<16xf32>
        %add3A_1032 = arith.addf %get3A_1025, %get3A_1031 : vector<16xf32>
        %swap3A = arith.constant 6 : i32
        %swap3A_1033 = arith.index_cast %swap3A : i32 to index
        %swap3A_1034 = arith.index_cast %shift_right_arithmetic3A_1017 : i32 to index
        %swap3A_1035 = arith.index_cast %mul3A_1020 : i32 to index
        %swap3A_1036 = tpu.vector_load %arg8[%swap3A_1033, %swap3A_1034, %swap3A_1035] {strides = array<i32>} : memref<8x16x128xf32, #tpu.memory_space<vmem>>, vector<1x1x16xf32>,
        %swap3A_1037 = vector.shape_cast %swap3A_1036 : vector<1x1x16xf32> to vector<16xf32>
        %swap3A_1038 = vector.shape_cast %add3A_1032 : vector<16xf32> to vector<1x1x16xf32>
        tpu.vector_store %arg8[%swap3A_1033, %swap3A_1034, %swap3A_1035], %swap3A_1038 {add = true, strides = array<i32>} : memref<8x16x128xf32, #tpu.memory_space<vmem>>, vector<1x1x16xf32>,
        %scan3A_1039 = arith.constant 1 : i32
        %scan3A_1040 = arith.addi %scan3A_1016, %scan3A_1039 : i32
        %shift_right_arithmetic3A_1041 = arith.constant 3 : i32
        %shift_right_arithmetic3A_1042 = arith.shrsi %scan3A_1040, %shift_right_arithmetic3A_1041 : i32
        %and3A_1043 = arith.constant 7 : i32
        %and3A_1044 = arith.andi %scan3A_1040, %and3A_1043 : i32
        %mul3A_1045 = arith.constant 16 : i32
        %mul3A_1046 = arith.muli %and3A_1044, %mul3A_1045 : i32
        %get3A_1047 = arith.constant 6 : i32
        %get3A_1048 = arith.index_cast %get3A_1047 : i32 to index
        %get3A_1049 = arith.index_cast %shift_right_arithmetic3A_1042 : i32 to index
        %get3A_1050 = arith.index_cast %mul3A_1046 : i32 to index
        %get3A_1051 = tpu.vector_load %arg9[%get3A_1048, %get3A_1049, %get3A_1050] {strides = array<i32>} : memref<8x16x128xf32, #tpu.memory_space<vmem>>, vector<1x1x16xf32>,
        %get3A_1052 = vector.shape_cast %get3A_1051 : vector<1x1x16xf32> to vector<16xf32>
        %get3A_1053 = arith.constant 6 : i32
        %get3A_1054 = arith.index_cast %get3A_1053 : i32 to index
        %get3A_1055 = arith.index_cast %shift_right_arithmetic3A_1042 : i32 to index
        %get3A_1056 = arith.index_cast %mul3A_1046 : i32 to index
        %get3A_1057 = tpu.vector_load %arg10[%get3A_1054, %get3A_1055, %get3A_1056] {strides = array<i32>} : memref<8x16x128xf32, #tpu.memory_space<vmem>>, vector<1x1x16xf32>,
        %get3A_1058 = vector.shape_cast %get3A_1057 : vector<1x1x16xf32> to vector<16xf32>
        %add3A_1059 = arith.addf %get3A_1052, %get3A_1058 : vector<16xf32>
        %swap3A_1060 = arith.constant 6 : i32
        %swap3A_1061 = arith.index_cast %swap3A_1060 : i32 to index
        %swap3A_1062 = arith.index_cast %shift_right_arithmetic3A_1042 : i32 to index
        %swap3A_1063 = arith.index_cast %mul3A_1046 : i32 to index
        %swap3A_1064 = tpu.vector_load %arg8[%swap3A_1061, %swap3A_1062, %swap3A_1063] {strides = array<i32>} : memref<8x16x128xf32, #tpu.memory_space<vmem>>, vector<1x1x16xf32>,
        %swap3A_1065 = vector.shape_cast %swap3A_1064 : vector<1x1x16xf32> to vector<16xf32>
        %swap3A_1066 = vector.shape_cast %add3A_1059 : vector<16xf32> to vector<1x1x16xf32>
        tpu.vector_store %arg8[%swap3A_1061, %swap3A_1062, %swap3A_1063], %swap3A_1066 {add = true, strides = array<i32>} : memref<8x16x128xf32, #tpu.memory_space<vmem>>, vector<1x1x16xf32>,
        %scan3A_1067 = arith.constant 2 : i32
        %scan3A_1068 = arith.addi %scan3A_1016, %scan3A_1067 : i32
        %shift_right_arithmetic3A_1069 = arith.constant 3 : i32
        %shift_right_arithmetic3A_1070 = arith.shrsi %scan3A_1068, %shift_right_arithmetic3A_1069 : i32
        %and3A_1071 = arith.constant 7 : i32
        %and3A_1072 = arith.andi %scan3A_1068, %and3A_1071 : i32
        %mul3A_1073 = arith.constant 16 : i32
        %mul3A_1074 = arith.muli %and3A_1072, %mul3A_1073 : i32
        %get3A_1075 = arith.constant 6 : i32
        %get3A_1076 = arith.index_cast %get3A_1075 : i32 to index
        %get3A_1077 = arith.index_cast %shift_right_arithmetic3A_1070 : i32 to index
        %get3A_1078 = arith.index_cast %mul3A_1074 : i32 to index
        %get3A_1079 = tpu.vector_load %arg9[%get3A_1076, %get3A_1077, %get3A_1078] {strides = array<i32>} : memref<8x16x128xf32, #tpu.memory_space<vmem>>, vector<1x1x16xf32>,
        %get3A_1080 = vector.shape_cast %get3A_1079 : vector<1x1x16xf32> to vector<16xf32>
        %get3A_1081 = arith.constant 6 : i32
        %get3A_1082 = arith.index_cast %get3A_1081 : i32 to index
        %get3A_1083 = arith.index_cast %shift_right_arithmetic3A_1070 : i32 to index
        %get3A_1084 = arith.index_cast %mul3A_1074 : i32 to index
        %get3A_1085 = tpu.vector_load %arg10[%get3A_1082, %get3A_1083, %get3A_1084] {strides = array<i32>} : memref<8x16x128xf32, #tpu.memory_space<vmem>>, vector<1x1x16xf32>,
        %get3A_1086 = vector.shape_cast %get3A_1085 : vector<1x1x16xf32> to vector<16xf32>
        %add3A_1087 = arith.addf %get3A_1080, %get3A_1086 : vector<16xf32>
        %swap3A_1088 = arith.constant 6 : i32
        %swap3A_1089 = arith.index_cast %swap3A_1088 : i32 to index
        %swap3A_1090 = arith.index_cast %shift_right_arithmetic3A_1070 : i32 to index
        %swap3A_1091 = arith.index_cast %mul3A_1074 : i32 to index
        %swap3A_1092 = tpu.vector_load %arg8[%swap3A_1089, %swap3A_1090, %swap3A_1091] {strides = array<i32>} : memref<8x16x128xf32, #tpu.memory_space<vmem>>, vector<1x1x16xf32>,
        %swap3A_1093 = vector.shape_cast %swap3A_1092 : vector<1x1x16xf32> to vector<16xf32>
        %swap3A_1094 = vector.shape_cast %add3A_1087 : vector<16xf32> to vector<1x1x16xf32>
        tpu.vector_store %arg8[%swap3A_1089, %swap3A_1090, %swap3A_1091], %swap3A_1094 {add = true, strides = array<i32>} : memref<8x16x128xf32, #tpu.memory_space<vmem>>, vector<1x1x16xf32>,
        %scan3A_1095 = arith.constant 3 : i32
        %scan3A_1096 = arith.addi %scan3A_1016, %scan3A_1095 : i32
        %shift_right_arithmetic3A_1097 = arith.constant 3 : i32
        %shift_right_arithmetic3A_1098 = arith.shrsi %scan3A_1096, %shift_right_arithmetic3A_1097 : i32
        %and3A_1099 = arith.constant 7 : i32
        %and3A_1100 = arith.andi %scan3A_1096, %and3A_1099 : i32
        %mul3A_1101 = arith.constant 16 : i32
        %mul3A_1102 = arith.muli %and3A_1100, %mul3A_1101 : i32
        %get3A_1103 = arith.constant 6 : i32
        %get3A_1104 = arith.index_cast %get3A_1103 : i32 to index
        %get3A_1105 = arith.index_cast %shift_right_arithmetic3A_1098 : i32 to index
        %get3A_1106 = arith.index_cast %mul3A_1102 : i32 to index
        %get3A_1107 = tpu.vector_load %arg9[%get3A_1104, %get3A_1105, %get3A_1106] {strides = array<i32>} : memref<8x16x128xf32, #tpu.memory_space<vmem>>, vector<1x1x16xf32>,
        %get3A_1108 = vector.shape_cast %get3A_1107 : vector<1x1x16xf32> to vector<16xf32>
        %get3A_1109 = arith.constant 6 : i32
        %get3A_1110 = arith.index_cast %get3A_1109 : i32 to index
        %get3A_1111 = arith.index_cast %shift_right_arithmetic3A_1098 : i32 to index
        %get3A_1112 = arith.index_cast %mul3A_1102 : i32 to index
        %get3A_1113 = tpu.vector_load %arg10[%get3A_1110, %get3A_1111, %get3A_1112] {strides = array<i32>} : memref<8x16x128xf32, #tpu.memory_space<vmem>>, vector<1x1x16xf32>,
        %get3A_1114 = vector.shape_cast %get3A_1113 : vector<1x1x16xf32> to vector<16xf32>
        %add3A_1115 = arith.addf %get3A_1108, %get3A_1114 : vector<16xf32>
        %swap3A_1116 = arith.constant 6 : i32
        %swap3A_1117 = arith.index_cast %swap3A_1116 : i32 to index
        %swap3A_1118 = arith.index_cast %shift_right_arithmetic3A_1098 : i32 to index
        %swap3A_1119 = arith.index_cast %mul3A_1102 : i32 to index
        %swap3A_1120 = tpu.vector_load %arg8[%swap3A_1117, %swap3A_1118, %swap3A_1119] {strides = array<i32>} : memref<8x16x128xf32, #tpu.memory_space<vmem>>, vector<1x1x16xf32>,
        %swap3A_1121 = vector.shape_cast %swap3A_1120 : vector<1x1x16xf32> to vector<16xf32>
        %swap3A_1122 = vector.shape_cast %add3A_1115 : vector<16xf32> to vector<1x1x16xf32>
        tpu.vector_store %arg8[%swap3A_1117, %swap3A_1118, %swap3A_1119], %swap3A_1122 {add = true, strides = array<i32>} : memref<8x16x128xf32, #tpu.memory_space<vmem>>, vector<1x1x16xf32>,
        %scan3A_1123 = arith.constant 4 : i32
        %scan3A_1124 = arith.addi %scan3A_1016, %scan3A_1123 : i32
        %shift_right_arithmetic3A_1125 = arith.constant 3 : i32
        %shift_right_arithmetic3A_1126 = arith.shrsi %scan3A_1124, %shift_right_arithmetic3A_1125 : i32
        %and3A_1127 = arith.constant 7 : i32
        %and3A_1128 = arith.andi %scan3A_1124, %and3A_1127 : i32
        %mul3A_1129 = arith.constant 16 : i32
        %mul3A_1130 = arith.muli %and3A_1128, %mul3A_1129 : i32
        %get3A_1131 = arith.constant 6 : i32
        %get3A_1132 = arith.index_cast %get3A_1131 : i32 to index
        %get3A_1133 = arith.index_cast %shift_right_arithmetic3A_1126 : i32 to index
        %get3A_1134 = arith.index_cast %mul3A_1130 : i32 to index
        %get3A_1135 = tpu.vector_load %arg9[%get3A_1132, %get3A_1133, %get3A_1134] {strides = array<i32>} : memref<8x16x128xf32, #tpu.memory_space<vmem>>, vector<1x1x16xf32>,
        %get3A_1136 = vector.shape_cast %get3A_1135 : vector<1x1x16xf32> to vector<16xf32>
        %get3A_1137 = arith.constant 6 : i32
        %get3A_1138 = arith.index_cast %get3A_1137 : i32 to index
        %get3A_1139 = arith.index_cast %shift_right_arithmetic3A_1126 : i32 to index
        %get3A_1140 = arith.index_cast %mul3A_1130 : i32 to index
        %get3A_1141 = tpu.vector_load %arg10[%get3A_1138, %get3A_1139, %get3A_1140] {strides = array<i32>} : memref<8x16x128xf32, #tpu.memory_space<vmem>>, vector<1x1x16xf32>,
        %get3A_1142 = vector.shape_cast %get3A_1141 : vector<1x1x16xf32> to vector<16xf32>
        %add3A_1143 = arith.addf %get3A_1136, %get3A_1142 : vector<16xf32>
        %swap3A_1144 = arith.constant 6 : i32
        %swap3A_1145 = arith.index_cast %swap3A_1144 : i32 to index
        %swap3A_1146 = arith.index_cast %shift_right_arithmetic3A_1126 : i32 to index
        %swap3A_1147 = arith.index_cast %mul3A_1130 : i32 to index
        %swap3A_1148 = tpu.vector_load %arg8[%swap3A_1145, %swap3A_1146, %swap3A_1147] {strides = array<i32>} : memref<8x16x128xf32, #tpu.memory_space<vmem>>, vector<1x1x16xf32>,
        %swap3A_1149 = vector.shape_cast %swap3A_1148 : vector<1x1x16xf32> to vector<16xf32>
        %swap3A_1150 = vector.shape_cast %add3A_1143 : vector<16xf32> to vector<1x1x16xf32>
        tpu.vector_store %arg8[%swap3A_1145, %swap3A_1146, %swap3A_1147], %swap3A_1150 {add = true, strides = array<i32>} : memref<8x16x128xf32, #tpu.memory_space<vmem>>, vector<1x1x16xf32>,
        %scan3A_1151 = arith.constant 5 : i32
        %scan3A_1152 = arith.addi %scan3A_1016, %scan3A_1151 : i32
        %shift_right_arithmetic3A_1153 = arith.constant 3 : i32
        %shift_right_arithmetic3A_1154 = arith.shrsi %scan3A_1152, %shift_right_arithmetic3A_1153 : i32
        %and3A_1155 = arith.constant 7 : i32
        %and3A_1156 = arith.andi %scan3A_1152, %and3A_1155 : i32
        %mul3A_1157 = arith.constant 16 : i32
        %mul3A_1158 = arith.muli %and3A_1156, %mul3A_1157 : i32
        %get3A_1159 = arith.constant 6 : i32
        %get3A_1160 = arith.index_cast %get3A_1159 : i32 to index
        %get3A_1161 = arith.index_cast %shift_right_arithmetic3A_1154 : i32 to index
        %get3A_1162 = arith.index_cast %mul3A_1158 : i32 to index
        %get3A_1163 = tpu.vector_load %arg9[%get3A_1160, %get3A_1161, %get3A_1162] {strides = array<i32>} : memref<8x16x128xf32, #tpu.memory_space<vmem>>, vector<1x1x16xf32>,
        %get3A_1164 = vector.shape_cast %get3A_1163 : vector<1x1x16xf32> to vector<16xf32>
        %get3A_1165 = arith.constant 6 : i32
        %get3A_1166 = arith.index_cast %get3A_1165 : i32 to index
        %get3A_1167 = arith.index_cast %shift_right_arithmetic3A_1154 : i32 to index
        %get3A_1168 = arith.index_cast %mul3A_1158 : i32 to index
        %get3A_1169 = tpu.vector_load %arg10[%get3A_1166, %get3A_1167, %get3A_1168] {strides = array<i32>} : memref<8x16x128xf32, #tpu.memory_space<vmem>>, vector<1x1x16xf32>,
        %get3A_1170 = vector.shape_cast %get3A_1169 : vector<1x1x16xf32> to vector<16xf32>
        %add3A_1171 = arith.addf %get3A_1164, %get3A_1170 : vector<16xf32>
        %swap3A_1172 = arith.constant 6 : i32
        %swap3A_1173 = arith.index_cast %swap3A_1172 : i32 to index
        %swap3A_1174 = arith.index_cast %shift_right_arithmetic3A_1154 : i32 to index
        %swap3A_1175 = arith.index_cast %mul3A_1158 : i32 to index
        %swap3A_1176 = tpu.vector_load %arg8[%swap3A_1173, %swap3A_1174, %swap3A_1175] {strides = array<i32>} : memref<8x16x128xf32, #tpu.memory_space<vmem>>, vector<1x1x16xf32>,
        %swap3A_1177 = vector.shape_cast %swap3A_1176 : vector<1x1x16xf32> to vector<16xf32>
        %swap3A_1178 = vector.shape_cast %add3A_1171 : vector<16xf32> to vector<1x1x16xf32>
        tpu.vector_store %arg8[%swap3A_1173, %swap3A_1174, %swap3A_1175], %swap3A_1178 {add = true, strides = array<i32>} : memref<8x16x128xf32, #tpu.memory_space<vmem>>, vector<1x1x16xf32>,
        %scan3A_1179 = arith.constant 6 : i32
        %scan3A_1180 = arith.addi %scan3A_1016, %scan3A_1179 : i32
        %shift_right_arithmetic3A_1181 = arith.constant 3 : i32
        %shift_right_arithmetic3A_1182 = arith.shrsi %scan3A_1180, %shift_right_arithmetic3A_1181 : i32
        %and3A_1183 = arith.constant 7 : i32
        %and3A_1184 = arith.andi %scan3A_1180, %and3A_1183 : i32
        %mul3A_1185 = arith.constant 16 : i32
        %mul3A_1186 = arith.muli %and3A_1184, %mul3A_1185 : i32
        %get3A_1187 = arith.constant 6 : i32
        %get3A_1188 = arith.index_cast %get3A_1187 : i32 to index
        %get3A_1189 = arith.index_cast %shift_right_arithmetic3A_1182 : i32 to index
        %get3A_1190 = arith.index_cast %mul3A_1186 : i32 to index
        %get3A_1191 = tpu.vector_load %arg9[%get3A_1188, %get3A_1189, %get3A_1190] {strides = array<i32>} : memref<8x16x128xf32, #tpu.memory_space<vmem>>, vector<1x1x16xf32>,
        %get3A_1192 = vector.shape_cast %get3A_1191 : vector<1x1x16xf32> to vector<16xf32>
        %get3A_1193 = arith.constant 6 : i32
        %get3A_1194 = arith.index_cast %get3A_1193 : i32 to index
        %get3A_1195 = arith.index_cast %shift_right_arithmetic3A_1182 : i32 to index
        %get3A_1196 = arith.index_cast %mul3A_1186 : i32 to index
        %get3A_1197 = tpu.vector_load %arg10[%get3A_1194, %get3A_1195, %get3A_1196] {strides = array<i32>} : memref<8x16x128xf32, #tpu.memory_space<vmem>>, vector<1x1x16xf32>,
        %get3A_1198 = vector.shape_cast %get3A_1197 : vector<1x1x16xf32> to vector<16xf32>
        %add3A_1199 = arith.addf %get3A_1192, %get3A_1198 : vector<16xf32>
        %swap3A_1200 = arith.constant 6 : i32
        %swap3A_1201 = arith.index_cast %swap3A_1200 : i32 to index
        %swap3A_1202 = arith.index_cast %shift_right_arithmetic3A_1182 : i32 to index
        %swap3A_1203 = arith.index_cast %mul3A_1186 : i32 to index
        %swap3A_1204 = tpu.vector_load %arg8[%swap3A_1201, %swap3A_1202, %swap3A_1203] {strides = array<i32>} : memref<8x16x128xf32, #tpu.memory_space<vmem>>, vector<1x1x16xf32>,
        %swap3A_1205 = vector.shape_cast %swap3A_1204 : vector<1x1x16xf32> to vector<16xf32>
        %swap3A_1206 = vector.shape_cast %add3A_1199 : vector<16xf32> to vector<1x1x16xf32>
        tpu.vector_store %arg8[%swap3A_1201, %swap3A_1202, %swap3A_1203], %swap3A_1206 {add = true, strides = array<i32>} : memref<8x16x128xf32, #tpu.memory_space<vmem>>, vector<1x1x16xf32>,
        %scan3A_1207 = arith.constant 7 : i32
        %scan3A_1208 = arith.addi %scan3A_1016, %scan3A_1207 : i32
        %shift_right_arithmetic3A_1209 = arith.constant 3 : i32
        %shift_right_arithmetic3A_1210 = arith.shrsi %scan3A_1208, %shift_right_arithmetic3A_1209 : i32
        %and3A_1211 = arith.constant 7 : i32
        %and3A_1212 = arith.andi %scan3A_1208, %and3A_1211 : i32
        %mul3A_1213 = arith.constant 16 : i32
        %mul3A_1214 = arith.muli %and3A_1212, %mul3A_1213 : i32
        %get3A_1215 = arith.constant 6 : i32
        %get3A_1216 = arith.index_cast %get3A_1215 : i32 to index
        %get3A_1217 = arith.index_cast %shift_right_arithmetic3A_1210 : i32 to index
        %get3A_1218 = arith.index_cast %mul3A_1214 : i32 to index
        %get3A_1219 = tpu.vector_load %arg9[%get3A_1216, %get3A_1217, %get3A_1218] {strides = array<i32>} : memref<8x16x128xf32, #tpu.memory_space<vmem>>, vector<1x1x16xf32>,
        %get3A_1220 = vector.shape_cast %get3A_1219 : vector<1x1x16xf32> to vector<16xf32>
        %get3A_1221 = arith.constant 6 : i32
        %get3A_1222 = arith.index_cast %get3A_1221 : i32 to index
        %get3A_1223 = arith.index_cast %shift_right_arithmetic3A_1210 : i32 to index
        %get3A_1224 = arith.index_cast %mul3A_1214 : i32 to index
        %get3A_1225 = tpu.vector_load %arg10[%get3A_1222, %get3A_1223, %get3A_1224] {strides = array<i32>} : memref<8x16x128xf32, #tpu.memory_space<vmem>>, vector<1x1x16xf32>,
        %get3A_1226 = vector.shape_cast %get3A_1225 : vector<1x1x16xf32> to vector<16xf32>
        %add3A_1227 = arith.addf %get3A_1220, %get3A_1226 : vector<16xf32>
        %swap3A_1228 = arith.constant 6 : i32
        %swap3A_1229 = arith.index_cast %swap3A_1228 : i32 to index
        %swap3A_1230 = arith.index_cast %shift_right_arithmetic3A_1210 : i32 to index
        %swap3A_1231 = arith.index_cast %mul3A_1214 : i32 to index
        %swap3A_1232 = tpu.vector_load %arg8[%swap3A_1229, %swap3A_1230, %swap3A_1231] {strides = array<i32>} : memref<8x16x128xf32, #tpu.memory_space<vmem>>, vector<1x1x16xf32>,
        %swap3A_1233 = vector.shape_cast %swap3A_1232 : vector<1x1x16xf32> to vector<16xf32>
        %swap3A_1234 = vector.shape_cast %add3A_1227 : vector<16xf32> to vector<1x1x16xf32>
        tpu.vector_store %arg8[%swap3A_1229, %swap3A_1230, %swap3A_1231], %swap3A_1234 {add = true, strides = array<i32>} : memref<8x16x128xf32, #tpu.memory_space<vmem>>, vector<1x1x16xf32>,
      }
      %scan3A_911 = arith.constant 128 : i32
      %mul3A_912 = arith.constant 16 : i32
      %mul3A_913 = arith.muli %add3A_849, %mul3A_912 : i32
      %add3A_914 = arith.addi %mul3A_2, %mul3A_913 : i32
      %dma_start3A_915 = arith.constant 6 : i32
      %dma_start3A_916 = arith.constant 6 : i32
      %dma_start3A_917 = arith.constant 0 : i32
      %dma_start3A_918 = arith.constant 0 : i32
      %dma_start3A_919 = tpu.memref_slice %arg8[%dma_start3A_915, %dma_start3A_917, %dma_start3A_918] : memref<8x16x128xf32, #tpu.memory_space<vmem>> -> memref<1x16x128xf32, #tpu.memory_space<vmem>>
      %dma_start3A_920 = tpu.memref_squeeze %dma_start3A_919 : memref<1x16x128xf32, #tpu.memory_space<vmem>> -> memref<16x128xf32, #tpu.memory_space<vmem>>
      %dma_start3A_921 = arith.constant 0 : i32
      %dma_start3A_922 = tpu.memref_slice %arg6[%add3A_914, %dma_start3A_921] : memref<204800x128xf32, #tpu.memory_space<hbm>> -> memref<16x128xf32, #tpu.memory_space<hbm>>
      %dma_start3A_923 = tpu.memref_slice %arg13[%dma_start3A_916] : memref<8x!tpu.dma_semaphore, #tpu.memory_space<semaphore_mem>> -> memref<1x!tpu.dma_semaphore, #tpu.memory_space<semaphore_mem>>
      %dma_start3A_924 = tpu.memref_squeeze %dma_start3A_923 : memref<1x!tpu.dma_semaphore, #tpu.memory_space<semaphore_mem>> -> memref<!tpu.dma_semaphore, #tpu.memory_space<semaphore_mem>>
      %dma_start3A_925 = arith.constant 0 : i32
      %dma_start3A_926 = tpu.memref_slice %arg6[%add3A_914, %dma_start3A_925] : memref<204800x128xf32, #tpu.memory_space<hbm>> -> memref<16x128xf32, #tpu.memory_space<hbm>>
      %dma_start3A_927 = arith.constant 0 : i32
      %dma_start3A_928 = arith.constant 0 : i32
      %dma_start3A_929 = tpu.memref_slice %arg8[%dma_start3A_915, %dma_start3A_927, %dma_start3A_928] : memref<8x16x128xf32, #tpu.memory_space<vmem>> -> memref<1x16x128xf32, #tpu.memory_space<vmem>>
      %dma_start3A_930 = tpu.memref_squeeze %dma_start3A_929 : memref<1x16x128xf32, #tpu.memory_space<vmem>> -> memref<16x128xf32, #tpu.memory_space<vmem>>
      tpu.enqueue_dma source(%dma_start3A_930 : memref<16x128xf32, #tpu.memory_space<vmem>>) target(%dma_start3A_926 : memref<16x128xf32, #tpu.memory_space<hbm>>) target_semaphore(%dma_start3A_924 : memref<!tpu.dma_semaphore, #tpu.memory_space<semaphore_mem>>)
      %mul3A_931 = arith.constant 8 : i32
      %mul3A_932 = arith.muli %scan3A_338, %mul3A_931 : i32
      %add3A_933 = arith.constant 7 : i32
      %add3A_934 = arith.addi %mul3A_932, %add3A_933 : i32
      %add3A_935 = arith.constant 4 : i32
      %add3A_936 = arith.addi %add3A_934, %add3A_935 : i32
      %lt3A_937 = arith.constant 400 : i32
      %lt3A_938 = arith.cmpi slt, %add3A_936, %lt3A_937 : i32
      %convert_element_type3A_939 = arith.extui %lt3A_938 : i1 to i32
      %cond3A_940 = arith.constant 0 : i32
      %cond3A_941 = arith.cmpi ne, %convert_element_type3A_939, %cond3A_940 : i32
      scf.if %cond3A_941 {
        %add3A_1016 = arith.constant 4 : i32
        %add3A_1017 = arith.addi %add3A_934, %add3A_1016 : i32
        %ge3A = arith.constant 8 : i32
        %ge3A_1018 = arith.cmpi sge, %add3A_1017, %ge3A : i32
        %convert_element_type3A_1019 = arith.extui %ge3A_1018 : i1 to i32
        %cond3A_1020 = arith.constant 0 : i32
        %cond3A_1021 = arith.cmpi ne, %convert_element_type3A_1019, %cond3A_1020 : i32
        scf.if %cond3A_1021 {
          %add3A_1073 = arith.constant 4 : i32
          %add3A_1074 = arith.addi %add3A_934, %add3A_1073 : i32
          %sub3A = arith.constant 8 : i32
          %sub3A_1075 = arith.subi %add3A_1074, %sub3A : i32
          %mul3A_1076 = arith.constant 16 : i32
          %mul3A_1077 = arith.muli %sub3A_1075, %mul3A_1076 : i32
          %add3A_1078 = arith.addi %mul3A_2, %mul3A_1077 : i32
          %dma_wait3A_1079 = arith.constant 3 : i32
          %dma_wait3A_1080 = arith.constant 3 : i32
          %dma_wait3A_1081 = arith.constant 0 : i32
          %dma_wait3A_1082 = arith.constant 0 : i32
          %dma_wait3A_1083 = tpu.memref_slice %arg8[%dma_wait3A_1079, %dma_wait3A_1081, %dma_wait3A_1082] : memref<8x16x128xf32, #tpu.memory_space<vmem>> -> memref<1x16x128xf32, #tpu.memory_space<vmem>>
          %dma_wait3A_1084 = tpu.memref_squeeze %dma_wait3A_1083 : memref<1x16x128xf32, #tpu.memory_space<vmem>> -> memref<16x128xf32, #tpu.memory_space<vmem>>
          %dma_wait3A_1085 = arith.constant 0 : i32
          %dma_wait3A_1086 = tpu.memref_slice %arg6[%add3A_1078, %dma_wait3A_1085] : memref<204800x128xf32, #tpu.memory_space<hbm>> -> memref<16x128xf32, #tpu.memory_space<hbm>>
          %dma_wait3A_1087 = tpu.memref_slice %arg13[%dma_wait3A_1080] : memref<8x!tpu.dma_semaphore, #tpu.memory_space<semaphore_mem>> -> memref<1x!tpu.dma_semaphore, #tpu.memory_space<semaphore_mem>>
          %dma_wait3A_1088 = tpu.memref_squeeze %dma_wait3A_1087 : memref<1x!tpu.dma_semaphore, #tpu.memory_space<semaphore_mem>> -> memref<!tpu.dma_semaphore, #tpu.memory_space<semaphore_mem>>
          %dma_wait3A_1089 = arith.constant 0 : i32
          %dma_wait3A_1090 = tpu.memref_slice %arg6[%add3A_1078, %dma_wait3A_1089] : memref<204800x128xf32, #tpu.memory_space<hbm>> -> memref<16x128xf32, #tpu.memory_space<hbm>>
          %dma_wait3A_1091 = arith.constant 0 : i32
          %dma_wait3A_1092 = arith.constant 0 : i32
          %dma_wait3A_1093 = tpu.memref_slice %arg8[%dma_wait3A_1079, %dma_wait3A_1091, %dma_wait3A_1092] : memref<8x16x128xf32, #tpu.memory_space<vmem>> -> memref<1x16x128xf32, #tpu.memory_space<vmem>>
          %dma_wait3A_1094 = tpu.memref_squeeze %dma_wait3A_1093 : memref<1x16x128xf32, #tpu.memory_space<vmem>> -> memref<16x128xf32, #tpu.memory_space<vmem>>
          tpu.wait_dma2 semaphore(%dma_wait3A_1088 : memref<!tpu.dma_semaphore, #tpu.memory_space<semaphore_mem>>) src(%dma_wait3A_1094 : memref<16x128xf32, #tpu.memory_space<vmem>>) dst(%dma_wait3A_1090 : memref<16x128xf32, #tpu.memory_space<hbm>>)
        } else {
        }
        %add3A_1022 = arith.constant 4 : i32
        %add3A_1023 = arith.addi %add3A_934, %add3A_1022 : i32
        %mul3A_1024 = arith.constant 16 : i32
        %mul3A_1025 = arith.muli %add3A_1023, %mul3A_1024 : i32
        %add3A_1026 = arith.addi %mul3A_2, %mul3A_1025 : i32
        %dma_start3A_1027 = arith.constant 3 : i32
        %dma_start3A_1028 = arith.constant 3 : i32
        %dma_start3A_1029 = arith.constant 0 : i32
        %dma_start3A_1030 = arith.constant 0 : i32
        %dma_start3A_1031 = tpu.memref_slice %arg9[%dma_start3A_1027, %dma_start3A_1029, %dma_start3A_1030] : memref<8x16x128xf32, #tpu.memory_space<vmem>> -> memref<1x16x128xf32, #tpu.memory_space<vmem>>
        %dma_start3A_1032 = tpu.memref_squeeze %dma_start3A_1031 : memref<1x16x128xf32, #tpu.memory_space<vmem>> -> memref<16x128xf32, #tpu.memory_space<vmem>>
        %dma_start3A_1033 = arith.constant 0 : i32
        %dma_start3A_1034 = tpu.memref_slice %arg2[%add3A_1026, %dma_start3A_1033] : memref<204800x128xf32, #tpu.memory_space<hbm>> -> memref<16x128xf32, #tpu.memory_space<hbm>>
        %dma_start3A_1035 = tpu.memref_slice %arg12[%dma_start3A_1028] : memref<8x!tpu.dma_semaphore, #tpu.memory_space<semaphore_mem>> -> memref<1x!tpu.dma_semaphore, #tpu.memory_space<semaphore_mem>>
        %dma_start3A_1036 = tpu.memref_squeeze %dma_start3A_1035 : memref<1x!tpu.dma_semaphore, #tpu.memory_space<semaphore_mem>> -> memref<!tpu.dma_semaphore, #tpu.memory_space<semaphore_mem>>
        %dma_start3A_1037 = arith.constant 0 : i32
        %dma_start3A_1038 = arith.constant 0 : i32
        %dma_start3A_1039 = tpu.memref_slice %arg9[%dma_start3A_1027, %dma_start3A_1037, %dma_start3A_1038] : memref<8x16x128xf32, #tpu.memory_space<vmem>> -> memref<1x16x128xf32, #tpu.memory_space<vmem>>
        %dma_start3A_1040 = tpu.memref_squeeze %dma_start3A_1039 : memref<1x16x128xf32, #tpu.memory_space<vmem>> -> memref<16x128xf32, #tpu.memory_space<vmem>>
        %dma_start3A_1041 = arith.constant 0 : i32
        %dma_start3A_1042 = tpu.memref_slice %arg2[%add3A_1026, %dma_start3A_1041] : memref<204800x128xf32, #tpu.memory_space<hbm>> -> memref<16x128xf32, #tpu.memory_space<hbm>>
        tpu.enqueue_dma source(%dma_start3A_1042 : memref<16x128xf32, #tpu.memory_space<hbm>>) target(%dma_start3A_1040 : memref<16x128xf32, #tpu.memory_space<vmem>>) target_semaphore(%dma_start3A_1036 : memref<!tpu.dma_semaphore, #tpu.memory_space<semaphore_mem>>)
        %dma_start3A_1043 = arith.constant 3 : i32
        %dma_start3A_1044 = arith.constant 3 : i32
        %dma_start3A_1045 = arith.constant 0 : i32
        %dma_start3A_1046 = arith.constant 0 : i32
        %dma_start3A_1047 = tpu.memref_slice %arg10[%dma_start3A_1043, %dma_start3A_1045, %dma_start3A_1046] : memref<8x16x128xf32, #tpu.memory_space<vmem>> -> memref<1x16x128xf32, #tpu.memory_space<vmem>>
        %dma_start3A_1048 = tpu.memref_squeeze %dma_start3A_1047 : memref<1x16x128xf32, #tpu.memory_space<vmem>> -> memref<16x128xf32, #tpu.memory_space<vmem>>
        %dma_start3A_1049 = arith.constant 0 : i32
        %dma_start3A_1050 = tpu.memref_slice %arg4[%add3A_1026, %dma_start3A_1049] : memref<204800x128xf32, #tpu.memory_space<hbm>> -> memref<16x128xf32, #tpu.memory_space<hbm>>
        %dma_start3A_1051 = tpu.memref_slice %arg12[%dma_start3A_1044] : memref<8x!tpu.dma_semaphore, #tpu.memory_space<semaphore_mem>> -> memref<1x!tpu.dma_semaphore, #tpu.memory_space<semaphore_mem>>
        %dma_start3A_1052 = tpu.memref_squeeze %dma_start3A_1051 : memref<1x!tpu.dma_semaphore, #tpu.memory_space<semaphore_mem>> -> memref<!tpu.dma_semaphore, #tpu.memory_space<semaphore_mem>>
        %dma_start3A_1053 = arith.constant 0 : i32
        %dma_start3A_1054 = arith.constant 0 : i32
        %dma_start3A_1055 = tpu.memref_slice %arg10[%dma_start3A_1043, %dma_start3A_1053, %dma_start3A_1054] : memref<8x16x128xf32, #tpu.memory_space<vmem>> -> memref<1x16x128xf32, #tpu.memory_space<vmem>>
        %dma_start3A_1056 = tpu.memref_squeeze %dma_start3A_1055 : memref<1x16x128xf32, #tpu.memory_space<vmem>> -> memref<16x128xf32, #tpu.memory_space<vmem>>
        %dma_start3A_1057 = arith.constant 0 : i32
        %dma_start3A_1058 = tpu.memref_slice %arg4[%add3A_1026, %dma_start3A_1057] : memref<204800x128xf32, #tpu.memory_space<hbm>> -> memref<16x128xf32, #tpu.memory_space<hbm>>
        tpu.enqueue_dma source(%dma_start3A_1058 : memref<16x128xf32, #tpu.memory_space<hbm>>) target(%dma_start3A_1056 : memref<16x128xf32, #tpu.memory_space<vmem>>) target_semaphore(%dma_start3A_1052 : memref<!tpu.dma_semaphore, #tpu.memory_space<semaphore_mem>>)
        %mul3A_1059 = arith.constant 16 : i32
        %mul3A_1060 = arith.muli %add3A_1023, %mul3A_1059 : i32
        %dma_start3A_1061 = arith.constant 3 : i32
        %dma_start3A_1062 = arith.constant 3 : i32
        %dma_start3A_1063 = arith.constant 0 : i32
        %dma_start3A_1064 = arith.constant 0 : i32
        %dma_start3A_1065 = tpu.memref_slice %arg8[%dma_start3A_1061, %dma_start3A_1063, %dma_start3A_1064] : memref<8x16x128xf32, #tpu.memory_space<vmem>> -> memref<1x16x128xf32, #tpu.memory_space<vmem>>
        %dma_start3A_1066 = tpu.memref_squeeze %dma_start3A_1065 : memref<1x16x128xf32, #tpu.memory_space<vmem>> -> memref<16x128xf32, #tpu.memory_space<vmem>>
        %dma_start3A_1067 = tpu.memref_slice %arg7[%mul3A_1060] : memref<6400xi32, #tpu.memory_space<vmem>> -> memref<16xi32, #tpu.memory_space<vmem>>
        %dma_start3A_1068 = arith.constant 0 : i32
        %dma_start3A_1069 = arith.constant 0 : i32
        %dma_start3A_1070 = tpu.memref_slice %arg5[%dma_start3A_1068, %dma_start3A_1069] : memref<100000x128xf32, #tpu.memory_space<hbm>> -> memref<100000x128xf32, #tpu.memory_space<hbm>>
        %dma_start3A_1071 = tpu.memref_slice %arg11[%dma_start3A_1062] : memref<8x!tpu.dma_semaphore, #tpu.memory_space<semaphore_mem>> -> memref<1x!tpu.dma_semaphore, #tpu.memory_space<semaphore_mem>>
        %dma_start3A_1072 = tpu.memref_squeeze %dma_start3A_1071 : memref<1x!tpu.dma_semaphore, #tpu.memory_space<semaphore_mem>> -> memref<!tpu.dma_semaphore, #tpu.memory_space<semaphore_mem>>
        tpu.enqueue_indirect_dma source(%dma_start3A_1070 : memref<100000x128xf32, #tpu.memory_space<hbm>>) target(%dma_start3A_1066 : memref<16x128xf32, #tpu.memory_space<vmem>>) offsets(%dma_start3A_1067 : memref<16xi32, #tpu.memory_space<vmem>>) semaphore(%dma_start3A_1072 : memref<!tpu.dma_semaphore, #tpu.memory_space<semaphore_mem>>)
      } else {
      }
      %mul3A_942 = arith.constant 16 : i32
      %mul3A_943 = arith.muli %add3A_934, %mul3A_942 : i32
      %dma_wait3A_944 = arith.constant 7 : i32
      %dma_wait3A_945 = arith.constant 7 : i32
      %dma_wait3A_946 = arith.constant 0 : i32
      %dma_wait3A_947 = arith.constant 0 : i32
      %dma_wait3A_948 = tpu.memref_slice %arg8[%dma_wait3A_944, %dma_wait3A_946, %dma_wait3A_947] : memref<8x16x128xf32, #tpu.memory_space<vmem>> -> memref<1x16x128xf32, #tpu.memory_space<vmem>>
      %dma_wait3A_949 = tpu.memref_squeeze %dma_wait3A_948 : memref<1x16x128xf32, #tpu.memory_space<vmem>> -> memref<16x128xf32, #tpu.memory_space<vmem>>
      %dma_wait3A_950 = tpu.memref_slice %arg7[%mul3A_943] : memref<6400xi32, #tpu.memory_space<vmem>> -> memref<16xi32, #tpu.memory_space<vmem>>
      %dma_wait3A_951 = arith.constant 0 : i32
      %dma_wait3A_952 = arith.constant 0 : i32
      %dma_wait3A_953 = tpu.memref_slice %arg5[%dma_wait3A_951, %dma_wait3A_952] : memref<100000x128xf32, #tpu.memory_space<hbm>> -> memref<100000x128xf32, #tpu.memory_space<hbm>>
      %dma_wait3A_954 = tpu.memref_slice %arg11[%dma_wait3A_945] : memref<8x!tpu.dma_semaphore, #tpu.memory_space<semaphore_mem>> -> memref<1x!tpu.dma_semaphore, #tpu.memory_space<semaphore_mem>>
      %dma_wait3A_955 = tpu.memref_squeeze %dma_wait3A_954 : memref<1x!tpu.dma_semaphore, #tpu.memory_space<semaphore_mem>> -> memref<!tpu.dma_semaphore, #tpu.memory_space<semaphore_mem>>
      tpu.wait_indirect_dma semaphore(%dma_wait3A_955 : memref<!tpu.dma_semaphore, #tpu.memory_space<semaphore_mem>>) src(%dma_wait3A_953 : memref<100000x128xf32, #tpu.memory_space<hbm>>) dst(%dma_wait3A_949 : memref<16x128xf32, #tpu.memory_space<vmem>>)
      %mul3A_956 = arith.constant 16 : i32
      %mul3A_957 = arith.muli %add3A_934, %mul3A_956 : i32
      %add3A_958 = arith.addi %mul3A_2, %mul3A_957 : i32
      %dma_wait3A_959 = arith.constant 7 : i32
      %dma_wait3A_960 = arith.constant 7 : i32
      %dma_wait3A_961 = arith.constant 0 : i32
      %dma_wait3A_962 = arith.constant 0 : i32
      %dma_wait3A_963 = tpu.memref_slice %arg9[%dma_wait3A_959, %dma_wait3A_961, %dma_wait3A_962] : memref<8x16x128xf32, #tpu.memory_space<vmem>> -> memref<1x16x128xf32, #tpu.memory_space<vmem>>
      %dma_wait3A_964 = tpu.memref_squeeze %dma_wait3A_963 : memref<1x16x128xf32, #tpu.memory_space<vmem>> -> memref<16x128xf32, #tpu.memory_space<vmem>>
      %dma_wait3A_965 = arith.constant 0 : i32
      %dma_wait3A_966 = tpu.memref_slice %arg2[%add3A_958, %dma_wait3A_965] : memref<204800x128xf32, #tpu.memory_space<hbm>> -> memref<16x128xf32, #tpu.memory_space<hbm>>
      %dma_wait3A_967 = tpu.memref_slice %arg12[%dma_wait3A_960] : memref<8x!tpu.dma_semaphore, #tpu.memory_space<semaphore_mem>> -> memref<1x!tpu.dma_semaphore, #tpu.memory_space<semaphore_mem>>
      %dma_wait3A_968 = tpu.memref_squeeze %dma_wait3A_967 : memref<1x!tpu.dma_semaphore, #tpu.memory_space<semaphore_mem>> -> memref<!tpu.dma_semaphore, #tpu.memory_space<semaphore_mem>>
      %dma_wait3A_969 = arith.constant 0 : i32
      %dma_wait3A_970 = arith.constant 0 : i32
      %dma_wait3A_971 = tpu.memref_slice %arg9[%dma_wait3A_959, %dma_wait3A_969, %dma_wait3A_970] : memref<8x16x128xf32, #tpu.memory_space<vmem>> -> memref<1x16x128xf32, #tpu.memory_space<vmem>>
      %dma_wait3A_972 = tpu.memref_squeeze %dma_wait3A_971 : memref<1x16x128xf32, #tpu.memory_space<vmem>> -> memref<16x128xf32, #tpu.memory_space<vmem>>
      %dma_wait3A_973 = arith.constant 0 : i32
      %dma_wait3A_974 = tpu.memref_slice %arg2[%add3A_958, %dma_wait3A_973] : memref<204800x128xf32, #tpu.memory_space<hbm>> -> memref<16x128xf32, #tpu.memory_space<hbm>>
      tpu.wait_dma2 semaphore(%dma_wait3A_968 : memref<!tpu.dma_semaphore, #tpu.memory_space<semaphore_mem>>) src(%dma_wait3A_974 : memref<16x128xf32, #tpu.memory_space<hbm>>) dst(%dma_wait3A_972 : memref<16x128xf32, #tpu.memory_space<vmem>>)
      %dma_wait3A_975 = arith.constant 7 : i32
      %dma_wait3A_976 = arith.constant 7 : i32
      %dma_wait3A_977 = arith.constant 0 : i32
      %dma_wait3A_978 = arith.constant 0 : i32
      %dma_wait3A_979 = tpu.memref_slice %arg10[%dma_wait3A_975, %dma_wait3A_977, %dma_wait3A_978] : memref<8x16x128xf32, #tpu.memory_space<vmem>> -> memref<1x16x128xf32, #tpu.memory_space<vmem>>
      %dma_wait3A_980 = tpu.memref_squeeze %dma_wait3A_979 : memref<1x16x128xf32, #tpu.memory_space<vmem>> -> memref<16x128xf32, #tpu.memory_space<vmem>>
      %dma_wait3A_981 = arith.constant 0 : i32
      %dma_wait3A_982 = tpu.memref_slice %arg4[%add3A_958, %dma_wait3A_981] : memref<204800x128xf32, #tpu.memory_space<hbm>> -> memref<16x128xf32, #tpu.memory_space<hbm>>
      %dma_wait3A_983 = tpu.memref_slice %arg12[%dma_wait3A_976] : memref<8x!tpu.dma_semaphore, #tpu.memory_space<semaphore_mem>> -> memref<1x!tpu.dma_semaphore, #tpu.memory_space<semaphore_mem>>
      %dma_wait3A_984 = tpu.memref_squeeze %dma_wait3A_983 : memref<1x!tpu.dma_semaphore, #tpu.memory_space<semaphore_mem>> -> memref<!tpu.dma_semaphore, #tpu.memory_space<semaphore_mem>>
      %dma_wait3A_985 = arith.constant 0 : i32
      %dma_wait3A_986 = arith.constant 0 : i32
      %dma_wait3A_987 = tpu.memref_slice %arg10[%dma_wait3A_975, %dma_wait3A_985, %dma_wait3A_986] : memref<8x16x128xf32, #tpu.memory_space<vmem>> -> memref<1x16x128xf32, #tpu.memory_space<vmem>>
      %dma_wait3A_988 = tpu.memref_squeeze %dma_wait3A_987 : memref<1x16x128xf32, #tpu.memory_space<vmem>> -> memref<16x128xf32, #tpu.memory_space<vmem>>
      %dma_wait3A_989 = arith.constant 0 : i32
      %dma_wait3A_990 = tpu.memref_slice %arg4[%add3A_958, %dma_wait3A_989] : memref<204800x128xf32, #tpu.memory_space<hbm>> -> memref<16x128xf32, #tpu.memory_space<hbm>>
      tpu.wait_dma2 semaphore(%dma_wait3A_984 : memref<!tpu.dma_semaphore, #tpu.memory_space<semaphore_mem>>) src(%dma_wait3A_990 : memref<16x128xf32, #tpu.memory_space<hbm>>) dst(%dma_wait3A_988 : memref<16x128xf32, #tpu.memory_space<vmem>>)
      %scan3A_991 = arith.constant 0 : i32
      %scan3A_992 = arith.constant 0 : i32
      %scan3A_993 = arith.constant 128 : i32
      %scan3A_994 = arith.addi %scan3A_992, %scan3A_993 : i32
      %scan3A_995 = arith.constant 8 : i32
      scf.for %scan3A_1016 = %scan3A_992 to %scan3A_994 step %scan3A_995  : i32 {
        %shift_right_arithmetic3A = arith.constant 3 : i32
        %shift_right_arithmetic3A_1017 = arith.shrsi %scan3A_1016, %shift_right_arithmetic3A : i32
        %and3A = arith.constant 7 : i32
        %and3A_1018 = arith.andi %scan3A_1016, %and3A : i32
        %mul3A_1019 = arith.constant 16 : i32
        %mul3A_1020 = arith.muli %and3A_1018, %mul3A_1019 : i32
        %get3A = arith.constant 7 : i32
        %get3A_1021 = arith.index_cast %get3A : i32 to index
        %get3A_1022 = arith.index_cast %shift_right_arithmetic3A_1017 : i32 to index
        %get3A_1023 = arith.index_cast %mul3A_1020 : i32 to index
        %get3A_1024 = tpu.vector_load %arg9[%get3A_1021, %get3A_1022, %get3A_1023] {strides = array<i32>} : memref<8x16x128xf32, #tpu.memory_space<vmem>>, vector<1x1x16xf32>,
        %get3A_1025 = vector.shape_cast %get3A_1024 : vector<1x1x16xf32> to vector<16xf32>
        %get3A_1026 = arith.constant 7 : i32
        %get3A_1027 = arith.index_cast %get3A_1026 : i32 to index
        %get3A_1028 = arith.index_cast %shift_right_arithmetic3A_1017 : i32 to index
        %get3A_1029 = arith.index_cast %mul3A_1020 : i32 to index
        %get3A_1030 = tpu.vector_load %arg10[%get3A_1027, %get3A_1028, %get3A_1029] {strides = array<i32>} : memref<8x16x128xf32, #tpu.memory_space<vmem>>, vector<1x1x16xf32>,
        %get3A_1031 = vector.shape_cast %get3A_1030 : vector<1x1x16xf32> to vector<16xf32>
        %add3A_1032 = arith.addf %get3A_1025, %get3A_1031 : vector<16xf32>
        %swap3A = arith.constant 7 : i32
        %swap3A_1033 = arith.index_cast %swap3A : i32 to index
        %swap3A_1034 = arith.index_cast %shift_right_arithmetic3A_1017 : i32 to index
        %swap3A_1035 = arith.index_cast %mul3A_1020 : i32 to index
        %swap3A_1036 = tpu.vector_load %arg8[%swap3A_1033, %swap3A_1034, %swap3A_1035] {strides = array<i32>} : memref<8x16x128xf32, #tpu.memory_space<vmem>>, vector<1x1x16xf32>,
        %swap3A_1037 = vector.shape_cast %swap3A_1036 : vector<1x1x16xf32> to vector<16xf32>
        %swap3A_1038 = vector.shape_cast %add3A_1032 : vector<16xf32> to vector<1x1x16xf32>
        tpu.vector_store %arg8[%swap3A_1033, %swap3A_1034, %swap3A_1035], %swap3A_1038 {add = true, strides = array<i32>} : memref<8x16x128xf32, #tpu.memory_space<vmem>>, vector<1x1x16xf32>,
        %scan3A_1039 = arith.constant 1 : i32
        %scan3A_1040 = arith.addi %scan3A_1016, %scan3A_1039 : i32
        %shift_right_arithmetic3A_1041 = arith.constant 3 : i32
        %shift_right_arithmetic3A_1042 = arith.shrsi %scan3A_1040, %shift_right_arithmetic3A_1041 : i32
        %and3A_1043 = arith.constant 7 : i32
        %and3A_1044 = arith.andi %scan3A_1040, %and3A_1043 : i32
        %mul3A_1045 = arith.constant 16 : i32
        %mul3A_1046 = arith.muli %and3A_1044, %mul3A_1045 : i32
        %get3A_1047 = arith.constant 7 : i32
        %get3A_1048 = arith.index_cast %get3A_1047 : i32 to index
        %get3A_1049 = arith.index_cast %shift_right_arithmetic3A_1042 : i32 to index
        %get3A_1050 = arith.index_cast %mul3A_1046 : i32 to index
        %get3A_1051 = tpu.vector_load %arg9[%get3A_1048, %get3A_1049, %get3A_1050] {strides = array<i32>} : memref<8x16x128xf32, #tpu.memory_space<vmem>>, vector<1x1x16xf32>,
        %get3A_1052 = vector.shape_cast %get3A_1051 : vector<1x1x16xf32> to vector<16xf32>
        %get3A_1053 = arith.constant 7 : i32
        %get3A_1054 = arith.index_cast %get3A_1053 : i32 to index
        %get3A_1055 = arith.index_cast %shift_right_arithmetic3A_1042 : i32 to index
        %get3A_1056 = arith.index_cast %mul3A_1046 : i32 to index
        %get3A_1057 = tpu.vector_load %arg10[%get3A_1054, %get3A_1055, %get3A_1056] {strides = array<i32>} : memref<8x16x128xf32, #tpu.memory_space<vmem>>, vector<1x1x16xf32>,
        %get3A_1058 = vector.shape_cast %get3A_1057 : vector<1x1x16xf32> to vector<16xf32>
        %add3A_1059 = arith.addf %get3A_1052, %get3A_1058 : vector<16xf32>
        %swap3A_1060 = arith.constant 7 : i32
        %swap3A_1061 = arith.index_cast %swap3A_1060 : i32 to index
        %swap3A_1062 = arith.index_cast %shift_right_arithmetic3A_1042 : i32 to index
        %swap3A_1063 = arith.index_cast %mul3A_1046 : i32 to index
        %swap3A_1064 = tpu.vector_load %arg8[%swap3A_1061, %swap3A_1062, %swap3A_1063] {strides = array<i32>} : memref<8x16x128xf32, #tpu.memory_space<vmem>>, vector<1x1x16xf32>,
        %swap3A_1065 = vector.shape_cast %swap3A_1064 : vector<1x1x16xf32> to vector<16xf32>
        %swap3A_1066 = vector.shape_cast %add3A_1059 : vector<16xf32> to vector<1x1x16xf32>
        tpu.vector_store %arg8[%swap3A_1061, %swap3A_1062, %swap3A_1063], %swap3A_1066 {add = true, strides = array<i32>} : memref<8x16x128xf32, #tpu.memory_space<vmem>>, vector<1x1x16xf32>,
        %scan3A_1067 = arith.constant 2 : i32
        %scan3A_1068 = arith.addi %scan3A_1016, %scan3A_1067 : i32
        %shift_right_arithmetic3A_1069 = arith.constant 3 : i32
        %shift_right_arithmetic3A_1070 = arith.shrsi %scan3A_1068, %shift_right_arithmetic3A_1069 : i32
        %and3A_1071 = arith.constant 7 : i32
        %and3A_1072 = arith.andi %scan3A_1068, %and3A_1071 : i32
        %mul3A_1073 = arith.constant 16 : i32
        %mul3A_1074 = arith.muli %and3A_1072, %mul3A_1073 : i32
        %get3A_1075 = arith.constant 7 : i32
        %get3A_1076 = arith.index_cast %get3A_1075 : i32 to index
        %get3A_1077 = arith.index_cast %shift_right_arithmetic3A_1070 : i32 to index
        %get3A_1078 = arith.index_cast %mul3A_1074 : i32 to index
        %get3A_1079 = tpu.vector_load %arg9[%get3A_1076, %get3A_1077, %get3A_1078] {strides = array<i32>} : memref<8x16x128xf32, #tpu.memory_space<vmem>>, vector<1x1x16xf32>,
        %get3A_1080 = vector.shape_cast %get3A_1079 : vector<1x1x16xf32> to vector<16xf32>
        %get3A_1081 = arith.constant 7 : i32
        %get3A_1082 = arith.index_cast %get3A_1081 : i32 to index
        %get3A_1083 = arith.index_cast %shift_right_arithmetic3A_1070 : i32 to index
        %get3A_1084 = arith.index_cast %mul3A_1074 : i32 to index
        %get3A_1085 = tpu.vector_load %arg10[%get3A_1082, %get3A_1083, %get3A_1084] {strides = array<i32>} : memref<8x16x128xf32, #tpu.memory_space<vmem>>, vector<1x1x16xf32>,
        %get3A_1086 = vector.shape_cast %get3A_1085 : vector<1x1x16xf32> to vector<16xf32>
        %add3A_1087 = arith.addf %get3A_1080, %get3A_1086 : vector<16xf32>
        %swap3A_1088 = arith.constant 7 : i32
        %swap3A_1089 = arith.index_cast %swap3A_1088 : i32 to index
        %swap3A_1090 = arith.index_cast %shift_right_arithmetic3A_1070 : i32 to index
        %swap3A_1091 = arith.index_cast %mul3A_1074 : i32 to index
        %swap3A_1092 = tpu.vector_load %arg8[%swap3A_1089, %swap3A_1090, %swap3A_1091] {strides = array<i32>} : memref<8x16x128xf32, #tpu.memory_space<vmem>>, vector<1x1x16xf32>,
        %swap3A_1093 = vector.shape_cast %swap3A_1092 : vector<1x1x16xf32> to vector<16xf32>
        %swap3A_1094 = vector.shape_cast %add3A_1087 : vector<16xf32> to vector<1x1x16xf32>
        tpu.vector_store %arg8[%swap3A_1089, %swap3A_1090, %swap3A_1091], %swap3A_1094 {add = true, strides = array<i32>} : memref<8x16x128xf32, #tpu.memory_space<vmem>>, vector<1x1x16xf32>,
        %scan3A_1095 = arith.constant 3 : i32
        %scan3A_1096 = arith.addi %scan3A_1016, %scan3A_1095 : i32
        %shift_right_arithmetic3A_1097 = arith.constant 3 : i32
        %shift_right_arithmetic3A_1098 = arith.shrsi %scan3A_1096, %shift_right_arithmetic3A_1097 : i32
        %and3A_1099 = arith.constant 7 : i32
        %and3A_1100 = arith.andi %scan3A_1096, %and3A_1099 : i32
        %mul3A_1101 = arith.constant 16 : i32
        %mul3A_1102 = arith.muli %and3A_1100, %mul3A_1101 : i32
        %get3A_1103 = arith.constant 7 : i32
        %get3A_1104 = arith.index_cast %get3A_1103 : i32 to index
        %get3A_1105 = arith.index_cast %shift_right_arithmetic3A_1098 : i32 to index
        %get3A_1106 = arith.index_cast %mul3A_1102 : i32 to index
        %get3A_1107 = tpu.vector_load %arg9[%get3A_1104, %get3A_1105, %get3A_1106] {strides = array<i32>} : memref<8x16x128xf32, #tpu.memory_space<vmem>>, vector<1x1x16xf32>,
        %get3A_1108 = vector.shape_cast %get3A_1107 : vector<1x1x16xf32> to vector<16xf32>
        %get3A_1109 = arith.constant 7 : i32
        %get3A_1110 = arith.index_cast %get3A_1109 : i32 to index
        %get3A_1111 = arith.index_cast %shift_right_arithmetic3A_1098 : i32 to index
        %get3A_1112 = arith.index_cast %mul3A_1102 : i32 to index
        %get3A_1113 = tpu.vector_load %arg10[%get3A_1110, %get3A_1111, %get3A_1112] {strides = array<i32>} : memref<8x16x128xf32, #tpu.memory_space<vmem>>, vector<1x1x16xf32>,
        %get3A_1114 = vector.shape_cast %get3A_1113 : vector<1x1x16xf32> to vector<16xf32>
        %add3A_1115 = arith.addf %get3A_1108, %get3A_1114 : vector<16xf32>
        %swap3A_1116 = arith.constant 7 : i32
        %swap3A_1117 = arith.index_cast %swap3A_1116 : i32 to index
        %swap3A_1118 = arith.index_cast %shift_right_arithmetic3A_1098 : i32 to index
        %swap3A_1119 = arith.index_cast %mul3A_1102 : i32 to index
        %swap3A_1120 = tpu.vector_load %arg8[%swap3A_1117, %swap3A_1118, %swap3A_1119] {strides = array<i32>} : memref<8x16x128xf32, #tpu.memory_space<vmem>>, vector<1x1x16xf32>,
        %swap3A_1121 = vector.shape_cast %swap3A_1120 : vector<1x1x16xf32> to vector<16xf32>
        %swap3A_1122 = vector.shape_cast %add3A_1115 : vector<16xf32> to vector<1x1x16xf32>
        tpu.vector_store %arg8[%swap3A_1117, %swap3A_1118, %swap3A_1119], %swap3A_1122 {add = true, strides = array<i32>} : memref<8x16x128xf32, #tpu.memory_space<vmem>>, vector<1x1x16xf32>,
        %scan3A_1123 = arith.constant 4 : i32
        %scan3A_1124 = arith.addi %scan3A_1016, %scan3A_1123 : i32
        %shift_right_arithmetic3A_1125 = arith.constant 3 : i32
        %shift_right_arithmetic3A_1126 = arith.shrsi %scan3A_1124, %shift_right_arithmetic3A_1125 : i32
        %and3A_1127 = arith.constant 7 : i32
        %and3A_1128 = arith.andi %scan3A_1124, %and3A_1127 : i32
        %mul3A_1129 = arith.constant 16 : i32
        %mul3A_1130 = arith.muli %and3A_1128, %mul3A_1129 : i32
        %get3A_1131 = arith.constant 7 : i32
        %get3A_1132 = arith.index_cast %get3A_1131 : i32 to index
        %get3A_1133 = arith.index_cast %shift_right_arithmetic3A_1126 : i32 to index
        %get3A_1134 = arith.index_cast %mul3A_1130 : i32 to index
        %get3A_1135 = tpu.vector_load %arg9[%get3A_1132, %get3A_1133, %get3A_1134] {strides = array<i32>} : memref<8x16x128xf32, #tpu.memory_space<vmem>>, vector<1x1x16xf32>,
        %get3A_1136 = vector.shape_cast %get3A_1135 : vector<1x1x16xf32> to vector<16xf32>
        %get3A_1137 = arith.constant 7 : i32
        %get3A_1138 = arith.index_cast %get3A_1137 : i32 to index
        %get3A_1139 = arith.index_cast %shift_right_arithmetic3A_1126 : i32 to index
        %get3A_1140 = arith.index_cast %mul3A_1130 : i32 to index
        %get3A_1141 = tpu.vector_load %arg10[%get3A_1138, %get3A_1139, %get3A_1140] {strides = array<i32>} : memref<8x16x128xf32, #tpu.memory_space<vmem>>, vector<1x1x16xf32>,
        %get3A_1142 = vector.shape_cast %get3A_1141 : vector<1x1x16xf32> to vector<16xf32>
        %add3A_1143 = arith.addf %get3A_1136, %get3A_1142 : vector<16xf32>
        %swap3A_1144 = arith.constant 7 : i32
        %swap3A_1145 = arith.index_cast %swap3A_1144 : i32 to index
        %swap3A_1146 = arith.index_cast %shift_right_arithmetic3A_1126 : i32 to index
        %swap3A_1147 = arith.index_cast %mul3A_1130 : i32 to index
        %swap3A_1148 = tpu.vector_load %arg8[%swap3A_1145, %swap3A_1146, %swap3A_1147] {strides = array<i32>} : memref<8x16x128xf32, #tpu.memory_space<vmem>>, vector<1x1x16xf32>,
        %swap3A_1149 = vector.shape_cast %swap3A_1148 : vector<1x1x16xf32> to vector<16xf32>
        %swap3A_1150 = vector.shape_cast %add3A_1143 : vector<16xf32> to vector<1x1x16xf32>
        tpu.vector_store %arg8[%swap3A_1145, %swap3A_1146, %swap3A_1147], %swap3A_1150 {add = true, strides = array<i32>} : memref<8x16x128xf32, #tpu.memory_space<vmem>>, vector<1x1x16xf32>,
        %scan3A_1151 = arith.constant 5 : i32
        %scan3A_1152 = arith.addi %scan3A_1016, %scan3A_1151 : i32
        %shift_right_arithmetic3A_1153 = arith.constant 3 : i32
        %shift_right_arithmetic3A_1154 = arith.shrsi %scan3A_1152, %shift_right_arithmetic3A_1153 : i32
        %and3A_1155 = arith.constant 7 : i32
        %and3A_1156 = arith.andi %scan3A_1152, %and3A_1155 : i32
        %mul3A_1157 = arith.constant 16 : i32
        %mul3A_1158 = arith.muli %and3A_1156, %mul3A_1157 : i32
        %get3A_1159 = arith.constant 7 : i32
        %get3A_1160 = arith.index_cast %get3A_1159 : i32 to index
        %get3A_1161 = arith.index_cast %shift_right_arithmetic3A_1154 : i32 to index
        %get3A_1162 = arith.index_cast %mul3A_1158 : i32 to index
        %get3A_1163 = tpu.vector_load %arg9[%get3A_1160, %get3A_1161, %get3A_1162] {strides = array<i32>} : memref<8x16x128xf32, #tpu.memory_space<vmem>>, vector<1x1x16xf32>,
        %get3A_1164 = vector.shape_cast %get3A_1163 : vector<1x1x16xf32> to vector<16xf32>
        %get3A_1165 = arith.constant 7 : i32
        %get3A_1166 = arith.index_cast %get3A_1165 : i32 to index
        %get3A_1167 = arith.index_cast %shift_right_arithmetic3A_1154 : i32 to index
        %get3A_1168 = arith.index_cast %mul3A_1158 : i32 to index
        %get3A_1169 = tpu.vector_load %arg10[%get3A_1166, %get3A_1167, %get3A_1168] {strides = array<i32>} : memref<8x16x128xf32, #tpu.memory_space<vmem>>, vector<1x1x16xf32>,
        %get3A_1170 = vector.shape_cast %get3A_1169 : vector<1x1x16xf32> to vector<16xf32>
        %add3A_1171 = arith.addf %get3A_1164, %get3A_1170 : vector<16xf32>
        %swap3A_1172 = arith.constant 7 : i32
        %swap3A_1173 = arith.index_cast %swap3A_1172 : i32 to index
        %swap3A_1174 = arith.index_cast %shift_right_arithmetic3A_1154 : i32 to index
        %swap3A_1175 = arith.index_cast %mul3A_1158 : i32 to index
        %swap3A_1176 = tpu.vector_load %arg8[%swap3A_1173, %swap3A_1174, %swap3A_1175] {strides = array<i32>} : memref<8x16x128xf32, #tpu.memory_space<vmem>>, vector<1x1x16xf32>,
        %swap3A_1177 = vector.shape_cast %swap3A_1176 : vector<1x1x16xf32> to vector<16xf32>
        %swap3A_1178 = vector.shape_cast %add3A_1171 : vector<16xf32> to vector<1x1x16xf32>
        tpu.vector_store %arg8[%swap3A_1173, %swap3A_1174, %swap3A_1175], %swap3A_1178 {add = true, strides = array<i32>} : memref<8x16x128xf32, #tpu.memory_space<vmem>>, vector<1x1x16xf32>,
        %scan3A_1179 = arith.constant 6 : i32
        %scan3A_1180 = arith.addi %scan3A_1016, %scan3A_1179 : i32
        %shift_right_arithmetic3A_1181 = arith.constant 3 : i32
        %shift_right_arithmetic3A_1182 = arith.shrsi %scan3A_1180, %shift_right_arithmetic3A_1181 : i32
        %and3A_1183 = arith.constant 7 : i32
        %and3A_1184 = arith.andi %scan3A_1180, %and3A_1183 : i32
        %mul3A_1185 = arith.constant 16 : i32
        %mul3A_1186 = arith.muli %and3A_1184, %mul3A_1185 : i32
        %get3A_1187 = arith.constant 7 : i32
        %get3A_1188 = arith.index_cast %get3A_1187 : i32 to index
        %get3A_1189 = arith.index_cast %shift_right_arithmetic3A_1182 : i32 to index
        %get3A_1190 = arith.index_cast %mul3A_1186 : i32 to index
        %get3A_1191 = tpu.vector_load %arg9[%get3A_1188, %get3A_1189, %get3A_1190] {strides = array<i32>} : memref<8x16x128xf32, #tpu.memory_space<vmem>>, vector<1x1x16xf32>,
        %get3A_1192 = vector.shape_cast %get3A_1191 : vector<1x1x16xf32> to vector<16xf32>
        %get3A_1193 = arith.constant 7 : i32
        %get3A_1194 = arith.index_cast %get3A_1193 : i32 to index
        %get3A_1195 = arith.index_cast %shift_right_arithmetic3A_1182 : i32 to index
        %get3A_1196 = arith.index_cast %mul3A_1186 : i32 to index
        %get3A_1197 = tpu.vector_load %arg10[%get3A_1194, %get3A_1195, %get3A_1196] {strides = array<i32>} : memref<8x16x128xf32, #tpu.memory_space<vmem>>, vector<1x1x16xf32>,
        %get3A_1198 = vector.shape_cast %get3A_1197 : vector<1x1x16xf32> to vector<16xf32>
        %add3A_1199 = arith.addf %get3A_1192, %get3A_1198 : vector<16xf32>
        %swap3A_1200 = arith.constant 7 : i32
        %swap3A_1201 = arith.index_cast %swap3A_1200 : i32 to index
        %swap3A_1202 = arith.index_cast %shift_right_arithmetic3A_1182 : i32 to index
        %swap3A_1203 = arith.index_cast %mul3A_1186 : i32 to index
        %swap3A_1204 = tpu.vector_load %arg8[%swap3A_1201, %swap3A_1202, %swap3A_1203] {strides = array<i32>} : memref<8x16x128xf32, #tpu.memory_space<vmem>>, vector<1x1x16xf32>,
        %swap3A_1205 = vector.shape_cast %swap3A_1204 : vector<1x1x16xf32> to vector<16xf32>
        %swap3A_1206 = vector.shape_cast %add3A_1199 : vector<16xf32> to vector<1x1x16xf32>
        tpu.vector_store %arg8[%swap3A_1201, %swap3A_1202, %swap3A_1203], %swap3A_1206 {add = true, strides = array<i32>} : memref<8x16x128xf32, #tpu.memory_space<vmem>>, vector<1x1x16xf32>,
        %scan3A_1207 = arith.constant 7 : i32
        %scan3A_1208 = arith.addi %scan3A_1016, %scan3A_1207 : i32
        %shift_right_arithmetic3A_1209 = arith.constant 3 : i32
        %shift_right_arithmetic3A_1210 = arith.shrsi %scan3A_1208, %shift_right_arithmetic3A_1209 : i32
        %and3A_1211 = arith.constant 7 : i32
        %and3A_1212 = arith.andi %scan3A_1208, %and3A_1211 : i32
        %mul3A_1213 = arith.constant 16 : i32
        %mul3A_1214 = arith.muli %and3A_1212, %mul3A_1213 : i32
        %get3A_1215 = arith.constant 7 : i32
        %get3A_1216 = arith.index_cast %get3A_1215 : i32 to index
        %get3A_1217 = arith.index_cast %shift_right_arithmetic3A_1210 : i32 to index
        %get3A_1218 = arith.index_cast %mul3A_1214 : i32 to index
        %get3A_1219 = tpu.vector_load %arg9[%get3A_1216, %get3A_1217, %get3A_1218] {strides = array<i32>} : memref<8x16x128xf32, #tpu.memory_space<vmem>>, vector<1x1x16xf32>,
        %get3A_1220 = vector.shape_cast %get3A_1219 : vector<1x1x16xf32> to vector<16xf32>
        %get3A_1221 = arith.constant 7 : i32
        %get3A_1222 = arith.index_cast %get3A_1221 : i32 to index
        %get3A_1223 = arith.index_cast %shift_right_arithmetic3A_1210 : i32 to index
        %get3A_1224 = arith.index_cast %mul3A_1214 : i32 to index
        %get3A_1225 = tpu.vector_load %arg10[%get3A_1222, %get3A_1223, %get3A_1224] {strides = array<i32>} : memref<8x16x128xf32, #tpu.memory_space<vmem>>, vector<1x1x16xf32>,
        %get3A_1226 = vector.shape_cast %get3A_1225 : vector<1x1x16xf32> to vector<16xf32>
        %add3A_1227 = arith.addf %get3A_1220, %get3A_1226 : vector<16xf32>
        %swap3A_1228 = arith.constant 7 : i32
        %swap3A_1229 = arith.index_cast %swap3A_1228 : i32 to index
        %swap3A_1230 = arith.index_cast %shift_right_arithmetic3A_1210 : i32 to index
        %swap3A_1231 = arith.index_cast %mul3A_1214 : i32 to index
        %swap3A_1232 = tpu.vector_load %arg8[%swap3A_1229, %swap3A_1230, %swap3A_1231] {strides = array<i32>} : memref<8x16x128xf32, #tpu.memory_space<vmem>>, vector<1x1x16xf32>,
        %swap3A_1233 = vector.shape_cast %swap3A_1232 : vector<1x1x16xf32> to vector<16xf32>
        %swap3A_1234 = vector.shape_cast %add3A_1227 : vector<16xf32> to vector<1x1x16xf32>
        tpu.vector_store %arg8[%swap3A_1229, %swap3A_1230, %swap3A_1231], %swap3A_1234 {add = true, strides = array<i32>} : memref<8x16x128xf32, #tpu.memory_space<vmem>>, vector<1x1x16xf32>,
      }
      %scan3A_996 = arith.constant 128 : i32
      %mul3A_997 = arith.constant 16 : i32
      %mul3A_998 = arith.muli %add3A_934, %mul3A_997 : i32
      %add3A_999 = arith.addi %mul3A_2, %mul3A_998 : i32
      %dma_start3A_1000 = arith.constant 7 : i32
      %dma_start3A_1001 = arith.constant 7 : i32
      %dma_start3A_1002 = arith.constant 0 : i32
      %dma_start3A_1003 = arith.constant 0 : i32
      %dma_start3A_1004 = tpu.memref_slice %arg8[%dma_start3A_1000, %dma_start3A_1002, %dma_start3A_1003] : memref<8x16x128xf32, #tpu.memory_space<vmem>> -> memref<1x16x128xf32, #tpu.memory_space<vmem>>
      %dma_start3A_1005 = tpu.memref_squeeze %dma_start3A_1004 : memref<1x16x128xf32, #tpu.memory_space<vmem>> -> memref<16x128xf32, #tpu.memory_space<vmem>>
      %dma_start3A_1006 = arith.constant 0 : i32
      %dma_start3A_1007 = tpu.memref_slice %arg6[%add3A_999, %dma_start3A_1006] : memref<204800x128xf32, #tpu.memory_space<hbm>> -> memref<16x128xf32, #tpu.memory_space<hbm>>
      %dma_start3A_1008 = tpu.memref_slice %arg13[%dma_start3A_1001] : memref<8x!tpu.dma_semaphore, #tpu.memory_space<semaphore_mem>> -> memref<1x!tpu.dma_semaphore, #tpu.memory_space<semaphore_mem>>
      %dma_start3A_1009 = tpu.memref_squeeze %dma_start3A_1008 : memref<1x!tpu.dma_semaphore, #tpu.memory_space<semaphore_mem>> -> memref<!tpu.dma_semaphore, #tpu.memory_space<semaphore_mem>>
      %dma_start3A_1010 = arith.constant 0 : i32
      %dma_start3A_1011 = tpu.memref_slice %arg6[%add3A_999, %dma_start3A_1010] : memref<204800x128xf32, #tpu.memory_space<hbm>> -> memref<16x128xf32, #tpu.memory_space<hbm>>
      %dma_start3A_1012 = arith.constant 0 : i32
      %dma_start3A_1013 = arith.constant 0 : i32
      %dma_start3A_1014 = tpu.memref_slice %arg8[%dma_start3A_1000, %dma_start3A_1012, %dma_start3A_1013] : memref<8x16x128xf32, #tpu.memory_space<vmem>> -> memref<1x16x128xf32, #tpu.memory_space<vmem>>
      %dma_start3A_1015 = tpu.memref_squeeze %dma_start3A_1014 : memref<1x16x128xf32, #tpu.memory_space<vmem>> -> memref<16x128xf32, #tpu.memory_space<vmem>>
      tpu.enqueue_dma source(%dma_start3A_1015 : memref<16x128xf32, #tpu.memory_space<vmem>>) target(%dma_start3A_1011 : memref<16x128xf32, #tpu.memory_space<hbm>>) target_semaphore(%dma_start3A_1009 : memref<!tpu.dma_semaphore, #tpu.memory_space<semaphore_mem>>)
    }
    %scan3A_194 = arith.constant 50 : i32
    %add3A_195 = arith.constant 6272 : i32
    %add3A_196 = arith.addi %mul3A_2, %add3A_195 : i32
    %dma_wait3A = arith.constant 0 : i32
    %dma_wait3A_197 = arith.constant 0 : i32
    %dma_wait3A_198 = arith.constant 0 : i32
    %dma_wait3A_199 = arith.constant 0 : i32
    %dma_wait3A_200 = tpu.memref_slice %arg8[%dma_wait3A, %dma_wait3A_198, %dma_wait3A_199] : memref<8x16x128xf32, #tpu.memory_space<vmem>> -> memref<1x16x128xf32, #tpu.memory_space<vmem>>
    %dma_wait3A_201 = tpu.memref_squeeze %dma_wait3A_200 : memref<1x16x128xf32, #tpu.memory_space<vmem>> -> memref<16x128xf32, #tpu.memory_space<vmem>>
    %dma_wait3A_202 = arith.constant 0 : i32
    %dma_wait3A_203 = tpu.memref_slice %arg6[%add3A_196, %dma_wait3A_202] : memref<204800x128xf32, #tpu.memory_space<hbm>> -> memref<16x128xf32, #tpu.memory_space<hbm>>
    %dma_wait3A_204 = tpu.memref_slice %arg13[%dma_wait3A_197] : memref<8x!tpu.dma_semaphore, #tpu.memory_space<semaphore_mem>> -> memref<1x!tpu.dma_semaphore, #tpu.memory_space<semaphore_mem>>
    %dma_wait3A_205 = tpu.memref_squeeze %dma_wait3A_204 : memref<1x!tpu.dma_semaphore, #tpu.memory_space<semaphore_mem>> -> memref<!tpu.dma_semaphore, #tpu.memory_space<semaphore_mem>>
    %dma_wait3A_206 = arith.constant 0 : i32
    %dma_wait3A_207 = tpu.memref_slice %arg6[%add3A_196, %dma_wait3A_206] : memref<204800x128xf32, #tpu.memory_space<hbm>> -> memref<16x128xf32, #tpu.memory_space<hbm>>
    %dma_wait3A_208 = arith.constant 0 : i32
    %dma_wait3A_209 = arith.constant 0 : i32
    %dma_wait3A_210 = tpu.memref_slice %arg8[%dma_wait3A, %dma_wait3A_208, %dma_wait3A_209] : memref<8x16x128xf32, #tpu.memory_space<vmem>> -> memref<1x16x128xf32, #tpu.memory_space<vmem>>
    %dma_wait3A_211 = tpu.memref_squeeze %dma_wait3A_210 : memref<1x16x128xf32, #tpu.memory_space<vmem>> -> memref<16x128xf32, #tpu.memory_space<vmem>>
    tpu.wait_dma2 semaphore(%dma_wait3A_205 : memref<!tpu.dma_semaphore, #tpu.memory_space<semaphore_mem>>) src(%dma_wait3A_211 : memref<16x128xf32, #tpu.memory_space<vmem>>) dst(%dma_wait3A_207 : memref<16x128xf32, #tpu.memory_space<hbm>>)
    %add3A_212 = arith.constant 6288 : i32
    %add3A_213 = arith.addi %mul3A_2, %add3A_212 : i32
    %dma_wait3A_214 = arith.constant 1 : i32
    %dma_wait3A_215 = arith.constant 1 : i32
    %dma_wait3A_216 = arith.constant 0 : i32
    %dma_wait3A_217 = arith.constant 0 : i32
    %dma_wait3A_218 = tpu.memref_slice %arg8[%dma_wait3A_214, %dma_wait3A_216, %dma_wait3A_217] : memref<8x16x128xf32, #tpu.memory_space<vmem>> -> memref<1x16x128xf32, #tpu.memory_space<vmem>>
    %dma_wait3A_219 = tpu.memref_squeeze %dma_wait3A_218 : memref<1x16x128xf32, #tpu.memory_space<vmem>> -> memref<16x128xf32, #tpu.memory_space<vmem>>
    %dma_wait3A_220 = arith.constant 0 : i32
    %dma_wait3A_221 = tpu.memref_slice %arg6[%add3A_213, %dma_wait3A_220] : memref<204800x128xf32, #tpu.memory_space<hbm>> -> memref<16x128xf32, #tpu.memory_space<hbm>>
    %dma_wait3A_222 = tpu.memref_slice %arg13[%dma_wait3A_215] : memref<8x!tpu.dma_semaphore, #tpu.memory_space<semaphore_mem>> -> memref<1x!tpu.dma_semaphore, #tpu.memory_space<semaphore_mem>>
    %dma_wait3A_223 = tpu.memref_squeeze %dma_wait3A_222 : memref<1x!tpu.dma_semaphore, #tpu.memory_space<semaphore_mem>> -> memref<!tpu.dma_semaphore, #tpu.memory_space<semaphore_mem>>
    %dma_wait3A_224 = arith.constant 0 : i32
    %dma_wait3A_225 = tpu.memref_slice %arg6[%add3A_213, %dma_wait3A_224] : memref<204800x128xf32, #tpu.memory_space<hbm>> -> memref<16x128xf32, #tpu.memory_space<hbm>>
    %dma_wait3A_226 = arith.constant 0 : i32
    %dma_wait3A_227 = arith.constant 0 : i32
    %dma_wait3A_228 = tpu.memref_slice %arg8[%dma_wait3A_214, %dma_wait3A_226, %dma_wait3A_227] : memref<8x16x128xf32, #tpu.memory_space<vmem>> -> memref<1x16x128xf32, #tpu.memory_space<vmem>>
    %dma_wait3A_229 = tpu.memref_squeeze %dma_wait3A_228 : memref<1x16x128xf32, #tpu.memory_space<vmem>> -> memref<16x128xf32, #tpu.memory_space<vmem>>
    tpu.wait_dma2 semaphore(%dma_wait3A_223 : memref<!tpu.dma_semaphore, #tpu.memory_space<semaphore_mem>>) src(%dma_wait3A_229 : memref<16x128xf32, #tpu.memory_space<vmem>>) dst(%dma_wait3A_225 : memref<16x128xf32, #tpu.memory_space<hbm>>)
    %add3A_230 = arith.constant 6304 : i32
    %add3A_231 = arith.addi %mul3A_2, %add3A_230 : i32
    %dma_wait3A_232 = arith.constant 2 : i32
    %dma_wait3A_233 = arith.constant 2 : i32
    %dma_wait3A_234 = arith.constant 0 : i32
    %dma_wait3A_235 = arith.constant 0 : i32
    %dma_wait3A_236 = tpu.memref_slice %arg8[%dma_wait3A_232, %dma_wait3A_234, %dma_wait3A_235] : memref<8x16x128xf32, #tpu.memory_space<vmem>> -> memref<1x16x128xf32, #tpu.memory_space<vmem>>
    %dma_wait3A_237 = tpu.memref_squeeze %dma_wait3A_236 : memref<1x16x128xf32, #tpu.memory_space<vmem>> -> memref<16x128xf32, #tpu.memory_space<vmem>>
    %dma_wait3A_238 = arith.constant 0 : i32
    %dma_wait3A_239 = tpu.memref_slice %arg6[%add3A_231, %dma_wait3A_238] : memref<204800x128xf32, #tpu.memory_space<hbm>> -> memref<16x128xf32, #tpu.memory_space<hbm>>
    %dma_wait3A_240 = tpu.memref_slice %arg13[%dma_wait3A_233] : memref<8x!tpu.dma_semaphore, #tpu.memory_space<semaphore_mem>> -> memref<1x!tpu.dma_semaphore, #tpu.memory_space<semaphore_mem>>
    %dma_wait3A_241 = tpu.memref_squeeze %dma_wait3A_240 : memref<1x!tpu.dma_semaphore, #tpu.memory_space<semaphore_mem>> -> memref<!tpu.dma_semaphore, #tpu.memory_space<semaphore_mem>>
    %dma_wait3A_242 = arith.constant 0 : i32
    %dma_wait3A_243 = tpu.memref_slice %arg6[%add3A_231, %dma_wait3A_242] : memref<204800x128xf32, #tpu.memory_space<hbm>> -> memref<16x128xf32, #tpu.memory_space<hbm>>
    %dma_wait3A_244 = arith.constant 0 : i32
    %dma_wait3A_245 = arith.constant 0 : i32
    %dma_wait3A_246 = tpu.memref_slice %arg8[%dma_wait3A_232, %dma_wait3A_244, %dma_wait3A_245] : memref<8x16x128xf32, #tpu.memory_space<vmem>> -> memref<1x16x128xf32, #tpu.memory_space<vmem>>
    %dma_wait3A_247 = tpu.memref_squeeze %dma_wait3A_246 : memref<1x16x128xf32, #tpu.memory_space<vmem>> -> memref<16x128xf32, #tpu.memory_space<vmem>>
    tpu.wait_dma2 semaphore(%dma_wait3A_241 : memref<!tpu.dma_semaphore, #tpu.memory_space<semaphore_mem>>) src(%dma_wait3A_247 : memref<16x128xf32, #tpu.memory_space<vmem>>) dst(%dma_wait3A_243 : memref<16x128xf32, #tpu.memory_space<hbm>>)
    %add3A_248 = arith.constant 6320 : i32
    %add3A_249 = arith.addi %mul3A_2, %add3A_248 : i32
    %dma_wait3A_250 = arith.constant 3 : i32
    %dma_wait3A_251 = arith.constant 3 : i32
    %dma_wait3A_252 = arith.constant 0 : i32
    %dma_wait3A_253 = arith.constant 0 : i32
    %dma_wait3A_254 = tpu.memref_slice %arg8[%dma_wait3A_250, %dma_wait3A_252, %dma_wait3A_253] : memref<8x16x128xf32, #tpu.memory_space<vmem>> -> memref<1x16x128xf32, #tpu.memory_space<vmem>>
    %dma_wait3A_255 = tpu.memref_squeeze %dma_wait3A_254 : memref<1x16x128xf32, #tpu.memory_space<vmem>> -> memref<16x128xf32, #tpu.memory_space<vmem>>
    %dma_wait3A_256 = arith.constant 0 : i32
    %dma_wait3A_257 = tpu.memref_slice %arg6[%add3A_249, %dma_wait3A_256] : memref<204800x128xf32, #tpu.memory_space<hbm>> -> memref<16x128xf32, #tpu.memory_space<hbm>>
    %dma_wait3A_258 = tpu.memref_slice %arg13[%dma_wait3A_251] : memref<8x!tpu.dma_semaphore, #tpu.memory_space<semaphore_mem>> -> memref<1x!tpu.dma_semaphore, #tpu.memory_space<semaphore_mem>>
    %dma_wait3A_259 = tpu.memref_squeeze %dma_wait3A_258 : memref<1x!tpu.dma_semaphore, #tpu.memory_space<semaphore_mem>> -> memref<!tpu.dma_semaphore, #tpu.memory_space<semaphore_mem>>
    %dma_wait3A_260 = arith.constant 0 : i32
    %dma_wait3A_261 = tpu.memref_slice %arg6[%add3A_249, %dma_wait3A_260] : memref<204800x128xf32, #tpu.memory_space<hbm>> -> memref<16x128xf32, #tpu.memory_space<hbm>>
    %dma_wait3A_262 = arith.constant 0 : i32
    %dma_wait3A_263 = arith.constant 0 : i32
    %dma_wait3A_264 = tpu.memref_slice %arg8[%dma_wait3A_250, %dma_wait3A_262, %dma_wait3A_263] : memref<8x16x128xf32, #tpu.memory_space<vmem>> -> memref<1x16x128xf32, #tpu.memory_space<vmem>>
    %dma_wait3A_265 = tpu.memref_squeeze %dma_wait3A_264 : memref<1x16x128xf32, #tpu.memory_space<vmem>> -> memref<16x128xf32, #tpu.memory_space<vmem>>
    tpu.wait_dma2 semaphore(%dma_wait3A_259 : memref<!tpu.dma_semaphore, #tpu.memory_space<semaphore_mem>>) src(%dma_wait3A_265 : memref<16x128xf32, #tpu.memory_space<vmem>>) dst(%dma_wait3A_261 : memref<16x128xf32, #tpu.memory_space<hbm>>)
    %add3A_266 = arith.constant 6336 : i32
    %add3A_267 = arith.addi %mul3A_2, %add3A_266 : i32
    %dma_wait3A_268 = arith.constant 4 : i32
    %dma_wait3A_269 = arith.constant 4 : i32
    %dma_wait3A_270 = arith.constant 0 : i32
    %dma_wait3A_271 = arith.constant 0 : i32
    %dma_wait3A_272 = tpu.memref_slice %arg8[%dma_wait3A_268, %dma_wait3A_270, %dma_wait3A_271] : memref<8x16x128xf32, #tpu.memory_space<vmem>> -> memref<1x16x128xf32, #tpu.memory_space<vmem>>
    %dma_wait3A_273 = tpu.memref_squeeze %dma_wait3A_272 : memref<1x16x128xf32, #tpu.memory_space<vmem>> -> memref<16x128xf32, #tpu.memory_space<vmem>>
    %dma_wait3A_274 = arith.constant 0 : i32
    %dma_wait3A_275 = tpu.memref_slice %arg6[%add3A_267, %dma_wait3A_274] : memref<204800x128xf32, #tpu.memory_space<hbm>> -> memref<16x128xf32, #tpu.memory_space<hbm>>
    %dma_wait3A_276 = tpu.memref_slice %arg13[%dma_wait3A_269] : memref<8x!tpu.dma_semaphore, #tpu.memory_space<semaphore_mem>> -> memref<1x!tpu.dma_semaphore, #tpu.memory_space<semaphore_mem>>
    %dma_wait3A_277 = tpu.memref_squeeze %dma_wait3A_276 : memref<1x!tpu.dma_semaphore, #tpu.memory_space<semaphore_mem>> -> memref<!tpu.dma_semaphore, #tpu.memory_space<semaphore_mem>>
    %dma_wait3A_278 = arith.constant 0 : i32
    %dma_wait3A_279 = tpu.memref_slice %arg6[%add3A_267, %dma_wait3A_278] : memref<204800x128xf32, #tpu.memory_space<hbm>> -> memref<16x128xf32, #tpu.memory_space<hbm>>
    %dma_wait3A_280 = arith.constant 0 : i32
    %dma_wait3A_281 = arith.constant 0 : i32
    %dma_wait3A_282 = tpu.memref_slice %arg8[%dma_wait3A_268, %dma_wait3A_280, %dma_wait3A_281] : memref<8x16x128xf32, #tpu.memory_space<vmem>> -> memref<1x16x128xf32, #tpu.memory_space<vmem>>
    %dma_wait3A_283 = tpu.memref_squeeze %dma_wait3A_282 : memref<1x16x128xf32, #tpu.memory_space<vmem>> -> memref<16x128xf32, #tpu.memory_space<vmem>>
    tpu.wait_dma2 semaphore(%dma_wait3A_277 : memref<!tpu.dma_semaphore, #tpu.memory_space<semaphore_mem>>) src(%dma_wait3A_283 : memref<16x128xf32, #tpu.memory_space<vmem>>) dst(%dma_wait3A_279 : memref<16x128xf32, #tpu.memory_space<hbm>>)
    %add3A_284 = arith.constant 6352 : i32
    %add3A_285 = arith.addi %mul3A_2, %add3A_284 : i32
    %dma_wait3A_286 = arith.constant 5 : i32
    %dma_wait3A_287 = arith.constant 5 : i32
    %dma_wait3A_288 = arith.constant 0 : i32
    %dma_wait3A_289 = arith.constant 0 : i32
    %dma_wait3A_290 = tpu.memref_slice %arg8[%dma_wait3A_286, %dma_wait3A_288, %dma_wait3A_289] : memref<8x16x128xf32, #tpu.memory_space<vmem>> -> memref<1x16x128xf32, #tpu.memory_space<vmem>>
    %dma_wait3A_291 = tpu.memref_squeeze %dma_wait3A_290 : memref<1x16x128xf32, #tpu.memory_space<vmem>> -> memref<16x128xf32, #tpu.memory_space<vmem>>
    %dma_wait3A_292 = arith.constant 0 : i32
    %dma_wait3A_293 = tpu.memref_slice %arg6[%add3A_285, %dma_wait3A_292] : memref<204800x128xf32, #tpu.memory_space<hbm>> -> memref<16x128xf32, #tpu.memory_space<hbm>>
    %dma_wait3A_294 = tpu.memref_slice %arg13[%dma_wait3A_287] : memref<8x!tpu.dma_semaphore, #tpu.memory_space<semaphore_mem>> -> memref<1x!tpu.dma_semaphore, #tpu.memory_space<semaphore_mem>>
    %dma_wait3A_295 = tpu.memref_squeeze %dma_wait3A_294 : memref<1x!tpu.dma_semaphore, #tpu.memory_space<semaphore_mem>> -> memref<!tpu.dma_semaphore, #tpu.memory_space<semaphore_mem>>
    %dma_wait3A_296 = arith.constant 0 : i32
    %dma_wait3A_297 = tpu.memref_slice %arg6[%add3A_285, %dma_wait3A_296] : memref<204800x128xf32, #tpu.memory_space<hbm>> -> memref<16x128xf32, #tpu.memory_space<hbm>>
    %dma_wait3A_298 = arith.constant 0 : i32
    %dma_wait3A_299 = arith.constant 0 : i32
    %dma_wait3A_300 = tpu.memref_slice %arg8[%dma_wait3A_286, %dma_wait3A_298, %dma_wait3A_299] : memref<8x16x128xf32, #tpu.memory_space<vmem>> -> memref<1x16x128xf32, #tpu.memory_space<vmem>>
    %dma_wait3A_301 = tpu.memref_squeeze %dma_wait3A_300 : memref<1x16x128xf32, #tpu.memory_space<vmem>> -> memref<16x128xf32, #tpu.memory_space<vmem>>
    tpu.wait_dma2 semaphore(%dma_wait3A_295 : memref<!tpu.dma_semaphore, #tpu.memory_space<semaphore_mem>>) src(%dma_wait3A_301 : memref<16x128xf32, #tpu.memory_space<vmem>>) dst(%dma_wait3A_297 : memref<16x128xf32, #tpu.memory_space<hbm>>)
    %add3A_302 = arith.constant 6368 : i32
    %add3A_303 = arith.addi %mul3A_2, %add3A_302 : i32
    %dma_wait3A_304 = arith.constant 6 : i32
    %dma_wait3A_305 = arith.constant 6 : i32
    %dma_wait3A_306 = arith.constant 0 : i32
    %dma_wait3A_307 = arith.constant 0 : i32
    %dma_wait3A_308 = tpu.memref_slice %arg8[%dma_wait3A_304, %dma_wait3A_306, %dma_wait3A_307] : memref<8x16x128xf32, #tpu.memory_space<vmem>> -> memref<1x16x128xf32, #tpu.memory_space<vmem>>
    %dma_wait3A_309 = tpu.memref_squeeze %dma_wait3A_308 : memref<1x16x128xf32, #tpu.memory_space<vmem>> -> memref<16x128xf32, #tpu.memory_space<vmem>>
    %dma_wait3A_310 = arith.constant 0 : i32
    %dma_wait3A_311 = tpu.memref_slice %arg6[%add3A_303, %dma_wait3A_310] : memref<204800x128xf32, #tpu.memory_space<hbm>> -> memref<16x128xf32, #tpu.memory_space<hbm>>
    %dma_wait3A_312 = tpu.memref_slice %arg13[%dma_wait3A_305] : memref<8x!tpu.dma_semaphore, #tpu.memory_space<semaphore_mem>> -> memref<1x!tpu.dma_semaphore, #tpu.memory_space<semaphore_mem>>
    %dma_wait3A_313 = tpu.memref_squeeze %dma_wait3A_312 : memref<1x!tpu.dma_semaphore, #tpu.memory_space<semaphore_mem>> -> memref<!tpu.dma_semaphore, #tpu.memory_space<semaphore_mem>>
    %dma_wait3A_314 = arith.constant 0 : i32
    %dma_wait3A_315 = tpu.memref_slice %arg6[%add3A_303, %dma_wait3A_314] : memref<204800x128xf32, #tpu.memory_space<hbm>> -> memref<16x128xf32, #tpu.memory_space<hbm>>
    %dma_wait3A_316 = arith.constant 0 : i32
    %dma_wait3A_317 = arith.constant 0 : i32
    %dma_wait3A_318 = tpu.memref_slice %arg8[%dma_wait3A_304, %dma_wait3A_316, %dma_wait3A_317] : memref<8x16x128xf32, #tpu.memory_space<vmem>> -> memref<1x16x128xf32, #tpu.memory_space<vmem>>
    %dma_wait3A_319 = tpu.memref_squeeze %dma_wait3A_318 : memref<1x16x128xf32, #tpu.memory_space<vmem>> -> memref<16x128xf32, #tpu.memory_space<vmem>>
    tpu.wait_dma2 semaphore(%dma_wait3A_313 : memref<!tpu.dma_semaphore, #tpu.memory_space<semaphore_mem>>) src(%dma_wait3A_319 : memref<16x128xf32, #tpu.memory_space<vmem>>) dst(%dma_wait3A_315 : memref<16x128xf32, #tpu.memory_space<hbm>>)
    %add3A_320 = arith.constant 6384 : i32
    %add3A_321 = arith.addi %mul3A_2, %add3A_320 : i32
    %dma_wait3A_322 = arith.constant 7 : i32
    %dma_wait3A_323 = arith.constant 7 : i32
    %dma_wait3A_324 = arith.constant 0 : i32
    %dma_wait3A_325 = arith.constant 0 : i32
    %dma_wait3A_326 = tpu.memref_slice %arg8[%dma_wait3A_322, %dma_wait3A_324, %dma_wait3A_325] : memref<8x16x128xf32, #tpu.memory_space<vmem>> -> memref<1x16x128xf32, #tpu.memory_space<vmem>>
    %dma_wait3A_327 = tpu.memref_squeeze %dma_wait3A_326 : memref<1x16x128xf32, #tpu.memory_space<vmem>> -> memref<16x128xf32, #tpu.memory_space<vmem>>
    %dma_wait3A_328 = arith.constant 0 : i32
    %dma_wait3A_329 = tpu.memref_slice %arg6[%add3A_321, %dma_wait3A_328] : memref<204800x128xf32, #tpu.memory_space<hbm>> -> memref<16x128xf32, #tpu.memory_space<hbm>>
    %dma_wait3A_330 = tpu.memref_slice %arg13[%dma_wait3A_323] : memref<8x!tpu.dma_semaphore, #tpu.memory_space<semaphore_mem>> -> memref<1x!tpu.dma_semaphore, #tpu.memory_space<semaphore_mem>>
    %dma_wait3A_331 = tpu.memref_squeeze %dma_wait3A_330 : memref<1x!tpu.dma_semaphore, #tpu.memory_space<semaphore_mem>> -> memref<!tpu.dma_semaphore, #tpu.memory_space<semaphore_mem>>
    %dma_wait3A_332 = arith.constant 0 : i32
    %dma_wait3A_333 = tpu.memref_slice %arg6[%add3A_321, %dma_wait3A_332] : memref<204800x128xf32, #tpu.memory_space<hbm>> -> memref<16x128xf32, #tpu.memory_space<hbm>>
    %dma_wait3A_334 = arith.constant 0 : i32
    %dma_wait3A_335 = arith.constant 0 : i32
    %dma_wait3A_336 = tpu.memref_slice %arg8[%dma_wait3A_322, %dma_wait3A_334, %dma_wait3A_335] : memref<8x16x128xf32, #tpu.memory_space<vmem>> -> memref<1x16x128xf32, #tpu.memory_space<vmem>>
    %dma_wait3A_337 = tpu.memref_squeeze %dma_wait3A_336 : memref<1x16x128xf32, #tpu.memory_space<vmem>> -> memref<16x128xf32, #tpu.memory_space<vmem>>
    tpu.wait_dma2 semaphore(%dma_wait3A_331 : memref<!tpu.dma_semaphore, #tpu.memory_space<semaphore_mem>>) src(%dma_wait3A_337 : memref<16x128xf32, #tpu.memory_space<vmem>>) dst(%dma_wait3A_333 : memref<16x128xf32, #tpu.memory_space<hbm>>)
    return
  }
}

</mosaic_0001>

<sc_bundles>
// kernel: kernel.3.cloned.1.call-start
scs
__scs_entry_jumppad:
0x0: {  	(pc) =	sbr.rel $0x88, $3  }
0x1: {  	(tag) =	ssettag $0x0;
	lr =	simm.s32 $0x1  }
0x2: {  	[smem:$0x3F9D] =	sst lr;
	_ =	strace $0xD0000000  }
0x3: {  	_ = 	snop  }
0x4: {  	_ = 	snop  }
0x5: {  	_ = 	snop  }
0x6: {  	_ = 	snop  }
0x7: {  	_ = 	snop  }
__scs_overlays_trampoline_lowered:
0x8: {  	[smem:$0x3FAC] =	sst s0  }
0x9: {  	[smem:$0x3FAD] =	sst s1  }
0xa: {  	[smem:$0x3FAE] =	sst s2  }
0xb: {  	[smem:$0x3FAF] =	sst s3  }
0xc: {  	[smem:$0x3FB0] =	sst s4  }
0xd: {  	[smem:$0x3FB1] =	sst s5  }
0xe: {  	[smem:$0x3FB2] =	sst s6  }
0xf: {  	[smem:$0x3FB3] =	sst s7  }
0x10: {  	[smem:$0x3FB4] =	sst s8  }
0x11: {  	[smem:$0x3FB5] =	sst s9;
	s0 =	simm.s32 @!p0 $0x0  }
0x12: {  	s1 =	sld [smem:$0x3F9B];
	s0 =	simm.s32 @p0 $0x1  }
0x13: {  	[smem:$0x3FB6] =	sst s0;
	s0 =	simm.s32 @!p1 $0x0  }
0x14: {  	s2 =	sld [smem:$0x3F9A];
	s0 =	simm.s32 @p1 $0x1  }
0x15: {  	[smem:$0x3FB7] =	sst s0;
	s0 =	simm.s32 @!p2 $0x0  }
0x16: {  	s3 =	sld [smem:$0x3FDB];
	s0 =	simm.s32 @p2 $0x1  }
0x17: {  	s4 =	simm.s32 $0x1BF5;
	[smem:$0x3FB9] =	sst s0  }
0x18: {  	s0 =	sld [smem:$0x3F9C];
	_ =	swait.ge [sflag:s4], $0x0  }
0x19: {  	s7 =	sld [smem:$0x3F9D]  }
0x1a: {  	s8 =	sadd.s32 $0xFFFFE003, lr  }
0x1b: {  	s9 =	sadd.s32 $0xFFFFFEF7, lr;
	s5 =	simm.s32 $0xFFFFFFFF;
	p2 =	slt.u32 s8, $0xFFFFF086  }
0x1c: {  	p1 =	slt.u32 s9, $0xF7A;
	s5 =	simm.s32 @!p2 $0x0  }
0x1d: {  	s5 =	simm.s32 @p1 $0x1;
	p0 =	seq.s32 s7, s2  }
0x1e: {  	s7 =	smul.u32 @!p0 $0xF7A, s2;
	p2 =	seq.s32 @!p0 s5, $0x0  }
0x1f: {  	s9 =	smul.u32 $0xF7A, s1;
	s8 =	simm.s32 @!p0 $0x1BF5;
	p2 =	por !p2, p0  }
0x20: {  	[sflag:s8] =	ssyncset.s32 @!p0 $0xFFFFF086;
	s6 =	sadd.s32 @!p0 s3, s7;
	s7 =	simm.s32 @!p0 $0x108  }
0x21: {  	s3 =	sadd.s32 s3, s9;
	s6 =	sadd.s32 @!p0 $0x88, s6;
	s7 =	simm.s32 @p2 $0x1082  }
0x22: {  	[simem:s7], [sflag:s8] =	dma.local @!p0 [hbm:s6], $0xF7A  }
0x23: {  	s9 =	sor.u32 $0xD0000000, s2;
	s6 =	simm.s32 $0x108;
	_ =	swait.ge @!p0 [sflag:s8], $0x0  }
0x24: {  	s3 =	sadd.s32 $0x88, s3;
	s6 =	simm.s32 @!p1 $0x1082;
	[sflag:s4] =	ssyncset.s32 $0xFFFFF086  }
0x25: {  	[simem:s6], [sflag:s4] =	dma.local [hbm:s3], $0xF7A  }
0x26: {  	[smem:$0x3F9D] =	sst s1;
	(tag) =	ssettag s2;
	_ =	strace s9  }
0x27: {  	s1 =	sld [smem:$0x3FAD]  }
0x28: {  	s2 =	sld [smem:$0x3FAE]  }
0x29: {  	s4 =	sld [smem:$0x3FB0]  }
0x2a: {  	p0 =	seq.s32 s5, $0x0;
	s5 =	sld [smem:$0x3FB1]  }
0x2b: {  	s6 =	sld [smem:$0x3FB2]  }
0x2c: {  	s7 =	sld [smem:$0x3FB3]  }
0x2d: {  	s3 =	simm.s32 $0x108;
	s8 =	sld [smem:$0x3FB4]  }
0x2e: {  	s3 =	simm.s32 @!p0 $0x1082;
	s9 =	sld [smem:$0x3FB5]  }
0x2f: {  	lr =	sadd.s32 s0, s3;
	s0 =	sld [smem:$0x3FAC]  }
0x30: {  	s3 =	sld [smem:$0x3FAF]  }
0x31: {  	[smem:$0x3FB8] =	sst s10  }
0x32: {  	s10 =	sld [smem:$0x3FB6];
	_ =	sdelay $0x3  }
0x33: {  	p0 =	seq.s32 s10, $0x1;
	s10 =	sld [smem:$0x3FB8];
	_ =	sdelay $0x3  }
0x34: {  	[smem:$0x3FB8] =	sst s10  }
0x35: {  	s10 =	sld [smem:$0x3FB7];
	_ =	sdelay $0x3  }
0x36: {  	p1 =	seq.s32 s10, $0x1;
	s10 =	sld [smem:$0x3FB8];
	_ =	sdelay $0x3  }
0x37: {  	[smem:$0x3FB8] =	sst s10  }
0x38: {  	s10 =	sld [smem:$0x3FB9]  }
0x39: {  	_ = 	snop;
	(pc) =	sbr.ind lr, $3  }
0x3a: {  	_ = 	snop  }
0x3b: {  	_ = 	snop  }
0x3c: {  	p2 =	seq.s32 s10, $0x1;
	s10 =	sld [smem:$0x3FB8]  }
0x3d: {  	_ =	shalt  }
0x3e: {  	_ =	shalt  }
0x3f: {  	_ =	shalt  }
0x40: {  	_ =	shalt  }
0x41: {  	_ =	shalt  }
0x42: {  	_ =	shalt  }
0x43: {  	_ =	shalt  }
0x44: {  	_ =	shalt  }
0x45: {  	_ =	shalt  }
0x46: {  	_ =	shalt  }
0x47: {  	_ =	shalt  }
0x48: {  	_ =	shalt  }
0x49: {  	_ =	shalt  }
0x4a: {  	_ =	shalt  }
0x4b: {  	_ =	shalt  }
0x4c: {  	_ =	shalt  }
0x4d: {  	_ =	shalt  }
0x4e: {  	_ =	shalt  }
0x4f: {  	_ =	shalt  }
0x50: {  	_ =	shalt  }
0x51: {  	_ =	shalt  }
0x52: {  	_ =	shalt  }
0x53: {  	_ =	shalt  }
0x54: {  	_ =	shalt  }
0x55: {  	_ =	shalt  }
0x56: {  	_ =	shalt  }
0x57: {  	_ =	shalt  }
0x58: {  	_ =	shalt  }
0x59: {  	_ =	shalt  }
0x5a: {  	_ =	shalt  }
0x5b: {  	_ =	shalt  }
0x5c: {  	_ =	shalt  }
0x5d: {  	_ =	shalt  }
0x5e: {  	_ =	shalt  }
0x5f: {  	_ =	shalt  }
0x60: {  	_ =	shalt  }
0x61: {  	_ =	shalt  }
0x62: {  	_ =	shalt  }
0x63: {  	_ =	shalt  }
0x64: {  	_ =	shalt  }
0x65: {  	_ =	shalt  }
0x66: {  	_ =	shalt  }
0x67: {  	_ =	shalt  }
0x68: {  	_ =	shalt  }
0x69: {  	_ =	shalt  }
0x6a: {  	_ =	shalt  }
0x6b: {  	_ =	shalt  }
0x6c: {  	_ =	shalt  }
0x6d: {  	_ =	shalt  }
0x6e: {  	_ =	shalt  }
0x6f: {  	_ =	shalt  }
0x70: {  	_ =	shalt  }
0x71: {  	_ =	shalt  }
0x72: {  	_ =	shalt  }
0x73: {  	_ =	shalt  }
0x74: {  	_ =	shalt  }
0x75: {  	_ =	shalt  }
0x76: {  	_ =	shalt  }
0x77: {  	_ =	shalt  }
0x78: {  	_ =	shalt  }
0x79: {  	_ =	shalt  }
0x7a: {  	_ =	shalt  }
0x7b: {  	_ =	shalt  }
0x7c: {  	_ =	shalt  }
0x7d: {  	_ =	shalt  }
0x7e: {  	_ =	shalt  }
0x7f: {  	_ =	shalt  }
0x80: {  	_ =	shalt  }
0x81: {  	_ =	shalt  }
0x82: {  	_ =	shalt  }
0x83: {  	_ =	shalt  }
0x84: {  	_ =	shalt  }
0x85: {  	_ =	shalt  }
0x86: {  	_ =	shalt  }
0x87: {  	_ =	shalt  }
.Lfunc_end0:
.L_simem_size_0:
called_computation_lowered:
.L_overlay_start_0:
0x88: {  	s2 =	sld [smem:$0x3FD9]  }
0x89: {  	s3 =	sld [smem:$0x3FFE];
	_ =	sdelay $0x1  }
0x8a: {  	s1 =	srdreg.scid  }
0x8b: {  	s0 =	sand.u32 $0x1, s1  }
0x8c: {  	s17 =	sshll.u32 s0, $0xA;
	s2 =	sadd.s32 s3, s2  }
0x8d: {  	s2 =	sadd.s32 s2, s17  }
0x8e: {  	[smem:$0x3FC4] =	sst s2  }
0x8f: {  	_ = 	snop  }
0x90: {  	s2 =	sld [smem:$0x3FC9]  }
0x91: {  	s18 =	sld [smem:$0x3FC7]  }
0x92: {  	s4 =	sld [smem:$0x3FC6]  }
0x93: {  	s5 =	sld [smem:$0x3FD0];
	(tm) =	ssettm $0x1  }
0x94: {  	s6 =	sld [smem:$0x3FFB];
	_ =	sdelay $0x3  }
0x95: {  	_ =	strace s6  }
0x96: {  	s6 =	sld [smem:$0x3FFC];
	_ =	sdelay $0x3  }
0x97: {  	_ =	strace s6  }
0x98: {  	s6 =	sld [smem:$0x3FFD];
	_ =	sdelay $0x3  }
0x99: {  	_ =	strace s6  }
0x9a: {  	_ =	strace $0x8FFFFFFF  }
0x9b: {  	s19 =	sld [smem:$0x3FDB];
	_ =	sdelay $0x1  }
0x9c: {  	s7 =	simm.s32 $_scs_section_size  }
0x9d: {  	s8 =	simm.s32 $_size__tile_overlayer_lowered;
	s9 =	simm.s32 $_tile_overlayer_lowered  }
0x9e: {  	s22 =	simm.s32 $0x1BFF;
	s21 =	sshll.u32 s9, $0x1;
	s6 =	sadd.s32 s7, s19  }
0x9f: {  	s10 =	simm.s32 $0x0;
	s20 =	sshll.u32 s8, $0x1;
	s8 =	sadd.s32 s21, s6  }
0xa0: {  	[timem:s10], [sflag:s22] =	dma.local [hbm:s8], s20  }
0xa1: {  	_ =	swait.ge [sflag:s22], s20  }
0xa2: {  	s7 =	ssub.s32 $0x0, s20;
	[sflag:s22] =	ssyncset.done $0x0  }
0xa3: {  	[sflag:s22] =	ssyncadd.s32 s7;
	_ =	sdelay $0x1  }
0xa4: {  	s23 =	simm.s32 $0x1B8B  }
0xa5: {  	_ =	swait.ge [sflag:s23], $0x1  }
0xa6: {  	[sflag:s23] =	ssyncset.done $0x0  }
0xa7: {  	s25 =	simm.s32 $0x1B8E;
	s24 =	sld [smem:$0x3FFE];
	[sflag:s23] =	ssyncadd.s32 $0xFFFFFFFF  }
0xa8: {  	s26 =	simm.s32 $execute0_lowered;
	[smem:$0x3FD2] =	sst s25  }
0xa9: {  	s8 =	sshll.u32 s26, $0x1;
	_ =	strace $0x80000046;
	[dreg:$0x1] =	wrdreg $0xFFFFFFFF  }
0xaa: {  	s28 =	simm.s32 $_size_execute0_lowered;
	s6 =	sadd.s32 s6, s8;
	[dreg:$0x0] =	wrdreg $0x0  }
0xab: {  	s8 =	sshll.u32 s28, $0x1;
	[dreg:$0x2] =	wrdreg s6  }
0xac: {  	[dreg:$0x3] =	wrdreg s8  }
0xad: {  	[dreg:$0x4] =	wrdreg $0xC0  }
0xae: {  	_ =	task [dreg:s10], $0x5FFFF  }
0xaf: {  	[dreg:$0x1] =	wrdreg $0xFFFFFFFF  }
0xb0: {  	[dreg:$0x0] =	wrdreg $0x60  }
0xb1: {  	[dreg:$0x2] =	wrdreg s2  }
0xb2: {  	[dreg:$0x3] =	wrdreg s24  }
0xb3: {  	[dreg:$0x4] =	wrdreg s18  }
0xb4: {  	[dreg:$0x5] =	wrdreg s4  }
0xb5: {  	[dreg:$0x6] =	wrdreg s5  }
0xb6: {  	[dreg:$0x7] =	wrdreg $0x9  }
0xb7: {  	_ =	task.clear_ibuf [dreg:s10], $0x8FFFF;
	_ =	strace $0x90000046  }
0xb8: {  	s29 =	simm.s32 $0x9;
	_ =	strace $0x80000048  }
0xb9: {  	_ =	swait.ge [sflag:s29], $0x1  }
0xba: {  	[sflag:s29] =	ssyncadd.s32 $0xFFFFFFFF  }
0xbb: {  	_ =	strace $0x90000048  }
0xbc: {  	_ =	sfence  }
0xbd: {  	s30 =	sld [smem:$0x0];
	_ =	sdelay $0x2  }
0xbe: {  	s31 =	sshll.u32 s1, $0xD;
	s1 =	sshrl.u32 s1, $0x2  }
0xbf: {  	s3 =	sand.u32 $0x4000, s31;
	s1 =	sadd.s32 s1, s30  }
0xc0: {  	s0 =	sor.u32 s3, s0;
	s1 =	sshll.u32 s1, $0x11  }
0xc1: {  	s0 =	sor.u32 s1, s0  }
0xc2: {  	s0 =	sadd.s32 $0x8F2B, s0  }
0xc3: {  	[sflag:s0] =	ssyncadd.remote.s32 $0x1  }
0xc4: {  	_ =	sfence.sel $0xFFFF  }
0xc5: {  	[dreg:$0x0] =	wrdreg $0xFFFFFFFF;
	(pc) =	sbr.abs _section_cstart, $3  }
0xc6: {  	[dreg:$0x1] =	wrdreg $0xFFFFFFFF  }
0xc7: {  	_ =	task.clear_ibuf [dreg:s10], $0x2FFFF;
	_ =	strace $0x9FFFFFFF  }
0xc8: {  	(tm) =	ssettm $0x7FFFFFFF  }
0xc9: {  	_ =	shalt  }
tec
execute0_lowered:
.L_overlay_start_1:
0x0: {  	(tag) =	ssettag $0x1  }
0x1: {  	s1 =	rddreg [dreg:$0x0]  }
0x2: {  	s0 =	rddreg [dreg:$0x1]  }
0x3: {  	s2 =	rddreg [dreg:$0x2]  }
0x4: {  	s3 =	srdreg.scid;
	s5 =	stileid.u32  }
0x5: {  	s4 =	rddreg [dreg:$0x3];
	s28 =	simm.s32 $0x3900;
	s29 =	simm.s32 $0x9  }
0x6: {  	s12 =	simm.s32 $0xA;
	s3 =	sand.u32 $0x1, s3;
	s6 =	sshll.u32 s5, $0x1  }
0x7: {  	s13 =	simm.s32 $0x5;
	s14 =	simm.s32 $0xD;
	s8 =	sor.u32 s3, s6  }
0x8: {  	s30 =	simm.s32 $0xF;
	s6 =	simm.s32 $0x0;
	s7 =	smul.u32 $0x1900, s8  }
0x9: {  	s3 =	ssub.s32 $0x2, s3;
	[smem:$0x7FF] =	sst s6;
	s11 =	smul.u32 $0x19000, s8  }
0xa: {  	s5 =	rddreg [dreg:$0x4];
	s10 =	sshrl.u32 s3, $0x1;
	_ =	strace $0x80000047  }
0xb: {  	s3 =	ssub.s32 s3, s10;
	s9 =	sshrl.u32 s7, $0x3;
	s16 =	sadd.s32 s1, s11  }
0xc: {  	s17 =	sor.u32 $0x100, s11;
	s18 =	sadd.s32 s2, s11;
	[dreg:$0x7] =	wrdreg s16  }
0xd: {  	s20 =	sor.u32 $0x200, s11;
	s24 =	sor.u32 $0x10, s7;
	[dreg:$0x8] =	wrdreg s18  }
0xe: {  	s22 =	sor.u32 $0x300, s11;
	s25 =	sor.u32 $0x20, s7;
	[dreg:$0xf] =	wrdreg s24  }
0xf: {  	s26 =	sor.u32 $0x30, s7;
	s31 =	smax.u32 s3, $0x1;
	[dreg:$0x10] =	wrdreg s25  }
0x10: {  	s3 =	simm.s32 $0xE;
	s11 =	simm.s32 $0x0;
	[dreg:$0x11] =	wrdreg s26  }
0x11: {  	s0 =	sadd.s32 s9, s0;
	s19 =	sadd.s32 s1, s17;
	[dreg:$0x12] =	wrdreg s31  }
0x12: {  	s21 =	sadd.s32 s1, s20;
	s9 =	sadd.s32 s2, s20;
	[dreg:$0x9] =	wrdreg s19  }
0x13: {  	s23 =	sadd.s32 s1, s22;
	s25 =	simm.s32 $0x10;
	[dreg:$0xb] =	wrdreg s21  }
0x14: {  	s26 =	simm.s32 $0x7;
	s0 =	sadd.s32 $0x400, s0;
	[dreg:$0xc] =	wrdreg s9  }
0x15: {  	[dreg:$0xd] =	wrdreg s23;
	s21 =	simm.s32 $0xB;
	s9 =	simm.s32 $0xC  }
0x16: {  	s23 =	simm.s32 $0x8;
	[dreg:$0x6] =	wrdreg s0;
	s0 =	sadd.s32 s2, s17  }
0x17: {  	s17 =	smul.u32 $0xC8000, s8;
	[dreg:$0xa] =	wrdreg s0;
	s0 =	sadd.s32 s2, s22  }
0x18: {  	s8 =	simm.s32 $0x4;
	s22 =	simm.s32 $0x6;
	[dreg:$0xe] =	wrdreg s0  }
.LBB2_1:
0x19: {  	[dreg:$0x13] =	wrdreg s11  }
0x1a: {  	s0 =	rddreg [dreg:$0x6];
	s11 =	simm.s32 $0x19  }
0x1b: {  	[tilespmem:s6], [sflag:$0x19] =	stream.linear.gather [hbm4b:s0+s6], $0x1900, $0x38;
	[tilespmem:$0xD900] =	vst v63  }
0x1c: {  	_ =	swait.ge [sflag:s11], $0x1900  }
0x1d: {  	[sflag:s11] =	ssyncset.done $0x0  }
0x1e: {  	s10 =	simm.s32 $0x5900;
	s15 =	rddreg [dreg:$0x7];
	[sflag:s11] =	ssyncadd.s32 $0xFFFFE700  }
0x1f: {  	[tilespmem:s10], [sflag:$0x9] =	stream.linear.gather [hbm4b:s15+s6], $0x800, $0x38;
	[tilespmem:$0xD900] =	vst v63  }
0x20: {  	s18 =	simm.s32 $0x9900;
	s16 =	rddreg [dreg:$0x8]  }
0x21: {  	[tilespmem:s18], [sflag:$0x9] =	stream.linear.gather [hbm4b:s16+s6], $0x800, $0x38;
	[tilespmem:$0xD900] =	vst v63  }
0x22: {  	s19 =	simm.s32 $0x1900  }
0x23: {  	[tilespmem:s19], [sflag:$0x1] =	stream.indirect.gather [hbm4b:s4+s25], $0x80, s6, s25, $0xb8;
	[tilespmem:$0xD900] =	vst v63  }
0x24: {  	s24 =	simm.s32 $0x6100;
	s20 =	rddreg [dreg:$0x9]  }
0x25: {  	[tilespmem:s24], [sflag:$0xA] =	stream.linear.gather [hbm4b:s20+s6], $0x800, $0x38;
	[tilespmem:$0xD900] =	vst v63  }
0x26: {  	s11 =	rddreg [dreg:$0xa];
	s15 =	simm.s32 $0xA100  }
0x27: {  	[tilespmem:s15], [sflag:$0xA] =	stream.linear.gather [hbm4b:s11+s6], $0x800, $0x38;
	[tilespmem:$0xD900] =	vst v63  }
0x28: {  	s16 =	simm.s32 $0x2100  }
0x29: {  	[tilespmem:s16], [sflag:$0x2] =	stream.indirect.gather [hbm4b:s4+s25], $0x80, s25, s25, $0xb8;
	[tilespmem:$0xD900] =	vst v63  }
0x2a: {  	s18 =	rddreg [dreg:$0xb];
	s19 =	simm.s32 $0x6900  }
0x2b: {  	[tilespmem:s19], [sflag:$0xB] =	stream.linear.gather [hbm4b:s18+s6], $0x800, $0x38;
	[tilespmem:$0xD900] =	vst v63  }
0x2c: {  	s20 =	rddreg [dreg:$0xc];
	s24 =	simm.s32 $0xA900  }
0x2d: {  	[tilespmem:s24], [sflag:$0xB] =	stream.linear.gather [hbm4b:s20+s6], $0x800, $0x38;
	[tilespmem:$0xD900] =	vst v63  }
0x2e: {  	s10 =	simm.s32 $0x20;
	s11 =	simm.s32 $0x2900  }
0x2f: {  	[tilespmem:s11], [sflag:$0x3] =	stream.indirect.gather [hbm4b:s4+s25], $0x80, s10, s25, $0xb8;
	[tilespmem:$0xD900] =	vst v63  }
0x30: {  	s15 =	rddreg [dreg:$0xd];
	s16 =	simm.s32 $0x7100  }
0x31: {  	[tilespmem:s16], [sflag:$0xC] =	stream.linear.gather [hbm4b:s15+s6], $0x800, $0x38;
	[tilespmem:$0xD900] =	vst v63  }
0x32: {  	s18 =	rddreg [dreg:$0xe];
	s19 =	simm.s32 $0xB100  }
0x33: {  	[tilespmem:s19], [sflag:$0xC] =	stream.linear.gather [hbm4b:s18+s6], $0x800, $0x38;
	[tilespmem:$0xD900] =	vst v63  }
0x34: {  	s31 =	simm.s32 $0x0;
	s20 =	simm.s32 $0x30;
	s24 =	simm.s32 $0x3100  }
0x35: {  	[tilespmem:s24], [sflag:$0x4] =	stream.indirect.gather [hbm4b:s4+s25], $0x80, s20, s25, $0xb8;
	[tilespmem:$0xD900] =	vst v63  }
.LBB2_2:
0x36: {  	s19 =	sshll.u32 s31, $0x3  }
0x37: {  	p0 =	seq.s32 s31, $0x0;
	s10 =	sor.u32 $0x4, s19  }
0x38: {  	s0 =	simm.s32 @!p0 $0x15;
	s15 =	sshll.u32 s10, $0x4  }
0x39: {  	_ =	swait.ge @!p0 [sflag:s0], $0x800;
	s18 =	sadd.s32 s7, s15  }
0x3a: {  	s20 =	simm.s32 $0x0;
	[sflag:s0] =	ssyncset.done @!p0 $0x0;
	s18 =	sshll.u32 s18, $0x4  }
0x3b: {  	s11 =	simm.s32 $0x7900;
	[sflag:s0] =	ssyncadd.s32 @!p0 $0xFFFFF800;
	s16 =	sadd.s32 s1, s18  }
0x3c: {  	[tilespmem:s11], [sflag:$0xD] =	stream.linear.gather [hbm4b:s16+s20], $0x800, $0x38;
	[tilespmem:$0xD900] =	vst v63  }
0x3d: {  	s24 =	simm.s32 $0xB900;
	s18 =	sadd.s32 s2, s18  }
0x3e: {  	[tilespmem:s24], [sflag:$0xD] =	stream.linear.gather [hbm4b:s18+s20], $0x800, $0x38;
	[tilespmem:$0xD900] =	vst v63  }
0x3f: {  	_ = 	snop  }
0x40: {  	[tilespmem:s28], [sflag:$0x5] =	stream.indirect.gather [hbm4b:s4+s25], $0x80, s15, s25, $0xb8;
	[tilespmem:$0xD900] =	vst v63  }
0x41: {  	s28 =	simm.s32 $0x1  }
0x42: {  	_ =	swait.ge [sflag:s28], $0x800  }
0x43: {  	[sflag:s28] =	ssyncset.done $0x0  }
0x44: {  	[sflag:s28] =	ssyncadd.s32 $0xFFFFF800  }
0x45: {  	_ =	swait.ge [sflag:s29], $0x800  }
0x46: {  	[sflag:s29] =	ssyncset.done $0x0  }
0x47: {  	[sflag:s29] =	ssyncadd.s32 $0xFFFFF800  }
0x48: {  	_ =	swait.ge [sflag:s29], $0x800  }
0x49: {  	[sflag:s29] =	ssyncset.done $0x0  }
0x4a: {  	s18 =	simm.s32 $0x0;
	[sflag:s29] =	ssyncadd.s32 $0xFFFFF800  }
0x4b: {  	v0 =	vld [tilespmem:s18+$0x5970]  }
0x4c: {  	v1 =	vld [tilespmem:s18+$0x9970]  }
0x4d: {  	v2 =	vld [tilespmem:s18+$0x5900]  }
0x4e: {  	v3 =	vld [tilespmem:s18+$0x9900]  }
0x4f: {  	v4 =	vld [tilespmem:s18+$0x5910]  }
0x50: {  	v5 =	vld [tilespmem:s18+$0x9910]  }
0x51: {  	v6 =	vld [tilespmem:s18+$0x5920]  }
0x52: {  	v7 =	vld [tilespmem:s18+$0x9930]  }
0x53: {  	v8 =	vld [tilespmem:s18+$0x5940]  }
0x54: {  	v9 =	vld [tilespmem:s18+$0x9940]  }
0x55: {  	v10 =	vld [tilespmem:s18+$0x5950]  }
0x56: {  	v11 =	vld [tilespmem:s18+$0x9950];
	v0 =	vadd.f32 v1, v0  }
0x57: {  	v1 =	vld [tilespmem:s18+$0x9920]  }
0x58: {  	[tilespmem:s18+$0x1970] =	vst.add.f32.msk $0xffff, v0  }
0x59: {  	v0 =	vld [tilespmem:s18+$0x5930]  }
0x5a: {  	v63 =	vld [tilespmem:s18+$0x9960];
	v2 =	vadd.f32 v3, v2  }
0x5b: {  	v3 =	vld [tilespmem:s18+$0x5960];
	v4 =	vadd.f32 v5, v4  }
0x5c: {  	[tilespmem:s18+$0x1900] =	vst.add.f32.msk $0xffff, v2;
	v2 =	vadd.f32 v9, v8  }
0x5d: {  	[tilespmem:s18+$0x1910] =	vst.add.f32.msk $0xffff, v4;
	v1 =	vadd.f32 v1, v6  }
0x5e: {  	[tilespmem:s18+$0x1940] =	vst.add.f32.msk $0xffff, v2;
	v0 =	vadd.f32 v7, v0  }
0x5f: {  	[tilespmem:s18+$0x1920] =	vst.add.f32.msk $0xffff, v1;
	v1 =	vadd.f32 v11, v10  }
0x60: {  	[tilespmem:s18+$0x1930] =	vst.add.f32.msk $0xffff, v0;
	v0 =	vadd.f32 v63, v3  }
0x61: {  	s0 =	simm.s32 $0x200;
	s15 =	simm.s32 $0x0;
	[tilespmem:s18+$0x1950] =	vst.add.f32.msk $0xffff, v1  }
.LBB2_3:
0x62: {  	[tilespmem:s18+$0x1960] =	vst.add.f32.msk $0xffff, v0;
	s18 =	sshra.s32 s0, $0x2  }
0x63: {  	s15 =	sadd.s32 $0x8, s15;
	v0 =	vld [tilespmem:s18+$0x5970]  }
0x64: {  	p1 =	slt.u32 s15, $0x78;
	v1 =	vld [tilespmem:s18+$0x9970]  }
0x65: {  	v2 =	vld [tilespmem:s18+$0x5900]  }
0x66: {  	v3 =	vld [tilespmem:s18+$0x9900]  }
0x67: {  	v4 =	vld [tilespmem:s18+$0x5910]  }
0x68: {  	v5 =	vld [tilespmem:s18+$0x9910]  }
0x69: {  	v6 =	vld [tilespmem:s18+$0x5920];
	v0 =	vadd.f32 v1, v0  }
0x6a: {  	v1 =	vld [tilespmem:s18+$0x9920]  }
0x6b: {  	v2 =	vadd.f32 v3, v2;
	[tilespmem:s18+$0x1970] =	vst.add.f32.msk $0xffff, v0  }
0x6c: {  	v0 =	vld [tilespmem:s18+$0x5930]  }
0x6d: {  	v3 =	vadd.f32 v5, v4;
	v4 =	vld [tilespmem:s18+$0x9930]  }
0x6e: {  	v5 =	vld [tilespmem:s18+$0x5940]  }
0x6f: {  	v1 =	vadd.f32 v1, v6;
	v6 =	vld [tilespmem:s18+$0x9940]  }
0x70: {  	v7 =	vld [tilespmem:s18+$0x5950]  }
0x71: {  	v8 =	vld [tilespmem:s18+$0x9950]  }
0x72: {  	v0 =	vadd.f32 v4, v0;
	v4 =	vld [tilespmem:s18+$0x5960]  }
0x73: {  	v9 =	vld [tilespmem:s18+$0x9960]  }
0x74: {  	[tilespmem:s18+$0x1900] =	vst.add.f32.msk $0xffff, v2;
	v2 =	vadd.f32 v6, v5  }
.Ltmp0:
0x75: {  	[tilespmem:s18+$0x1910] =	vst.add.f32.msk $0xffff, v3;
	(pc) =	sbr.rel @p1 .LBB2_3-.Ltmp0, $4  }
0x76: {  	[tilespmem:s18+$0x1920] =	vst.add.f32.msk $0xffff, v1;
	v1 =	vadd.f32 v8, v7  }
0x77: {  	[tilespmem:s18+$0x1930] =	vst.add.f32.msk $0xffff, v0  }
0x78: {  	[tilespmem:s18+$0x1940] =	vst.add.f32.msk $0xffff, v2;
	v0 =	vadd.f32 v9, v4  }
0x79: {  	s0 =	sadd.s32 $0x200, s0;
	[tilespmem:s18+$0x1950] =	vst.add.f32.msk $0xffff, v1  }
0x7a: {  	s0 =	sshll.u32 s31, $0xE  }
0x7b: {  	s0 =	sadd.s32 s17, s0  }
0x7c: {  	s0 =	sshrl.u32 s0, $0x3  }
0x7d: {  	[tilespmem:s18+$0x1960] =	vst.add.f32.msk $0xffff, v0;
	s11 =	simm.s32 $0x1900;
	s24 =	sor.u32 $0x5, s19;
	s0 =	sadd.s32 s5, s0  }
0x7e: {  	[hbm4b:s0+s6] =	stream.linear.scatter [tilespmem:s11], [sflag:$0x11], $0x800, $0x38;
	[tilespmem:$0xD900] =	vst v63  }
0x7f: {  	s15 =	sshll.u32 s24, $0x4;
	s0 =	simm.s32 @!p0 $0x16  }
0x80: {  	s11 =	sadd.s32 s7, s15;
	_ =	swait.ge @!p0 [sflag:s0], $0x800  }
0x81: {  	s20 =	simm.s32 $0x0;
	s18 =	sshll.u32 s11, $0x4;
	[sflag:s0] =	ssyncset.done @!p0 $0x0  }
0x82: {  	s28 =	simm.s32 $0x8100;
	s16 =	sadd.s32 s1, s18;
	[sflag:s0] =	ssyncadd.s32 @!p0 $0xFFFFF800  }
0x83: {  	[tilespmem:s28], [sflag:$0xE] =	stream.linear.gather [hbm4b:s16+s20], $0x800, $0x38;
	[tilespmem:$0xD900] =	vst v63  }
0x84: {  	s16 =	sadd.s32 s2, s18;
	s18 =	simm.s32 $0xC100  }
0x85: {  	[tilespmem:s18], [sflag:$0xE] =	stream.linear.gather [hbm4b:s16+s20], $0x800, $0x38;
	[tilespmem:$0xD900] =	vst v63  }
0x86: {  	s28 =	simm.s32 $0x2;
	s20 =	simm.s32 $0x4100  }
0x87: {  	[tilespmem:s20], [sflag:$0x6] =	stream.indirect.gather [hbm4b:s4+s25], $0x80, s15, s25, $0xb8;
	[tilespmem:$0xD900] =	vst v63  }
0x88: {  	_ =	swait.ge [sflag:s28], $0x800  }
0x89: {  	[sflag:s28] =	ssyncset.done $0x0  }
0x8a: {  	[sflag:s28] =	ssyncadd.s32 $0xFFFFF800  }
0x8b: {  	_ =	swait.ge [sflag:s12], $0x800  }
0x8c: {  	[sflag:s12] =	ssyncset.done $0x0  }
0x8d: {  	[sflag:s12] =	ssyncadd.s32 $0xFFFFF800  }
0x8e: {  	_ =	swait.ge [sflag:s12], $0x800  }
0x8f: {  	[sflag:s12] =	ssyncset.done $0x0  }
0x90: {  	s20 =	simm.s32 $0x0;
	[sflag:s12] =	ssyncadd.s32 $0xFFFFF800  }
0x91: {  	v0 =	vld [tilespmem:s20+$0x6170]  }
0x92: {  	v1 =	vld [tilespmem:s20+$0xA170]  }
0x93: {  	v2 =	vld [tilespmem:s20+$0x6100]  }
0x94: {  	v3 =	vld [tilespmem:s20+$0xA100]  }
0x95: {  	v4 =	vld [tilespmem:s20+$0x6110]  }
0x96: {  	v5 =	vld [tilespmem:s20+$0xA110]  }
0x97: {  	v6 =	vld [tilespmem:s20+$0x6120]  }
0x98: {  	v7 =	vld [tilespmem:s20+$0xA130]  }
0x99: {  	v8 =	vld [tilespmem:s20+$0x6140]  }
0x9a: {  	v9 =	vld [tilespmem:s20+$0xA140]  }
0x9b: {  	v10 =	vld [tilespmem:s20+$0x6150]  }
0x9c: {  	v11 =	vld [tilespmem:s20+$0xA150];
	v0 =	vadd.f32 v1, v0  }
0x9d: {  	v1 =	vld [tilespmem:s20+$0xA120]  }
0x9e: {  	[tilespmem:s20+$0x2170] =	vst.add.f32.msk $0xffff, v0  }
0x9f: {  	v0 =	vld [tilespmem:s20+$0x6130]  }
0xa0: {  	v63 =	vld [tilespmem:s20+$0xA160];
	v2 =	vadd.f32 v3, v2  }
0xa1: {  	v3 =	vld [tilespmem:s20+$0x6160];
	v4 =	vadd.f32 v5, v4  }
0xa2: {  	[tilespmem:s20+$0x2100] =	vst.add.f32.msk $0xffff, v2;
	v2 =	vadd.f32 v9, v8  }
0xa3: {  	[tilespmem:s20+$0x2110] =	vst.add.f32.msk $0xffff, v4;
	v1 =	vadd.f32 v1, v6  }
0xa4: {  	[tilespmem:s20+$0x2140] =	vst.add.f32.msk $0xffff, v2;
	v0 =	vadd.f32 v7, v0  }
0xa5: {  	[tilespmem:s20+$0x2120] =	vst.add.f32.msk $0xffff, v1;
	v1 =	vadd.f32 v11, v10  }
0xa6: {  	[tilespmem:s20+$0x2130] =	vst.add.f32.msk $0xffff, v0;
	v0 =	vadd.f32 v63, v3  }
0xa7: {  	s0 =	simm.s32 $0x200;
	s15 =	simm.s32 $0x0;
	[tilespmem:s20+$0x2150] =	vst.add.f32.msk $0xffff, v1  }
.LBB2_5:
0xa8: {  	[tilespmem:s20+$0x2160] =	vst.add.f32.msk $0xffff, v0;
	s20 =	sshra.s32 s0, $0x2  }
0xa9: {  	s15 =	sadd.s32 $0x8, s15;
	v0 =	vld [tilespmem:s20+$0x6170]  }
0xaa: {  	p1 =	slt.u32 s15, $0x78;
	v1 =	vld [tilespmem:s20+$0xA170]  }
0xab: {  	v2 =	vld [tilespmem:s20+$0x6100]  }
0xac: {  	v3 =	vld [tilespmem:s20+$0xA100]  }
0xad: {  	v4 =	vld [tilespmem:s20+$0x6110]  }
0xae: {  	v5 =	vld [tilespmem:s20+$0xA110]  }
0xaf: {  	v6 =	vld [tilespmem:s20+$0x6120];
	v0 =	vadd.f32 v1, v0  }
0xb0: {  	v1 =	vld [tilespmem:s20+$0xA120]  }
0xb1: {  	v2 =	vadd.f32 v3, v2;
	[tilespmem:s20+$0x2170] =	vst.add.f32.msk $0xffff, v0  }
0xb2: {  	v0 =	vld [tilespmem:s20+$0x6130]  }
0xb3: {  	v3 =	vadd.f32 v5, v4;
	v4 =	vld [tilespmem:s20+$0xA130]  }
0xb4: {  	v5 =	vld [tilespmem:s20+$0x6140]  }
0xb5: {  	v1 =	vadd.f32 v1, v6;
	v6 =	vld [tilespmem:s20+$0xA140]  }
0xb6: {  	v7 =	vld [tilespmem:s20+$0x6150]  }
0xb7: {  	v8 =	vld [tilespmem:s20+$0xA150]  }
0xb8: {  	v0 =	vadd.f32 v4, v0;
	v4 =	vld [tilespmem:s20+$0x6160]  }
0xb9: {  	v9 =	vld [tilespmem:s20+$0xA160]  }
0xba: {  	[tilespmem:s20+$0x2100] =	vst.add.f32.msk $0xffff, v2;
	v2 =	vadd.f32 v6, v5  }
.Ltmp1:
0xbb: {  	[tilespmem:s20+$0x2110] =	vst.add.f32.msk $0xffff, v3;
	(pc) =	sbr.rel @p1 .LBB2_5-.Ltmp1, $4  }
0xbc: {  	[tilespmem:s20+$0x2120] =	vst.add.f32.msk $0xffff, v1;
	v1 =	vadd.f32 v8, v7  }
0xbd: {  	[tilespmem:s20+$0x2130] =	vst.add.f32.msk $0xffff, v0  }
0xbe: {  	[tilespmem:s20+$0x2140] =	vst.add.f32.msk $0xffff, v2;
	v0 =	vadd.f32 v9, v4  }
0xbf: {  	s0 =	sadd.s32 $0x200, s0;
	[tilespmem:s20+$0x2150] =	vst.add.f32.msk $0xffff, v1  }
0xc0: {  	s18 =	sshll.u32 s31, $0x7;
	s0 =	rddreg [dreg:$0xf]  }
0xc1: {  	s0 =	sadd.s32 s18, s0  }
0xc2: {  	s0 =	sshll.u32 s0, $0x4  }
0xc3: {  	[tilespmem:s20+$0x2160] =	vst.add.f32.msk $0xffff, v0;
	s11 =	simm.s32 $0x2100;
	s20 =	sor.u32 $0x6, s19;
	s0 =	sadd.s32 s5, s0  }
0xc4: {  	[hbm4b:s0+s6] =	stream.linear.scatter [tilespmem:s11], [sflag:$0x12], $0x800, $0x38;
	[tilespmem:$0xD900] =	vst v63  }
0xc5: {  	s15 =	sshll.u32 s20, $0x4;
	s0 =	simm.s32 @!p0 $0x17  }
0xc6: {  	s28 =	sadd.s32 s7, s15;
	_ =	swait.ge @!p0 [sflag:s0], $0x800  }
0xc7: {  	s16 =	simm.s32 $0x8900;
	s28 =	sshll.u32 s28, $0x4;
	[sflag:s0] =	ssyncset.done @!p0 $0x0  }
0xc8: {  	s11 =	simm.s32 $0x0;
	[sflag:s0] =	ssyncadd.s32 @!p0 $0xFFFFF800;
	s0 =	sadd.s32 s1, s28  }
0xc9: {  	[tilespmem:s16], [sflag:$0xF] =	stream.linear.gather [hbm4b:s0+s11], $0x800, $0x38;
	[tilespmem:$0xD900] =	vst v63  }
0xca: {  	s0 =	sadd.s32 s2, s28;
	s16 =	simm.s32 $0xC900  }
0xcb: {  	[tilespmem:s16], [sflag:$0xF] =	stream.linear.gather [hbm4b:s0+s11], $0x800, $0x38;
	[tilespmem:$0xD900] =	vst v63  }
0xcc: {  	s11 =	simm.s32 $0x4900;
	s16 =	simm.s32 $0x3  }
0xcd: {  	[tilespmem:s11], [sflag:$0x7] =	stream.indirect.gather [hbm4b:s4+s25], $0x80, s15, s25, $0xb8;
	[tilespmem:$0xD900] =	vst v63  }
0xce: {  	_ =	swait.ge [sflag:s16], $0x800  }
0xcf: {  	[sflag:s16] =	ssyncset.done $0x0  }
0xd0: {  	[sflag:s16] =	ssyncadd.s32 $0xFFFFF800  }
0xd1: {  	_ =	swait.ge [sflag:s21], $0x800  }
0xd2: {  	[sflag:s21] =	ssyncset.done $0x0  }
0xd3: {  	[sflag:s21] =	ssyncadd.s32 $0xFFFFF800  }
0xd4: {  	_ =	swait.ge [sflag:s21], $0x800  }
0xd5: {  	[sflag:s21] =	ssyncset.done $0x0  }
0xd6: {  	s15 =	simm.s32 $0x0;
	[sflag:s21] =	ssyncadd.s32 $0xFFFFF800  }
0xd7: {  	v0 =	vld [tilespmem:s15+$0x6970]  }
0xd8: {  	v1 =	vld [tilespmem:s15+$0xA970]  }
0xd9: {  	v2 =	vld [tilespmem:s15+$0x6900]  }
0xda: {  	v3 =	vld [tilespmem:s15+$0xA900]  }
0xdb: {  	v4 =	vld [tilespmem:s15+$0x6910]  }
0xdc: {  	v5 =	vld [tilespmem:s15+$0xA910]  }
0xdd: {  	v6 =	vld [tilespmem:s15+$0x6920]  }
0xde: {  	v7 =	vld [tilespmem:s15+$0xA930]  }
0xdf: {  	v8 =	vld [tilespmem:s15+$0x6940]  }
0xe0: {  	v9 =	vld [tilespmem:s15+$0xA940]  }
0xe1: {  	v10 =	vld [tilespmem:s15+$0x6950]  }
0xe2: {  	v11 =	vld [tilespmem:s15+$0xA950];
	v0 =	vadd.f32 v1, v0  }
0xe3: {  	v1 =	vld [tilespmem:s15+$0xA920]  }
0xe4: {  	[tilespmem:s15+$0x2970] =	vst.add.f32.msk $0xffff, v0  }
0xe5: {  	v0 =	vld [tilespmem:s15+$0x6930]  }
0xe6: {  	v63 =	vld [tilespmem:s15+$0xA960];
	v2 =	vadd.f32 v3, v2  }
0xe7: {  	v3 =	vld [tilespmem:s15+$0x6960];
	v4 =	vadd.f32 v5, v4  }
0xe8: {  	[tilespmem:s15+$0x2900] =	vst.add.f32.msk $0xffff, v2;
	v2 =	vadd.f32 v9, v8  }
0xe9: {  	[tilespmem:s15+$0x2910] =	vst.add.f32.msk $0xffff, v4;
	v1 =	vadd.f32 v1, v6  }
0xea: {  	[tilespmem:s15+$0x2940] =	vst.add.f32.msk $0xffff, v2;
	v0 =	vadd.f32 v7, v0  }
0xeb: {  	[tilespmem:s15+$0x2920] =	vst.add.f32.msk $0xffff, v1;
	v1 =	vadd.f32 v11, v10  }
0xec: {  	[tilespmem:s15+$0x2930] =	vst.add.f32.msk $0xffff, v0;
	v0 =	vadd.f32 v63, v3  }
0xed: {  	s28 =	simm.s32 $0x200;
	s0 =	simm.s32 $0x0;
	[tilespmem:s15+$0x2950] =	vst.add.f32.msk $0xffff, v1  }
.LBB2_7:
0xee: {  	[tilespmem:s15+$0x2960] =	vst.add.f32.msk $0xffff, v0;
	s15 =	sshra.s32 s28, $0x2  }
0xef: {  	s0 =	sadd.s32 $0x8, s0;
	v0 =	vld [tilespmem:s15+$0x6970]  }
0xf0: {  	p1 =	slt.u32 s0, $0x78;
	v1 =	vld [tilespmem:s15+$0xA970]  }
0xf1: {  	v2 =	vld [tilespmem:s15+$0x6900]  }
0xf2: {  	v3 =	vld [tilespmem:s15+$0xA900]  }
0xf3: {  	v4 =	vld [tilespmem:s15+$0x6910]  }
0xf4: {  	v5 =	vld [tilespmem:s15+$0xA910]  }
0xf5: {  	v6 =	vld [tilespmem:s15+$0x6920];
	v0 =	vadd.f32 v1, v0  }
0xf6: {  	v1 =	vld [tilespmem:s15+$0xA920]  }
0xf7: {  	v2 =	vadd.f32 v3, v2;
	[tilespmem:s15+$0x2970] =	vst.add.f32.msk $0xffff, v0  }
0xf8: {  	v0 =	vld [tilespmem:s15+$0x6930]  }
0xf9: {  	v3 =	vadd.f32 v5, v4;
	v4 =	vld [tilespmem:s15+$0xA930]  }
0xfa: {  	v5 =	vld [tilespmem:s15+$0x6940]  }
0xfb: {  	v1 =	vadd.f32 v1, v6;
	v6 =	vld [tilespmem:s15+$0xA940]  }
0xfc: {  	v7 =	vld [tilespmem:s15+$0x6950]  }
0xfd: {  	v8 =	vld [tilespmem:s15+$0xA950]  }
0xfe: {  	v0 =	vadd.f32 v4, v0;
	v4 =	vld [tilespmem:s15+$0x6960]  }
0xff: {  	v9 =	vld [tilespmem:s15+$0xA960]  }
0x100: {  	[tilespmem:s15+$0x2900] =	vst.add.f32.msk $0xffff, v2;
	v2 =	vadd.f32 v6, v5  }
.Ltmp2:
0x101: {  	[tilespmem:s15+$0x2910] =	vst.add.f32.msk $0xffff, v3;
	(pc) =	sbr.rel @p1 .LBB2_7-.Ltmp2, $4  }
0x102: {  	[tilespmem:s15+$0x2920] =	vst.add.f32.msk $0xffff, v1;
	v1 =	vadd.f32 v8, v7  }
0x103: {  	[tilespmem:s15+$0x2930] =	vst.add.f32.msk $0xffff, v0  }
0x104: {  	[tilespmem:s15+$0x2940] =	vst.add.f32.msk $0xffff, v2;
	v0 =	vadd.f32 v9, v4  }
0x105: {  	s28 =	sadd.s32 $0x200, s28;
	[tilespmem:s15+$0x2950] =	vst.add.f32.msk $0xffff, v1  }
0x106: {  	s0 =	rddreg [dreg:$0x10]  }
0x107: {  	s0 =	sadd.s32 s18, s0  }
0x108: {  	s0 =	sshll.u32 s0, $0x4  }
0x109: {  	[tilespmem:s15+$0x2960] =	vst.add.f32.msk $0xffff, v0;
	s11 =	simm.s32 $0x2900;
	s19 =	sor.u32 $0x7, s19;
	s0 =	sadd.s32 s5, s0  }
0x10a: {  	[hbm4b:s0+s6] =	stream.linear.scatter [tilespmem:s11], [sflag:$0x13], $0x800, $0x38;
	[tilespmem:$0xD900] =	vst v63  }
0x10b: {  	s0 =	simm.s32 @!p0 $0x18;
	s11 =	sshll.u32 s19, $0x4  }
0x10c: {  	_ =	swait.ge @!p0 [sflag:s0], $0x800;
	s16 =	sadd.s32 s7, s11  }
0x10d: {  	s28 =	simm.s32 $0x0;
	[sflag:s0] =	ssyncset.done @!p0 $0x0;
	s15 =	sshll.u32 s16, $0x4  }
0x10e: {  	s16 =	simm.s32 $0x9100;
	[sflag:s0] =	ssyncadd.s32 @!p0 $0xFFFFF800;
	s0 =	sadd.s32 s1, s15  }
0x10f: {  	[tilespmem:s16], [sflag:$0x10] =	stream.linear.gather [hbm4b:s0+s28], $0x800, $0x38;
	[tilespmem:$0xD900] =	vst v63  }
0x110: {  	s15 =	sadd.s32 s2, s15;
	s16 =	simm.s32 $0xD100  }
0x111: {  	[tilespmem:s16], [sflag:$0x10] =	stream.linear.gather [hbm4b:s15+s28], $0x800, $0x38;
	[tilespmem:$0xD900] =	vst v63  }
0x112: {  	s16 =	simm.s32 $0x5100  }
0x113: {  	[tilespmem:s16], [sflag:$0x8] =	stream.indirect.gather [hbm4b:s4+s25], $0x80, s11, s25, $0xb8;
	[tilespmem:$0xD900] =	vst v63  }
0x114: {  	_ =	swait.ge [sflag:s8], $0x800  }
0x115: {  	[sflag:s8] =	ssyncset.done $0x0  }
0x116: {  	[sflag:s8] =	ssyncadd.s32 $0xFFFFF800  }
0x117: {  	_ =	swait.ge [sflag:s9], $0x800  }
0x118: {  	[sflag:s9] =	ssyncset.done $0x0  }
0x119: {  	[sflag:s9] =	ssyncadd.s32 $0xFFFFF800  }
0x11a: {  	_ =	swait.ge [sflag:s9], $0x800  }
0x11b: {  	[sflag:s9] =	ssyncset.done $0x0  }
0x11c: {  	s15 =	simm.s32 $0x0;
	[sflag:s9] =	ssyncadd.s32 $0xFFFFF800  }
0x11d: {  	v0 =	vld [tilespmem:s15+$0x7170]  }
0x11e: {  	v1 =	vld [tilespmem:s15+$0xB170]  }
0x11f: {  	v2 =	vld [tilespmem:s15+$0x7100]  }
0x120: {  	v3 =	vld [tilespmem:s15+$0xB100]  }
0x121: {  	v4 =	vld [tilespmem:s15+$0x7110]  }
0x122: {  	v5 =	vld [tilespmem:s15+$0xB110]  }
0x123: {  	v6 =	vld [tilespmem:s15+$0x7120]  }
0x124: {  	v7 =	vld [tilespmem:s15+$0xB130]  }
0x125: {  	v8 =	vld [tilespmem:s15+$0x7140]  }
0x126: {  	v9 =	vld [tilespmem:s15+$0xB140]  }
0x127: {  	v10 =	vld [tilespmem:s15+$0x7150]  }
0x128: {  	v11 =	vld [tilespmem:s15+$0xB150];
	v0 =	vadd.f32 v1, v0  }
0x129: {  	v1 =	vld [tilespmem:s15+$0xB120]  }
0x12a: {  	[tilespmem:s15+$0x3170] =	vst.add.f32.msk $0xffff, v0  }
0x12b: {  	v0 =	vld [tilespmem:s15+$0x7130]  }
0x12c: {  	v63 =	vld [tilespmem:s15+$0xB160];
	v2 =	vadd.f32 v3, v2  }
0x12d: {  	v3 =	vld [tilespmem:s15+$0x7160];
	v4 =	vadd.f32 v5, v4  }
0x12e: {  	[tilespmem:s15+$0x3100] =	vst.add.f32.msk $0xffff, v2;
	v2 =	vadd.f32 v9, v8  }
0x12f: {  	[tilespmem:s15+$0x3110] =	vst.add.f32.msk $0xffff, v4;
	v1 =	vadd.f32 v1, v6  }
0x130: {  	[tilespmem:s15+$0x3140] =	vst.add.f32.msk $0xffff, v2;
	v0 =	vadd.f32 v7, v0  }
0x131: {  	[tilespmem:s15+$0x3120] =	vst.add.f32.msk $0xffff, v1;
	v1 =	vadd.f32 v11, v10  }
0x132: {  	[tilespmem:s15+$0x3130] =	vst.add.f32.msk $0xffff, v0;
	v0 =	vadd.f32 v63, v3  }
0x133: {  	s0 =	simm.s32 $0x0;
	s28 =	simm.s32 $0x200;
	[tilespmem:s15+$0x3150] =	vst.add.f32.msk $0xffff, v1  }
.LBB2_9:
0x134: {  	[tilespmem:s15+$0x3160] =	vst.add.f32.msk $0xffff, v0;
	s15 =	sshra.s32 s28, $0x2  }
0x135: {  	s0 =	sadd.s32 $0x8, s0;
	v0 =	vld [tilespmem:s15+$0x7170]  }
0x136: {  	p0 =	slt.u32 s0, $0x78;
	v1 =	vld [tilespmem:s15+$0xB170]  }
0x137: {  	v2 =	vld [tilespmem:s15+$0x7100]  }
0x138: {  	v3 =	vld [tilespmem:s15+$0xB100]  }
0x139: {  	v4 =	vld [tilespmem:s15+$0x7110]  }
0x13a: {  	v5 =	vld [tilespmem:s15+$0xB110]  }
0x13b: {  	v6 =	vld [tilespmem:s15+$0x7120];
	v0 =	vadd.f32 v1, v0  }
0x13c: {  	v1 =	vld [tilespmem:s15+$0xB120]  }
0x13d: {  	v2 =	vadd.f32 v3, v2;
	[tilespmem:s15+$0x3170] =	vst.add.f32.msk $0xffff, v0  }
0x13e: {  	v0 =	vld [tilespmem:s15+$0x7130]  }
0x13f: {  	v3 =	vadd.f32 v5, v4;
	v4 =	vld [tilespmem:s15+$0xB130]  }
0x140: {  	v5 =	vld [tilespmem:s15+$0x7140]  }
0x141: {  	v1 =	vadd.f32 v1, v6;
	v6 =	vld [tilespmem:s15+$0xB140]  }
0x142: {  	v7 =	vld [tilespmem:s15+$0x7150]  }
0x143: {  	v8 =	vld [tilespmem:s15+$0xB150]  }
0x144: {  	v0 =	vadd.f32 v4, v0;
	v4 =	vld [tilespmem:s15+$0x7160]  }
0x145: {  	v9 =	vld [tilespmem:s15+$0xB160]  }
0x146: {  	[tilespmem:s15+$0x3100] =	vst.add.f32.msk $0xffff, v2;
	v2 =	vadd.f32 v6, v5  }
.Ltmp3:
0x147: {  	[tilespmem:s15+$0x3110] =	vst.add.f32.msk $0xffff, v3;
	(pc) =	sbr.rel @p0 .LBB2_9-.Ltmp3, $4  }
0x148: {  	[tilespmem:s15+$0x3120] =	vst.add.f32.msk $0xffff, v1;
	v1 =	vadd.f32 v8, v7  }
0x149: {  	[tilespmem:s15+$0x3130] =	vst.add.f32.msk $0xffff, v0  }
0x14a: {  	[tilespmem:s15+$0x3140] =	vst.add.f32.msk $0xffff, v2;
	v0 =	vadd.f32 v9, v4  }
0x14b: {  	s28 =	sadd.s32 $0x200, s28;
	[tilespmem:s15+$0x3150] =	vst.add.f32.msk $0xffff, v1  }
0x14c: {  	s0 =	rddreg [dreg:$0x11]  }
0x14d: {  	s0 =	sadd.s32 s18, s0  }
0x14e: {  	s0 =	sshll.u32 s0, $0x4  }
0x14f: {  	[tilespmem:s15+$0x3160] =	vst.add.f32.msk $0xffff, v0;
	s11 =	simm.s32 $0x3100;
	p0 =	seq.s32 s31, $0x31;
	s0 =	sadd.s32 s5, s0  }
0x150: {  	[hbm4b:s0+s6] =	stream.linear.scatter [tilespmem:s11], [sflag:$0x14], $0x800, $0x38;
	[tilespmem:$0xD900] =	vst v63  }
0x151: {  	s0 =	simm.s32 @!p0 $0x11  }
0x152: {  	s11 =	sadd.s32 @!p0 $0x80, s18;
	_ =	swait.ge @!p0 [sflag:s0], $0x800  }
0x153: {  	s15 =	sadd.s32 @!p0 s7, s11;
	[sflag:s0] =	ssyncset.done @!p0 $0x0  }
0x154: {  	[sflag:s0] =	ssyncadd.s32 @!p0 $0xFFFFF800;
	s0 =	sshll.u32 @!p0 s15, $0x4  }
0x155: {  	s28 =	simm.s32 @!p0 $0x0;
	s16 =	simm.s32 @!p0 $0x5900;
	s15 =	sadd.s32 @!p0 s1, s0  }
0x156: {  	[tilespmem:s16], [sflag:$0x9] =	stream.linear.gather @!p0 [hbm4b:s15+s28], $0x800, $0x38;
	[tilespmem:$0xD900] =	vst v63  }
0x157: {  	s0 =	sadd.s32 @!p0 s2, s0;
	s15 =	simm.s32 @!p0 $0x9900  }
0x158: {  	[tilespmem:s15], [sflag:$0x9] =	stream.linear.gather @!p0 [hbm4b:s0+s28], $0x800, $0x38;
	[tilespmem:$0xD900] =	vst v63  }
0x159: {  	s0 =	simm.s32 @!p0 $0x10;
	s15 =	simm.s32 @!p0 $0x1900  }
0x15a: {  	[tilespmem:s15], [sflag:$0x1] =	stream.indirect.gather @!p0 [hbm4b:s4+s0], $0x80, s11, s0, $0xb8;
	[tilespmem:$0xD900] =	vst v63  }
0x15b: {  	_ =	swait.ge [sflag:s13], $0x800  }
0x15c: {  	[sflag:s13] =	ssyncset.done $0x0  }
0x15d: {  	[sflag:s13] =	ssyncadd.s32 $0xFFFFF800  }
0x15e: {  	_ =	swait.ge [sflag:s14], $0x800  }
0x15f: {  	[sflag:s14] =	ssyncset.done $0x0  }
0x160: {  	[sflag:s14] =	ssyncadd.s32 $0xFFFFF800  }
0x161: {  	_ =	swait.ge [sflag:s14], $0x800  }
0x162: {  	[sflag:s14] =	ssyncset.done $0x0  }
0x163: {  	s15 =	simm.s32 $0x0;
	[sflag:s14] =	ssyncadd.s32 $0xFFFFF800  }
0x164: {  	v0 =	vld [tilespmem:s15+$0x7970]  }
0x165: {  	v1 =	vld [tilespmem:s15+$0xB970]  }
0x166: {  	v2 =	vld [tilespmem:s15+$0x7900]  }
0x167: {  	v3 =	vld [tilespmem:s15+$0xB900]  }
0x168: {  	v4 =	vld [tilespmem:s15+$0x7910]  }
0x169: {  	v5 =	vld [tilespmem:s15+$0xB910]  }
0x16a: {  	v6 =	vld [tilespmem:s15+$0x7920]  }
0x16b: {  	v7 =	vld [tilespmem:s15+$0xB930]  }
0x16c: {  	v8 =	vld [tilespmem:s15+$0x7940]  }
0x16d: {  	v9 =	vld [tilespmem:s15+$0xB940]  }
0x16e: {  	v10 =	vld [tilespmem:s15+$0x7950]  }
0x16f: {  	v11 =	vld [tilespmem:s15+$0xB950];
	v0 =	vadd.f32 v1, v0  }
0x170: {  	v1 =	vld [tilespmem:s15+$0xB920]  }
0x171: {  	[tilespmem:s15+$0x3970] =	vst.add.f32.msk $0xffff, v0  }
0x172: {  	v0 =	vld [tilespmem:s15+$0x7930]  }
0x173: {  	v63 =	vld [tilespmem:s15+$0xB960];
	v2 =	vadd.f32 v3, v2  }
0x174: {  	v3 =	vld [tilespmem:s15+$0x7960];
	v4 =	vadd.f32 v5, v4  }
0x175: {  	[tilespmem:s15+$0x3900] =	vst.add.f32.msk $0xffff, v2;
	v2 =	vadd.f32 v9, v8  }
0x176: {  	[tilespmem:s15+$0x3910] =	vst.add.f32.msk $0xffff, v4;
	v1 =	vadd.f32 v1, v6  }
0x177: {  	[tilespmem:s15+$0x3940] =	vst.add.f32.msk $0xffff, v2;
	v0 =	vadd.f32 v7, v0  }
0x178: {  	[tilespmem:s15+$0x3920] =	vst.add.f32.msk $0xffff, v1;
	v1 =	vadd.f32 v11, v10  }
0x179: {  	[tilespmem:s15+$0x3930] =	vst.add.f32.msk $0xffff, v0;
	v0 =	vadd.f32 v63, v3  }
0x17a: {  	s28 =	simm.s32 $0x200;
	s0 =	simm.s32 $0x0;
	[tilespmem:s15+$0x3950] =	vst.add.f32.msk $0xffff, v1  }
.LBB2_11:
0x17b: {  	[tilespmem:s15+$0x3960] =	vst.add.f32.msk $0xffff, v0;
	s15 =	sshra.s32 s28, $0x2  }
0x17c: {  	s0 =	sadd.s32 $0x8, s0;
	v0 =	vld [tilespmem:s15+$0x7970]  }
0x17d: {  	p1 =	slt.u32 s0, $0x78;
	v1 =	vld [tilespmem:s15+$0xB970]  }
0x17e: {  	v2 =	vld [tilespmem:s15+$0x7900]  }
0x17f: {  	v3 =	vld [tilespmem:s15+$0xB900]  }
0x180: {  	v4 =	vld [tilespmem:s15+$0x7910]  }
0x181: {  	v5 =	vld [tilespmem:s15+$0xB910]  }
0x182: {  	v6 =	vld [tilespmem:s15+$0x7920];
	v0 =	vadd.f32 v1, v0  }
0x183: {  	v1 =	vld [tilespmem:s15+$0xB920]  }
0x184: {  	v2 =	vadd.f32 v3, v2;
	[tilespmem:s15+$0x3970] =	vst.add.f32.msk $0xffff, v0  }
0x185: {  	v0 =	vld [tilespmem:s15+$0x7930]  }
0x186: {  	v3 =	vadd.f32 v5, v4;
	v4 =	vld [tilespmem:s15+$0xB930]  }
0x187: {  	v5 =	vld [tilespmem:s15+$0x7940]  }
0x188: {  	v1 =	vadd.f32 v1, v6;
	v6 =	vld [tilespmem:s15+$0xB940]  }
0x189: {  	v7 =	vld [tilespmem:s15+$0x7950]  }
0x18a: {  	v8 =	vld [tilespmem:s15+$0xB950]  }
0x18b: {  	v0 =	vadd.f32 v4, v0;
	v4 =	vld [tilespmem:s15+$0x7960]  }
0x18c: {  	v9 =	vld [tilespmem:s15+$0xB960]  }
0x18d: {  	[tilespmem:s15+$0x3900] =	vst.add.f32.msk $0xffff, v2;
	v2 =	vadd.f32 v6, v5  }
.Ltmp4:
0x18e: {  	[tilespmem:s15+$0x3910] =	vst.add.f32.msk $0xffff, v3;
	(pc) =	sbr.rel @p1 .LBB2_11-.Ltmp4, $4  }
0x18f: {  	[tilespmem:s15+$0x3920] =	vst.add.f32.msk $0xffff, v1;
	v1 =	vadd.f32 v8, v7  }
0x190: {  	[tilespmem:s15+$0x3930] =	vst.add.f32.msk $0xffff, v0  }
0x191: {  	[tilespmem:s15+$0x3940] =	vst.add.f32.msk $0xffff, v2;
	v0 =	vadd.f32 v9, v4  }
0x192: {  	s28 =	sadd.s32 $0x200, s28;
	[tilespmem:s15+$0x3950] =	vst.add.f32.msk $0xffff, v1  }
0x193: {  	s0 =	sshll.u32 s10, $0xB  }
0x194: {  	s0 =	sadd.s32 s17, s0  }
0x195: {  	s0 =	sshrl.u32 s0, $0x3  }
0x196: {  	[tilespmem:s15+$0x3960] =	vst.add.f32.msk $0xffff, v0;
	s28 =	simm.s32 $0x3900;
	s0 =	sadd.s32 s5, s0  }
0x197: {  	[hbm4b:s0+s6] =	stream.linear.scatter [tilespmem:s28], [sflag:$0x15], $0x800, $0x38;
	[tilespmem:$0xD900] =	vst v63  }
0x198: {  	s0 =	simm.s32 @!p0 $0x12  }
0x199: {  	s10 =	sadd.s32 @!p0 $0x90, s18;
	_ =	swait.ge @!p0 [sflag:s0], $0x800  }
0x19a: {  	s11 =	sadd.s32 @!p0 s7, s10;
	[sflag:s0] =	ssyncset.done @!p0 $0x0  }
0x19b: {  	[sflag:s0] =	ssyncadd.s32 @!p0 $0xFFFFF800;
	s0 =	sshll.u32 @!p0 s11, $0x4  }
0x19c: {  	s15 =	simm.s32 @!p0 $0x0;
	s16 =	simm.s32 @!p0 $0x6100;
	s11 =	sadd.s32 @!p0 s1, s0  }
0x19d: {  	[tilespmem:s16], [sflag:$0xA] =	stream.linear.gather @!p0 [hbm4b:s11+s15], $0x800, $0x38;
	[tilespmem:$0xD900] =	vst v63  }
0x19e: {  	s0 =	sadd.s32 @!p0 s2, s0;
	s11 =	simm.s32 @!p0 $0xA100  }
0x19f: {  	[tilespmem:s11], [sflag:$0xA] =	stream.linear.gather @!p0 [hbm4b:s0+s15], $0x800, $0x38;
	[tilespmem:$0xD900] =	vst v63  }
0x1a0: {  	s0 =	simm.s32 @!p0 $0x10;
	s11 =	simm.s32 @!p0 $0x2100  }
0x1a1: {  	[tilespmem:s11], [sflag:$0x2] =	stream.indirect.gather @!p0 [hbm4b:s4+s0], $0x80, s10, s0, $0xb8;
	[tilespmem:$0xD900] =	vst v63  }
0x1a2: {  	_ =	swait.ge [sflag:s22], $0x800  }
0x1a3: {  	[sflag:s22] =	ssyncset.done $0x0  }
0x1a4: {  	[sflag:s22] =	ssyncadd.s32 $0xFFFFF800  }
0x1a5: {  	_ =	swait.ge [sflag:s3], $0x800  }
0x1a6: {  	[sflag:s3] =	ssyncset.done $0x0  }
0x1a7: {  	[sflag:s3] =	ssyncadd.s32 $0xFFFFF800  }
0x1a8: {  	_ =	swait.ge [sflag:s3], $0x800  }
0x1a9: {  	[sflag:s3] =	ssyncset.done $0x0  }
0x1aa: {  	s10 =	simm.s32 $0x0;
	[sflag:s3] =	ssyncadd.s32 $0xFFFFF800  }
0x1ab: {  	v0 =	vld [tilespmem:s10+$0x8170]  }
0x1ac: {  	v1 =	vld [tilespmem:s10+$0xC170]  }
0x1ad: {  	v2 =	vld [tilespmem:s10+$0x8100]  }
0x1ae: {  	v3 =	vld [tilespmem:s10+$0xC100]  }
0x1af: {  	v4 =	vld [tilespmem:s10+$0x8110]  }
0x1b0: {  	v5 =	vld [tilespmem:s10+$0xC110]  }
0x1b1: {  	v6 =	vld [tilespmem:s10+$0x8120]  }
0x1b2: {  	v7 =	vld [tilespmem:s10+$0xC130]  }
0x1b3: {  	v8 =	vld [tilespmem:s10+$0x8140]  }
0x1b4: {  	v9 =	vld [tilespmem:s10+$0xC140]  }
0x1b5: {  	v10 =	vld [tilespmem:s10+$0x8150]  }
0x1b6: {  	v11 =	vld [tilespmem:s10+$0xC150];
	v0 =	vadd.f32 v1, v0  }
0x1b7: {  	v1 =	vld [tilespmem:s10+$0xC120]  }
0x1b8: {  	[tilespmem:s10+$0x4170] =	vst.add.f32.msk $0xffff, v0  }
0x1b9: {  	v0 =	vld [tilespmem:s10+$0x8130]  }
0x1ba: {  	v63 =	vld [tilespmem:s10+$0xC160];
	v2 =	vadd.f32 v3, v2  }
0x1bb: {  	v3 =	vld [tilespmem:s10+$0x8160];
	v4 =	vadd.f32 v5, v4  }
0x1bc: {  	[tilespmem:s10+$0x4100] =	vst.add.f32.msk $0xffff, v2;
	v2 =	vadd.f32 v9, v8  }
0x1bd: {  	[tilespmem:s10+$0x4110] =	vst.add.f32.msk $0xffff, v4;
	v1 =	vadd.f32 v1, v6  }
0x1be: {  	[tilespmem:s10+$0x4140] =	vst.add.f32.msk $0xffff, v2;
	v0 =	vadd.f32 v7, v0  }
0x1bf: {  	[tilespmem:s10+$0x4120] =	vst.add.f32.msk $0xffff, v1;
	v1 =	vadd.f32 v11, v10  }
0x1c0: {  	[tilespmem:s10+$0x4130] =	vst.add.f32.msk $0xffff, v0;
	v0 =	vadd.f32 v63, v3  }
0x1c1: {  	s15 =	simm.s32 $0x200;
	s0 =	simm.s32 $0x0;
	[tilespmem:s10+$0x4150] =	vst.add.f32.msk $0xffff, v1  }
.LBB2_13:
0x1c2: {  	[tilespmem:s10+$0x4160] =	vst.add.f32.msk $0xffff, v0;
	s10 =	sshra.s32 s15, $0x2  }
0x1c3: {  	s0 =	sadd.s32 $0x8, s0;
	v0 =	vld [tilespmem:s10+$0x8170]  }
0x1c4: {  	p1 =	slt.u32 s0, $0x78;
	v1 =	vld [tilespmem:s10+$0xC170]  }
0x1c5: {  	v2 =	vld [tilespmem:s10+$0x8100]  }
0x1c6: {  	v3 =	vld [tilespmem:s10+$0xC100]  }
0x1c7: {  	v4 =	vld [tilespmem:s10+$0x8110]  }
0x1c8: {  	v5 =	vld [tilespmem:s10+$0xC110]  }
0x1c9: {  	v6 =	vld [tilespmem:s10+$0x8120];
	v0 =	vadd.f32 v1, v0  }
0x1ca: {  	v1 =	vld [tilespmem:s10+$0xC120]  }
0x1cb: {  	v2 =	vadd.f32 v3, v2;
	[tilespmem:s10+$0x4170] =	vst.add.f32.msk $0xffff, v0  }
0x1cc: {  	v0 =	vld [tilespmem:s10+$0x8130]  }
0x1cd: {  	v3 =	vadd.f32 v5, v4;
	v4 =	vld [tilespmem:s10+$0xC130]  }
0x1ce: {  	v5 =	vld [tilespmem:s10+$0x8140]  }
0x1cf: {  	v1 =	vadd.f32 v1, v6;
	v6 =	vld [tilespmem:s10+$0xC140]  }
0x1d0: {  	v7 =	vld [tilespmem:s10+$0x8150]  }
0x1d1: {  	v8 =	vld [tilespmem:s10+$0xC150]  }
0x1d2: {  	v0 =	vadd.f32 v4, v0;
	v4 =	vld [tilespmem:s10+$0x8160]  }
0x1d3: {  	v9 =	vld [tilespmem:s10+$0xC160]  }
0x1d4: {  	[tilespmem:s10+$0x4100] =	vst.add.f32.msk $0xffff, v2;
	v2 =	vadd.f32 v6, v5  }
.Ltmp5:
0x1d5: {  	[tilespmem:s10+$0x4110] =	vst.add.f32.msk $0xffff, v3;
	(pc) =	sbr.rel @p1 .LBB2_13-.Ltmp5, $4  }
0x1d6: {  	[tilespmem:s10+$0x4120] =	vst.add.f32.msk $0xffff, v1;
	v1 =	vadd.f32 v8, v7  }
0x1d7: {  	[tilespmem:s10+$0x4130] =	vst.add.f32.msk $0xffff, v0  }
0x1d8: {  	[tilespmem:s10+$0x4140] =	vst.add.f32.msk $0xffff, v2;
	v0 =	vadd.f32 v9, v4  }
0x1d9: {  	s15 =	sadd.s32 $0x200, s15;
	[tilespmem:s10+$0x4150] =	vst.add.f32.msk $0xffff, v1  }
0x1da: {  	s0 =	sshll.u32 s24, $0xB  }
0x1db: {  	s0 =	sadd.s32 s17, s0  }
0x1dc: {  	s0 =	sshrl.u32 s0, $0x3  }
0x1dd: {  	[tilespmem:s10+$0x4160] =	vst.add.f32.msk $0xffff, v0;
	s24 =	simm.s32 $0x4100;
	s0 =	sadd.s32 s5, s0  }
0x1de: {  	[hbm4b:s0+s6] =	stream.linear.scatter [tilespmem:s24], [sflag:$0x16], $0x800, $0x38;
	[tilespmem:$0xD900] =	vst v63  }
0x1df: {  	s0 =	simm.s32 @!p0 $0x13  }
0x1e0: {  	s10 =	sadd.s32 @!p0 $0xA0, s18;
	_ =	swait.ge @!p0 [sflag:s0], $0x800  }
0x1e1: {  	s11 =	sadd.s32 @!p0 s7, s10;
	[sflag:s0] =	ssyncset.done @!p0 $0x0  }
0x1e2: {  	[sflag:s0] =	ssyncadd.s32 @!p0 $0xFFFFF800;
	s0 =	sshll.u32 @!p0 s11, $0x4  }
0x1e3: {  	s15 =	simm.s32 @!p0 $0x0;
	s16 =	simm.s32 @!p0 $0x6900;
	s11 =	sadd.s32 @!p0 s1, s0  }
0x1e4: {  	[tilespmem:s16], [sflag:$0xB] =	stream.linear.gather @!p0 [hbm4b:s11+s15], $0x800, $0x38;
	[tilespmem:$0xD900] =	vst v63  }
0x1e5: {  	s0 =	sadd.s32 @!p0 s2, s0;
	s11 =	simm.s32 @!p0 $0xA900  }
0x1e6: {  	[tilespmem:s11], [sflag:$0xB] =	stream.linear.gather @!p0 [hbm4b:s0+s15], $0x800, $0x38;
	[tilespmem:$0xD900] =	vst v63  }
0x1e7: {  	s0 =	simm.s32 @!p0 $0x10;
	s11 =	simm.s32 @!p0 $0x2900  }
0x1e8: {  	[tilespmem:s11], [sflag:$0x3] =	stream.indirect.gather @!p0 [hbm4b:s4+s0], $0x80, s10, s0, $0xb8;
	[tilespmem:$0xD900] =	vst v63  }
0x1e9: {  	_ =	swait.ge [sflag:s26], $0x800  }
0x1ea: {  	[sflag:s26] =	ssyncset.done $0x0  }
0x1eb: {  	[sflag:s26] =	ssyncadd.s32 $0xFFFFF800  }
0x1ec: {  	_ =	swait.ge [sflag:s30], $0x800  }
0x1ed: {  	[sflag:s30] =	ssyncset.done $0x0  }
0x1ee: {  	[sflag:s30] =	ssyncadd.s32 $0xFFFFF800  }
0x1ef: {  	_ =	swait.ge [sflag:s30], $0x800  }
0x1f0: {  	[sflag:s30] =	ssyncset.done $0x0  }
0x1f1: {  	s10 =	simm.s32 $0x0;
	[sflag:s30] =	ssyncadd.s32 $0xFFFFF800  }
0x1f2: {  	v0 =	vld [tilespmem:s10+$0x8970]  }
0x1f3: {  	v1 =	vld [tilespmem:s10+$0xC970]  }
0x1f4: {  	v2 =	vld [tilespmem:s10+$0x8900]  }
0x1f5: {  	v3 =	vld [tilespmem:s10+$0xC900]  }
0x1f6: {  	v4 =	vld [tilespmem:s10+$0x8910]  }
0x1f7: {  	v5 =	vld [tilespmem:s10+$0xC910]  }
0x1f8: {  	v6 =	vld [tilespmem:s10+$0x8920]  }
0x1f9: {  	v7 =	vld [tilespmem:s10+$0xC930]  }
0x1fa: {  	v8 =	vld [tilespmem:s10+$0x8940]  }
0x1fb: {  	v9 =	vld [tilespmem:s10+$0xC940]  }
0x1fc: {  	v10 =	vld [tilespmem:s10+$0x8950]  }
0x1fd: {  	v11 =	vld [tilespmem:s10+$0xC950];
	v0 =	vadd.f32 v1, v0  }
0x1fe: {  	v1 =	vld [tilespmem:s10+$0xC920]  }
0x1ff: {  	[tilespmem:s10+$0x4970] =	vst.add.f32.msk $0xffff, v0  }
0x200: {  	v0 =	vld [tilespmem:s10+$0x8930]  }
0x201: {  	v63 =	vld [tilespmem:s10+$0xC960];
	v2 =	vadd.f32 v3, v2  }
0x202: {  	v3 =	vld [tilespmem:s10+$0x8960];
	v4 =	vadd.f32 v5, v4  }
0x203: {  	[tilespmem:s10+$0x4900] =	vst.add.f32.msk $0xffff, v2;
	v2 =	vadd.f32 v9, v8  }
0x204: {  	[tilespmem:s10+$0x4910] =	vst.add.f32.msk $0xffff, v4;
	v1 =	vadd.f32 v1, v6  }
0x205: {  	[tilespmem:s10+$0x4940] =	vst.add.f32.msk $0xffff, v2;
	v0 =	vadd.f32 v7, v0  }
0x206: {  	[tilespmem:s10+$0x4920] =	vst.add.f32.msk $0xffff, v1;
	v1 =	vadd.f32 v11, v10  }
0x207: {  	[tilespmem:s10+$0x4930] =	vst.add.f32.msk $0xffff, v0;
	v0 =	vadd.f32 v63, v3  }
0x208: {  	s15 =	simm.s32 $0x200;
	s0 =	simm.s32 $0x0;
	[tilespmem:s10+$0x4950] =	vst.add.f32.msk $0xffff, v1  }
.LBB2_15:
0x209: {  	[tilespmem:s10+$0x4960] =	vst.add.f32.msk $0xffff, v0;
	s10 =	sshra.s32 s15, $0x2  }
0x20a: {  	s0 =	sadd.s32 $0x8, s0;
	v0 =	vld [tilespmem:s10+$0x8970]  }
0x20b: {  	p1 =	slt.u32 s0, $0x78;
	v1 =	vld [tilespmem:s10+$0xC970]  }
0x20c: {  	v2 =	vld [tilespmem:s10+$0x8900]  }
0x20d: {  	v3 =	vld [tilespmem:s10+$0xC900]  }
0x20e: {  	v4 =	vld [tilespmem:s10+$0x8910]  }
0x20f: {  	v5 =	vld [tilespmem:s10+$0xC910]  }
0x210: {  	v6 =	vld [tilespmem:s10+$0x8920];
	v0 =	vadd.f32 v1, v0  }
0x211: {  	v1 =	vld [tilespmem:s10+$0xC920]  }
0x212: {  	v2 =	vadd.f32 v3, v2;
	[tilespmem:s10+$0x4970] =	vst.add.f32.msk $0xffff, v0  }
0x213: {  	v0 =	vld [tilespmem:s10+$0x8930]  }
0x214: {  	v3 =	vadd.f32 v5, v4;
	v4 =	vld [tilespmem:s10+$0xC930]  }
0x215: {  	v5 =	vld [tilespmem:s10+$0x8940]  }
0x216: {  	v1 =	vadd.f32 v1, v6;
	v6 =	vld [tilespmem:s10+$0xC940]  }
0x217: {  	v7 =	vld [tilespmem:s10+$0x8950]  }
0x218: {  	v8 =	vld [tilespmem:s10+$0xC950]  }
0x219: {  	v0 =	vadd.f32 v4, v0;
	v4 =	vld [tilespmem:s10+$0x8960]  }
0x21a: {  	v9 =	vld [tilespmem:s10+$0xC960]  }
0x21b: {  	[tilespmem:s10+$0x4900] =	vst.add.f32.msk $0xffff, v2;
	v2 =	vadd.f32 v6, v5  }
.Ltmp6:
0x21c: {  	[tilespmem:s10+$0x4910] =	vst.add.f32.msk $0xffff, v3;
	(pc) =	sbr.rel @p1 .LBB2_15-.Ltmp6, $4  }
0x21d: {  	[tilespmem:s10+$0x4920] =	vst.add.f32.msk $0xffff, v1;
	v1 =	vadd.f32 v8, v7  }
0x21e: {  	[tilespmem:s10+$0x4930] =	vst.add.f32.msk $0xffff, v0  }
0x21f: {  	[tilespmem:s10+$0x4940] =	vst.add.f32.msk $0xffff, v2;
	v0 =	vadd.f32 v9, v4  }
0x220: {  	s15 =	sadd.s32 $0x200, s15;
	[tilespmem:s10+$0x4950] =	vst.add.f32.msk $0xffff, v1  }
0x221: {  	s0 =	sshll.u32 s20, $0xB  }
0x222: {  	s0 =	sadd.s32 s17, s0  }
0x223: {  	s0 =	sshrl.u32 s0, $0x3  }
0x224: {  	[tilespmem:s10+$0x4960] =	vst.add.f32.msk $0xffff, v0;
	s24 =	simm.s32 $0x4900;
	s0 =	sadd.s32 s5, s0  }
0x225: {  	[hbm4b:s0+s6] =	stream.linear.scatter [tilespmem:s24], [sflag:$0x17], $0x800, $0x38;
	[tilespmem:$0xD900] =	vst v63  }
0x226: {  	s0 =	simm.s32 @!p0 $0x14  }
0x227: {  	s10 =	sadd.s32 @!p0 $0xB0, s18;
	_ =	swait.ge @!p0 [sflag:s0], $0x800  }
0x228: {  	s11 =	sadd.s32 @!p0 s7, s10;
	[sflag:s0] =	ssyncset.done @!p0 $0x0  }
0x229: {  	[sflag:s0] =	ssyncadd.s32 @!p0 $0xFFFFF800;
	s0 =	sshll.u32 @!p0 s11, $0x4  }
0x22a: {  	s15 =	simm.s32 @!p0 $0x0;
	s16 =	simm.s32 @!p0 $0x7100;
	s11 =	sadd.s32 @!p0 s1, s0  }
0x22b: {  	[tilespmem:s16], [sflag:$0xC] =	stream.linear.gather @!p0 [hbm4b:s11+s15], $0x800, $0x38;
	[tilespmem:$0xD900] =	vst v63  }
0x22c: {  	s0 =	sadd.s32 @!p0 s2, s0;
	s11 =	simm.s32 @!p0 $0xB100  }
0x22d: {  	[tilespmem:s11], [sflag:$0xC] =	stream.linear.gather @!p0 [hbm4b:s0+s15], $0x800, $0x38;
	[tilespmem:$0xD900] =	vst v63  }
0x22e: {  	s0 =	simm.s32 @!p0 $0x10;
	s11 =	simm.s32 @!p0 $0x3100  }
0x22f: {  	[tilespmem:s11], [sflag:$0x4] =	stream.indirect.gather @!p0 [hbm4b:s4+s0], $0x80, s10, s0, $0xb8;
	[tilespmem:$0xD900] =	vst v63  }
0x230: {  	_ =	swait.ge [sflag:s23], $0x800  }
0x231: {  	[sflag:s23] =	ssyncset.done $0x0  }
0x232: {  	[sflag:s23] =	ssyncadd.s32 $0xFFFFF800  }
0x233: {  	_ =	swait.ge [sflag:s25], $0x800  }
0x234: {  	[sflag:s25] =	ssyncset.done $0x0  }
0x235: {  	[sflag:s25] =	ssyncadd.s32 $0xFFFFF800  }
0x236: {  	_ =	swait.ge [sflag:s25], $0x800  }
0x237: {  	[sflag:s25] =	ssyncset.done $0x0  }
0x238: {  	s10 =	simm.s32 $0x0;
	[sflag:s25] =	ssyncadd.s32 $0xFFFFF800  }
0x239: {  	v0 =	vld [tilespmem:s10+$0x9170]  }
0x23a: {  	v1 =	vld [tilespmem:s10+$0xD170]  }
0x23b: {  	v2 =	vld [tilespmem:s10+$0x9100]  }
0x23c: {  	v3 =	vld [tilespmem:s10+$0xD100]  }
0x23d: {  	v4 =	vld [tilespmem:s10+$0x9110]  }
0x23e: {  	v5 =	vld [tilespmem:s10+$0xD110]  }
0x23f: {  	v6 =	vld [tilespmem:s10+$0x9120]  }
0x240: {  	v7 =	vld [tilespmem:s10+$0xD130]  }
0x241: {  	v8 =	vld [tilespmem:s10+$0x9140]  }
0x242: {  	v9 =	vld [tilespmem:s10+$0xD140]  }
0x243: {  	v10 =	vld [tilespmem:s10+$0x9150]  }
0x244: {  	v11 =	vld [tilespmem:s10+$0xD150];
	v0 =	vadd.f32 v1, v0  }
0x245: {  	v1 =	vld [tilespmem:s10+$0xD120]  }
0x246: {  	[tilespmem:s10+$0x5170] =	vst.add.f32.msk $0xffff, v0  }
0x247: {  	v0 =	vld [tilespmem:s10+$0x9130]  }
0x248: {  	v63 =	vld [tilespmem:s10+$0xD160];
	v2 =	vadd.f32 v3, v2  }
0x249: {  	v3 =	vld [tilespmem:s10+$0x9160];
	v4 =	vadd.f32 v5, v4  }
0x24a: {  	[tilespmem:s10+$0x5100] =	vst.add.f32.msk $0xffff, v2;
	v2 =	vadd.f32 v9, v8  }
0x24b: {  	[tilespmem:s10+$0x5110] =	vst.add.f32.msk $0xffff, v4;
	v1 =	vadd.f32 v1, v6  }
0x24c: {  	[tilespmem:s10+$0x5140] =	vst.add.f32.msk $0xffff, v2;
	v0 =	vadd.f32 v7, v0  }
0x24d: {  	[tilespmem:s10+$0x5120] =	vst.add.f32.msk $0xffff, v1;
	v1 =	vadd.f32 v11, v10  }
0x24e: {  	[tilespmem:s10+$0x5130] =	vst.add.f32.msk $0xffff, v0;
	v0 =	vadd.f32 v63, v3  }
0x24f: {  	s15 =	simm.s32 $0x200;
	s0 =	simm.s32 $0x0;
	[tilespmem:s10+$0x5150] =	vst.add.f32.msk $0xffff, v1  }
.LBB2_17:
0x250: {  	[tilespmem:s10+$0x5160] =	vst.add.f32.msk $0xffff, v0;
	s10 =	sshra.s32 s15, $0x2  }
0x251: {  	s0 =	sadd.s32 $0x8, s0;
	v0 =	vld [tilespmem:s10+$0x9170]  }
0x252: {  	p0 =	slt.u32 s0, $0x78;
	v1 =	vld [tilespmem:s10+$0xD170]  }
0x253: {  	v2 =	vld [tilespmem:s10+$0x9100]  }
0x254: {  	v3 =	vld [tilespmem:s10+$0xD100]  }
0x255: {  	v4 =	vld [tilespmem:s10+$0x9110]  }
0x256: {  	v5 =	vld [tilespmem:s10+$0xD110]  }
0x257: {  	v6 =	vld [tilespmem:s10+$0x9120];
	v0 =	vadd.f32 v1, v0  }
0x258: {  	v1 =	vld [tilespmem:s10+$0xD120]  }
0x259: {  	v2 =	vadd.f32 v3, v2;
	[tilespmem:s10+$0x5170] =	vst.add.f32.msk $0xffff, v0  }
0x25a: {  	v0 =	vld [tilespmem:s10+$0x9130]  }
0x25b: {  	v3 =	vadd.f32 v5, v4;
	v4 =	vld [tilespmem:s10+$0xD130]  }
0x25c: {  	v5 =	vld [tilespmem:s10+$0x9140]  }
0x25d: {  	v1 =	vadd.f32 v1, v6;
	v6 =	vld [tilespmem:s10+$0xD140]  }
0x25e: {  	v7 =	vld [tilespmem:s10+$0x9150]  }
0x25f: {  	v8 =	vld [tilespmem:s10+$0xD150]  }
0x260: {  	v0 =	vadd.f32 v4, v0;
	v4 =	vld [tilespmem:s10+$0x9160]  }
0x261: {  	v9 =	vld [tilespmem:s10+$0xD160]  }
0x262: {  	[tilespmem:s10+$0x5100] =	vst.add.f32.msk $0xffff, v2;
	v2 =	vadd.f32 v6, v5  }
.Ltmp7:
0x263: {  	[tilespmem:s10+$0x5110] =	vst.add.f32.msk $0xffff, v3;
	(pc) =	sbr.rel @p0 .LBB2_17-.Ltmp7, $4  }
0x264: {  	[tilespmem:s10+$0x5120] =	vst.add.f32.msk $0xffff, v1;
	v1 =	vadd.f32 v8, v7  }
0x265: {  	[tilespmem:s10+$0x5130] =	vst.add.f32.msk $0xffff, v0  }
0x266: {  	[tilespmem:s10+$0x5140] =	vst.add.f32.msk $0xffff, v2;
	v0 =	vadd.f32 v9, v4  }
0x267: {  	s15 =	sadd.s32 $0x200, s15;
	[tilespmem:s10+$0x5150] =	vst.add.f32.msk $0xffff, v1  }
0x268: {  	s31 =	sadd.s32 $0x1, s31  }
0x269: {  	p0 =	sne.s32 s31, $0x32  }
.Ltmp8:
0x26a: {  	s0 =	sshll.u32 s19, $0xB;
	(pc) =	sbr.rel @p0 .LBB2_2-.Ltmp8, $4  }
0x26b: {  	s0 =	sadd.s32 s17, s0  }
0x26c: {  	s0 =	sshrl.u32 s0, $0x3  }
0x26d: {  	[tilespmem:s10+$0x5160] =	vst.add.f32.msk $0xffff, v0;
	s24 =	simm.s32 $0x5100;
	s0 =	sadd.s32 s5, s0  }
0x26e: {  	[hbm4b:s0+s6] =	stream.linear.scatter [tilespmem:s24], [sflag:$0x18], $0x800, $0x38;
	[tilespmem:$0xD900] =	vst v63  }
0x26f: {  	s0 =	simm.s32 $0x11  }
0x270: {  	_ =	swait.ge [sflag:s0], $0x800  }
0x271: {  	[sflag:s0] =	ssyncset.done $0x0  }
0x272: {  	s15 =	simm.s32 $0x12;
	[sflag:s0] =	ssyncadd.s32 $0xFFFFF800  }
0x273: {  	_ =	swait.ge [sflag:s15], $0x800  }
0x274: {  	[sflag:s15] =	ssyncset.done $0x0  }
0x275: {  	s16 =	simm.s32 $0x13;
	[sflag:s15] =	ssyncadd.s32 $0xFFFFF800  }
0x276: {  	_ =	swait.ge [sflag:s16], $0x800  }
0x277: {  	[sflag:s16] =	ssyncset.done $0x0  }
0x278: {  	s18 =	simm.s32 $0x14;
	[sflag:s16] =	ssyncadd.s32 $0xFFFFF800  }
0x279: {  	_ =	swait.ge [sflag:s18], $0x800  }
0x27a: {  	[sflag:s18] =	ssyncset.done $0x0  }
0x27b: {  	s19 =	simm.s32 $0x15;
	[sflag:s18] =	ssyncadd.s32 $0xFFFFF800  }
0x27c: {  	_ =	swait.ge [sflag:s19], $0x800  }
0x27d: {  	[sflag:s19] =	ssyncset.done $0x0  }
0x27e: {  	s20 =	simm.s32 $0x16;
	[sflag:s19] =	ssyncadd.s32 $0xFFFFF800  }
0x27f: {  	_ =	swait.ge [sflag:s20], $0x800  }
0x280: {  	[sflag:s20] =	ssyncset.done $0x0  }
0x281: {  	s24 =	simm.s32 $0x17;
	[sflag:s20] =	ssyncadd.s32 $0xFFFFF800  }
0x282: {  	_ =	swait.ge [sflag:s24], $0x800  }
0x283: {  	[sflag:s24] =	ssyncset.done $0x0  }
0x284: {  	s10 =	simm.s32 $0x18;
	[sflag:s24] =	ssyncadd.s32 $0xFFFFF800  }
0x285: {  	_ =	swait.ge [sflag:s10], $0x800  }
0x286: {  	s11 =	rddreg [dreg:$0x13]  }
0x287: {  	s31 =	rddreg [dreg:$0x12];
	s11 =	sadd.s32 $0x1, s11  }
0x288: {  	p0 =	sne.s32 s11, s31  }
.Ltmp9:
0x289: {  	_ = 	snop;
	(pc) =	sbr.rel @p0 .LBB2_1-.Ltmp9, $3  }
0x28a: {  	_ =	sdelay $0x1  }
0x28b: {  	[sflag:s10] =	ssyncset.done $0x0  }
0x28c: {  	[sflag:s10] =	ssyncadd.s32 $0xFFFFF800  }
0x28d: {  	_ =	sfence.sel $0x180000  }
0x28e: {  	[bflag:$0x0] =	sbarrier.arrive $0xFFFF  }
0x28f: {  	_ =	strace $0x90000047  }
0x290: {  	s0 =	stileid.u32;
	[bflag:$0x2] =	sbarrier.arrive $0xFFFF  }
0x291: {  	p0 =	sne.s32 s0, $0x0;
	s0 =	rddreg [dreg:$0x5]  }
0x292: {  	s0 =	sadd.s32 @!p0 $0x100000, s0  }
0x293: {  	[sflag:s0] =	ssyncadd.tile.s32 @!p0 $0x1;
	_ =	shalt  }
.Lfunc_end2:
_tile_overlayer_lowered:
.L_overlay_start_2:
0x294: {  	(tag) =	ssettag $0x2  }
0x295: {  	s0 =	rddreg [dreg:$0x0];
	s2 =	stileid.u32  }
0x296: {  	s1 =	rddreg [dreg:$0x1];
	p0 =	sne.s32 s2, $0x0  }
0x297: {  	s3 =	rddreg [dreg:$0x2];
	[bflag:$0x3] =	sbarrier.arrive $0xFFFF;
	s2 =	simm.s32 @!p0 $0x1C19  }
0x298: {  	[timem:s3], [sflag:s2] =	dma.local @!p0 [hbm:s0], s1  }
0x299: {  	s0 =	simm.s32 @!p0 $0x19  }
0x29a: {  	_ =	swait.ge @!p0 [sflag:s0], s1  }
0x29b: {  	s1 =	ssub.s32 @!p0 $0x0, s1;
	[sflag:s0] =	ssyncset.done @!p0 $0x0  }
0x29c: {  	[sflag:s0] =	ssyncadd.s32 @!p0 s1  }
0x29d: {  	[bflag:$0x3] =	sbarrier.arrive $0xFFFF  }
0x29e: {  	_ =	shalt  }

</sc_bundles>
